<compile_context>
chip_gen: v7x
topology: tpu7x:2x2x1
jax: 0.10.2.dev20260603
libtpu: 0.0.44.dev20260713+nightly
codegen_flags: <defaults>
</compile_context>

<pallas_src>
import functools

import jax
import jax.numpy as jnp
from jax import lax
from jax.experimental import pallas as pl
from jax.experimental.pallas import tpu as pltpu
from jax.experimental.pallas import tpu_sc as plsc

UPDATE_SIZE = 1024
BATCH = 64
NUM_UPD = 16
NUM_CH = 2
KEEP = NUM_UPD * UPDATE_SIZE
SNAP = (BATCH + NUM_UPD - 1) * UPDATE_SIZE
NBLK = BATCH + NUM_UPD - 1
OUT_LEN = BATCH * UPDATE_SIZE
REST_LEN = SNAP - OUT_LEN

NC, NS = 2, 16
LANES = 16
G = 5
ZCHUNK = OUT_LEN // NS
NGROUPS = 4
UG = NUM_UPD // NGROUPS

_mesh = plsc.VectorSubcoreMesh(core_axis_name="c", subcore_axis_name="s")


@functools.partial(
    pl.kernel,
    out_type=(
        jax.ShapeDtypeStruct((1, NUM_CH, OUT_LEN), jnp.float32),
        jax.ShapeDtypeStruct((NUM_CH, SNAP), jnp.float32),
    ),
    mesh=_mesh,
    scratch_types=(
        pltpu.VMEM((UG, G, UPDATE_SIZE), jnp.float32),
        pltpu.VMEM((UG, G, UPDATE_SIZE), jnp.float32),
        pltpu.VMEM((G * UPDATE_SIZE,), jnp.float32),
        pltpu.VMEM((G * UPDATE_SIZE,), jnp.float32),
        pltpu.VMEM((ZCHUNK,), jnp.float32),
        pltpu.SemaphoreType.DMA,
        pltpu.SemaphoreType.DMA,
        pltpu.SemaphoreType.DMA,
    ),
)
def _sc_averager(upd_hbm, snap_hbm, out_hbm, newsnap_hbm, buf0, buf1, sblk,
                 res, zbuf, sem0, sem1, sem_o):
    core = lax.axis_index("c")
    sub = lax.axis_index("s")
    w = core * NS + sub
    c = w // NS
    j = w % NS
    k0 = j * G

    bufs = (buf0, buf1)
    sems = (sem0, sem1)

    b0 = [jnp.clip(k0 - u, 0, BATCH - G) for u in range(NUM_UPD)]

    def _fire_group(g):
        slot = g % 2
        hs = []
        for i in range(UG):
            u = g * UG + i
            src = upd_hbm.at[pl.ds(b0[u], G), c, pl.ds(u * UPDATE_SIZE, UPDATE_SIZE)]
            hs.append(pltpu.async_copy(src, bufs[slot].at[i], sems[slot]))
        return hs

    hs0 = _fire_group(0)
    s0 = jnp.minimum(k0, NBLK - G)
    shift = k0 - s0
    hs1 = _fire_group(1)
    hs1.append(
        pltpu.async_copy(snap_hbm.at[c, pl.ds(s0 * UPDATE_SIZE, G * UPDATE_SIZE)],
                         sblk, sem1)
    )

    @plsc.parallel_loop(0, ZCHUNK // LANES, unroll=1)
    def _zero_body(i):
        zbuf[pl.ds(i * LANES, LANES)] = jnp.zeros((LANES,), jnp.float32)

    cz = w % NUM_CH
    jz = w // NUM_CH
    h_zero = pltpu.async_copy(
        zbuf, newsnap_hbm.at[cz, pl.ds(REST_LEN + jz * ZCHUNK, ZCHUNK)], sem_o
    )

    def _row_weight(r, u):
        k = k0 + r
        b = k - u
        valid = jnp.logical_and(b >= 0, b <= BATCH - 1)
        row = jnp.clip(b - b0[u], 0, G - 1)
        wt = jnp.where(valid, jnp.float32(1.0 / NUM_UPD), jnp.float32(0.0))
        return row, jnp.broadcast_to(wt, (LANES,))

    def _acc_pass(g, first=False, with_snap=False):
        slot = g % 2
        buf = bufs[slot]
        rw = [[_row_weight(r, g * UG + q) for q in range(UG)] for r in range(G)]

        @plsc.parallel_loop(0, UPDATE_SIZE // LANES, unroll=1)
        def _chunk(i):
            o = i * LANES
            for r in range(G):
                if first:
                    acc = buf[0, rw[r][0][0], pl.ds(o, LANES)] * rw[r][0][1]
                    qs = range(1, UG)
                else:
                    acc = res[pl.ds(r * UPDATE_SIZE + o, LANES)]
                    qs = range(UG)
                if with_snap:
                    acc = acc + sblk[pl.ds((r + shift) * UPDATE_SIZE + o, LANES)]
                for q in qs:
                    acc = acc + buf[q, rw[r][q][0], pl.ds(o, LANES)] * rw[r][q][1]
                res[pl.ds(r * UPDATE_SIZE + o, LANES)] = acc

    for h in hs0:
        h.wait()
    _acc_pass(0, first=True)
    hs2 = _fire_group(2)
    for h in hs1:
        h.wait()
    _acc_pass(1, with_snap=True)
    hs3 = _fire_group(3)
    for h in hs2:
        h.wait()
    _acc_pass(2)
    for h in hs3:
        h.wait()
    _acc_pass(3)

    @pl.when(k0 + G <= BATCH)
    def _():
        pltpu.async_copy(
            res, out_hbm.at[0, c, pl.ds(k0 * UPDATE_SIZE, G * UPDATE_SIZE)], sem_o
        )

    @pl.when(jnp.logical_and(k0 < BATCH, k0 + G > BATCH))
    def _():
        pltpu.async_copy(
            res.at[pl.ds(0, (G - 1) * UPDATE_SIZE)],
            out_hbm.at[0, c, pl.ds(k0 * UPDATE_SIZE, (G - 1) * UPDATE_SIZE)],
            sem_o,
        )
        pltpu.async_copy(
            res.at[pl.ds((G - 1) * UPDATE_SIZE, UPDATE_SIZE)],
            newsnap_hbm.at[c, pl.ds(0, UPDATE_SIZE)],
            sem_o,
        )

    @pl.when(jnp.logical_and(k0 >= BATCH, k0 + G <= NBLK))
    def _():
        pltpu.async_copy(
            res, newsnap_hbm.at[c, pl.ds((k0 - BATCH) * UPDATE_SIZE, G * UPDATE_SIZE)],
            sem_o,
        )

    @pl.when(k0 + G > NBLK)
    def _():
        pltpu.async_copy(
            res.at[pl.ds(0, (G - 1) * UPDATE_SIZE)],
            newsnap_hbm.at[c, pl.ds((k0 - BATCH) * UPDATE_SIZE, (G - 1) * UPDATE_SIZE)],
            sem_o,
        )

    h_zero.wait()

    @pl.when(k0 + G <= NBLK)
    def _():
        pltpu.make_async_copy(
            snap_hbm.at[0, pl.ds(0, G * UPDATE_SIZE)], res, sem_o
        ).wait()

    @pl.when(k0 + G > NBLK)
    def _():
        pltpu.make_async_copy(
            snap_hbm.at[0, pl.ds(0, (G - 1) * UPDATE_SIZE)],
            res.at[pl.ds(0, (G - 1) * UPDATE_SIZE)],
            sem_o,
        ).wait()


@jax.jit
def kernel(update, snapshot):
    return _sc_averager(update, snapshot)

# --- scband reference (transcript-rebuilt; emitter-appended) ---
"""Pipeline reference for scband-online-averager-62680752718461 (READ-ONLY COPY).

The authoritative reference and input builder live on the scoring server;
editing this copy changes nothing except your own understanding.
"""

import jax, jax.numpy as jnp
import numpy as np

UPDATE_SIZE = 1024
BATCH_SIZE = 64
NUM_UPDATES = 16
NUM_CHANNELS = 2
KEEP = NUM_UPDATES * UPDATE_SIZE
SNAPSHOT_SIZE = (BATCH_SIZE + NUM_UPDATES - 1) * UPDATE_SIZE


def _window(x, num_windows, stride):
    # x: [C, L] -> [num_windows, C, L_out], mirroring torch unfold with
    # kernel_size=(1, num_windows), dilation=(1, stride)
    L = x.shape[-1]
    L_out = L - stride * (num_windows - 1)
    pos = jnp.arange(L_out)[None, :] + jnp.arange(num_windows)[:, None] * stride  # [W, L_out]
    return x[:, pos].transpose(1, 0, 2)  # [W, C, L_out]


def _weights():
    # scatter ones per-batch-row then sum over rows -> coverage counts
    pos2 = jnp.arange(KEEP)[None, :] + jnp.arange(BATCH_SIZE)[:, None] * UPDATE_SIZE  # [B, keep]
    w = jnp.zeros((BATCH_SIZE, SNAPSHOT_SIZE), jnp.float32)
    w = w.at[jnp.arange(BATCH_SIZE)[:, None], pos2].set(1.0)
    w_full = w.sum(0)  # [S]
    return _window(w_full[None, :], BATCH_SIZE, UPDATE_SIZE)  # [B, 1, keep]


def setup_inputs(seed: int = 0) -> dict:
    key = jax.random.key(seed)
    k1, k2 = jax.random.split(key)
    update = jax.random.normal(k1, (BATCH_SIZE, NUM_CHANNELS, KEEP), dtype=jnp.float32)
    snapshot = jax.random.normal(k2, (NUM_CHANNELS, SNAPSHOT_SIZE), dtype=jnp.float32)
    return {"update": update, "snapshot": snapshot}


def reference(update, snapshot):
    x = update[:, :, -KEEP:] / NUM_UPDATES  # [B, C, keep]
    windowed = _window(snapshot, BATCH_SIZE, UPDATE_SIZE)  # [B, C, keep]
    weights = _weights()  # [B, 1, keep]
    windowed = windowed / weights + x
    # scatter (disjoint per batch row) + sum over batch == scatter-add over all rows
    pos = jnp.arange(KEEP)[None, :] + jnp.arange(BATCH_SIZE)[:, None] * UPDATE_SIZE  # [B, keep]
    snap_sum = jnp.zeros((NUM_CHANNELS, SNAPSHOT_SIZE), jnp.float32)
    snap_sum = snap_sum.at[:, pos].add(windowed.transpose(1, 0, 2))  # [C, S]
    output = snap_sum[:, : BATCH_SIZE * UPDATE_SIZE]
    rest = snap_sum[:, BATCH_SIZE * UPDATE_SIZE:]
    pad = jnp.zeros((NUM_CHANNELS, BATCH_SIZE * UPDATE_SIZE), jnp.float32)
    new_snapshot = jnp.concatenate([rest, pad], axis=-1)
    return output[None], new_snapshot

if __name__ == "__main__":
    import jax
    _d = setup_inputs()
    print(jax.jit(kernel)(*tuple(_d.values())))

</pallas_src>

<mosaic_0001>
#map = affine_map<(d0, d1) -> (0, 0, 0)>
#map1 = affine_map<(d0, d1) -> (0, 0)>
module attributes {stable_mosaic.version = 14 : i64} {
  func.func @_sc_averager(%arg0: i32, %arg1: i32, %arg2: memref<64x2x16384xf32, #tpu.memory_space<hbm>>, %arg3: memref<2x80896xf32, #tpu.memory_space<hbm>>, %arg4: memref<1x2x65536xf32, #tpu.memory_space<hbm>>, %arg5: memref<2x80896xf32, #tpu.memory_space<hbm>>, %arg6: memref<4x5x1024xf32, #tpu.memory_space<vmem>>, %arg7: memref<4x5x1024xf32, #tpu.memory_space<vmem>>, %arg8: memref<5120xf32, #tpu.memory_space<vmem>>, %arg9: memref<5120xf32, #tpu.memory_space<vmem>>, %arg10: memref<4096xf32, #tpu.memory_space<vmem>>, %arg11: memref<!tpu.dma_semaphore, #tpu.memory_space<semaphore_mem>>, %arg12: memref<!tpu.dma_semaphore, #tpu.memory_space<semaphore_mem>>, %arg13: memref<!tpu.dma_semaphore, #tpu.memory_space<semaphore_mem>>) attributes {dimension_semantics = [#tpu.dimension_semantics<core_parallel>, #tpu.dimension_semantics<subcore_parallel>], iteration_bounds = array<i64: 2, 16>, scalar_prefetch = 0 : i64, scratch_operands = 8 : i64, tpu.core_type = #tpu.core_type<sc_vector_subcore>, window_params = [{transform_indices = #map}, {transform_indices = #map1}, {transform_indices = #map}, {transform_indices = #map1}]} {
    %mul3A = arith.constant 16 : i32
    %mul3A_0 = arith.muli %arg0, %mul3A : i32
    %add3A = arith.addi %mul3A_0, %arg1 : i32
    %jit3A = arith.constant 16 : i32
    %div3A = arith.divsi %add3A, %jit3A : i32
    %sign3A = arith.constant 0 : i32
    %sign3A_1 = arith.cmpi sgt, %add3A, %sign3A : i32
    %sign3A_2 = arith.extui %sign3A_1 : i1 to i32
    %sign3A_3 = arith.constant 0 : i32
    %sign3A_4 = arith.cmpi slt, %add3A, %sign3A_3 : i32
    %sign3A_5 = arith.extui %sign3A_4 : i1 to i32
    %sign3A_6 = arith.subi %sign3A_2, %sign3A_5 : i32
    %sign3A_7 = arith.constant 0 : i32
    %sign3A_8 = arith.cmpi sgt, %jit3A, %sign3A_7 : i32
    %sign3A_9 = arith.extui %sign3A_8 : i1 to i32
    %sign3A_10 = arith.constant 0 : i32
    %sign3A_11 = arith.cmpi slt, %jit3A, %sign3A_10 : i32
    %sign3A_12 = arith.extui %sign3A_11 : i1 to i32
    %sign3A_13 = arith.subi %sign3A_9, %sign3A_12 : i32
    %ne3A = arith.cmpi ne, %sign3A_6, %sign3A_13 : i32
    %rem3A = arith.remsi %add3A, %jit3A : i32
    %ne3A_14 = arith.constant 0 : i32
    %ne3A_15 = arith.cmpi ne, %rem3A, %ne3A_14 : i32
    %and3A = arith.andi %ne3A, %ne3A_15 : i1
    %sub3A = arith.constant 1 : i32
    %sub3A_16 = arith.subi %div3A, %sub3A : i32
    %select_n3A = arith.select %and3A, %sub3A_16, %div3A : i32
    %jit3A_17 = arith.constant 16 : i32
    %eq3A = arith.constant 0 : i32
    %eq3A_18 = arith.cmpi eq, %jit3A_17, %eq3A : i32
    %jit3A_19 = arith.constant 1 : i32
    %select_n3A_20 = arith.select %eq3A_18, %jit3A_19, %jit3A_17 : i32
    %rem3A_21 = arith.remsi %add3A, %select_n3A_20 : i32
    %ne3A_22 = arith.constant 0 : i32
    %ne3A_23 = arith.cmpi ne, %rem3A_21, %ne3A_22 : i32
    %lt3A = arith.constant 0 : i32
    %lt3A_24 = arith.cmpi slt, %rem3A_21, %lt3A : i32
    %lt3A_25 = arith.constant 0 : i32
    %lt3A_26 = arith.cmpi slt, %select_n3A_20, %lt3A_25 : i32
    %ne3A_27 = arith.xori %lt3A_24, %lt3A_26 : i1
    %and3A_28 = arith.andi %ne3A_27, %ne3A_23 : i1
    %add3A_29 = arith.addi %rem3A_21, %select_n3A_20 : i32
    %select_n3A_30 = arith.select %and3A_28, %add3A_29, %rem3A_21 : i32
    %mul3A_31 = arith.constant 5 : i32
    %mul3A_32 = arith.muli %select_n3A_30, %mul3A_31 : i32
    %sub3A_33 = arith.constant 0 : i32
    %sub3A_34 = arith.subi %mul3A_32, %sub3A_33 : i32
    %jit3A_35 = arith.constant 0 : i32
    %jit3A_36 = arith.constant 59 : i32
    %max3A = arith.maxsi %jit3A_35, %sub3A_34 : i32
    %min3A = arith.minsi %jit3A_36, %max3A : i32
    %sub3A_37 = arith.constant 1 : i32
    %sub3A_38 = arith.subi %mul3A_32, %sub3A_37 : i32
    %jit3A_39 = arith.constant 0 : i32
    %jit3A_40 = arith.constant 59 : i32
    %max3A_41 = arith.maxsi %jit3A_39, %sub3A_38 : i32
    %min3A_42 = arith.minsi %jit3A_40, %max3A_41 : i32
    %sub3A_43 = arith.constant 2 : i32
    %sub3A_44 = arith.subi %mul3A_32, %sub3A_43 : i32
    %jit3A_45 = arith.constant 0 : i32
    %jit3A_46 = arith.constant 59 : i32
    %max3A_47 = arith.maxsi %jit3A_45, %sub3A_44 : i32
    %min3A_48 = arith.minsi %jit3A_46, %max3A_47 : i32
    %sub3A_49 = arith.constant 3 : i32
    %sub3A_50 = arith.subi %mul3A_32, %sub3A_49 : i32
    %jit3A_51 = arith.constant 0 : i32
    %jit3A_52 = arith.constant 59 : i32
    %max3A_53 = arith.maxsi %jit3A_51, %sub3A_50 : i32
    %min3A_54 = arith.minsi %jit3A_52, %max3A_53 : i32
    %sub3A_55 = arith.constant 4 : i32
    %sub3A_56 = arith.subi %mul3A_32, %sub3A_55 : i32
    %jit3A_57 = arith.constant 0 : i32
    %jit3A_58 = arith.constant 59 : i32
    %max3A_59 = arith.maxsi %jit3A_57, %sub3A_56 : i32
    %min3A_60 = arith.minsi %jit3A_58, %max3A_59 : i32
    %sub3A_61 = arith.constant 5 : i32
    %sub3A_62 = arith.subi %mul3A_32, %sub3A_61 : i32
    %jit3A_63 = arith.constant 0 : i32
    %jit3A_64 = arith.constant 59 : i32
    %max3A_65 = arith.maxsi %jit3A_63, %sub3A_62 : i32
    %min3A_66 = arith.minsi %jit3A_64, %max3A_65 : i32
    %sub3A_67 = arith.constant 6 : i32
    %sub3A_68 = arith.subi %mul3A_32, %sub3A_67 : i32
    %jit3A_69 = arith.constant 0 : i32
    %jit3A_70 = arith.constant 59 : i32
    %max3A_71 = arith.maxsi %jit3A_69, %sub3A_68 : i32
    %min3A_72 = arith.minsi %jit3A_70, %max3A_71 : i32
    %sub3A_73 = arith.constant 7 : i32
    %sub3A_74 = arith.subi %mul3A_32, %sub3A_73 : i32
    %jit3A_75 = arith.constant 0 : i32
    %jit3A_76 = arith.constant 59 : i32
    %max3A_77 = arith.maxsi %jit3A_75, %sub3A_74 : i32
    %min3A_78 = arith.minsi %jit3A_76, %max3A_77 : i32
    %sub3A_79 = arith.constant 8 : i32
    %sub3A_80 = arith.subi %mul3A_32, %sub3A_79 : i32
    %jit3A_81 = arith.constant 0 : i32
    %jit3A_82 = arith.constant 59 : i32
    %max3A_83 = arith.maxsi %jit3A_81, %sub3A_80 : i32
    %min3A_84 = arith.minsi %jit3A_82, %max3A_83 : i32
    %sub3A_85 = arith.constant 9 : i32
    %sub3A_86 = arith.subi %mul3A_32, %sub3A_85 : i32
    %jit3A_87 = arith.constant 0 : i32
    %jit3A_88 = arith.constant 59 : i32
    %max3A_89 = arith.maxsi %jit3A_87, %sub3A_86 : i32
    %min3A_90 = arith.minsi %jit3A_88, %max3A_89 : i32
    %sub3A_91 = arith.constant 10 : i32
    %sub3A_92 = arith.subi %mul3A_32, %sub3A_91 : i32
    %jit3A_93 = arith.constant 0 : i32
    %jit3A_94 = arith.constant 59 : i32
    %max3A_95 = arith.maxsi %jit3A_93, %sub3A_92 : i32
    %min3A_96 = arith.minsi %jit3A_94, %max3A_95 : i32
    %sub3A_97 = arith.constant 11 : i32
    %sub3A_98 = arith.subi %mul3A_32, %sub3A_97 : i32
    %jit3A_99 = arith.constant 0 : i32
    %jit3A_100 = arith.constant 59 : i32
    %max3A_101 = arith.maxsi %jit3A_99, %sub3A_98 : i32
    %min3A_102 = arith.minsi %jit3A_100, %max3A_101 : i32
    %sub3A_103 = arith.constant 12 : i32
    %sub3A_104 = arith.subi %mul3A_32, %sub3A_103 : i32
    %jit3A_105 = arith.constant 0 : i32
    %jit3A_106 = arith.constant 59 : i32
    %max3A_107 = arith.maxsi %jit3A_105, %sub3A_104 : i32
    %min3A_108 = arith.minsi %jit3A_106, %max3A_107 : i32
    %sub3A_109 = arith.constant 13 : i32
    %sub3A_110 = arith.subi %mul3A_32, %sub3A_109 : i32
    %jit3A_111 = arith.constant 0 : i32
    %jit3A_112 = arith.constant 59 : i32
    %max3A_113 = arith.maxsi %jit3A_111, %sub3A_110 : i32
    %min3A_114 = arith.minsi %jit3A_112, %max3A_113 : i32
    %sub3A_115 = arith.constant 14 : i32
    %sub3A_116 = arith.subi %mul3A_32, %sub3A_115 : i32
    %jit3A_117 = arith.constant 0 : i32
    %jit3A_118 = arith.constant 59 : i32
    %max3A_119 = arith.maxsi %jit3A_117, %sub3A_116 : i32
    %min3A_120 = arith.minsi %jit3A_118, %max3A_119 : i32
    %sub3A_121 = arith.constant 15 : i32
    %sub3A_122 = arith.subi %mul3A_32, %sub3A_121 : i32
    %jit3A_123 = arith.constant 0 : i32
    %jit3A_124 = arith.constant 59 : i32
    %max3A_125 = arith.maxsi %jit3A_123, %sub3A_122 : i32
    %min3A_126 = arith.minsi %jit3A_124, %max3A_125 : i32
    %dma_start3A = arith.constant 0 : i32
    %dma_start3A_127 = arith.constant 0 : i32
    %dma_start3A_128 = arith.constant 0 : i32
    %dma_start3A_129 = tpu.memref_slice %arg6[%dma_start3A, %dma_start3A_127, %dma_start3A_128] : memref<4x5x1024xf32, #tpu.memory_space<vmem>> -> memref<1x5x1024xf32, #tpu.memory_space<vmem>>
    %dma_start3A_130 = tpu.memref_squeeze %dma_start3A_129 : memref<1x5x1024xf32, #tpu.memory_space<vmem>> -> memref<5x1024xf32, #tpu.memory_space<vmem>>
    %dma_start3A_131 = arith.constant 0 : i32
    %dma_start3A_132 = tpu.memref_slice %arg2[%min3A, %select_n3A, %dma_start3A_131] : memref<64x2x16384xf32, #tpu.memory_space<hbm>> -> memref<5x1x1024xf32, #tpu.memory_space<hbm>>
    %dma_start3A_133 = tpu.memref_squeeze %dma_start3A_132 : memref<5x1x1024xf32, #tpu.memory_space<hbm>> -> memref<5x1024xf32, #tpu.memory_space<hbm>>
    %dma_start3A_134 = arith.constant 0 : i32
    %dma_start3A_135 = arith.constant 0 : i32
    %dma_start3A_136 = tpu.memref_slice %arg6[%dma_start3A, %dma_start3A_134, %dma_start3A_135] : memref<4x5x1024xf32, #tpu.memory_space<vmem>> -> memref<1x5x1024xf32, #tpu.memory_space<vmem>>
    %dma_start3A_137 = tpu.memref_squeeze %dma_start3A_136 : memref<1x5x1024xf32, #tpu.memory_space<vmem>> -> memref<5x1024xf32, #tpu.memory_space<vmem>>
    %dma_start3A_138 = arith.constant 0 : i32
    %dma_start3A_139 = tpu.memref_slice %arg2[%min3A, %select_n3A, %dma_start3A_138] : memref<64x2x16384xf32, #tpu.memory_space<hbm>> -> memref<5x1x1024xf32, #tpu.memory_space<hbm>>
    %dma_start3A_140 = tpu.memref_squeeze %dma_start3A_139 : memref<5x1x1024xf32, #tpu.memory_space<hbm>> -> memref<5x1024xf32, #tpu.memory_space<hbm>>
    tpu.enqueue_dma source(%dma_start3A_140 : memref<5x1024xf32, #tpu.memory_space<hbm>>) target(%dma_start3A_137 : memref<5x1024xf32, #tpu.memory_space<vmem>>) target_semaphore(%arg11 : memref<!tpu.dma_semaphore, #tpu.memory_space<semaphore_mem>>)
    %dma_start3A_141 = arith.constant 1 : i32
    %dma_start3A_142 = arith.constant 0 : i32
    %dma_start3A_143 = arith.constant 0 : i32
    %dma_start3A_144 = tpu.memref_slice %arg6[%dma_start3A_141, %dma_start3A_142, %dma_start3A_143] : memref<4x5x1024xf32, #tpu.memory_space<vmem>> -> memref<1x5x1024xf32, #tpu.memory_space<vmem>>
    %dma_start3A_145 = tpu.memref_squeeze %dma_start3A_144 : memref<1x5x1024xf32, #tpu.memory_space<vmem>> -> memref<5x1024xf32, #tpu.memory_space<vmem>>
    %dma_start3A_146 = arith.constant 1024 : i32
    %dma_start3A_147 = tpu.memref_slice %arg2[%min3A_42, %select_n3A, %dma_start3A_146] : memref<64x2x16384xf32, #tpu.memory_space<hbm>> -> memref<5x1x1024xf32, #tpu.memory_space<hbm>>
    %dma_start3A_148 = tpu.memref_squeeze %dma_start3A_147 : memref<5x1x1024xf32, #tpu.memory_space<hbm>> -> memref<5x1024xf32, #tpu.memory_space<hbm>>
    %dma_start3A_149 = arith.constant 0 : i32
    %dma_start3A_150 = arith.constant 0 : i32
    %dma_start3A_151 = tpu.memref_slice %arg6[%dma_start3A_141, %dma_start3A_149, %dma_start3A_150] : memref<4x5x1024xf32, #tpu.memory_space<vmem>> -> memref<1x5x1024xf32, #tpu.memory_space<vmem>>
    %dma_start3A_152 = tpu.memref_squeeze %dma_start3A_151 : memref<1x5x1024xf32, #tpu.memory_space<vmem>> -> memref<5x1024xf32, #tpu.memory_space<vmem>>
    %dma_start3A_153 = arith.constant 1024 : i32
    %dma_start3A_154 = tpu.memref_slice %arg2[%min3A_42, %select_n3A, %dma_start3A_153] : memref<64x2x16384xf32, #tpu.memory_space<hbm>> -> memref<5x1x1024xf32, #tpu.memory_space<hbm>>
    %dma_start3A_155 = tpu.memref_squeeze %dma_start3A_154 : memref<5x1x1024xf32, #tpu.memory_space<hbm>> -> memref<5x1024xf32, #tpu.memory_space<hbm>>
    tpu.enqueue_dma source(%dma_start3A_155 : memref<5x1024xf32, #tpu.memory_space<hbm>>) target(%dma_start3A_152 : memref<5x1024xf32, #tpu.memory_space<vmem>>) target_semaphore(%arg11 : memref<!tpu.dma_semaphore, #tpu.memory_space<semaphore_mem>>)
    %dma_start3A_156 = arith.constant 2 : i32
    %dma_start3A_157 = arith.constant 0 : i32
    %dma_start3A_158 = arith.constant 0 : i32
    %dma_start3A_159 = tpu.memref_slice %arg6[%dma_start3A_156, %dma_start3A_157, %dma_start3A_158] : memref<4x5x1024xf32, #tpu.memory_space<vmem>> -> memref<1x5x1024xf32, #tpu.memory_space<vmem>>
    %dma_start3A_160 = tpu.memref_squeeze %dma_start3A_159 : memref<1x5x1024xf32, #tpu.memory_space<vmem>> -> memref<5x1024xf32, #tpu.memory_space<vmem>>
    %dma_start3A_161 = arith.constant 2048 : i32
    %dma_start3A_162 = tpu.memref_slice %arg2[%min3A_48, %select_n3A, %dma_start3A_161] : memref<64x2x16384xf32, #tpu.memory_space<hbm>> -> memref<5x1x1024xf32, #tpu.memory_space<hbm>>
    %dma_start3A_163 = tpu.memref_squeeze %dma_start3A_162 : memref<5x1x1024xf32, #tpu.memory_space<hbm>> -> memref<5x1024xf32, #tpu.memory_space<hbm>>
    %dma_start3A_164 = arith.constant 0 : i32
    %dma_start3A_165 = arith.constant 0 : i32
    %dma_start3A_166 = tpu.memref_slice %arg6[%dma_start3A_156, %dma_start3A_164, %dma_start3A_165] : memref<4x5x1024xf32, #tpu.memory_space<vmem>> -> memref<1x5x1024xf32, #tpu.memory_space<vmem>>
    %dma_start3A_167 = tpu.memref_squeeze %dma_start3A_166 : memref<1x5x1024xf32, #tpu.memory_space<vmem>> -> memref<5x1024xf32, #tpu.memory_space<vmem>>
    %dma_start3A_168 = arith.constant 2048 : i32
    %dma_start3A_169 = tpu.memref_slice %arg2[%min3A_48, %select_n3A, %dma_start3A_168] : memref<64x2x16384xf32, #tpu.memory_space<hbm>> -> memref<5x1x1024xf32, #tpu.memory_space<hbm>>
    %dma_start3A_170 = tpu.memref_squeeze %dma_start3A_169 : memref<5x1x1024xf32, #tpu.memory_space<hbm>> -> memref<5x1024xf32, #tpu.memory_space<hbm>>
    tpu.enqueue_dma source(%dma_start3A_170 : memref<5x1024xf32, #tpu.memory_space<hbm>>) target(%dma_start3A_167 : memref<5x1024xf32, #tpu.memory_space<vmem>>) target_semaphore(%arg11 : memref<!tpu.dma_semaphore, #tpu.memory_space<semaphore_mem>>)
    %dma_start3A_171 = arith.constant 3 : i32
    %dma_start3A_172 = arith.constant 0 : i32
    %dma_start3A_173 = arith.constant 0 : i32
    %dma_start3A_174 = tpu.memref_slice %arg6[%dma_start3A_171, %dma_start3A_172, %dma_start3A_173] : memref<4x5x1024xf32, #tpu.memory_space<vmem>> -> memref<1x5x1024xf32, #tpu.memory_space<vmem>>
    %dma_start3A_175 = tpu.memref_squeeze %dma_start3A_174 : memref<1x5x1024xf32, #tpu.memory_space<vmem>> -> memref<5x1024xf32, #tpu.memory_space<vmem>>
    %dma_start3A_176 = arith.constant 3072 : i32
    %dma_start3A_177 = tpu.memref_slice %arg2[%min3A_54, %select_n3A, %dma_start3A_176] : memref<64x2x16384xf32, #tpu.memory_space<hbm>> -> memref<5x1x1024xf32, #tpu.memory_space<hbm>>
    %dma_start3A_178 = tpu.memref_squeeze %dma_start3A_177 : memref<5x1x1024xf32, #tpu.memory_space<hbm>> -> memref<5x1024xf32, #tpu.memory_space<hbm>>
    %dma_start3A_179 = arith.constant 0 : i32
    %dma_start3A_180 = arith.constant 0 : i32
    %dma_start3A_181 = tpu.memref_slice %arg6[%dma_start3A_171, %dma_start3A_179, %dma_start3A_180] : memref<4x5x1024xf32, #tpu.memory_space<vmem>> -> memref<1x5x1024xf32, #tpu.memory_space<vmem>>
    %dma_start3A_182 = tpu.memref_squeeze %dma_start3A_181 : memref<1x5x1024xf32, #tpu.memory_space<vmem>> -> memref<5x1024xf32, #tpu.memory_space<vmem>>
    %dma_start3A_183 = arith.constant 3072 : i32
    %dma_start3A_184 = tpu.memref_slice %arg2[%min3A_54, %select_n3A, %dma_start3A_183] : memref<64x2x16384xf32, #tpu.memory_space<hbm>> -> memref<5x1x1024xf32, #tpu.memory_space<hbm>>
    %dma_start3A_185 = tpu.memref_squeeze %dma_start3A_184 : memref<5x1x1024xf32, #tpu.memory_space<hbm>> -> memref<5x1024xf32, #tpu.memory_space<hbm>>
    tpu.enqueue_dma source(%dma_start3A_185 : memref<5x1024xf32, #tpu.memory_space<hbm>>) target(%dma_start3A_182 : memref<5x1024xf32, #tpu.memory_space<vmem>>) target_semaphore(%arg11 : memref<!tpu.dma_semaphore, #tpu.memory_space<semaphore_mem>>)
    %min3A_186 = arith.constant 74 : i32
    %min3A_187 = arith.minsi %mul3A_32, %min3A_186 : i32
    %sub3A_188 = arith.subi %mul3A_32, %min3A_187 : i32
    %dma_start3A_189 = arith.constant 0 : i32
    %dma_start3A_190 = arith.constant 0 : i32
    %dma_start3A_191 = arith.constant 0 : i32
    %dma_start3A_192 = tpu.memref_slice %arg7[%dma_start3A_189, %dma_start3A_190, %dma_start3A_191] : memref<4x5x1024xf32, #tpu.memory_space<vmem>> -> memref<1x5x1024xf32, #tpu.memory_space<vmem>>
    %dma_start3A_193 = tpu.memref_squeeze %dma_start3A_192 : memref<1x5x1024xf32, #tpu.memory_space<vmem>> -> memref<5x1024xf32, #tpu.memory_space<vmem>>
    %dma_start3A_194 = arith.constant 4096 : i32
    %dma_start3A_195 = tpu.memref_slice %arg2[%min3A_60, %select_n3A, %dma_start3A_194] : memref<64x2x16384xf32, #tpu.memory_space<hbm>> -> memref<5x1x1024xf32, #tpu.memory_space<hbm>>
    %dma_start3A_196 = tpu.memref_squeeze %dma_start3A_195 : memref<5x1x1024xf32, #tpu.memory_space<hbm>> -> memref<5x1024xf32, #tpu.memory_space<hbm>>
    %dma_start3A_197 = arith.constant 0 : i32
    %dma_start3A_198 = arith.constant 0 : i32
    %dma_start3A_199 = tpu.memref_slice %arg7[%dma_start3A_189, %dma_start3A_197, %dma_start3A_198] : memref<4x5x1024xf32, #tpu.memory_space<vmem>> -> memref<1x5x1024xf32, #tpu.memory_space<vmem>>
    %dma_start3A_200 = tpu.memref_squeeze %dma_start3A_199 : memref<1x5x1024xf32, #tpu.memory_space<vmem>> -> memref<5x1024xf32, #tpu.memory_space<vmem>>
    %dma_start3A_201 = arith.constant 4096 : i32
    %dma_start3A_202 = tpu.memref_slice %arg2[%min3A_60, %select_n3A, %dma_start3A_201] : memref<64x2x16384xf32, #tpu.memory_space<hbm>> -> memref<5x1x1024xf32, #tpu.memory_space<hbm>>
    %dma_start3A_203 = tpu.memref_squeeze %dma_start3A_202 : memref<5x1x1024xf32, #tpu.memory_space<hbm>> -> memref<5x1024xf32, #tpu.memory_space<hbm>>
    tpu.enqueue_dma source(%dma_start3A_203 : memref<5x1024xf32, #tpu.memory_space<hbm>>) target(%dma_start3A_200 : memref<5x1024xf32, #tpu.memory_space<vmem>>) target_semaphore(%arg12 : memref<!tpu.dma_semaphore, #tpu.memory_space<semaphore_mem>>)
    %dma_start3A_204 = arith.constant 1 : i32
    %dma_start3A_205 = arith.constant 0 : i32
    %dma_start3A_206 = arith.constant 0 : i32
    %dma_start3A_207 = tpu.memref_slice %arg7[%dma_start3A_204, %dma_start3A_205, %dma_start3A_206] : memref<4x5x1024xf32, #tpu.memory_space<vmem>> -> memref<1x5x1024xf32, #tpu.memory_space<vmem>>
    %dma_start3A_208 = tpu.memref_squeeze %dma_start3A_207 : memref<1x5x1024xf32, #tpu.memory_space<vmem>> -> memref<5x1024xf32, #tpu.memory_space<vmem>>
    %dma_start3A_209 = arith.constant 5120 : i32
    %dma_start3A_210 = tpu.memref_slice %arg2[%min3A_66, %select_n3A, %dma_start3A_209] : memref<64x2x16384xf32, #tpu.memory_space<hbm>> -> memref<5x1x1024xf32, #tpu.memory_space<hbm>>
    %dma_start3A_211 = tpu.memref_squeeze %dma_start3A_210 : memref<5x1x1024xf32, #tpu.memory_space<hbm>> -> memref<5x1024xf32, #tpu.memory_space<hbm>>
    %dma_start3A_212 = arith.constant 0 : i32
    %dma_start3A_213 = arith.constant 0 : i32
    %dma_start3A_214 = tpu.memref_slice %arg7[%dma_start3A_204, %dma_start3A_212, %dma_start3A_213] : memref<4x5x1024xf32, #tpu.memory_space<vmem>> -> memref<1x5x1024xf32, #tpu.memory_space<vmem>>
    %dma_start3A_215 = tpu.memref_squeeze %dma_start3A_214 : memref<1x5x1024xf32, #tpu.memory_space<vmem>> -> memref<5x1024xf32, #tpu.memory_space<vmem>>
    %dma_start3A_216 = arith.constant 5120 : i32
    %dma_start3A_217 = tpu.memref_slice %arg2[%min3A_66, %select_n3A, %dma_start3A_216] : memref<64x2x16384xf32, #tpu.memory_space<hbm>> -> memref<5x1x1024xf32, #tpu.memory_space<hbm>>
    %dma_start3A_218 = tpu.memref_squeeze %dma_start3A_217 : memref<5x1x1024xf32, #tpu.memory_space<hbm>> -> memref<5x1024xf32, #tpu.memory_space<hbm>>
    tpu.enqueue_dma source(%dma_start3A_218 : memref<5x1024xf32, #tpu.memory_space<hbm>>) target(%dma_start3A_215 : memref<5x1024xf32, #tpu.memory_space<vmem>>) target_semaphore(%arg12 : memref<!tpu.dma_semaphore, #tpu.memory_space<semaphore_mem>>)
    %dma_start3A_219 = arith.constant 2 : i32
    %dma_start3A_220 = arith.constant 0 : i32
    %dma_start3A_221 = arith.constant 0 : i32
    %dma_start3A_222 = tpu.memref_slice %arg7[%dma_start3A_219, %dma_start3A_220, %dma_start3A_221] : memref<4x5x1024xf32, #tpu.memory_space<vmem>> -> memref<1x5x1024xf32, #tpu.memory_space<vmem>>
    %dma_start3A_223 = tpu.memref_squeeze %dma_start3A_222 : memref<1x5x1024xf32, #tpu.memory_space<vmem>> -> memref<5x1024xf32, #tpu.memory_space<vmem>>
    %dma_start3A_224 = arith.constant 6144 : i32
    %dma_start3A_225 = tpu.memref_slice %arg2[%min3A_72, %select_n3A, %dma_start3A_224] : memref<64x2x16384xf32, #tpu.memory_space<hbm>> -> memref<5x1x1024xf32, #tpu.memory_space<hbm>>
    %dma_start3A_226 = tpu.memref_squeeze %dma_start3A_225 : memref<5x1x1024xf32, #tpu.memory_space<hbm>> -> memref<5x1024xf32, #tpu.memory_space<hbm>>
    %dma_start3A_227 = arith.constant 0 : i32
    %dma_start3A_228 = arith.constant 0 : i32
    %dma_start3A_229 = tpu.memref_slice %arg7[%dma_start3A_219, %dma_start3A_227, %dma_start3A_228] : memref<4x5x1024xf32, #tpu.memory_space<vmem>> -> memref<1x5x1024xf32, #tpu.memory_space<vmem>>
    %dma_start3A_230 = tpu.memref_squeeze %dma_start3A_229 : memref<1x5x1024xf32, #tpu.memory_space<vmem>> -> memref<5x1024xf32, #tpu.memory_space<vmem>>
    %dma_start3A_231 = arith.constant 6144 : i32
    %dma_start3A_232 = tpu.memref_slice %arg2[%min3A_72, %select_n3A, %dma_start3A_231] : memref<64x2x16384xf32, #tpu.memory_space<hbm>> -> memref<5x1x1024xf32, #tpu.memory_space<hbm>>
    %dma_start3A_233 = tpu.memref_squeeze %dma_start3A_232 : memref<5x1x1024xf32, #tpu.memory_space<hbm>> -> memref<5x1024xf32, #tpu.memory_space<hbm>>
    tpu.enqueue_dma source(%dma_start3A_233 : memref<5x1024xf32, #tpu.memory_space<hbm>>) target(%dma_start3A_230 : memref<5x1024xf32, #tpu.memory_space<vmem>>) target_semaphore(%arg12 : memref<!tpu.dma_semaphore, #tpu.memory_space<semaphore_mem>>)
    %dma_start3A_234 = arith.constant 3 : i32
    %dma_start3A_235 = arith.constant 0 : i32
    %dma_start3A_236 = arith.constant 0 : i32
    %dma_start3A_237 = tpu.memref_slice %arg7[%dma_start3A_234, %dma_start3A_235, %dma_start3A_236] : memref<4x5x1024xf32, #tpu.memory_space<vmem>> -> memref<1x5x1024xf32, #tpu.memory_space<vmem>>
    %dma_start3A_238 = tpu.memref_squeeze %dma_start3A_237 : memref<1x5x1024xf32, #tpu.memory_space<vmem>> -> memref<5x1024xf32, #tpu.memory_space<vmem>>
    %dma_start3A_239 = arith.constant 7168 : i32
    %dma_start3A_240 = tpu.memref_slice %arg2[%min3A_78, %select_n3A, %dma_start3A_239] : memref<64x2x16384xf32, #tpu.memory_space<hbm>> -> memref<5x1x1024xf32, #tpu.memory_space<hbm>>
    %dma_start3A_241 = tpu.memref_squeeze %dma_start3A_240 : memref<5x1x1024xf32, #tpu.memory_space<hbm>> -> memref<5x1024xf32, #tpu.memory_space<hbm>>
    %dma_start3A_242 = arith.constant 0 : i32
    %dma_start3A_243 = arith.constant 0 : i32
    %dma_start3A_244 = tpu.memref_slice %arg7[%dma_start3A_234, %dma_start3A_242, %dma_start3A_243] : memref<4x5x1024xf32, #tpu.memory_space<vmem>> -> memref<1x5x1024xf32, #tpu.memory_space<vmem>>
    %dma_start3A_245 = tpu.memref_squeeze %dma_start3A_244 : memref<1x5x1024xf32, #tpu.memory_space<vmem>> -> memref<5x1024xf32, #tpu.memory_space<vmem>>
    %dma_start3A_246 = arith.constant 7168 : i32
    %dma_start3A_247 = tpu.memref_slice %arg2[%min3A_78, %select_n3A, %dma_start3A_246] : memref<64x2x16384xf32, #tpu.memory_space<hbm>> -> memref<5x1x1024xf32, #tpu.memory_space<hbm>>
    %dma_start3A_248 = tpu.memref_squeeze %dma_start3A_247 : memref<5x1x1024xf32, #tpu.memory_space<hbm>> -> memref<5x1024xf32, #tpu.memory_space<hbm>>
    tpu.enqueue_dma source(%dma_start3A_248 : memref<5x1024xf32, #tpu.memory_space<hbm>>) target(%dma_start3A_245 : memref<5x1024xf32, #tpu.memory_space<vmem>>) target_semaphore(%arg12 : memref<!tpu.dma_semaphore, #tpu.memory_space<semaphore_mem>>)
    %mul3A_249 = arith.constant 1024 : i32
    %mul3A_250 = arith.muli %min3A_187, %mul3A_249 : i32
    %dma_start3A_251 = tpu.memref_slice %arg3[%select_n3A, %mul3A_250] : memref<2x80896xf32, #tpu.memory_space<hbm>> -> memref<1x5120xf32, #tpu.memory_space<hbm>>
    %dma_start3A_252 = tpu.memref_squeeze %dma_start3A_251 : memref<1x5120xf32, #tpu.memory_space<hbm>> -> memref<5120xf32, #tpu.memory_space<hbm>>
    %dma_start3A_253 = tpu.memref_slice %arg3[%select_n3A, %mul3A_250] : memref<2x80896xf32, #tpu.memory_space<hbm>> -> memref<1x5120xf32, #tpu.memory_space<hbm>>
    %dma_start3A_254 = tpu.memref_squeeze %dma_start3A_253 : memref<1x5120xf32, #tpu.memory_space<hbm>> -> memref<5120xf32, #tpu.memory_space<hbm>>
    tpu.enqueue_dma source(%dma_start3A_254 : memref<5120xf32, #tpu.memory_space<hbm>>) target(%arg8 : memref<5120xf32, #tpu.memory_space<vmem>>) target_semaphore(%arg12 : memref<!tpu.dma_semaphore, #tpu.memory_space<semaphore_mem>>)
    %parallel_loop3A = arith.constant 0 : i32
    %parallel_loop3A_255 = arith.constant 256 : i32
    %parallel_loop3A_256 = arith.constant 1 : i32
    scf.for %parallel_loop3A_2166 = %parallel_loop3A to %parallel_loop3A_255 step %parallel_loop3A_256  : i32 {
      %parallel_loop3A_2167 = arith.constant 0.000000e+00 : f32
      %parallel_loop3A_2168 = vector.broadcast %parallel_loop3A_2167 : f32 to vector<16xf32>
      %parallel_loop3A_2169 = arith.constant 16 : i32
      %parallel_loop3A_2170 = arith.muli %parallel_loop3A_2166, %parallel_loop3A_2169 : i32
      %parallel_loop3A_2171 = arith.index_cast %parallel_loop3A_2170 : i32 to index
      %parallel_loop3A_2172 = tpu.vector_load %arg10[%parallel_loop3A_2171] {strides = array<i32>} : memref<4096xf32, #tpu.memory_space<vmem>>, vector<16xf32>,
      %parallel_loop3A_2173 = vector.shape_cast %parallel_loop3A_2172 : vector<16xf32> to vector<16xf32>
      %parallel_loop3A_2174 = vector.shape_cast %parallel_loop3A_2168 : vector<16xf32> to vector<16xf32>
      tpu.vector_store %arg10[%parallel_loop3A_2171], %parallel_loop3A_2174 {strides = array<i32>} : memref<4096xf32, #tpu.memory_space<vmem>>, vector<16xf32>,
    } {sc.loop_unroll_factor = 1 : i64, sc.parallel_access}
    %jit3A_257 = arith.constant 2 : i32
    %eq3A_258 = arith.constant 0 : i32
    %eq3A_259 = arith.cmpi eq, %jit3A_257, %eq3A_258 : i32
    %jit3A_260 = arith.constant 1 : i32
    %select_n3A_261 = arith.select %eq3A_259, %jit3A_260, %jit3A_257 : i32
    %rem3A_262 = arith.remsi %add3A, %select_n3A_261 : i32
    %ne3A_263 = arith.constant 0 : i32
    %ne3A_264 = arith.cmpi ne, %rem3A_262, %ne3A_263 : i32
    %lt3A_265 = arith.constant 0 : i32
    %lt3A_266 = arith.cmpi slt, %rem3A_262, %lt3A_265 : i32
    %lt3A_267 = arith.constant 0 : i32
    %lt3A_268 = arith.cmpi slt, %select_n3A_261, %lt3A_267 : i32
    %ne3A_269 = arith.xori %lt3A_266, %lt3A_268 : i1
    %and3A_270 = arith.andi %ne3A_269, %ne3A_264 : i1
    %add3A_271 = arith.addi %rem3A_262, %select_n3A_261 : i32
    %select_n3A_272 = arith.select %and3A_270, %add3A_271, %rem3A_262 : i32
    %jit3A_273 = arith.constant 2 : i32
    %div3A_274 = arith.divsi %add3A, %jit3A_273 : i32
    %sign3A_275 = arith.constant 0 : i32
    %sign3A_276 = arith.cmpi sgt, %add3A, %sign3A_275 : i32
    %sign3A_277 = arith.extui %sign3A_276 : i1 to i32
    %sign3A_278 = arith.constant 0 : i32
    %sign3A_279 = arith.cmpi slt, %add3A, %sign3A_278 : i32
    %sign3A_280 = arith.extui %sign3A_279 : i1 to i32
    %sign3A_281 = arith.subi %sign3A_277, %sign3A_280 : i32
    %sign3A_282 = arith.constant 0 : i32
    %sign3A_283 = arith.cmpi sgt, %jit3A_273, %sign3A_282 : i32
    %sign3A_284 = arith.extui %sign3A_283 : i1 to i32
    %sign3A_285 = arith.constant 0 : i32
    %sign3A_286 = arith.cmpi slt, %jit3A_273, %sign3A_285 : i32
    %sign3A_287 = arith.extui %sign3A_286 : i1 to i32
    %sign3A_288 = arith.subi %sign3A_284, %sign3A_287 : i32
    %ne3A_289 = arith.cmpi ne, %sign3A_281, %sign3A_288 : i32
    %rem3A_290 = arith.remsi %add3A, %jit3A_273 : i32
    %ne3A_291 = arith.constant 0 : i32
    %ne3A_292 = arith.cmpi ne, %rem3A_290, %ne3A_291 : i32
    %and3A_293 = arith.andi %ne3A_289, %ne3A_292 : i1
    %sub3A_294 = arith.constant 1 : i32
    %sub3A_295 = arith.subi %div3A_274, %sub3A_294 : i32
    %select_n3A_296 = arith.select %and3A_293, %sub3A_295, %div3A_274 : i32
    %mul3A_297 = arith.constant 4096 : i32
    %mul3A_298 = arith.muli %select_n3A_296, %mul3A_297 : i32
    %add3A_299 = arith.constant 15360 : i32
    %add3A_300 = arith.addi %add3A_299, %mul3A_298 : i32
    %dma_start3A_301 = tpu.memref_slice %arg5[%select_n3A_272, %add3A_300] : memref<2x80896xf32, #tpu.memory_space<hbm>> -> memref<1x4096xf32, #tpu.memory_space<hbm>>
    %dma_start3A_302 = tpu.memref_squeeze %dma_start3A_301 : memref<1x4096xf32, #tpu.memory_space<hbm>> -> memref<4096xf32, #tpu.memory_space<hbm>>
    %dma_start3A_303 = tpu.memref_slice %arg5[%select_n3A_272, %add3A_300] : memref<2x80896xf32, #tpu.memory_space<hbm>> -> memref<1x4096xf32, #tpu.memory_space<hbm>>
    %dma_start3A_304 = tpu.memref_squeeze %dma_start3A_303 : memref<1x4096xf32, #tpu.memory_space<hbm>> -> memref<4096xf32, #tpu.memory_space<hbm>>
    tpu.enqueue_dma source(%arg10 : memref<4096xf32, #tpu.memory_space<vmem>>) target(%dma_start3A_304 : memref<4096xf32, #tpu.memory_space<hbm>>) target_semaphore(%arg13 : memref<!tpu.dma_semaphore, #tpu.memory_space<semaphore_mem>>)
    %dma_wait3A = arith.constant 0 : i32
    %dma_wait3A_305 = arith.constant 0 : i32
    %dma_wait3A_306 = arith.constant 0 : i32
    %dma_wait3A_307 = tpu.memref_slice %arg6[%dma_wait3A, %dma_wait3A_305, %dma_wait3A_306] : memref<4x5x1024xf32, #tpu.memory_space<vmem>> -> memref<1x5x1024xf32, #tpu.memory_space<vmem>>
    %dma_wait3A_308 = tpu.memref_squeeze %dma_wait3A_307 : memref<1x5x1024xf32, #tpu.memory_space<vmem>> -> memref<5x1024xf32, #tpu.memory_space<vmem>>
    %dma_wait3A_309 = arith.constant 0 : i32
    %dma_wait3A_310 = tpu.memref_slice %arg2[%min3A, %select_n3A, %dma_wait3A_309] : memref<64x2x16384xf32, #tpu.memory_space<hbm>> -> memref<5x1x1024xf32, #tpu.memory_space<hbm>>
    %dma_wait3A_311 = tpu.memref_squeeze %dma_wait3A_310 : memref<5x1x1024xf32, #tpu.memory_space<hbm>> -> memref<5x1024xf32, #tpu.memory_space<hbm>>
    %dma_wait3A_312 = arith.constant 0 : i32
    %dma_wait3A_313 = arith.constant 0 : i32
    %dma_wait3A_314 = tpu.memref_slice %arg6[%dma_wait3A, %dma_wait3A_312, %dma_wait3A_313] : memref<4x5x1024xf32, #tpu.memory_space<vmem>> -> memref<1x5x1024xf32, #tpu.memory_space<vmem>>
    %dma_wait3A_315 = tpu.memref_squeeze %dma_wait3A_314 : memref<1x5x1024xf32, #tpu.memory_space<vmem>> -> memref<5x1024xf32, #tpu.memory_space<vmem>>
    %dma_wait3A_316 = arith.constant 0 : i32
    %dma_wait3A_317 = tpu.memref_slice %arg2[%min3A, %select_n3A, %dma_wait3A_316] : memref<64x2x16384xf32, #tpu.memory_space<hbm>> -> memref<5x1x1024xf32, #tpu.memory_space<hbm>>
    %dma_wait3A_318 = tpu.memref_squeeze %dma_wait3A_317 : memref<5x1x1024xf32, #tpu.memory_space<hbm>> -> memref<5x1024xf32, #tpu.memory_space<hbm>>
    tpu.wait_dma2 semaphore(%arg11 : memref<!tpu.dma_semaphore, #tpu.memory_space<semaphore_mem>>) src(%dma_wait3A_318 : memref<5x1024xf32, #tpu.memory_space<hbm>>) dst(%dma_wait3A_315 : memref<5x1024xf32, #tpu.memory_space<vmem>>)
    %dma_wait3A_319 = arith.constant 1 : i32
    %dma_wait3A_320 = arith.constant 0 : i32
    %dma_wait3A_321 = arith.constant 0 : i32
    %dma_wait3A_322 = tpu.memref_slice %arg6[%dma_wait3A_319, %dma_wait3A_320, %dma_wait3A_321] : memref<4x5x1024xf32, #tpu.memory_space<vmem>> -> memref<1x5x1024xf32, #tpu.memory_space<vmem>>
    %dma_wait3A_323 = tpu.memref_squeeze %dma_wait3A_322 : memref<1x5x1024xf32, #tpu.memory_space<vmem>> -> memref<5x1024xf32, #tpu.memory_space<vmem>>
    %dma_wait3A_324 = arith.constant 1024 : i32
    %dma_wait3A_325 = tpu.memref_slice %arg2[%min3A_42, %select_n3A, %dma_wait3A_324] : memref<64x2x16384xf32, #tpu.memory_space<hbm>> -> memref<5x1x1024xf32, #tpu.memory_space<hbm>>
    %dma_wait3A_326 = tpu.memref_squeeze %dma_wait3A_325 : memref<5x1x1024xf32, #tpu.memory_space<hbm>> -> memref<5x1024xf32, #tpu.memory_space<hbm>>
    %dma_wait3A_327 = arith.constant 0 : i32
    %dma_wait3A_328 = arith.constant 0 : i32
    %dma_wait3A_329 = tpu.memref_slice %arg6[%dma_wait3A_319, %dma_wait3A_327, %dma_wait3A_328] : memref<4x5x1024xf32, #tpu.memory_space<vmem>> -> memref<1x5x1024xf32, #tpu.memory_space<vmem>>
    %dma_wait3A_330 = tpu.memref_squeeze %dma_wait3A_329 : memref<1x5x1024xf32, #tpu.memory_space<vmem>> -> memref<5x1024xf32, #tpu.memory_space<vmem>>
    %dma_wait3A_331 = arith.constant 1024 : i32
    %dma_wait3A_332 = tpu.memref_slice %arg2[%min3A_42, %select_n3A, %dma_wait3A_331] : memref<64x2x16384xf32, #tpu.memory_space<hbm>> -> memref<5x1x1024xf32, #tpu.memory_space<hbm>>
    %dma_wait3A_333 = tpu.memref_squeeze %dma_wait3A_332 : memref<5x1x1024xf32, #tpu.memory_space<hbm>> -> memref<5x1024xf32, #tpu.memory_space<hbm>>
    tpu.wait_dma2 semaphore(%arg11 : memref<!tpu.dma_semaphore, #tpu.memory_space<semaphore_mem>>) src(%dma_wait3A_333 : memref<5x1024xf32, #tpu.memory_space<hbm>>) dst(%dma_wait3A_330 : memref<5x1024xf32, #tpu.memory_space<vmem>>)
    %dma_wait3A_334 = arith.constant 2 : i32
    %dma_wait3A_335 = arith.constant 0 : i32
    %dma_wait3A_336 = arith.constant 0 : i32
    %dma_wait3A_337 = tpu.memref_slice %arg6[%dma_wait3A_334, %dma_wait3A_335, %dma_wait3A_336] : memref<4x5x1024xf32, #tpu.memory_space<vmem>> -> memref<1x5x1024xf32, #tpu.memory_space<vmem>>
    %dma_wait3A_338 = tpu.memref_squeeze %dma_wait3A_337 : memref<1x5x1024xf32, #tpu.memory_space<vmem>> -> memref<5x1024xf32, #tpu.memory_space<vmem>>
    %dma_wait3A_339 = arith.constant 2048 : i32
    %dma_wait3A_340 = tpu.memref_slice %arg2[%min3A_48, %select_n3A, %dma_wait3A_339] : memref<64x2x16384xf32, #tpu.memory_space<hbm>> -> memref<5x1x1024xf32, #tpu.memory_space<hbm>>
    %dma_wait3A_341 = tpu.memref_squeeze %dma_wait3A_340 : memref<5x1x1024xf32, #tpu.memory_space<hbm>> -> memref<5x1024xf32, #tpu.memory_space<hbm>>
    %dma_wait3A_342 = arith.constant 0 : i32
    %dma_wait3A_343 = arith.constant 0 : i32
    %dma_wait3A_344 = tpu.memref_slice %arg6[%dma_wait3A_334, %dma_wait3A_342, %dma_wait3A_343] : memref<4x5x1024xf32, #tpu.memory_space<vmem>> -> memref<1x5x1024xf32, #tpu.memory_space<vmem>>
    %dma_wait3A_345 = tpu.memref_squeeze %dma_wait3A_344 : memref<1x5x1024xf32, #tpu.memory_space<vmem>> -> memref<5x1024xf32, #tpu.memory_space<vmem>>
    %dma_wait3A_346 = arith.constant 2048 : i32
    %dma_wait3A_347 = tpu.memref_slice %arg2[%min3A_48, %select_n3A, %dma_wait3A_346] : memref<64x2x16384xf32, #tpu.memory_space<hbm>> -> memref<5x1x1024xf32, #tpu.memory_space<hbm>>
    %dma_wait3A_348 = tpu.memref_squeeze %dma_wait3A_347 : memref<5x1x1024xf32, #tpu.memory_space<hbm>> -> memref<5x1024xf32, #tpu.memory_space<hbm>>
    tpu.wait_dma2 semaphore(%arg11 : memref<!tpu.dma_semaphore, #tpu.memory_space<semaphore_mem>>) src(%dma_wait3A_348 : memref<5x1024xf32, #tpu.memory_space<hbm>>) dst(%dma_wait3A_345 : memref<5x1024xf32, #tpu.memory_space<vmem>>)
    %dma_wait3A_349 = arith.constant 3 : i32
    %dma_wait3A_350 = arith.constant 0 : i32
    %dma_wait3A_351 = arith.constant 0 : i32
    %dma_wait3A_352 = tpu.memref_slice %arg6[%dma_wait3A_349, %dma_wait3A_350, %dma_wait3A_351] : memref<4x5x1024xf32, #tpu.memory_space<vmem>> -> memref<1x5x1024xf32, #tpu.memory_space<vmem>>
    %dma_wait3A_353 = tpu.memref_squeeze %dma_wait3A_352 : memref<1x5x1024xf32, #tpu.memory_space<vmem>> -> memref<5x1024xf32, #tpu.memory_space<vmem>>
    %dma_wait3A_354 = arith.constant 3072 : i32
    %dma_wait3A_355 = tpu.memref_slice %arg2[%min3A_54, %select_n3A, %dma_wait3A_354] : memref<64x2x16384xf32, #tpu.memory_space<hbm>> -> memref<5x1x1024xf32, #tpu.memory_space<hbm>>
    %dma_wait3A_356 = tpu.memref_squeeze %dma_wait3A_355 : memref<5x1x1024xf32, #tpu.memory_space<hbm>> -> memref<5x1024xf32, #tpu.memory_space<hbm>>
    %dma_wait3A_357 = arith.constant 0 : i32
    %dma_wait3A_358 = arith.constant 0 : i32
    %dma_wait3A_359 = tpu.memref_slice %arg6[%dma_wait3A_349, %dma_wait3A_357, %dma_wait3A_358] : memref<4x5x1024xf32, #tpu.memory_space<vmem>> -> memref<1x5x1024xf32, #tpu.memory_space<vmem>>
    %dma_wait3A_360 = tpu.memref_squeeze %dma_wait3A_359 : memref<1x5x1024xf32, #tpu.memory_space<vmem>> -> memref<5x1024xf32, #tpu.memory_space<vmem>>
    %dma_wait3A_361 = arith.constant 3072 : i32
    %dma_wait3A_362 = tpu.memref_slice %arg2[%min3A_54, %select_n3A, %dma_wait3A_361] : memref<64x2x16384xf32, #tpu.memory_space<hbm>> -> memref<5x1x1024xf32, #tpu.memory_space<hbm>>
    %dma_wait3A_363 = tpu.memref_squeeze %dma_wait3A_362 : memref<5x1x1024xf32, #tpu.memory_space<hbm>> -> memref<5x1024xf32, #tpu.memory_space<hbm>>
    tpu.wait_dma2 semaphore(%arg11 : memref<!tpu.dma_semaphore, #tpu.memory_space<semaphore_mem>>) src(%dma_wait3A_363 : memref<5x1024xf32, #tpu.memory_space<hbm>>) dst(%dma_wait3A_360 : memref<5x1024xf32, #tpu.memory_space<vmem>>)
    %add3A_364 = arith.constant 0 : i32
    %add3A_365 = arith.addi %mul3A_32, %add3A_364 : i32
    %sub3A_366 = arith.constant 0 : i32
    %sub3A_367 = arith.subi %add3A_365, %sub3A_366 : i32
    %ge3A = arith.constant 0 : i32
    %ge3A_368 = arith.cmpi sge, %sub3A_367, %ge3A : i32
    %le3A = arith.constant 63 : i32
    %le3A_369 = arith.cmpi sle, %sub3A_367, %le3A : i32
    %and3A_370 = arith.andi %ge3A_368, %le3A_369 : i1
    %sub3A_371 = arith.subi %sub3A_367, %min3A : i32
    %jit3A_372 = arith.constant 0 : i32
    %jit3A_373 = arith.constant 4 : i32
    %max3A_374 = arith.maxsi %jit3A_372, %sub3A_371 : i32
    %min3A_375 = arith.minsi %jit3A_373, %max3A_374 : i32
    %jit3A_376 = arith.constant 6.250000e-02 : f32
    %jit3A_377 = arith.constant 0.000000e+00 : f32
    %select_n3A_378 = arith.select %and3A_370, %jit3A_376, %jit3A_377 : f32
    %broadcast_in_dim3A = vector.broadcast %select_n3A_378 : f32 to vector<16xf32>
    %add3A_379 = arith.constant 0 : i32
    %add3A_380 = arith.addi %mul3A_32, %add3A_379 : i32
    %sub3A_381 = arith.constant 1 : i32
    %sub3A_382 = arith.subi %add3A_380, %sub3A_381 : i32
    %ge3A_383 = arith.constant 0 : i32
    %ge3A_384 = arith.cmpi sge, %sub3A_382, %ge3A_383 : i32
    %le3A_385 = arith.constant 63 : i32
    %le3A_386 = arith.cmpi sle, %sub3A_382, %le3A_385 : i32
    %and3A_387 = arith.andi %ge3A_384, %le3A_386 : i1
    %sub3A_388 = arith.subi %sub3A_382, %min3A_42 : i32
    %jit3A_389 = arith.constant 0 : i32
    %jit3A_390 = arith.constant 4 : i32
    %max3A_391 = arith.maxsi %jit3A_389, %sub3A_388 : i32
    %min3A_392 = arith.minsi %jit3A_390, %max3A_391 : i32
    %jit3A_393 = arith.constant 6.250000e-02 : f32
    %jit3A_394 = arith.constant 0.000000e+00 : f32
    %select_n3A_395 = arith.select %and3A_387, %jit3A_393, %jit3A_394 : f32
    %broadcast_in_dim3A_396 = vector.broadcast %select_n3A_395 : f32 to vector<16xf32>
    %add3A_397 = arith.constant 0 : i32
    %add3A_398 = arith.addi %mul3A_32, %add3A_397 : i32
    %sub3A_399 = arith.constant 2 : i32
    %sub3A_400 = arith.subi %add3A_398, %sub3A_399 : i32
    %ge3A_401 = arith.constant 0 : i32
    %ge3A_402 = arith.cmpi sge, %sub3A_400, %ge3A_401 : i32
    %le3A_403 = arith.constant 63 : i32
    %le3A_404 = arith.cmpi sle, %sub3A_400, %le3A_403 : i32
    %and3A_405 = arith.andi %ge3A_402, %le3A_404 : i1
    %sub3A_406 = arith.subi %sub3A_400, %min3A_48 : i32
    %jit3A_407 = arith.constant 0 : i32
    %jit3A_408 = arith.constant 4 : i32
    %max3A_409 = arith.maxsi %jit3A_407, %sub3A_406 : i32
    %min3A_410 = arith.minsi %jit3A_408, %max3A_409 : i32
    %jit3A_411 = arith.constant 6.250000e-02 : f32
    %jit3A_412 = arith.constant 0.000000e+00 : f32
    %select_n3A_413 = arith.select %and3A_405, %jit3A_411, %jit3A_412 : f32
    %broadcast_in_dim3A_414 = vector.broadcast %select_n3A_413 : f32 to vector<16xf32>
    %add3A_415 = arith.constant 0 : i32
    %add3A_416 = arith.addi %mul3A_32, %add3A_415 : i32
    %sub3A_417 = arith.constant 3 : i32
    %sub3A_418 = arith.subi %add3A_416, %sub3A_417 : i32
    %ge3A_419 = arith.constant 0 : i32
    %ge3A_420 = arith.cmpi sge, %sub3A_418, %ge3A_419 : i32
    %le3A_421 = arith.constant 63 : i32
    %le3A_422 = arith.cmpi sle, %sub3A_418, %le3A_421 : i32
    %and3A_423 = arith.andi %ge3A_420, %le3A_422 : i1
    %sub3A_424 = arith.subi %sub3A_418, %min3A_54 : i32
    %jit3A_425 = arith.constant 0 : i32
    %jit3A_426 = arith.constant 4 : i32
    %max3A_427 = arith.maxsi %jit3A_425, %sub3A_424 : i32
    %min3A_428 = arith.minsi %jit3A_426, %max3A_427 : i32
    %jit3A_429 = arith.constant 6.250000e-02 : f32
    %jit3A_430 = arith.constant 0.000000e+00 : f32
    %select_n3A_431 = arith.select %and3A_423, %jit3A_429, %jit3A_430 : f32
    %broadcast_in_dim3A_432 = vector.broadcast %select_n3A_431 : f32 to vector<16xf32>
    %add3A_433 = arith.constant 1 : i32
    %add3A_434 = arith.addi %mul3A_32, %add3A_433 : i32
    %sub3A_435 = arith.constant 0 : i32
    %sub3A_436 = arith.subi %add3A_434, %sub3A_435 : i32
    %ge3A_437 = arith.constant 0 : i32
    %ge3A_438 = arith.cmpi sge, %sub3A_436, %ge3A_437 : i32
    %le3A_439 = arith.constant 63 : i32
    %le3A_440 = arith.cmpi sle, %sub3A_436, %le3A_439 : i32
    %and3A_441 = arith.andi %ge3A_438, %le3A_440 : i1
    %sub3A_442 = arith.subi %sub3A_436, %min3A : i32
    %jit3A_443 = arith.constant 0 : i32
    %jit3A_444 = arith.constant 4 : i32
    %max3A_445 = arith.maxsi %jit3A_443, %sub3A_442 : i32
    %min3A_446 = arith.minsi %jit3A_444, %max3A_445 : i32
    %jit3A_447 = arith.constant 6.250000e-02 : f32
    %jit3A_448 = arith.constant 0.000000e+00 : f32
    %select_n3A_449 = arith.select %and3A_441, %jit3A_447, %jit3A_448 : f32
    %broadcast_in_dim3A_450 = vector.broadcast %select_n3A_449 : f32 to vector<16xf32>
    %add3A_451 = arith.constant 1 : i32
    %add3A_452 = arith.addi %mul3A_32, %add3A_451 : i32
    %sub3A_453 = arith.constant 1 : i32
    %sub3A_454 = arith.subi %add3A_452, %sub3A_453 : i32
    %ge3A_455 = arith.constant 0 : i32
    %ge3A_456 = arith.cmpi sge, %sub3A_454, %ge3A_455 : i32
    %le3A_457 = arith.constant 63 : i32
    %le3A_458 = arith.cmpi sle, %sub3A_454, %le3A_457 : i32
    %and3A_459 = arith.andi %ge3A_456, %le3A_458 : i1
    %sub3A_460 = arith.subi %sub3A_454, %min3A_42 : i32
    %jit3A_461 = arith.constant 0 : i32
    %jit3A_462 = arith.constant 4 : i32
    %max3A_463 = arith.maxsi %jit3A_461, %sub3A_460 : i32
    %min3A_464 = arith.minsi %jit3A_462, %max3A_463 : i32
    %jit3A_465 = arith.constant 6.250000e-02 : f32
    %jit3A_466 = arith.constant 0.000000e+00 : f32
    %select_n3A_467 = arith.select %and3A_459, %jit3A_465, %jit3A_466 : f32
    %broadcast_in_dim3A_468 = vector.broadcast %select_n3A_467 : f32 to vector<16xf32>
    %add3A_469 = arith.constant 1 : i32
    %add3A_470 = arith.addi %mul3A_32, %add3A_469 : i32
    %sub3A_471 = arith.constant 2 : i32
    %sub3A_472 = arith.subi %add3A_470, %sub3A_471 : i32
    %ge3A_473 = arith.constant 0 : i32
    %ge3A_474 = arith.cmpi sge, %sub3A_472, %ge3A_473 : i32
    %le3A_475 = arith.constant 63 : i32
    %le3A_476 = arith.cmpi sle, %sub3A_472, %le3A_475 : i32
    %and3A_477 = arith.andi %ge3A_474, %le3A_476 : i1
    %sub3A_478 = arith.subi %sub3A_472, %min3A_48 : i32
    %jit3A_479 = arith.constant 0 : i32
    %jit3A_480 = arith.constant 4 : i32
    %max3A_481 = arith.maxsi %jit3A_479, %sub3A_478 : i32
    %min3A_482 = arith.minsi %jit3A_480, %max3A_481 : i32
    %jit3A_483 = arith.constant 6.250000e-02 : f32
    %jit3A_484 = arith.constant 0.000000e+00 : f32
    %select_n3A_485 = arith.select %and3A_477, %jit3A_483, %jit3A_484 : f32
    %broadcast_in_dim3A_486 = vector.broadcast %select_n3A_485 : f32 to vector<16xf32>
    %add3A_487 = arith.constant 1 : i32
    %add3A_488 = arith.addi %mul3A_32, %add3A_487 : i32
    %sub3A_489 = arith.constant 3 : i32
    %sub3A_490 = arith.subi %add3A_488, %sub3A_489 : i32
    %ge3A_491 = arith.constant 0 : i32
    %ge3A_492 = arith.cmpi sge, %sub3A_490, %ge3A_491 : i32
    %le3A_493 = arith.constant 63 : i32
    %le3A_494 = arith.cmpi sle, %sub3A_490, %le3A_493 : i32
    %and3A_495 = arith.andi %ge3A_492, %le3A_494 : i1
    %sub3A_496 = arith.subi %sub3A_490, %min3A_54 : i32
    %jit3A_497 = arith.constant 0 : i32
    %jit3A_498 = arith.constant 4 : i32
    %max3A_499 = arith.maxsi %jit3A_497, %sub3A_496 : i32
    %min3A_500 = arith.minsi %jit3A_498, %max3A_499 : i32
    %jit3A_501 = arith.constant 6.250000e-02 : f32
    %jit3A_502 = arith.constant 0.000000e+00 : f32
    %select_n3A_503 = arith.select %and3A_495, %jit3A_501, %jit3A_502 : f32
    %broadcast_in_dim3A_504 = vector.broadcast %select_n3A_503 : f32 to vector<16xf32>
    %add3A_505 = arith.constant 2 : i32
    %add3A_506 = arith.addi %mul3A_32, %add3A_505 : i32
    %sub3A_507 = arith.constant 0 : i32
    %sub3A_508 = arith.subi %add3A_506, %sub3A_507 : i32
    %ge3A_509 = arith.constant 0 : i32
    %ge3A_510 = arith.cmpi sge, %sub3A_508, %ge3A_509 : i32
    %le3A_511 = arith.constant 63 : i32
    %le3A_512 = arith.cmpi sle, %sub3A_508, %le3A_511 : i32
    %and3A_513 = arith.andi %ge3A_510, %le3A_512 : i1
    %sub3A_514 = arith.subi %sub3A_508, %min3A : i32
    %jit3A_515 = arith.constant 0 : i32
    %jit3A_516 = arith.constant 4 : i32
    %max3A_517 = arith.maxsi %jit3A_515, %sub3A_514 : i32
    %min3A_518 = arith.minsi %jit3A_516, %max3A_517 : i32
    %jit3A_519 = arith.constant 6.250000e-02 : f32
    %jit3A_520 = arith.constant 0.000000e+00 : f32
    %select_n3A_521 = arith.select %and3A_513, %jit3A_519, %jit3A_520 : f32
    %broadcast_in_dim3A_522 = vector.broadcast %select_n3A_521 : f32 to vector<16xf32>
    %add3A_523 = arith.constant 2 : i32
    %add3A_524 = arith.addi %mul3A_32, %add3A_523 : i32
    %sub3A_525 = arith.constant 1 : i32
    %sub3A_526 = arith.subi %add3A_524, %sub3A_525 : i32
    %ge3A_527 = arith.constant 0 : i32
    %ge3A_528 = arith.cmpi sge, %sub3A_526, %ge3A_527 : i32
    %le3A_529 = arith.constant 63 : i32
    %le3A_530 = arith.cmpi sle, %sub3A_526, %le3A_529 : i32
    %and3A_531 = arith.andi %ge3A_528, %le3A_530 : i1
    %sub3A_532 = arith.subi %sub3A_526, %min3A_42 : i32
    %jit3A_533 = arith.constant 0 : i32
    %jit3A_534 = arith.constant 4 : i32
    %max3A_535 = arith.maxsi %jit3A_533, %sub3A_532 : i32
    %min3A_536 = arith.minsi %jit3A_534, %max3A_535 : i32
    %jit3A_537 = arith.constant 6.250000e-02 : f32
    %jit3A_538 = arith.constant 0.000000e+00 : f32
    %select_n3A_539 = arith.select %and3A_531, %jit3A_537, %jit3A_538 : f32
    %broadcast_in_dim3A_540 = vector.broadcast %select_n3A_539 : f32 to vector<16xf32>
    %add3A_541 = arith.constant 2 : i32
    %add3A_542 = arith.addi %mul3A_32, %add3A_541 : i32
    %sub3A_543 = arith.constant 2 : i32
    %sub3A_544 = arith.subi %add3A_542, %sub3A_543 : i32
    %ge3A_545 = arith.constant 0 : i32
    %ge3A_546 = arith.cmpi sge, %sub3A_544, %ge3A_545 : i32
    %le3A_547 = arith.constant 63 : i32
    %le3A_548 = arith.cmpi sle, %sub3A_544, %le3A_547 : i32
    %and3A_549 = arith.andi %ge3A_546, %le3A_548 : i1
    %sub3A_550 = arith.subi %sub3A_544, %min3A_48 : i32
    %jit3A_551 = arith.constant 0 : i32
    %jit3A_552 = arith.constant 4 : i32
    %max3A_553 = arith.maxsi %jit3A_551, %sub3A_550 : i32
    %min3A_554 = arith.minsi %jit3A_552, %max3A_553 : i32
    %jit3A_555 = arith.constant 6.250000e-02 : f32
    %jit3A_556 = arith.constant 0.000000e+00 : f32
    %select_n3A_557 = arith.select %and3A_549, %jit3A_555, %jit3A_556 : f32
    %broadcast_in_dim3A_558 = vector.broadcast %select_n3A_557 : f32 to vector<16xf32>
    %add3A_559 = arith.constant 2 : i32
    %add3A_560 = arith.addi %mul3A_32, %add3A_559 : i32
    %sub3A_561 = arith.constant 3 : i32
    %sub3A_562 = arith.subi %add3A_560, %sub3A_561 : i32
    %ge3A_563 = arith.constant 0 : i32
    %ge3A_564 = arith.cmpi sge, %sub3A_562, %ge3A_563 : i32
    %le3A_565 = arith.constant 63 : i32
    %le3A_566 = arith.cmpi sle, %sub3A_562, %le3A_565 : i32
    %and3A_567 = arith.andi %ge3A_564, %le3A_566 : i1
    %sub3A_568 = arith.subi %sub3A_562, %min3A_54 : i32
    %jit3A_569 = arith.constant 0 : i32
    %jit3A_570 = arith.constant 4 : i32
    %max3A_571 = arith.maxsi %jit3A_569, %sub3A_568 : i32
    %min3A_572 = arith.minsi %jit3A_570, %max3A_571 : i32
    %jit3A_573 = arith.constant 6.250000e-02 : f32
    %jit3A_574 = arith.constant 0.000000e+00 : f32
    %select_n3A_575 = arith.select %and3A_567, %jit3A_573, %jit3A_574 : f32
    %broadcast_in_dim3A_576 = vector.broadcast %select_n3A_575 : f32 to vector<16xf32>
    %add3A_577 = arith.constant 3 : i32
    %add3A_578 = arith.addi %mul3A_32, %add3A_577 : i32
    %sub3A_579 = arith.constant 0 : i32
    %sub3A_580 = arith.subi %add3A_578, %sub3A_579 : i32
    %ge3A_581 = arith.constant 0 : i32
    %ge3A_582 = arith.cmpi sge, %sub3A_580, %ge3A_581 : i32
    %le3A_583 = arith.constant 63 : i32
    %le3A_584 = arith.cmpi sle, %sub3A_580, %le3A_583 : i32
    %and3A_585 = arith.andi %ge3A_582, %le3A_584 : i1
    %sub3A_586 = arith.subi %sub3A_580, %min3A : i32
    %jit3A_587 = arith.constant 0 : i32
    %jit3A_588 = arith.constant 4 : i32
    %max3A_589 = arith.maxsi %jit3A_587, %sub3A_586 : i32
    %min3A_590 = arith.minsi %jit3A_588, %max3A_589 : i32
    %jit3A_591 = arith.constant 6.250000e-02 : f32
    %jit3A_592 = arith.constant 0.000000e+00 : f32
    %select_n3A_593 = arith.select %and3A_585, %jit3A_591, %jit3A_592 : f32
    %broadcast_in_dim3A_594 = vector.broadcast %select_n3A_593 : f32 to vector<16xf32>
    %add3A_595 = arith.constant 3 : i32
    %add3A_596 = arith.addi %mul3A_32, %add3A_595 : i32
    %sub3A_597 = arith.constant 1 : i32
    %sub3A_598 = arith.subi %add3A_596, %sub3A_597 : i32
    %ge3A_599 = arith.constant 0 : i32
    %ge3A_600 = arith.cmpi sge, %sub3A_598, %ge3A_599 : i32
    %le3A_601 = arith.constant 63 : i32
    %le3A_602 = arith.cmpi sle, %sub3A_598, %le3A_601 : i32
    %and3A_603 = arith.andi %ge3A_600, %le3A_602 : i1
    %sub3A_604 = arith.subi %sub3A_598, %min3A_42 : i32
    %jit3A_605 = arith.constant 0 : i32
    %jit3A_606 = arith.constant 4 : i32
    %max3A_607 = arith.maxsi %jit3A_605, %sub3A_604 : i32
    %min3A_608 = arith.minsi %jit3A_606, %max3A_607 : i32
    %jit3A_609 = arith.constant 6.250000e-02 : f32
    %jit3A_610 = arith.constant 0.000000e+00 : f32
    %select_n3A_611 = arith.select %and3A_603, %jit3A_609, %jit3A_610 : f32
    %broadcast_in_dim3A_612 = vector.broadcast %select_n3A_611 : f32 to vector<16xf32>
    %add3A_613 = arith.constant 3 : i32
    %add3A_614 = arith.addi %mul3A_32, %add3A_613 : i32
    %sub3A_615 = arith.constant 2 : i32
    %sub3A_616 = arith.subi %add3A_614, %sub3A_615 : i32
    %ge3A_617 = arith.constant 0 : i32
    %ge3A_618 = arith.cmpi sge, %sub3A_616, %ge3A_617 : i32
    %le3A_619 = arith.constant 63 : i32
    %le3A_620 = arith.cmpi sle, %sub3A_616, %le3A_619 : i32
    %and3A_621 = arith.andi %ge3A_618, %le3A_620 : i1
    %sub3A_622 = arith.subi %sub3A_616, %min3A_48 : i32
    %jit3A_623 = arith.constant 0 : i32
    %jit3A_624 = arith.constant 4 : i32
    %max3A_625 = arith.maxsi %jit3A_623, %sub3A_622 : i32
    %min3A_626 = arith.minsi %jit3A_624, %max3A_625 : i32
    %jit3A_627 = arith.constant 6.250000e-02 : f32
    %jit3A_628 = arith.constant 0.000000e+00 : f32
    %select_n3A_629 = arith.select %and3A_621, %jit3A_627, %jit3A_628 : f32
    %broadcast_in_dim3A_630 = vector.broadcast %select_n3A_629 : f32 to vector<16xf32>
    %add3A_631 = arith.constant 3 : i32
    %add3A_632 = arith.addi %mul3A_32, %add3A_631 : i32
    %sub3A_633 = arith.constant 3 : i32
    %sub3A_634 = arith.subi %add3A_632, %sub3A_633 : i32
    %ge3A_635 = arith.constant 0 : i32
    %ge3A_636 = arith.cmpi sge, %sub3A_634, %ge3A_635 : i32
    %le3A_637 = arith.constant 63 : i32
    %le3A_638 = arith.cmpi sle, %sub3A_634, %le3A_637 : i32
    %and3A_639 = arith.andi %ge3A_636, %le3A_638 : i1
    %sub3A_640 = arith.subi %sub3A_634, %min3A_54 : i32
    %jit3A_641 = arith.constant 0 : i32
    %jit3A_642 = arith.constant 4 : i32
    %max3A_643 = arith.maxsi %jit3A_641, %sub3A_640 : i32
    %min3A_644 = arith.minsi %jit3A_642, %max3A_643 : i32
    %jit3A_645 = arith.constant 6.250000e-02 : f32
    %jit3A_646 = arith.constant 0.000000e+00 : f32
    %select_n3A_647 = arith.select %and3A_639, %jit3A_645, %jit3A_646 : f32
    %broadcast_in_dim3A_648 = vector.broadcast %select_n3A_647 : f32 to vector<16xf32>
    %add3A_649 = arith.constant 4 : i32
    %add3A_650 = arith.addi %mul3A_32, %add3A_649 : i32
    %sub3A_651 = arith.constant 0 : i32
    %sub3A_652 = arith.subi %add3A_650, %sub3A_651 : i32
    %ge3A_653 = arith.constant 0 : i32
    %ge3A_654 = arith.cmpi sge, %sub3A_652, %ge3A_653 : i32
    %le3A_655 = arith.constant 63 : i32
    %le3A_656 = arith.cmpi sle, %sub3A_652, %le3A_655 : i32
    %and3A_657 = arith.andi %ge3A_654, %le3A_656 : i1
    %sub3A_658 = arith.subi %sub3A_652, %min3A : i32
    %jit3A_659 = arith.constant 0 : i32
    %jit3A_660 = arith.constant 4 : i32
    %max3A_661 = arith.maxsi %jit3A_659, %sub3A_658 : i32
    %min3A_662 = arith.minsi %jit3A_660, %max3A_661 : i32
    %jit3A_663 = arith.constant 6.250000e-02 : f32
    %jit3A_664 = arith.constant 0.000000e+00 : f32
    %select_n3A_665 = arith.select %and3A_657, %jit3A_663, %jit3A_664 : f32
    %broadcast_in_dim3A_666 = vector.broadcast %select_n3A_665 : f32 to vector<16xf32>
    %add3A_667 = arith.constant 4 : i32
    %add3A_668 = arith.addi %mul3A_32, %add3A_667 : i32
    %sub3A_669 = arith.constant 1 : i32
    %sub3A_670 = arith.subi %add3A_668, %sub3A_669 : i32
    %ge3A_671 = arith.constant 0 : i32
    %ge3A_672 = arith.cmpi sge, %sub3A_670, %ge3A_671 : i32
    %le3A_673 = arith.constant 63 : i32
    %le3A_674 = arith.cmpi sle, %sub3A_670, %le3A_673 : i32
    %and3A_675 = arith.andi %ge3A_672, %le3A_674 : i1
    %sub3A_676 = arith.subi %sub3A_670, %min3A_42 : i32
    %jit3A_677 = arith.constant 0 : i32
    %jit3A_678 = arith.constant 4 : i32
    %max3A_679 = arith.maxsi %jit3A_677, %sub3A_676 : i32
    %min3A_680 = arith.minsi %jit3A_678, %max3A_679 : i32
    %jit3A_681 = arith.constant 6.250000e-02 : f32
    %jit3A_682 = arith.constant 0.000000e+00 : f32
    %select_n3A_683 = arith.select %and3A_675, %jit3A_681, %jit3A_682 : f32
    %broadcast_in_dim3A_684 = vector.broadcast %select_n3A_683 : f32 to vector<16xf32>
    %add3A_685 = arith.constant 4 : i32
    %add3A_686 = arith.addi %mul3A_32, %add3A_685 : i32
    %sub3A_687 = arith.constant 2 : i32
    %sub3A_688 = arith.subi %add3A_686, %sub3A_687 : i32
    %ge3A_689 = arith.constant 0 : i32
    %ge3A_690 = arith.cmpi sge, %sub3A_688, %ge3A_689 : i32
    %le3A_691 = arith.constant 63 : i32
    %le3A_692 = arith.cmpi sle, %sub3A_688, %le3A_691 : i32
    %and3A_693 = arith.andi %ge3A_690, %le3A_692 : i1
    %sub3A_694 = arith.subi %sub3A_688, %min3A_48 : i32
    %jit3A_695 = arith.constant 0 : i32
    %jit3A_696 = arith.constant 4 : i32
    %max3A_697 = arith.maxsi %jit3A_695, %sub3A_694 : i32
    %min3A_698 = arith.minsi %jit3A_696, %max3A_697 : i32
    %jit3A_699 = arith.constant 6.250000e-02 : f32
    %jit3A_700 = arith.constant 0.000000e+00 : f32
    %select_n3A_701 = arith.select %and3A_693, %jit3A_699, %jit3A_700 : f32
    %broadcast_in_dim3A_702 = vector.broadcast %select_n3A_701 : f32 to vector<16xf32>
    %add3A_703 = arith.constant 4 : i32
    %add3A_704 = arith.addi %mul3A_32, %add3A_703 : i32
    %sub3A_705 = arith.constant 3 : i32
    %sub3A_706 = arith.subi %add3A_704, %sub3A_705 : i32
    %ge3A_707 = arith.constant 0 : i32
    %ge3A_708 = arith.cmpi sge, %sub3A_706, %ge3A_707 : i32
    %le3A_709 = arith.constant 63 : i32
    %le3A_710 = arith.cmpi sle, %sub3A_706, %le3A_709 : i32
    %and3A_711 = arith.andi %ge3A_708, %le3A_710 : i1
    %sub3A_712 = arith.subi %sub3A_706, %min3A_54 : i32
    %jit3A_713 = arith.constant 0 : i32
    %jit3A_714 = arith.constant 4 : i32
    %max3A_715 = arith.maxsi %jit3A_713, %sub3A_712 : i32
    %min3A_716 = arith.minsi %jit3A_714, %max3A_715 : i32
    %jit3A_717 = arith.constant 6.250000e-02 : f32
    %jit3A_718 = arith.constant 0.000000e+00 : f32
    %select_n3A_719 = arith.select %and3A_711, %jit3A_717, %jit3A_718 : f32
    %broadcast_in_dim3A_720 = vector.broadcast %select_n3A_719 : f32 to vector<16xf32>
    %parallel_loop3A_721 = arith.constant 0 : i32
    %parallel_loop3A_722 = arith.constant 64 : i32
    %parallel_loop3A_723 = arith.constant 1 : i32
    scf.for %parallel_loop3A_2166 = %parallel_loop3A_721 to %parallel_loop3A_722 step %parallel_loop3A_723  : i32 {
      %parallel_loop3A_2167 = arith.constant 16 : i32
      %parallel_loop3A_2168 = arith.muli %parallel_loop3A_2166, %parallel_loop3A_2167 : i32
      %parallel_loop3A_2169 = arith.constant 0 : i32
      %parallel_loop3A_2170 = arith.index_cast %parallel_loop3A_2169 : i32 to index
      %parallel_loop3A_2171 = arith.index_cast %min3A_375 : i32 to index
      %parallel_loop3A_2172 = arith.index_cast %parallel_loop3A_2168 : i32 to index
      %parallel_loop3A_2173 = tpu.vector_load %arg6[%parallel_loop3A_2170, %parallel_loop3A_2171, %parallel_loop3A_2172] {strides = array<i32>} : memref<4x5x1024xf32, #tpu.memory_space<vmem>>, vector<1x1x16xf32>,
      %parallel_loop3A_2174 = vector.shape_cast %parallel_loop3A_2173 : vector<1x1x16xf32> to vector<16xf32>
      %parallel_loop3A_2175 = arith.mulf %parallel_loop3A_2174, %broadcast_in_dim3A : vector<16xf32>
      %parallel_loop3A_2176 = arith.constant 1 : i32
      %parallel_loop3A_2177 = arith.index_cast %parallel_loop3A_2176 : i32 to index
      %parallel_loop3A_2178 = arith.index_cast %min3A_392 : i32 to index
      %parallel_loop3A_2179 = arith.index_cast %parallel_loop3A_2168 : i32 to index
      %parallel_loop3A_2180 = tpu.vector_load %arg6[%parallel_loop3A_2177, %parallel_loop3A_2178, %parallel_loop3A_2179] {strides = array<i32>} : memref<4x5x1024xf32, #tpu.memory_space<vmem>>, vector<1x1x16xf32>,
      %parallel_loop3A_2181 = vector.shape_cast %parallel_loop3A_2180 : vector<1x1x16xf32> to vector<16xf32>
      %parallel_loop3A_2182 = arith.mulf %parallel_loop3A_2181, %broadcast_in_dim3A_396 : vector<16xf32>
      %parallel_loop3A_2183 = arith.addf %parallel_loop3A_2175, %parallel_loop3A_2182 : vector<16xf32>
      %parallel_loop3A_2184 = arith.constant 2 : i32
      %parallel_loop3A_2185 = arith.index_cast %parallel_loop3A_2184 : i32 to index
      %parallel_loop3A_2186 = arith.index_cast %min3A_410 : i32 to index
      %parallel_loop3A_2187 = arith.index_cast %parallel_loop3A_2168 : i32 to index
      %parallel_loop3A_2188 = tpu.vector_load %arg6[%parallel_loop3A_2185, %parallel_loop3A_2186, %parallel_loop3A_2187] {strides = array<i32>} : memref<4x5x1024xf32, #tpu.memory_space<vmem>>, vector<1x1x16xf32>,
      %parallel_loop3A_2189 = vector.shape_cast %parallel_loop3A_2188 : vector<1x1x16xf32> to vector<16xf32>
      %parallel_loop3A_2190 = arith.mulf %parallel_loop3A_2189, %broadcast_in_dim3A_414 : vector<16xf32>
      %parallel_loop3A_2191 = arith.addf %parallel_loop3A_2183, %parallel_loop3A_2190 : vector<16xf32>
      %parallel_loop3A_2192 = arith.constant 3 : i32
      %parallel_loop3A_2193 = arith.index_cast %parallel_loop3A_2192 : i32 to index
      %parallel_loop3A_2194 = arith.index_cast %min3A_428 : i32 to index
      %parallel_loop3A_2195 = arith.index_cast %parallel_loop3A_2168 : i32 to index
      %parallel_loop3A_2196 = tpu.vector_load %arg6[%parallel_loop3A_2193, %parallel_loop3A_2194, %parallel_loop3A_2195] {strides = array<i32>} : memref<4x5x1024xf32, #tpu.memory_space<vmem>>, vector<1x1x16xf32>,
      %parallel_loop3A_2197 = vector.shape_cast %parallel_loop3A_2196 : vector<1x1x16xf32> to vector<16xf32>
      %parallel_loop3A_2198 = arith.mulf %parallel_loop3A_2197, %broadcast_in_dim3A_432 : vector<16xf32>
      %parallel_loop3A_2199 = arith.addf %parallel_loop3A_2191, %parallel_loop3A_2198 : vector<16xf32>
      %parallel_loop3A_2200 = arith.constant 0 : i32
      %parallel_loop3A_2201 = arith.addi %parallel_loop3A_2200, %parallel_loop3A_2168 : i32
      %parallel_loop3A_2202 = arith.index_cast %parallel_loop3A_2201 : i32 to index
      %parallel_loop3A_2203 = tpu.vector_load %arg9[%parallel_loop3A_2202] {strides = array<i32>} : memref<5120xf32, #tpu.memory_space<vmem>>, vector<16xf32>,
      %parallel_loop3A_2204 = vector.shape_cast %parallel_loop3A_2203 : vector<16xf32> to vector<16xf32>
      %parallel_loop3A_2205 = vector.shape_cast %parallel_loop3A_2199 : vector<16xf32> to vector<16xf32>
      tpu.vector_store %arg9[%parallel_loop3A_2202], %parallel_loop3A_2205 {strides = array<i32>} : memref<5120xf32, #tpu.memory_space<vmem>>, vector<16xf32>,
      %parallel_loop3A_2206 = arith.constant 0 : i32
      %parallel_loop3A_2207 = arith.index_cast %parallel_loop3A_2206 : i32 to index
      %parallel_loop3A_2208 = arith.index_cast %min3A_446 : i32 to index
      %parallel_loop3A_2209 = arith.index_cast %parallel_loop3A_2168 : i32 to index
      %parallel_loop3A_2210 = tpu.vector_load %arg6[%parallel_loop3A_2207, %parallel_loop3A_2208, %parallel_loop3A_2209] {strides = array<i32>} : memref<4x5x1024xf32, #tpu.memory_space<vmem>>, vector<1x1x16xf32>,
      %parallel_loop3A_2211 = vector.shape_cast %parallel_loop3A_2210 : vector<1x1x16xf32> to vector<16xf32>
      %parallel_loop3A_2212 = arith.mulf %parallel_loop3A_2211, %broadcast_in_dim3A_450 : vector<16xf32>
      %parallel_loop3A_2213 = arith.constant 1 : i32
      %parallel_loop3A_2214 = arith.index_cast %parallel_loop3A_2213 : i32 to index
      %parallel_loop3A_2215 = arith.index_cast %min3A_464 : i32 to index
      %parallel_loop3A_2216 = arith.index_cast %parallel_loop3A_2168 : i32 to index
      %parallel_loop3A_2217 = tpu.vector_load %arg6[%parallel_loop3A_2214, %parallel_loop3A_2215, %parallel_loop3A_2216] {strides = array<i32>} : memref<4x5x1024xf32, #tpu.memory_space<vmem>>, vector<1x1x16xf32>,
      %parallel_loop3A_2218 = vector.shape_cast %parallel_loop3A_2217 : vector<1x1x16xf32> to vector<16xf32>
      %parallel_loop3A_2219 = arith.mulf %parallel_loop3A_2218, %broadcast_in_dim3A_468 : vector<16xf32>
      %parallel_loop3A_2220 = arith.addf %parallel_loop3A_2212, %parallel_loop3A_2219 : vector<16xf32>
      %parallel_loop3A_2221 = arith.constant 2 : i32
      %parallel_loop3A_2222 = arith.index_cast %parallel_loop3A_2221 : i32 to index
      %parallel_loop3A_2223 = arith.index_cast %min3A_482 : i32 to index
      %parallel_loop3A_2224 = arith.index_cast %parallel_loop3A_2168 : i32 to index
      %parallel_loop3A_2225 = tpu.vector_load %arg6[%parallel_loop3A_2222, %parallel_loop3A_2223, %parallel_loop3A_2224] {strides = array<i32>} : memref<4x5x1024xf32, #tpu.memory_space<vmem>>, vector<1x1x16xf32>,
      %parallel_loop3A_2226 = vector.shape_cast %parallel_loop3A_2225 : vector<1x1x16xf32> to vector<16xf32>
      %parallel_loop3A_2227 = arith.mulf %parallel_loop3A_2226, %broadcast_in_dim3A_486 : vector<16xf32>
      %parallel_loop3A_2228 = arith.addf %parallel_loop3A_2220, %parallel_loop3A_2227 : vector<16xf32>
      %parallel_loop3A_2229 = arith.constant 3 : i32
      %parallel_loop3A_2230 = arith.index_cast %parallel_loop3A_2229 : i32 to index
      %parallel_loop3A_2231 = arith.index_cast %min3A_500 : i32 to index
      %parallel_loop3A_2232 = arith.index_cast %parallel_loop3A_2168 : i32 to index
      %parallel_loop3A_2233 = tpu.vector_load %arg6[%parallel_loop3A_2230, %parallel_loop3A_2231, %parallel_loop3A_2232] {strides = array<i32>} : memref<4x5x1024xf32, #tpu.memory_space<vmem>>, vector<1x1x16xf32>,
      %parallel_loop3A_2234 = vector.shape_cast %parallel_loop3A_2233 : vector<1x1x16xf32> to vector<16xf32>
      %parallel_loop3A_2235 = arith.mulf %parallel_loop3A_2234, %broadcast_in_dim3A_504 : vector<16xf32>
      %parallel_loop3A_2236 = arith.addf %parallel_loop3A_2228, %parallel_loop3A_2235 : vector<16xf32>
      %parallel_loop3A_2237 = arith.constant 1024 : i32
      %parallel_loop3A_2238 = arith.addi %parallel_loop3A_2237, %parallel_loop3A_2168 : i32
      %parallel_loop3A_2239 = arith.index_cast %parallel_loop3A_2238 : i32 to index
      %parallel_loop3A_2240 = tpu.vector_load %arg9[%parallel_loop3A_2239] {strides = array<i32>} : memref<5120xf32, #tpu.memory_space<vmem>>, vector<16xf32>,
      %parallel_loop3A_2241 = vector.shape_cast %parallel_loop3A_2240 : vector<16xf32> to vector<16xf32>
      %parallel_loop3A_2242 = vector.shape_cast %parallel_loop3A_2236 : vector<16xf32> to vector<16xf32>
      tpu.vector_store %arg9[%parallel_loop3A_2239], %parallel_loop3A_2242 {strides = array<i32>} : memref<5120xf32, #tpu.memory_space<vmem>>, vector<16xf32>,
      %parallel_loop3A_2243 = arith.constant 0 : i32
      %parallel_loop3A_2244 = arith.index_cast %parallel_loop3A_2243 : i32 to index
      %parallel_loop3A_2245 = arith.index_cast %min3A_518 : i32 to index
      %parallel_loop3A_2246 = arith.index_cast %parallel_loop3A_2168 : i32 to index
      %parallel_loop3A_2247 = tpu.vector_load %arg6[%parallel_loop3A_2244, %parallel_loop3A_2245, %parallel_loop3A_2246] {strides = array<i32>} : memref<4x5x1024xf32, #tpu.memory_space<vmem>>, vector<1x1x16xf32>,
      %parallel_loop3A_2248 = vector.shape_cast %parallel_loop3A_2247 : vector<1x1x16xf32> to vector<16xf32>
      %parallel_loop3A_2249 = arith.mulf %parallel_loop3A_2248, %broadcast_in_dim3A_522 : vector<16xf32>
      %parallel_loop3A_2250 = arith.constant 1 : i32
      %parallel_loop3A_2251 = arith.index_cast %parallel_loop3A_2250 : i32 to index
      %parallel_loop3A_2252 = arith.index_cast %min3A_536 : i32 to index
      %parallel_loop3A_2253 = arith.index_cast %parallel_loop3A_2168 : i32 to index
      %parallel_loop3A_2254 = tpu.vector_load %arg6[%parallel_loop3A_2251, %parallel_loop3A_2252, %parallel_loop3A_2253] {strides = array<i32>} : memref<4x5x1024xf32, #tpu.memory_space<vmem>>, vector<1x1x16xf32>,
      %parallel_loop3A_2255 = vector.shape_cast %parallel_loop3A_2254 : vector<1x1x16xf32> to vector<16xf32>
      %parallel_loop3A_2256 = arith.mulf %parallel_loop3A_2255, %broadcast_in_dim3A_540 : vector<16xf32>
      %parallel_loop3A_2257 = arith.addf %parallel_loop3A_2249, %parallel_loop3A_2256 : vector<16xf32>
      %parallel_loop3A_2258 = arith.constant 2 : i32
      %parallel_loop3A_2259 = arith.index_cast %parallel_loop3A_2258 : i32 to index
      %parallel_loop3A_2260 = arith.index_cast %min3A_554 : i32 to index
      %parallel_loop3A_2261 = arith.index_cast %parallel_loop3A_2168 : i32 to index
      %parallel_loop3A_2262 = tpu.vector_load %arg6[%parallel_loop3A_2259, %parallel_loop3A_2260, %parallel_loop3A_2261] {strides = array<i32>} : memref<4x5x1024xf32, #tpu.memory_space<vmem>>, vector<1x1x16xf32>,
      %parallel_loop3A_2263 = vector.shape_cast %parallel_loop3A_2262 : vector<1x1x16xf32> to vector<16xf32>
      %parallel_loop3A_2264 = arith.mulf %parallel_loop3A_2263, %broadcast_in_dim3A_558 : vector<16xf32>
      %parallel_loop3A_2265 = arith.addf %parallel_loop3A_2257, %parallel_loop3A_2264 : vector<16xf32>
      %parallel_loop3A_2266 = arith.constant 3 : i32
      %parallel_loop3A_2267 = arith.index_cast %parallel_loop3A_2266 : i32 to index
      %parallel_loop3A_2268 = arith.index_cast %min3A_572 : i32 to index
      %parallel_loop3A_2269 = arith.index_cast %parallel_loop3A_2168 : i32 to index
      %parallel_loop3A_2270 = tpu.vector_load %arg6[%parallel_loop3A_2267, %parallel_loop3A_2268, %parallel_loop3A_2269] {strides = array<i32>} : memref<4x5x1024xf32, #tpu.memory_space<vmem>>, vector<1x1x16xf32>,
      %parallel_loop3A_2271 = vector.shape_cast %parallel_loop3A_2270 : vector<1x1x16xf32> to vector<16xf32>
      %parallel_loop3A_2272 = arith.mulf %parallel_loop3A_2271, %broadcast_in_dim3A_576 : vector<16xf32>
      %parallel_loop3A_2273 = arith.addf %parallel_loop3A_2265, %parallel_loop3A_2272 : vector<16xf32>
      %parallel_loop3A_2274 = arith.constant 2048 : i32
      %parallel_loop3A_2275 = arith.addi %parallel_loop3A_2274, %parallel_loop3A_2168 : i32
      %parallel_loop3A_2276 = arith.index_cast %parallel_loop3A_2275 : i32 to index
      %parallel_loop3A_2277 = tpu.vector_load %arg9[%parallel_loop3A_2276] {strides = array<i32>} : memref<5120xf32, #tpu.memory_space<vmem>>, vector<16xf32>,
      %parallel_loop3A_2278 = vector.shape_cast %parallel_loop3A_2277 : vector<16xf32> to vector<16xf32>
      %parallel_loop3A_2279 = vector.shape_cast %parallel_loop3A_2273 : vector<16xf32> to vector<16xf32>
      tpu.vector_store %arg9[%parallel_loop3A_2276], %parallel_loop3A_2279 {strides = array<i32>} : memref<5120xf32, #tpu.memory_space<vmem>>, vector<16xf32>,
      %parallel_loop3A_2280 = arith.constant 0 : i32
      %parallel_loop3A_2281 = arith.index_cast %parallel_loop3A_2280 : i32 to index
      %parallel_loop3A_2282 = arith.index_cast %min3A_590 : i32 to index
      %parallel_loop3A_2283 = arith.index_cast %parallel_loop3A_2168 : i32 to index
      %parallel_loop3A_2284 = tpu.vector_load %arg6[%parallel_loop3A_2281, %parallel_loop3A_2282, %parallel_loop3A_2283] {strides = array<i32>} : memref<4x5x1024xf32, #tpu.memory_space<vmem>>, vector<1x1x16xf32>,
      %parallel_loop3A_2285 = vector.shape_cast %parallel_loop3A_2284 : vector<1x1x16xf32> to vector<16xf32>
      %parallel_loop3A_2286 = arith.mulf %parallel_loop3A_2285, %broadcast_in_dim3A_594 : vector<16xf32>
      %parallel_loop3A_2287 = arith.constant 1 : i32
      %parallel_loop3A_2288 = arith.index_cast %parallel_loop3A_2287 : i32 to index
      %parallel_loop3A_2289 = arith.index_cast %min3A_608 : i32 to index
      %parallel_loop3A_2290 = arith.index_cast %parallel_loop3A_2168 : i32 to index
      %parallel_loop3A_2291 = tpu.vector_load %arg6[%parallel_loop3A_2288, %parallel_loop3A_2289, %parallel_loop3A_2290] {strides = array<i32>} : memref<4x5x1024xf32, #tpu.memory_space<vmem>>, vector<1x1x16xf32>,
      %parallel_loop3A_2292 = vector.shape_cast %parallel_loop3A_2291 : vector<1x1x16xf32> to vector<16xf32>
      %parallel_loop3A_2293 = arith.mulf %parallel_loop3A_2292, %broadcast_in_dim3A_612 : vector<16xf32>
      %parallel_loop3A_2294 = arith.addf %parallel_loop3A_2286, %parallel_loop3A_2293 : vector<16xf32>
      %parallel_loop3A_2295 = arith.constant 2 : i32
      %parallel_loop3A_2296 = arith.index_cast %parallel_loop3A_2295 : i32 to index
      %parallel_loop3A_2297 = arith.index_cast %min3A_626 : i32 to index
      %parallel_loop3A_2298 = arith.index_cast %parallel_loop3A_2168 : i32 to index
      %parallel_loop3A_2299 = tpu.vector_load %arg6[%parallel_loop3A_2296, %parallel_loop3A_2297, %parallel_loop3A_2298] {strides = array<i32>} : memref<4x5x1024xf32, #tpu.memory_space<vmem>>, vector<1x1x16xf32>,
      %parallel_loop3A_2300 = vector.shape_cast %parallel_loop3A_2299 : vector<1x1x16xf32> to vector<16xf32>
      %parallel_loop3A_2301 = arith.mulf %parallel_loop3A_2300, %broadcast_in_dim3A_630 : vector<16xf32>
      %parallel_loop3A_2302 = arith.addf %parallel_loop3A_2294, %parallel_loop3A_2301 : vector<16xf32>
      %parallel_loop3A_2303 = arith.constant 3 : i32
      %parallel_loop3A_2304 = arith.index_cast %parallel_loop3A_2303 : i32 to index
      %parallel_loop3A_2305 = arith.index_cast %min3A_644 : i32 to index
      %parallel_loop3A_2306 = arith.index_cast %parallel_loop3A_2168 : i32 to index
      %parallel_loop3A_2307 = tpu.vector_load %arg6[%parallel_loop3A_2304, %parallel_loop3A_2305, %parallel_loop3A_2306] {strides = array<i32>} : memref<4x5x1024xf32, #tpu.memory_space<vmem>>, vector<1x1x16xf32>,
      %parallel_loop3A_2308 = vector.shape_cast %parallel_loop3A_2307 : vector<1x1x16xf32> to vector<16xf32>
      %parallel_loop3A_2309 = arith.mulf %parallel_loop3A_2308, %broadcast_in_dim3A_648 : vector<16xf32>
      %parallel_loop3A_2310 = arith.addf %parallel_loop3A_2302, %parallel_loop3A_2309 : vector<16xf32>
      %parallel_loop3A_2311 = arith.constant 3072 : i32
      %parallel_loop3A_2312 = arith.addi %parallel_loop3A_2311, %parallel_loop3A_2168 : i32
      %parallel_loop3A_2313 = arith.index_cast %parallel_loop3A_2312 : i32 to index
      %parallel_loop3A_2314 = tpu.vector_load %arg9[%parallel_loop3A_2313] {strides = array<i32>} : memref<5120xf32, #tpu.memory_space<vmem>>, vector<16xf32>,
      %parallel_loop3A_2315 = vector.shape_cast %parallel_loop3A_2314 : vector<16xf32> to vector<16xf32>
      %parallel_loop3A_2316 = vector.shape_cast %parallel_loop3A_2310 : vector<16xf32> to vector<16xf32>
      tpu.vector_store %arg9[%parallel_loop3A_2313], %parallel_loop3A_2316 {strides = array<i32>} : memref<5120xf32, #tpu.memory_space<vmem>>, vector<16xf32>,
      %parallel_loop3A_2317 = arith.constant 0 : i32
      %parallel_loop3A_2318 = arith.index_cast %parallel_loop3A_2317 : i32 to index
      %parallel_loop3A_2319 = arith.index_cast %min3A_662 : i32 to index
      %parallel_loop3A_2320 = arith.index_cast %parallel_loop3A_2168 : i32 to index
      %parallel_loop3A_2321 = tpu.vector_load %arg6[%parallel_loop3A_2318, %parallel_loop3A_2319, %parallel_loop3A_2320] {strides = array<i32>} : memref<4x5x1024xf32, #tpu.memory_space<vmem>>, vector<1x1x16xf32>,
      %parallel_loop3A_2322 = vector.shape_cast %parallel_loop3A_2321 : vector<1x1x16xf32> to vector<16xf32>
      %parallel_loop3A_2323 = arith.mulf %parallel_loop3A_2322, %broadcast_in_dim3A_666 : vector<16xf32>
      %parallel_loop3A_2324 = arith.constant 1 : i32
      %parallel_loop3A_2325 = arith.index_cast %parallel_loop3A_2324 : i32 to index
      %parallel_loop3A_2326 = arith.index_cast %min3A_680 : i32 to index
      %parallel_loop3A_2327 = arith.index_cast %parallel_loop3A_2168 : i32 to index
      %parallel_loop3A_2328 = tpu.vector_load %arg6[%parallel_loop3A_2325, %parallel_loop3A_2326, %parallel_loop3A_2327] {strides = array<i32>} : memref<4x5x1024xf32, #tpu.memory_space<vmem>>, vector<1x1x16xf32>,
      %parallel_loop3A_2329 = vector.shape_cast %parallel_loop3A_2328 : vector<1x1x16xf32> to vector<16xf32>
      %parallel_loop3A_2330 = arith.mulf %parallel_loop3A_2329, %broadcast_in_dim3A_684 : vector<16xf32>
      %parallel_loop3A_2331 = arith.addf %parallel_loop3A_2323, %parallel_loop3A_2330 : vector<16xf32>
      %parallel_loop3A_2332 = arith.constant 2 : i32
      %parallel_loop3A_2333 = arith.index_cast %parallel_loop3A_2332 : i32 to index
      %parallel_loop3A_2334 = arith.index_cast %min3A_698 : i32 to index
      %parallel_loop3A_2335 = arith.index_cast %parallel_loop3A_2168 : i32 to index
      %parallel_loop3A_2336 = tpu.vector_load %arg6[%parallel_loop3A_2333, %parallel_loop3A_2334, %parallel_loop3A_2335] {strides = array<i32>} : memref<4x5x1024xf32, #tpu.memory_space<vmem>>, vector<1x1x16xf32>,
      %parallel_loop3A_2337 = vector.shape_cast %parallel_loop3A_2336 : vector<1x1x16xf32> to vector<16xf32>
      %parallel_loop3A_2338 = arith.mulf %parallel_loop3A_2337, %broadcast_in_dim3A_702 : vector<16xf32>
      %parallel_loop3A_2339 = arith.addf %parallel_loop3A_2331, %parallel_loop3A_2338 : vector<16xf32>
      %parallel_loop3A_2340 = arith.constant 3 : i32
      %parallel_loop3A_2341 = arith.index_cast %parallel_loop3A_2340 : i32 to index
      %parallel_loop3A_2342 = arith.index_cast %min3A_716 : i32 to index
      %parallel_loop3A_2343 = arith.index_cast %parallel_loop3A_2168 : i32 to index
      %parallel_loop3A_2344 = tpu.vector_load %arg6[%parallel_loop3A_2341, %parallel_loop3A_2342, %parallel_loop3A_2343] {strides = array<i32>} : memref<4x5x1024xf32, #tpu.memory_space<vmem>>, vector<1x1x16xf32>,
      %parallel_loop3A_2345 = vector.shape_cast %parallel_loop3A_2344 : vector<1x1x16xf32> to vector<16xf32>
      %parallel_loop3A_2346 = arith.mulf %parallel_loop3A_2345, %broadcast_in_dim3A_720 : vector<16xf32>
      %parallel_loop3A_2347 = arith.addf %parallel_loop3A_2339, %parallel_loop3A_2346 : vector<16xf32>
      %parallel_loop3A_2348 = arith.constant 4096 : i32
      %parallel_loop3A_2349 = arith.addi %parallel_loop3A_2348, %parallel_loop3A_2168 : i32
      %parallel_loop3A_2350 = arith.index_cast %parallel_loop3A_2349 : i32 to index
      %parallel_loop3A_2351 = tpu.vector_load %arg9[%parallel_loop3A_2350] {strides = array<i32>} : memref<5120xf32, #tpu.memory_space<vmem>>, vector<16xf32>,
      %parallel_loop3A_2352 = vector.shape_cast %parallel_loop3A_2351 : vector<16xf32> to vector<16xf32>
      %parallel_loop3A_2353 = vector.shape_cast %parallel_loop3A_2347 : vector<16xf32> to vector<16xf32>
      tpu.vector_store %arg9[%parallel_loop3A_2350], %parallel_loop3A_2353 {strides = array<i32>} : memref<5120xf32, #tpu.memory_space<vmem>>, vector<16xf32>,
    } {sc.loop_unroll_factor = 1 : i64, sc.parallel_access}
    %dma_start3A_724 = arith.constant 0 : i32
    %dma_start3A_725 = arith.constant 0 : i32
    %dma_start3A_726 = arith.constant 0 : i32
    %dma_start3A_727 = tpu.memref_slice %arg6[%dma_start3A_724, %dma_start3A_725, %dma_start3A_726] : memref<4x5x1024xf32, #tpu.memory_space<vmem>> -> memref<1x5x1024xf32, #tpu.memory_space<vmem>>
    %dma_start3A_728 = tpu.memref_squeeze %dma_start3A_727 : memref<1x5x1024xf32, #tpu.memory_space<vmem>> -> memref<5x1024xf32, #tpu.memory_space<vmem>>
    %dma_start3A_729 = arith.constant 8192 : i32
    %dma_start3A_730 = tpu.memref_slice %arg2[%min3A_84, %select_n3A, %dma_start3A_729] : memref<64x2x16384xf32, #tpu.memory_space<hbm>> -> memref<5x1x1024xf32, #tpu.memory_space<hbm>>
    %dma_start3A_731 = tpu.memref_squeeze %dma_start3A_730 : memref<5x1x1024xf32, #tpu.memory_space<hbm>> -> memref<5x1024xf32, #tpu.memory_space<hbm>>
    %dma_start3A_732 = arith.constant 0 : i32
    %dma_start3A_733 = arith.constant 0 : i32
    %dma_start3A_734 = tpu.memref_slice %arg6[%dma_start3A_724, %dma_start3A_732, %dma_start3A_733] : memref<4x5x1024xf32, #tpu.memory_space<vmem>> -> memref<1x5x1024xf32, #tpu.memory_space<vmem>>
    %dma_start3A_735 = tpu.memref_squeeze %dma_start3A_734 : memref<1x5x1024xf32, #tpu.memory_space<vmem>> -> memref<5x1024xf32, #tpu.memory_space<vmem>>
    %dma_start3A_736 = arith.constant 8192 : i32
    %dma_start3A_737 = tpu.memref_slice %arg2[%min3A_84, %select_n3A, %dma_start3A_736] : memref<64x2x16384xf32, #tpu.memory_space<hbm>> -> memref<5x1x1024xf32, #tpu.memory_space<hbm>>
    %dma_start3A_738 = tpu.memref_squeeze %dma_start3A_737 : memref<5x1x1024xf32, #tpu.memory_space<hbm>> -> memref<5x1024xf32, #tpu.memory_space<hbm>>
    tpu.enqueue_dma source(%dma_start3A_738 : memref<5x1024xf32, #tpu.memory_space<hbm>>) target(%dma_start3A_735 : memref<5x1024xf32, #tpu.memory_space<vmem>>) target_semaphore(%arg11 : memref<!tpu.dma_semaphore, #tpu.memory_space<semaphore_mem>>)
    %dma_start3A_739 = arith.constant 1 : i32
    %dma_start3A_740 = arith.constant 0 : i32
    %dma_start3A_741 = arith.constant 0 : i32
    %dma_start3A_742 = tpu.memref_slice %arg6[%dma_start3A_739, %dma_start3A_740, %dma_start3A_741] : memref<4x5x1024xf32, #tpu.memory_space<vmem>> -> memref<1x5x1024xf32, #tpu.memory_space<vmem>>
    %dma_start3A_743 = tpu.memref_squeeze %dma_start3A_742 : memref<1x5x1024xf32, #tpu.memory_space<vmem>> -> memref<5x1024xf32, #tpu.memory_space<vmem>>
    %dma_start3A_744 = arith.constant 9216 : i32
    %dma_start3A_745 = tpu.memref_slice %arg2[%min3A_90, %select_n3A, %dma_start3A_744] : memref<64x2x16384xf32, #tpu.memory_space<hbm>> -> memref<5x1x1024xf32, #tpu.memory_space<hbm>>
    %dma_start3A_746 = tpu.memref_squeeze %dma_start3A_745 : memref<5x1x1024xf32, #tpu.memory_space<hbm>> -> memref<5x1024xf32, #tpu.memory_space<hbm>>
    %dma_start3A_747 = arith.constant 0 : i32
    %dma_start3A_748 = arith.constant 0 : i32
    %dma_start3A_749 = tpu.memref_slice %arg6[%dma_start3A_739, %dma_start3A_747, %dma_start3A_748] : memref<4x5x1024xf32, #tpu.memory_space<vmem>> -> memref<1x5x1024xf32, #tpu.memory_space<vmem>>
    %dma_start3A_750 = tpu.memref_squeeze %dma_start3A_749 : memref<1x5x1024xf32, #tpu.memory_space<vmem>> -> memref<5x1024xf32, #tpu.memory_space<vmem>>
    %dma_start3A_751 = arith.constant 9216 : i32
    %dma_start3A_752 = tpu.memref_slice %arg2[%min3A_90, %select_n3A, %dma_start3A_751] : memref<64x2x16384xf32, #tpu.memory_space<hbm>> -> memref<5x1x1024xf32, #tpu.memory_space<hbm>>
    %dma_start3A_753 = tpu.memref_squeeze %dma_start3A_752 : memref<5x1x1024xf32, #tpu.memory_space<hbm>> -> memref<5x1024xf32, #tpu.memory_space<hbm>>
    tpu.enqueue_dma source(%dma_start3A_753 : memref<5x1024xf32, #tpu.memory_space<hbm>>) target(%dma_start3A_750 : memref<5x1024xf32, #tpu.memory_space<vmem>>) target_semaphore(%arg11 : memref<!tpu.dma_semaphore, #tpu.memory_space<semaphore_mem>>)
    %dma_start3A_754 = arith.constant 2 : i32
    %dma_start3A_755 = arith.constant 0 : i32
    %dma_start3A_756 = arith.constant 0 : i32
    %dma_start3A_757 = tpu.memref_slice %arg6[%dma_start3A_754, %dma_start3A_755, %dma_start3A_756] : memref<4x5x1024xf32, #tpu.memory_space<vmem>> -> memref<1x5x1024xf32, #tpu.memory_space<vmem>>
    %dma_start3A_758 = tpu.memref_squeeze %dma_start3A_757 : memref<1x5x1024xf32, #tpu.memory_space<vmem>> -> memref<5x1024xf32, #tpu.memory_space<vmem>>
    %dma_start3A_759 = arith.constant 10240 : i32
    %dma_start3A_760 = tpu.memref_slice %arg2[%min3A_96, %select_n3A, %dma_start3A_759] : memref<64x2x16384xf32, #tpu.memory_space<hbm>> -> memref<5x1x1024xf32, #tpu.memory_space<hbm>>
    %dma_start3A_761 = tpu.memref_squeeze %dma_start3A_760 : memref<5x1x1024xf32, #tpu.memory_space<hbm>> -> memref<5x1024xf32, #tpu.memory_space<hbm>>
    %dma_start3A_762 = arith.constant 0 : i32
    %dma_start3A_763 = arith.constant 0 : i32
    %dma_start3A_764 = tpu.memref_slice %arg6[%dma_start3A_754, %dma_start3A_762, %dma_start3A_763] : memref<4x5x1024xf32, #tpu.memory_space<vmem>> -> memref<1x5x1024xf32, #tpu.memory_space<vmem>>
    %dma_start3A_765 = tpu.memref_squeeze %dma_start3A_764 : memref<1x5x1024xf32, #tpu.memory_space<vmem>> -> memref<5x1024xf32, #tpu.memory_space<vmem>>
    %dma_start3A_766 = arith.constant 10240 : i32
    %dma_start3A_767 = tpu.memref_slice %arg2[%min3A_96, %select_n3A, %dma_start3A_766] : memref<64x2x16384xf32, #tpu.memory_space<hbm>> -> memref<5x1x1024xf32, #tpu.memory_space<hbm>>
    %dma_start3A_768 = tpu.memref_squeeze %dma_start3A_767 : memref<5x1x1024xf32, #tpu.memory_space<hbm>> -> memref<5x1024xf32, #tpu.memory_space<hbm>>
    tpu.enqueue_dma source(%dma_start3A_768 : memref<5x1024xf32, #tpu.memory_space<hbm>>) target(%dma_start3A_765 : memref<5x1024xf32, #tpu.memory_space<vmem>>) target_semaphore(%arg11 : memref<!tpu.dma_semaphore, #tpu.memory_space<semaphore_mem>>)
    %dma_start3A_769 = arith.constant 3 : i32
    %dma_start3A_770 = arith.constant 0 : i32
    %dma_start3A_771 = arith.constant 0 : i32
    %dma_start3A_772 = tpu.memref_slice %arg6[%dma_start3A_769, %dma_start3A_770, %dma_start3A_771] : memref<4x5x1024xf32, #tpu.memory_space<vmem>> -> memref<1x5x1024xf32, #tpu.memory_space<vmem>>
    %dma_start3A_773 = tpu.memref_squeeze %dma_start3A_772 : memref<1x5x1024xf32, #tpu.memory_space<vmem>> -> memref<5x1024xf32, #tpu.memory_space<vmem>>
    %dma_start3A_774 = arith.constant 11264 : i32
    %dma_start3A_775 = tpu.memref_slice %arg2[%min3A_102, %select_n3A, %dma_start3A_774] : memref<64x2x16384xf32, #tpu.memory_space<hbm>> -> memref<5x1x1024xf32, #tpu.memory_space<hbm>>
    %dma_start3A_776 = tpu.memref_squeeze %dma_start3A_775 : memref<5x1x1024xf32, #tpu.memory_space<hbm>> -> memref<5x1024xf32, #tpu.memory_space<hbm>>
    %dma_start3A_777 = arith.constant 0 : i32
    %dma_start3A_778 = arith.constant 0 : i32
    %dma_start3A_779 = tpu.memref_slice %arg6[%dma_start3A_769, %dma_start3A_777, %dma_start3A_778] : memref<4x5x1024xf32, #tpu.memory_space<vmem>> -> memref<1x5x1024xf32, #tpu.memory_space<vmem>>
    %dma_start3A_780 = tpu.memref_squeeze %dma_start3A_779 : memref<1x5x1024xf32, #tpu.memory_space<vmem>> -> memref<5x1024xf32, #tpu.memory_space<vmem>>
    %dma_start3A_781 = arith.constant 11264 : i32
    %dma_start3A_782 = tpu.memref_slice %arg2[%min3A_102, %select_n3A, %dma_start3A_781] : memref<64x2x16384xf32, #tpu.memory_space<hbm>> -> memref<5x1x1024xf32, #tpu.memory_space<hbm>>
    %dma_start3A_783 = tpu.memref_squeeze %dma_start3A_782 : memref<5x1x1024xf32, #tpu.memory_space<hbm>> -> memref<5x1024xf32, #tpu.memory_space<hbm>>
    tpu.enqueue_dma source(%dma_start3A_783 : memref<5x1024xf32, #tpu.memory_space<hbm>>) target(%dma_start3A_780 : memref<5x1024xf32, #tpu.memory_space<vmem>>) target_semaphore(%arg11 : memref<!tpu.dma_semaphore, #tpu.memory_space<semaphore_mem>>)
    %dma_wait3A_784 = arith.constant 0 : i32
    %dma_wait3A_785 = arith.constant 0 : i32
    %dma_wait3A_786 = arith.constant 0 : i32
    %dma_wait3A_787 = tpu.memref_slice %arg7[%dma_wait3A_784, %dma_wait3A_785, %dma_wait3A_786] : memref<4x5x1024xf32, #tpu.memory_space<vmem>> -> memref<1x5x1024xf32, #tpu.memory_space<vmem>>
    %dma_wait3A_788 = tpu.memref_squeeze %dma_wait3A_787 : memref<1x5x1024xf32, #tpu.memory_space<vmem>> -> memref<5x1024xf32, #tpu.memory_space<vmem>>
    %dma_wait3A_789 = arith.constant 4096 : i32
    %dma_wait3A_790 = tpu.memref_slice %arg2[%min3A_60, %select_n3A, %dma_wait3A_789] : memref<64x2x16384xf32, #tpu.memory_space<hbm>> -> memref<5x1x1024xf32, #tpu.memory_space<hbm>>
    %dma_wait3A_791 = tpu.memref_squeeze %dma_wait3A_790 : memref<5x1x1024xf32, #tpu.memory_space<hbm>> -> memref<5x1024xf32, #tpu.memory_space<hbm>>
    %dma_wait3A_792 = arith.constant 0 : i32
    %dma_wait3A_793 = arith.constant 0 : i32
    %dma_wait3A_794 = tpu.memref_slice %arg7[%dma_wait3A_784, %dma_wait3A_792, %dma_wait3A_793] : memref<4x5x1024xf32, #tpu.memory_space<vmem>> -> memref<1x5x1024xf32, #tpu.memory_space<vmem>>
    %dma_wait3A_795 = tpu.memref_squeeze %dma_wait3A_794 : memref<1x5x1024xf32, #tpu.memory_space<vmem>> -> memref<5x1024xf32, #tpu.memory_space<vmem>>
    %dma_wait3A_796 = arith.constant 4096 : i32
    %dma_wait3A_797 = tpu.memref_slice %arg2[%min3A_60, %select_n3A, %dma_wait3A_796] : memref<64x2x16384xf32, #tpu.memory_space<hbm>> -> memref<5x1x1024xf32, #tpu.memory_space<hbm>>
    %dma_wait3A_798 = tpu.memref_squeeze %dma_wait3A_797 : memref<5x1x1024xf32, #tpu.memory_space<hbm>> -> memref<5x1024xf32, #tpu.memory_space<hbm>>
    tpu.wait_dma2 semaphore(%arg12 : memref<!tpu.dma_semaphore, #tpu.memory_space<semaphore_mem>>) src(%dma_wait3A_798 : memref<5x1024xf32, #tpu.memory_space<hbm>>) dst(%dma_wait3A_795 : memref<5x1024xf32, #tpu.memory_space<vmem>>)
    %dma_wait3A_799 = arith.constant 1 : i32
    %dma_wait3A_800 = arith.constant 0 : i32
    %dma_wait3A_801 = arith.constant 0 : i32
    %dma_wait3A_802 = tpu.memref_slice %arg7[%dma_wait3A_799, %dma_wait3A_800, %dma_wait3A_801] : memref<4x5x1024xf32, #tpu.memory_space<vmem>> -> memref<1x5x1024xf32, #tpu.memory_space<vmem>>
    %dma_wait3A_803 = tpu.memref_squeeze %dma_wait3A_802 : memref<1x5x1024xf32, #tpu.memory_space<vmem>> -> memref<5x1024xf32, #tpu.memory_space<vmem>>
    %dma_wait3A_804 = arith.constant 5120 : i32
    %dma_wait3A_805 = tpu.memref_slice %arg2[%min3A_66, %select_n3A, %dma_wait3A_804] : memref<64x2x16384xf32, #tpu.memory_space<hbm>> -> memref<5x1x1024xf32, #tpu.memory_space<hbm>>
    %dma_wait3A_806 = tpu.memref_squeeze %dma_wait3A_805 : memref<5x1x1024xf32, #tpu.memory_space<hbm>> -> memref<5x1024xf32, #tpu.memory_space<hbm>>
    %dma_wait3A_807 = arith.constant 0 : i32
    %dma_wait3A_808 = arith.constant 0 : i32
    %dma_wait3A_809 = tpu.memref_slice %arg7[%dma_wait3A_799, %dma_wait3A_807, %dma_wait3A_808] : memref<4x5x1024xf32, #tpu.memory_space<vmem>> -> memref<1x5x1024xf32, #tpu.memory_space<vmem>>
    %dma_wait3A_810 = tpu.memref_squeeze %dma_wait3A_809 : memref<1x5x1024xf32, #tpu.memory_space<vmem>> -> memref<5x1024xf32, #tpu.memory_space<vmem>>
    %dma_wait3A_811 = arith.constant 5120 : i32
    %dma_wait3A_812 = tpu.memref_slice %arg2[%min3A_66, %select_n3A, %dma_wait3A_811] : memref<64x2x16384xf32, #tpu.memory_space<hbm>> -> memref<5x1x1024xf32, #tpu.memory_space<hbm>>
    %dma_wait3A_813 = tpu.memref_squeeze %dma_wait3A_812 : memref<5x1x1024xf32, #tpu.memory_space<hbm>> -> memref<5x1024xf32, #tpu.memory_space<hbm>>
    tpu.wait_dma2 semaphore(%arg12 : memref<!tpu.dma_semaphore, #tpu.memory_space<semaphore_mem>>) src(%dma_wait3A_813 : memref<5x1024xf32, #tpu.memory_space<hbm>>) dst(%dma_wait3A_810 : memref<5x1024xf32, #tpu.memory_space<vmem>>)
    %dma_wait3A_814 = arith.constant 2 : i32
    %dma_wait3A_815 = arith.constant 0 : i32
    %dma_wait3A_816 = arith.constant 0 : i32
    %dma_wait3A_817 = tpu.memref_slice %arg7[%dma_wait3A_814, %dma_wait3A_815, %dma_wait3A_816] : memref<4x5x1024xf32, #tpu.memory_space<vmem>> -> memref<1x5x1024xf32, #tpu.memory_space<vmem>>
    %dma_wait3A_818 = tpu.memref_squeeze %dma_wait3A_817 : memref<1x5x1024xf32, #tpu.memory_space<vmem>> -> memref<5x1024xf32, #tpu.memory_space<vmem>>
    %dma_wait3A_819 = arith.constant 6144 : i32
    %dma_wait3A_820 = tpu.memref_slice %arg2[%min3A_72, %select_n3A, %dma_wait3A_819] : memref<64x2x16384xf32, #tpu.memory_space<hbm>> -> memref<5x1x1024xf32, #tpu.memory_space<hbm>>
    %dma_wait3A_821 = tpu.memref_squeeze %dma_wait3A_820 : memref<5x1x1024xf32, #tpu.memory_space<hbm>> -> memref<5x1024xf32, #tpu.memory_space<hbm>>
    %dma_wait3A_822 = arith.constant 0 : i32
    %dma_wait3A_823 = arith.constant 0 : i32
    %dma_wait3A_824 = tpu.memref_slice %arg7[%dma_wait3A_814, %dma_wait3A_822, %dma_wait3A_823] : memref<4x5x1024xf32, #tpu.memory_space<vmem>> -> memref<1x5x1024xf32, #tpu.memory_space<vmem>>
    %dma_wait3A_825 = tpu.memref_squeeze %dma_wait3A_824 : memref<1x5x1024xf32, #tpu.memory_space<vmem>> -> memref<5x1024xf32, #tpu.memory_space<vmem>>
    %dma_wait3A_826 = arith.constant 6144 : i32
    %dma_wait3A_827 = tpu.memref_slice %arg2[%min3A_72, %select_n3A, %dma_wait3A_826] : memref<64x2x16384xf32, #tpu.memory_space<hbm>> -> memref<5x1x1024xf32, #tpu.memory_space<hbm>>
    %dma_wait3A_828 = tpu.memref_squeeze %dma_wait3A_827 : memref<5x1x1024xf32, #tpu.memory_space<hbm>> -> memref<5x1024xf32, #tpu.memory_space<hbm>>
    tpu.wait_dma2 semaphore(%arg12 : memref<!tpu.dma_semaphore, #tpu.memory_space<semaphore_mem>>) src(%dma_wait3A_828 : memref<5x1024xf32, #tpu.memory_space<hbm>>) dst(%dma_wait3A_825 : memref<5x1024xf32, #tpu.memory_space<vmem>>)
    %dma_wait3A_829 = arith.constant 3 : i32
    %dma_wait3A_830 = arith.constant 0 : i32
    %dma_wait3A_831 = arith.constant 0 : i32
    %dma_wait3A_832 = tpu.memref_slice %arg7[%dma_wait3A_829, %dma_wait3A_830, %dma_wait3A_831] : memref<4x5x1024xf32, #tpu.memory_space<vmem>> -> memref<1x5x1024xf32, #tpu.memory_space<vmem>>
    %dma_wait3A_833 = tpu.memref_squeeze %dma_wait3A_832 : memref<1x5x1024xf32, #tpu.memory_space<vmem>> -> memref<5x1024xf32, #tpu.memory_space<vmem>>
    %dma_wait3A_834 = arith.constant 7168 : i32
    %dma_wait3A_835 = tpu.memref_slice %arg2[%min3A_78, %select_n3A, %dma_wait3A_834] : memref<64x2x16384xf32, #tpu.memory_space<hbm>> -> memref<5x1x1024xf32, #tpu.memory_space<hbm>>
    %dma_wait3A_836 = tpu.memref_squeeze %dma_wait3A_835 : memref<5x1x1024xf32, #tpu.memory_space<hbm>> -> memref<5x1024xf32, #tpu.memory_space<hbm>>
    %dma_wait3A_837 = arith.constant 0 : i32
    %dma_wait3A_838 = arith.constant 0 : i32
    %dma_wait3A_839 = tpu.memref_slice %arg7[%dma_wait3A_829, %dma_wait3A_837, %dma_wait3A_838] : memref<4x5x1024xf32, #tpu.memory_space<vmem>> -> memref<1x5x1024xf32, #tpu.memory_space<vmem>>
    %dma_wait3A_840 = tpu.memref_squeeze %dma_wait3A_839 : memref<1x5x1024xf32, #tpu.memory_space<vmem>> -> memref<5x1024xf32, #tpu.memory_space<vmem>>
    %dma_wait3A_841 = arith.constant 7168 : i32
    %dma_wait3A_842 = tpu.memref_slice %arg2[%min3A_78, %select_n3A, %dma_wait3A_841] : memref<64x2x16384xf32, #tpu.memory_space<hbm>> -> memref<5x1x1024xf32, #tpu.memory_space<hbm>>
    %dma_wait3A_843 = tpu.memref_squeeze %dma_wait3A_842 : memref<5x1x1024xf32, #tpu.memory_space<hbm>> -> memref<5x1024xf32, #tpu.memory_space<hbm>>
    tpu.wait_dma2 semaphore(%arg12 : memref<!tpu.dma_semaphore, #tpu.memory_space<semaphore_mem>>) src(%dma_wait3A_843 : memref<5x1024xf32, #tpu.memory_space<hbm>>) dst(%dma_wait3A_840 : memref<5x1024xf32, #tpu.memory_space<vmem>>)
    %dma_wait3A_844 = tpu.memref_slice %arg3[%select_n3A, %mul3A_250] : memref<2x80896xf32, #tpu.memory_space<hbm>> -> memref<1x5120xf32, #tpu.memory_space<hbm>>
    %dma_wait3A_845 = tpu.memref_squeeze %dma_wait3A_844 : memref<1x5120xf32, #tpu.memory_space<hbm>> -> memref<5120xf32, #tpu.memory_space<hbm>>
    %dma_wait3A_846 = tpu.memref_slice %arg3[%select_n3A, %mul3A_250] : memref<2x80896xf32, #tpu.memory_space<hbm>> -> memref<1x5120xf32, #tpu.memory_space<hbm>>
    %dma_wait3A_847 = tpu.memref_squeeze %dma_wait3A_846 : memref<1x5120xf32, #tpu.memory_space<hbm>> -> memref<5120xf32, #tpu.memory_space<hbm>>
    tpu.wait_dma2 semaphore(%arg12 : memref<!tpu.dma_semaphore, #tpu.memory_space<semaphore_mem>>) src(%dma_wait3A_847 : memref<5120xf32, #tpu.memory_space<hbm>>) dst(%arg8 : memref<5120xf32, #tpu.memory_space<vmem>>)
    %add3A_848 = arith.constant 0 : i32
    %add3A_849 = arith.addi %mul3A_32, %add3A_848 : i32
    %sub3A_850 = arith.constant 4 : i32
    %sub3A_851 = arith.subi %add3A_849, %sub3A_850 : i32
    %ge3A_852 = arith.constant 0 : i32
    %ge3A_853 = arith.cmpi sge, %sub3A_851, %ge3A_852 : i32
    %le3A_854 = arith.constant 63 : i32
    %le3A_855 = arith.cmpi sle, %sub3A_851, %le3A_854 : i32
    %and3A_856 = arith.andi %ge3A_853, %le3A_855 : i1
    %sub3A_857 = arith.subi %sub3A_851, %min3A_60 : i32
    %jit3A_858 = arith.constant 0 : i32
    %jit3A_859 = arith.constant 4 : i32
    %max3A_860 = arith.maxsi %jit3A_858, %sub3A_857 : i32
    %min3A_861 = arith.minsi %jit3A_859, %max3A_860 : i32
    %jit3A_862 = arith.constant 6.250000e-02 : f32
    %jit3A_863 = arith.constant 0.000000e+00 : f32
    %select_n3A_864 = arith.select %and3A_856, %jit3A_862, %jit3A_863 : f32
    %broadcast_in_dim3A_865 = vector.broadcast %select_n3A_864 : f32 to vector<16xf32>
    %add3A_866 = arith.constant 0 : i32
    %add3A_867 = arith.addi %mul3A_32, %add3A_866 : i32
    %sub3A_868 = arith.constant 5 : i32
    %sub3A_869 = arith.subi %add3A_867, %sub3A_868 : i32
    %ge3A_870 = arith.constant 0 : i32
    %ge3A_871 = arith.cmpi sge, %sub3A_869, %ge3A_870 : i32
    %le3A_872 = arith.constant 63 : i32
    %le3A_873 = arith.cmpi sle, %sub3A_869, %le3A_872 : i32
    %and3A_874 = arith.andi %ge3A_871, %le3A_873 : i1
    %sub3A_875 = arith.subi %sub3A_869, %min3A_66 : i32
    %jit3A_876 = arith.constant 0 : i32
    %jit3A_877 = arith.constant 4 : i32
    %max3A_878 = arith.maxsi %jit3A_876, %sub3A_875 : i32
    %min3A_879 = arith.minsi %jit3A_877, %max3A_878 : i32
    %jit3A_880 = arith.constant 6.250000e-02 : f32
    %jit3A_881 = arith.constant 0.000000e+00 : f32
    %select_n3A_882 = arith.select %and3A_874, %jit3A_880, %jit3A_881 : f32
    %broadcast_in_dim3A_883 = vector.broadcast %select_n3A_882 : f32 to vector<16xf32>
    %add3A_884 = arith.constant 0 : i32
    %add3A_885 = arith.addi %mul3A_32, %add3A_884 : i32
    %sub3A_886 = arith.constant 6 : i32
    %sub3A_887 = arith.subi %add3A_885, %sub3A_886 : i32
    %ge3A_888 = arith.constant 0 : i32
    %ge3A_889 = arith.cmpi sge, %sub3A_887, %ge3A_888 : i32
    %le3A_890 = arith.constant 63 : i32
    %le3A_891 = arith.cmpi sle, %sub3A_887, %le3A_890 : i32
    %and3A_892 = arith.andi %ge3A_889, %le3A_891 : i1
    %sub3A_893 = arith.subi %sub3A_887, %min3A_72 : i32
    %jit3A_894 = arith.constant 0 : i32
    %jit3A_895 = arith.constant 4 : i32
    %max3A_896 = arith.maxsi %jit3A_894, %sub3A_893 : i32
    %min3A_897 = arith.minsi %jit3A_895, %max3A_896 : i32
    %jit3A_898 = arith.constant 6.250000e-02 : f32
    %jit3A_899 = arith.constant 0.000000e+00 : f32
    %select_n3A_900 = arith.select %and3A_892, %jit3A_898, %jit3A_899 : f32
    %broadcast_in_dim3A_901 = vector.broadcast %select_n3A_900 : f32 to vector<16xf32>
    %add3A_902 = arith.constant 0 : i32
    %add3A_903 = arith.addi %mul3A_32, %add3A_902 : i32
    %sub3A_904 = arith.constant 7 : i32
    %sub3A_905 = arith.subi %add3A_903, %sub3A_904 : i32
    %ge3A_906 = arith.constant 0 : i32
    %ge3A_907 = arith.cmpi sge, %sub3A_905, %ge3A_906 : i32
    %le3A_908 = arith.constant 63 : i32
    %le3A_909 = arith.cmpi sle, %sub3A_905, %le3A_908 : i32
    %and3A_910 = arith.andi %ge3A_907, %le3A_909 : i1
    %sub3A_911 = arith.subi %sub3A_905, %min3A_78 : i32
    %jit3A_912 = arith.constant 0 : i32
    %jit3A_913 = arith.constant 4 : i32
    %max3A_914 = arith.maxsi %jit3A_912, %sub3A_911 : i32
    %min3A_915 = arith.minsi %jit3A_913, %max3A_914 : i32
    %jit3A_916 = arith.constant 6.250000e-02 : f32
    %jit3A_917 = arith.constant 0.000000e+00 : f32
    %select_n3A_918 = arith.select %and3A_910, %jit3A_916, %jit3A_917 : f32
    %broadcast_in_dim3A_919 = vector.broadcast %select_n3A_918 : f32 to vector<16xf32>
    %add3A_920 = arith.constant 1 : i32
    %add3A_921 = arith.addi %mul3A_32, %add3A_920 : i32
    %sub3A_922 = arith.constant 4 : i32
    %sub3A_923 = arith.subi %add3A_921, %sub3A_922 : i32
    %ge3A_924 = arith.constant 0 : i32
    %ge3A_925 = arith.cmpi sge, %sub3A_923, %ge3A_924 : i32
    %le3A_926 = arith.constant 63 : i32
    %le3A_927 = arith.cmpi sle, %sub3A_923, %le3A_926 : i32
    %and3A_928 = arith.andi %ge3A_925, %le3A_927 : i1
    %sub3A_929 = arith.subi %sub3A_923, %min3A_60 : i32
    %jit3A_930 = arith.constant 0 : i32
    %jit3A_931 = arith.constant 4 : i32
    %max3A_932 = arith.maxsi %jit3A_930, %sub3A_929 : i32
    %min3A_933 = arith.minsi %jit3A_931, %max3A_932 : i32
    %jit3A_934 = arith.constant 6.250000e-02 : f32
    %jit3A_935 = arith.constant 0.000000e+00 : f32
    %select_n3A_936 = arith.select %and3A_928, %jit3A_934, %jit3A_935 : f32
    %broadcast_in_dim3A_937 = vector.broadcast %select_n3A_936 : f32 to vector<16xf32>
    %add3A_938 = arith.constant 1 : i32
    %add3A_939 = arith.addi %mul3A_32, %add3A_938 : i32
    %sub3A_940 = arith.constant 5 : i32
    %sub3A_941 = arith.subi %add3A_939, %sub3A_940 : i32
    %ge3A_942 = arith.constant 0 : i32
    %ge3A_943 = arith.cmpi sge, %sub3A_941, %ge3A_942 : i32
    %le3A_944 = arith.constant 63 : i32
    %le3A_945 = arith.cmpi sle, %sub3A_941, %le3A_944 : i32
    %and3A_946 = arith.andi %ge3A_943, %le3A_945 : i1
    %sub3A_947 = arith.subi %sub3A_941, %min3A_66 : i32
    %jit3A_948 = arith.constant 0 : i32
    %jit3A_949 = arith.constant 4 : i32
    %max3A_950 = arith.maxsi %jit3A_948, %sub3A_947 : i32
    %min3A_951 = arith.minsi %jit3A_949, %max3A_950 : i32
    %jit3A_952 = arith.constant 6.250000e-02 : f32
    %jit3A_953 = arith.constant 0.000000e+00 : f32
    %select_n3A_954 = arith.select %and3A_946, %jit3A_952, %jit3A_953 : f32
    %broadcast_in_dim3A_955 = vector.broadcast %select_n3A_954 : f32 to vector<16xf32>
    %add3A_956 = arith.constant 1 : i32
    %add3A_957 = arith.addi %mul3A_32, %add3A_956 : i32
    %sub3A_958 = arith.constant 6 : i32
    %sub3A_959 = arith.subi %add3A_957, %sub3A_958 : i32
    %ge3A_960 = arith.constant 0 : i32
    %ge3A_961 = arith.cmpi sge, %sub3A_959, %ge3A_960 : i32
    %le3A_962 = arith.constant 63 : i32
    %le3A_963 = arith.cmpi sle, %sub3A_959, %le3A_962 : i32
    %and3A_964 = arith.andi %ge3A_961, %le3A_963 : i1
    %sub3A_965 = arith.subi %sub3A_959, %min3A_72 : i32
    %jit3A_966 = arith.constant 0 : i32
    %jit3A_967 = arith.constant 4 : i32
    %max3A_968 = arith.maxsi %jit3A_966, %sub3A_965 : i32
    %min3A_969 = arith.minsi %jit3A_967, %max3A_968 : i32
    %jit3A_970 = arith.constant 6.250000e-02 : f32
    %jit3A_971 = arith.constant 0.000000e+00 : f32
    %select_n3A_972 = arith.select %and3A_964, %jit3A_970, %jit3A_971 : f32
    %broadcast_in_dim3A_973 = vector.broadcast %select_n3A_972 : f32 to vector<16xf32>
    %add3A_974 = arith.constant 1 : i32
    %add3A_975 = arith.addi %mul3A_32, %add3A_974 : i32
    %sub3A_976 = arith.constant 7 : i32
    %sub3A_977 = arith.subi %add3A_975, %sub3A_976 : i32
    %ge3A_978 = arith.constant 0 : i32
    %ge3A_979 = arith.cmpi sge, %sub3A_977, %ge3A_978 : i32
    %le3A_980 = arith.constant 63 : i32
    %le3A_981 = arith.cmpi sle, %sub3A_977, %le3A_980 : i32
    %and3A_982 = arith.andi %ge3A_979, %le3A_981 : i1
    %sub3A_983 = arith.subi %sub3A_977, %min3A_78 : i32
    %jit3A_984 = arith.constant 0 : i32
    %jit3A_985 = arith.constant 4 : i32
    %max3A_986 = arith.maxsi %jit3A_984, %sub3A_983 : i32
    %min3A_987 = arith.minsi %jit3A_985, %max3A_986 : i32
    %jit3A_988 = arith.constant 6.250000e-02 : f32
    %jit3A_989 = arith.constant 0.000000e+00 : f32
    %select_n3A_990 = arith.select %and3A_982, %jit3A_988, %jit3A_989 : f32
    %broadcast_in_dim3A_991 = vector.broadcast %select_n3A_990 : f32 to vector<16xf32>
    %add3A_992 = arith.constant 2 : i32
    %add3A_993 = arith.addi %mul3A_32, %add3A_992 : i32
    %sub3A_994 = arith.constant 4 : i32
    %sub3A_995 = arith.subi %add3A_993, %sub3A_994 : i32
    %ge3A_996 = arith.constant 0 : i32
    %ge3A_997 = arith.cmpi sge, %sub3A_995, %ge3A_996 : i32
    %le3A_998 = arith.constant 63 : i32
    %le3A_999 = arith.cmpi sle, %sub3A_995, %le3A_998 : i32
    %and3A_1000 = arith.andi %ge3A_997, %le3A_999 : i1
    %sub3A_1001 = arith.subi %sub3A_995, %min3A_60 : i32
    %jit3A_1002 = arith.constant 0 : i32
    %jit3A_1003 = arith.constant 4 : i32
    %max3A_1004 = arith.maxsi %jit3A_1002, %sub3A_1001 : i32
    %min3A_1005 = arith.minsi %jit3A_1003, %max3A_1004 : i32
    %jit3A_1006 = arith.constant 6.250000e-02 : f32
    %jit3A_1007 = arith.constant 0.000000e+00 : f32
    %select_n3A_1008 = arith.select %and3A_1000, %jit3A_1006, %jit3A_1007 : f32
    %broadcast_in_dim3A_1009 = vector.broadcast %select_n3A_1008 : f32 to vector<16xf32>
    %add3A_1010 = arith.constant 2 : i32
    %add3A_1011 = arith.addi %mul3A_32, %add3A_1010 : i32
    %sub3A_1012 = arith.constant 5 : i32
    %sub3A_1013 = arith.subi %add3A_1011, %sub3A_1012 : i32
    %ge3A_1014 = arith.constant 0 : i32
    %ge3A_1015 = arith.cmpi sge, %sub3A_1013, %ge3A_1014 : i32
    %le3A_1016 = arith.constant 63 : i32
    %le3A_1017 = arith.cmpi sle, %sub3A_1013, %le3A_1016 : i32
    %and3A_1018 = arith.andi %ge3A_1015, %le3A_1017 : i1
    %sub3A_1019 = arith.subi %sub3A_1013, %min3A_66 : i32
    %jit3A_1020 = arith.constant 0 : i32
    %jit3A_1021 = arith.constant 4 : i32
    %max3A_1022 = arith.maxsi %jit3A_1020, %sub3A_1019 : i32
    %min3A_1023 = arith.minsi %jit3A_1021, %max3A_1022 : i32
    %jit3A_1024 = arith.constant 6.250000e-02 : f32
    %jit3A_1025 = arith.constant 0.000000e+00 : f32
    %select_n3A_1026 = arith.select %and3A_1018, %jit3A_1024, %jit3A_1025 : f32
    %broadcast_in_dim3A_1027 = vector.broadcast %select_n3A_1026 : f32 to vector<16xf32>
    %add3A_1028 = arith.constant 2 : i32
    %add3A_1029 = arith.addi %mul3A_32, %add3A_1028 : i32
    %sub3A_1030 = arith.constant 6 : i32
    %sub3A_1031 = arith.subi %add3A_1029, %sub3A_1030 : i32
    %ge3A_1032 = arith.constant 0 : i32
    %ge3A_1033 = arith.cmpi sge, %sub3A_1031, %ge3A_1032 : i32
    %le3A_1034 = arith.constant 63 : i32
    %le3A_1035 = arith.cmpi sle, %sub3A_1031, %le3A_1034 : i32
    %and3A_1036 = arith.andi %ge3A_1033, %le3A_1035 : i1
    %sub3A_1037 = arith.subi %sub3A_1031, %min3A_72 : i32
    %jit3A_1038 = arith.constant 0 : i32
    %jit3A_1039 = arith.constant 4 : i32
    %max3A_1040 = arith.maxsi %jit3A_1038, %sub3A_1037 : i32
    %min3A_1041 = arith.minsi %jit3A_1039, %max3A_1040 : i32
    %jit3A_1042 = arith.constant 6.250000e-02 : f32
    %jit3A_1043 = arith.constant 0.000000e+00 : f32
    %select_n3A_1044 = arith.select %and3A_1036, %jit3A_1042, %jit3A_1043 : f32
    %broadcast_in_dim3A_1045 = vector.broadcast %select_n3A_1044 : f32 to vector<16xf32>
    %add3A_1046 = arith.constant 2 : i32
    %add3A_1047 = arith.addi %mul3A_32, %add3A_1046 : i32
    %sub3A_1048 = arith.constant 7 : i32
    %sub3A_1049 = arith.subi %add3A_1047, %sub3A_1048 : i32
    %ge3A_1050 = arith.constant 0 : i32
    %ge3A_1051 = arith.cmpi sge, %sub3A_1049, %ge3A_1050 : i32
    %le3A_1052 = arith.constant 63 : i32
    %le3A_1053 = arith.cmpi sle, %sub3A_1049, %le3A_1052 : i32
    %and3A_1054 = arith.andi %ge3A_1051, %le3A_1053 : i1
    %sub3A_1055 = arith.subi %sub3A_1049, %min3A_78 : i32
    %jit3A_1056 = arith.constant 0 : i32
    %jit3A_1057 = arith.constant 4 : i32
    %max3A_1058 = arith.maxsi %jit3A_1056, %sub3A_1055 : i32
    %min3A_1059 = arith.minsi %jit3A_1057, %max3A_1058 : i32
    %jit3A_1060 = arith.constant 6.250000e-02 : f32
    %jit3A_1061 = arith.constant 0.000000e+00 : f32
    %select_n3A_1062 = arith.select %and3A_1054, %jit3A_1060, %jit3A_1061 : f32
    %broadcast_in_dim3A_1063 = vector.broadcast %select_n3A_1062 : f32 to vector<16xf32>
    %add3A_1064 = arith.constant 3 : i32
    %add3A_1065 = arith.addi %mul3A_32, %add3A_1064 : i32
    %sub3A_1066 = arith.constant 4 : i32
    %sub3A_1067 = arith.subi %add3A_1065, %sub3A_1066 : i32
    %ge3A_1068 = arith.constant 0 : i32
    %ge3A_1069 = arith.cmpi sge, %sub3A_1067, %ge3A_1068 : i32
    %le3A_1070 = arith.constant 63 : i32
    %le3A_1071 = arith.cmpi sle, %sub3A_1067, %le3A_1070 : i32
    %and3A_1072 = arith.andi %ge3A_1069, %le3A_1071 : i1
    %sub3A_1073 = arith.subi %sub3A_1067, %min3A_60 : i32
    %jit3A_1074 = arith.constant 0 : i32
    %jit3A_1075 = arith.constant 4 : i32
    %max3A_1076 = arith.maxsi %jit3A_1074, %sub3A_1073 : i32
    %min3A_1077 = arith.minsi %jit3A_1075, %max3A_1076 : i32
    %jit3A_1078 = arith.constant 6.250000e-02 : f32
    %jit3A_1079 = arith.constant 0.000000e+00 : f32
    %select_n3A_1080 = arith.select %and3A_1072, %jit3A_1078, %jit3A_1079 : f32
    %broadcast_in_dim3A_1081 = vector.broadcast %select_n3A_1080 : f32 to vector<16xf32>
    %add3A_1082 = arith.constant 3 : i32
    %add3A_1083 = arith.addi %mul3A_32, %add3A_1082 : i32
    %sub3A_1084 = arith.constant 5 : i32
    %sub3A_1085 = arith.subi %add3A_1083, %sub3A_1084 : i32
    %ge3A_1086 = arith.constant 0 : i32
    %ge3A_1087 = arith.cmpi sge, %sub3A_1085, %ge3A_1086 : i32
    %le3A_1088 = arith.constant 63 : i32
    %le3A_1089 = arith.cmpi sle, %sub3A_1085, %le3A_1088 : i32
    %and3A_1090 = arith.andi %ge3A_1087, %le3A_1089 : i1
    %sub3A_1091 = arith.subi %sub3A_1085, %min3A_66 : i32
    %jit3A_1092 = arith.constant 0 : i32
    %jit3A_1093 = arith.constant 4 : i32
    %max3A_1094 = arith.maxsi %jit3A_1092, %sub3A_1091 : i32
    %min3A_1095 = arith.minsi %jit3A_1093, %max3A_1094 : i32
    %jit3A_1096 = arith.constant 6.250000e-02 : f32
    %jit3A_1097 = arith.constant 0.000000e+00 : f32
    %select_n3A_1098 = arith.select %and3A_1090, %jit3A_1096, %jit3A_1097 : f32
    %broadcast_in_dim3A_1099 = vector.broadcast %select_n3A_1098 : f32 to vector<16xf32>
    %add3A_1100 = arith.constant 3 : i32
    %add3A_1101 = arith.addi %mul3A_32, %add3A_1100 : i32
    %sub3A_1102 = arith.constant 6 : i32
    %sub3A_1103 = arith.subi %add3A_1101, %sub3A_1102 : i32
    %ge3A_1104 = arith.constant 0 : i32
    %ge3A_1105 = arith.cmpi sge, %sub3A_1103, %ge3A_1104 : i32
    %le3A_1106 = arith.constant 63 : i32
    %le3A_1107 = arith.cmpi sle, %sub3A_1103, %le3A_1106 : i32
    %and3A_1108 = arith.andi %ge3A_1105, %le3A_1107 : i1
    %sub3A_1109 = arith.subi %sub3A_1103, %min3A_72 : i32
    %jit3A_1110 = arith.constant 0 : i32
    %jit3A_1111 = arith.constant 4 : i32
    %max3A_1112 = arith.maxsi %jit3A_1110, %sub3A_1109 : i32
    %min3A_1113 = arith.minsi %jit3A_1111, %max3A_1112 : i32
    %jit3A_1114 = arith.constant 6.250000e-02 : f32
    %jit3A_1115 = arith.constant 0.000000e+00 : f32
    %select_n3A_1116 = arith.select %and3A_1108, %jit3A_1114, %jit3A_1115 : f32
    %broadcast_in_dim3A_1117 = vector.broadcast %select_n3A_1116 : f32 to vector<16xf32>
    %add3A_1118 = arith.constant 3 : i32
    %add3A_1119 = arith.addi %mul3A_32, %add3A_1118 : i32
    %sub3A_1120 = arith.constant 7 : i32
    %sub3A_1121 = arith.subi %add3A_1119, %sub3A_1120 : i32
    %ge3A_1122 = arith.constant 0 : i32
    %ge3A_1123 = arith.cmpi sge, %sub3A_1121, %ge3A_1122 : i32
    %le3A_1124 = arith.constant 63 : i32
    %le3A_1125 = arith.cmpi sle, %sub3A_1121, %le3A_1124 : i32
    %and3A_1126 = arith.andi %ge3A_1123, %le3A_1125 : i1
    %sub3A_1127 = arith.subi %sub3A_1121, %min3A_78 : i32
    %jit3A_1128 = arith.constant 0 : i32
    %jit3A_1129 = arith.constant 4 : i32
    %max3A_1130 = arith.maxsi %jit3A_1128, %sub3A_1127 : i32
    %min3A_1131 = arith.minsi %jit3A_1129, %max3A_1130 : i32
    %jit3A_1132 = arith.constant 6.250000e-02 : f32
    %jit3A_1133 = arith.constant 0.000000e+00 : f32
    %select_n3A_1134 = arith.select %and3A_1126, %jit3A_1132, %jit3A_1133 : f32
    %broadcast_in_dim3A_1135 = vector.broadcast %select_n3A_1134 : f32 to vector<16xf32>
    %add3A_1136 = arith.constant 4 : i32
    %add3A_1137 = arith.addi %mul3A_32, %add3A_1136 : i32
    %sub3A_1138 = arith.constant 4 : i32
    %sub3A_1139 = arith.subi %add3A_1137, %sub3A_1138 : i32
    %ge3A_1140 = arith.constant 0 : i32
    %ge3A_1141 = arith.cmpi sge, %sub3A_1139, %ge3A_1140 : i32
    %le3A_1142 = arith.constant 63 : i32
    %le3A_1143 = arith.cmpi sle, %sub3A_1139, %le3A_1142 : i32
    %and3A_1144 = arith.andi %ge3A_1141, %le3A_1143 : i1
    %sub3A_1145 = arith.subi %sub3A_1139, %min3A_60 : i32
    %jit3A_1146 = arith.constant 0 : i32
    %jit3A_1147 = arith.constant 4 : i32
    %max3A_1148 = arith.maxsi %jit3A_1146, %sub3A_1145 : i32
    %min3A_1149 = arith.minsi %jit3A_1147, %max3A_1148 : i32
    %jit3A_1150 = arith.constant 6.250000e-02 : f32
    %jit3A_1151 = arith.constant 0.000000e+00 : f32
    %select_n3A_1152 = arith.select %and3A_1144, %jit3A_1150, %jit3A_1151 : f32
    %broadcast_in_dim3A_1153 = vector.broadcast %select_n3A_1152 : f32 to vector<16xf32>
    %add3A_1154 = arith.constant 4 : i32
    %add3A_1155 = arith.addi %mul3A_32, %add3A_1154 : i32
    %sub3A_1156 = arith.constant 5 : i32
    %sub3A_1157 = arith.subi %add3A_1155, %sub3A_1156 : i32
    %ge3A_1158 = arith.constant 0 : i32
    %ge3A_1159 = arith.cmpi sge, %sub3A_1157, %ge3A_1158 : i32
    %le3A_1160 = arith.constant 63 : i32
    %le3A_1161 = arith.cmpi sle, %sub3A_1157, %le3A_1160 : i32
    %and3A_1162 = arith.andi %ge3A_1159, %le3A_1161 : i1
    %sub3A_1163 = arith.subi %sub3A_1157, %min3A_66 : i32
    %jit3A_1164 = arith.constant 0 : i32
    %jit3A_1165 = arith.constant 4 : i32
    %max3A_1166 = arith.maxsi %jit3A_1164, %sub3A_1163 : i32
    %min3A_1167 = arith.minsi %jit3A_1165, %max3A_1166 : i32
    %jit3A_1168 = arith.constant 6.250000e-02 : f32
    %jit3A_1169 = arith.constant 0.000000e+00 : f32
    %select_n3A_1170 = arith.select %and3A_1162, %jit3A_1168, %jit3A_1169 : f32
    %broadcast_in_dim3A_1171 = vector.broadcast %select_n3A_1170 : f32 to vector<16xf32>
    %add3A_1172 = arith.constant 4 : i32
    %add3A_1173 = arith.addi %mul3A_32, %add3A_1172 : i32
    %sub3A_1174 = arith.constant 6 : i32
    %sub3A_1175 = arith.subi %add3A_1173, %sub3A_1174 : i32
    %ge3A_1176 = arith.constant 0 : i32
    %ge3A_1177 = arith.cmpi sge, %sub3A_1175, %ge3A_1176 : i32
    %le3A_1178 = arith.constant 63 : i32
    %le3A_1179 = arith.cmpi sle, %sub3A_1175, %le3A_1178 : i32
    %and3A_1180 = arith.andi %ge3A_1177, %le3A_1179 : i1
    %sub3A_1181 = arith.subi %sub3A_1175, %min3A_72 : i32
    %jit3A_1182 = arith.constant 0 : i32
    %jit3A_1183 = arith.constant 4 : i32
    %max3A_1184 = arith.maxsi %jit3A_1182, %sub3A_1181 : i32
    %min3A_1185 = arith.minsi %jit3A_1183, %max3A_1184 : i32
    %jit3A_1186 = arith.constant 6.250000e-02 : f32
    %jit3A_1187 = arith.constant 0.000000e+00 : f32
    %select_n3A_1188 = arith.select %and3A_1180, %jit3A_1186, %jit3A_1187 : f32
    %broadcast_in_dim3A_1189 = vector.broadcast %select_n3A_1188 : f32 to vector<16xf32>
    %add3A_1190 = arith.constant 4 : i32
    %add3A_1191 = arith.addi %mul3A_32, %add3A_1190 : i32
    %sub3A_1192 = arith.constant 7 : i32
    %sub3A_1193 = arith.subi %add3A_1191, %sub3A_1192 : i32
    %ge3A_1194 = arith.constant 0 : i32
    %ge3A_1195 = arith.cmpi sge, %sub3A_1193, %ge3A_1194 : i32
    %le3A_1196 = arith.constant 63 : i32
    %le3A_1197 = arith.cmpi sle, %sub3A_1193, %le3A_1196 : i32
    %and3A_1198 = arith.andi %ge3A_1195, %le3A_1197 : i1
    %sub3A_1199 = arith.subi %sub3A_1193, %min3A_78 : i32
    %jit3A_1200 = arith.constant 0 : i32
    %jit3A_1201 = arith.constant 4 : i32
    %max3A_1202 = arith.maxsi %jit3A_1200, %sub3A_1199 : i32
    %min3A_1203 = arith.minsi %jit3A_1201, %max3A_1202 : i32
    %jit3A_1204 = arith.constant 6.250000e-02 : f32
    %jit3A_1205 = arith.constant 0.000000e+00 : f32
    %select_n3A_1206 = arith.select %and3A_1198, %jit3A_1204, %jit3A_1205 : f32
    %broadcast_in_dim3A_1207 = vector.broadcast %select_n3A_1206 : f32 to vector<16xf32>
    %parallel_loop3A_1208 = arith.constant 0 : i32
    %parallel_loop3A_1209 = arith.constant 64 : i32
    %parallel_loop3A_1210 = arith.constant 1 : i32
    scf.for %parallel_loop3A_2166 = %parallel_loop3A_1208 to %parallel_loop3A_1209 step %parallel_loop3A_1210  : i32 {
      %parallel_loop3A_2167 = arith.constant 16 : i32
      %parallel_loop3A_2168 = arith.muli %parallel_loop3A_2166, %parallel_loop3A_2167 : i32
      %parallel_loop3A_2169 = arith.constant 0 : i32
      %parallel_loop3A_2170 = arith.addi %parallel_loop3A_2169, %parallel_loop3A_2168 : i32
      %parallel_loop3A_2171 = arith.index_cast %parallel_loop3A_2170 : i32 to index
      %parallel_loop3A_2172 = tpu.vector_load %arg9[%parallel_loop3A_2171] {strides = array<i32>} : memref<5120xf32, #tpu.memory_space<vmem>>, vector<16xf32>,
      %parallel_loop3A_2173 = vector.shape_cast %parallel_loop3A_2172 : vector<16xf32> to vector<16xf32>
      %parallel_loop3A_2174 = arith.constant 0 : i32
      %parallel_loop3A_2175 = arith.addi %parallel_loop3A_2174, %sub3A_188 : i32
      %parallel_loop3A_2176 = arith.constant 1024 : i32
      %parallel_loop3A_2177 = arith.muli %parallel_loop3A_2175, %parallel_loop3A_2176 : i32
      %parallel_loop3A_2178 = arith.addi %parallel_loop3A_2177, %parallel_loop3A_2168 : i32
      %parallel_loop3A_2179 = arith.index_cast %parallel_loop3A_2178 : i32 to index
      %parallel_loop3A_2180 = tpu.vector_load %arg8[%parallel_loop3A_2179] {strides = array<i32>} : memref<5120xf32, #tpu.memory_space<vmem>>, vector<16xf32>,
      %parallel_loop3A_2181 = vector.shape_cast %parallel_loop3A_2180 : vector<16xf32> to vector<16xf32>
      %parallel_loop3A_2182 = arith.addf %parallel_loop3A_2173, %parallel_loop3A_2181 : vector<16xf32>
      %parallel_loop3A_2183 = arith.constant 0 : i32
      %parallel_loop3A_2184 = arith.index_cast %parallel_loop3A_2183 : i32 to index
      %parallel_loop3A_2185 = arith.index_cast %min3A_861 : i32 to index
      %parallel_loop3A_2186 = arith.index_cast %parallel_loop3A_2168 : i32 to index
      %parallel_loop3A_2187 = tpu.vector_load %arg7[%parallel_loop3A_2184, %parallel_loop3A_2185, %parallel_loop3A_2186] {strides = array<i32>} : memref<4x5x1024xf32, #tpu.memory_space<vmem>>, vector<1x1x16xf32>,
      %parallel_loop3A_2188 = vector.shape_cast %parallel_loop3A_2187 : vector<1x1x16xf32> to vector<16xf32>
      %parallel_loop3A_2189 = arith.mulf %parallel_loop3A_2188, %broadcast_in_dim3A_865 : vector<16xf32>
      %parallel_loop3A_2190 = arith.addf %parallel_loop3A_2182, %parallel_loop3A_2189 : vector<16xf32>
      %parallel_loop3A_2191 = arith.constant 1 : i32
      %parallel_loop3A_2192 = arith.index_cast %parallel_loop3A_2191 : i32 to index
      %parallel_loop3A_2193 = arith.index_cast %min3A_879 : i32 to index
      %parallel_loop3A_2194 = arith.index_cast %parallel_loop3A_2168 : i32 to index
      %parallel_loop3A_2195 = tpu.vector_load %arg7[%parallel_loop3A_2192, %parallel_loop3A_2193, %parallel_loop3A_2194] {strides = array<i32>} : memref<4x5x1024xf32, #tpu.memory_space<vmem>>, vector<1x1x16xf32>,
      %parallel_loop3A_2196 = vector.shape_cast %parallel_loop3A_2195 : vector<1x1x16xf32> to vector<16xf32>
      %parallel_loop3A_2197 = arith.mulf %parallel_loop3A_2196, %broadcast_in_dim3A_883 : vector<16xf32>
      %parallel_loop3A_2198 = arith.addf %parallel_loop3A_2190, %parallel_loop3A_2197 : vector<16xf32>
      %parallel_loop3A_2199 = arith.constant 2 : i32
      %parallel_loop3A_2200 = arith.index_cast %parallel_loop3A_2199 : i32 to index
      %parallel_loop3A_2201 = arith.index_cast %min3A_897 : i32 to index
      %parallel_loop3A_2202 = arith.index_cast %parallel_loop3A_2168 : i32 to index
      %parallel_loop3A_2203 = tpu.vector_load %arg7[%parallel_loop3A_2200, %parallel_loop3A_2201, %parallel_loop3A_2202] {strides = array<i32>} : memref<4x5x1024xf32, #tpu.memory_space<vmem>>, vector<1x1x16xf32>,
      %parallel_loop3A_2204 = vector.shape_cast %parallel_loop3A_2203 : vector<1x1x16xf32> to vector<16xf32>
      %parallel_loop3A_2205 = arith.mulf %parallel_loop3A_2204, %broadcast_in_dim3A_901 : vector<16xf32>
      %parallel_loop3A_2206 = arith.addf %parallel_loop3A_2198, %parallel_loop3A_2205 : vector<16xf32>
      %parallel_loop3A_2207 = arith.constant 3 : i32
      %parallel_loop3A_2208 = arith.index_cast %parallel_loop3A_2207 : i32 to index
      %parallel_loop3A_2209 = arith.index_cast %min3A_915 : i32 to index
      %parallel_loop3A_2210 = arith.index_cast %parallel_loop3A_2168 : i32 to index
      %parallel_loop3A_2211 = tpu.vector_load %arg7[%parallel_loop3A_2208, %parallel_loop3A_2209, %parallel_loop3A_2210] {strides = array<i32>} : memref<4x5x1024xf32, #tpu.memory_space<vmem>>, vector<1x1x16xf32>,
      %parallel_loop3A_2212 = vector.shape_cast %parallel_loop3A_2211 : vector<1x1x16xf32> to vector<16xf32>
      %parallel_loop3A_2213 = arith.mulf %parallel_loop3A_2212, %broadcast_in_dim3A_919 : vector<16xf32>
      %parallel_loop3A_2214 = arith.addf %parallel_loop3A_2206, %parallel_loop3A_2213 : vector<16xf32>
      %parallel_loop3A_2215 = arith.constant 0 : i32
      %parallel_loop3A_2216 = arith.addi %parallel_loop3A_2215, %parallel_loop3A_2168 : i32
      %parallel_loop3A_2217 = arith.index_cast %parallel_loop3A_2216 : i32 to index
      %parallel_loop3A_2218 = tpu.vector_load %arg9[%parallel_loop3A_2217] {strides = array<i32>} : memref<5120xf32, #tpu.memory_space<vmem>>, vector<16xf32>,
      %parallel_loop3A_2219 = vector.shape_cast %parallel_loop3A_2218 : vector<16xf32> to vector<16xf32>
      %parallel_loop3A_2220 = vector.shape_cast %parallel_loop3A_2214 : vector<16xf32> to vector<16xf32>
      tpu.vector_store %arg9[%parallel_loop3A_2217], %parallel_loop3A_2220 {strides = array<i32>} : memref<5120xf32, #tpu.memory_space<vmem>>, vector<16xf32>,
      %parallel_loop3A_2221 = arith.constant 1024 : i32
      %parallel_loop3A_2222 = arith.addi %parallel_loop3A_2221, %parallel_loop3A_2168 : i32
      %parallel_loop3A_2223 = arith.index_cast %parallel_loop3A_2222 : i32 to index
      %parallel_loop3A_2224 = tpu.vector_load %arg9[%parallel_loop3A_2223] {strides = array<i32>} : memref<5120xf32, #tpu.memory_space<vmem>>, vector<16xf32>,
      %parallel_loop3A_2225 = vector.shape_cast %parallel_loop3A_2224 : vector<16xf32> to vector<16xf32>
      %parallel_loop3A_2226 = arith.constant 1 : i32
      %parallel_loop3A_2227 = arith.addi %parallel_loop3A_2226, %sub3A_188 : i32
      %parallel_loop3A_2228 = arith.constant 1024 : i32
      %parallel_loop3A_2229 = arith.muli %parallel_loop3A_2227, %parallel_loop3A_2228 : i32
      %parallel_loop3A_2230 = arith.addi %parallel_loop3A_2229, %parallel_loop3A_2168 : i32
      %parallel_loop3A_2231 = arith.index_cast %parallel_loop3A_2230 : i32 to index
      %parallel_loop3A_2232 = tpu.vector_load %arg8[%parallel_loop3A_2231] {strides = array<i32>} : memref<5120xf32, #tpu.memory_space<vmem>>, vector<16xf32>,
      %parallel_loop3A_2233 = vector.shape_cast %parallel_loop3A_2232 : vector<16xf32> to vector<16xf32>
      %parallel_loop3A_2234 = arith.addf %parallel_loop3A_2225, %parallel_loop3A_2233 : vector<16xf32>
      %parallel_loop3A_2235 = arith.constant 0 : i32
      %parallel_loop3A_2236 = arith.index_cast %parallel_loop3A_2235 : i32 to index
      %parallel_loop3A_2237 = arith.index_cast %min3A_933 : i32 to index
      %parallel_loop3A_2238 = arith.index_cast %parallel_loop3A_2168 : i32 to index
      %parallel_loop3A_2239 = tpu.vector_load %arg7[%parallel_loop3A_2236, %parallel_loop3A_2237, %parallel_loop3A_2238] {strides = array<i32>} : memref<4x5x1024xf32, #tpu.memory_space<vmem>>, vector<1x1x16xf32>,
      %parallel_loop3A_2240 = vector.shape_cast %parallel_loop3A_2239 : vector<1x1x16xf32> to vector<16xf32>
      %parallel_loop3A_2241 = arith.mulf %parallel_loop3A_2240, %broadcast_in_dim3A_937 : vector<16xf32>
      %parallel_loop3A_2242 = arith.addf %parallel_loop3A_2234, %parallel_loop3A_2241 : vector<16xf32>
      %parallel_loop3A_2243 = arith.constant 1 : i32
      %parallel_loop3A_2244 = arith.index_cast %parallel_loop3A_2243 : i32 to index
      %parallel_loop3A_2245 = arith.index_cast %min3A_951 : i32 to index
      %parallel_loop3A_2246 = arith.index_cast %parallel_loop3A_2168 : i32 to index
      %parallel_loop3A_2247 = tpu.vector_load %arg7[%parallel_loop3A_2244, %parallel_loop3A_2245, %parallel_loop3A_2246] {strides = array<i32>} : memref<4x5x1024xf32, #tpu.memory_space<vmem>>, vector<1x1x16xf32>,
      %parallel_loop3A_2248 = vector.shape_cast %parallel_loop3A_2247 : vector<1x1x16xf32> to vector<16xf32>
      %parallel_loop3A_2249 = arith.mulf %parallel_loop3A_2248, %broadcast_in_dim3A_955 : vector<16xf32>
      %parallel_loop3A_2250 = arith.addf %parallel_loop3A_2242, %parallel_loop3A_2249 : vector<16xf32>
      %parallel_loop3A_2251 = arith.constant 2 : i32
      %parallel_loop3A_2252 = arith.index_cast %parallel_loop3A_2251 : i32 to index
      %parallel_loop3A_2253 = arith.index_cast %min3A_969 : i32 to index
      %parallel_loop3A_2254 = arith.index_cast %parallel_loop3A_2168 : i32 to index
      %parallel_loop3A_2255 = tpu.vector_load %arg7[%parallel_loop3A_2252, %parallel_loop3A_2253, %parallel_loop3A_2254] {strides = array<i32>} : memref<4x5x1024xf32, #tpu.memory_space<vmem>>, vector<1x1x16xf32>,
      %parallel_loop3A_2256 = vector.shape_cast %parallel_loop3A_2255 : vector<1x1x16xf32> to vector<16xf32>
      %parallel_loop3A_2257 = arith.mulf %parallel_loop3A_2256, %broadcast_in_dim3A_973 : vector<16xf32>
      %parallel_loop3A_2258 = arith.addf %parallel_loop3A_2250, %parallel_loop3A_2257 : vector<16xf32>
      %parallel_loop3A_2259 = arith.constant 3 : i32
      %parallel_loop3A_2260 = arith.index_cast %parallel_loop3A_2259 : i32 to index
      %parallel_loop3A_2261 = arith.index_cast %min3A_987 : i32 to index
      %parallel_loop3A_2262 = arith.index_cast %parallel_loop3A_2168 : i32 to index
      %parallel_loop3A_2263 = tpu.vector_load %arg7[%parallel_loop3A_2260, %parallel_loop3A_2261, %parallel_loop3A_2262] {strides = array<i32>} : memref<4x5x1024xf32, #tpu.memory_space<vmem>>, vector<1x1x16xf32>,
      %parallel_loop3A_2264 = vector.shape_cast %parallel_loop3A_2263 : vector<1x1x16xf32> to vector<16xf32>
      %parallel_loop3A_2265 = arith.mulf %parallel_loop3A_2264, %broadcast_in_dim3A_991 : vector<16xf32>
      %parallel_loop3A_2266 = arith.addf %parallel_loop3A_2258, %parallel_loop3A_2265 : vector<16xf32>
      %parallel_loop3A_2267 = arith.constant 1024 : i32
      %parallel_loop3A_2268 = arith.addi %parallel_loop3A_2267, %parallel_loop3A_2168 : i32
      %parallel_loop3A_2269 = arith.index_cast %parallel_loop3A_2268 : i32 to index
      %parallel_loop3A_2270 = tpu.vector_load %arg9[%parallel_loop3A_2269] {strides = array<i32>} : memref<5120xf32, #tpu.memory_space<vmem>>, vector<16xf32>,
      %parallel_loop3A_2271 = vector.shape_cast %parallel_loop3A_2270 : vector<16xf32> to vector<16xf32>
      %parallel_loop3A_2272 = vector.shape_cast %parallel_loop3A_2266 : vector<16xf32> to vector<16xf32>
      tpu.vector_store %arg9[%parallel_loop3A_2269], %parallel_loop3A_2272 {strides = array<i32>} : memref<5120xf32, #tpu.memory_space<vmem>>, vector<16xf32>,
      %parallel_loop3A_2273 = arith.constant 2048 : i32
      %parallel_loop3A_2274 = arith.addi %parallel_loop3A_2273, %parallel_loop3A_2168 : i32
      %parallel_loop3A_2275 = arith.index_cast %parallel_loop3A_2274 : i32 to index
      %parallel_loop3A_2276 = tpu.vector_load %arg9[%parallel_loop3A_2275] {strides = array<i32>} : memref<5120xf32, #tpu.memory_space<vmem>>, vector<16xf32>,
      %parallel_loop3A_2277 = vector.shape_cast %parallel_loop3A_2276 : vector<16xf32> to vector<16xf32>
      %parallel_loop3A_2278 = arith.constant 2 : i32
      %parallel_loop3A_2279 = arith.addi %parallel_loop3A_2278, %sub3A_188 : i32
      %parallel_loop3A_2280 = arith.constant 1024 : i32
      %parallel_loop3A_2281 = arith.muli %parallel_loop3A_2279, %parallel_loop3A_2280 : i32
      %parallel_loop3A_2282 = arith.addi %parallel_loop3A_2281, %parallel_loop3A_2168 : i32
      %parallel_loop3A_2283 = arith.index_cast %parallel_loop3A_2282 : i32 to index
      %parallel_loop3A_2284 = tpu.vector_load %arg8[%parallel_loop3A_2283] {strides = array<i32>} : memref<5120xf32, #tpu.memory_space<vmem>>, vector<16xf32>,
      %parallel_loop3A_2285 = vector.shape_cast %parallel_loop3A_2284 : vector<16xf32> to vector<16xf32>
      %parallel_loop3A_2286 = arith.addf %parallel_loop3A_2277, %parallel_loop3A_2285 : vector<16xf32>
      %parallel_loop3A_2287 = arith.constant 0 : i32
      %parallel_loop3A_2288 = arith.index_cast %parallel_loop3A_2287 : i32 to index
      %parallel_loop3A_2289 = arith.index_cast %min3A_1005 : i32 to index
      %parallel_loop3A_2290 = arith.index_cast %parallel_loop3A_2168 : i32 to index
      %parallel_loop3A_2291 = tpu.vector_load %arg7[%parallel_loop3A_2288, %parallel_loop3A_2289, %parallel_loop3A_2290] {strides = array<i32>} : memref<4x5x1024xf32, #tpu.memory_space<vmem>>, vector<1x1x16xf32>,
      %parallel_loop3A_2292 = vector.shape_cast %parallel_loop3A_2291 : vector<1x1x16xf32> to vector<16xf32>
      %parallel_loop3A_2293 = arith.mulf %parallel_loop3A_2292, %broadcast_in_dim3A_1009 : vector<16xf32>
      %parallel_loop3A_2294 = arith.addf %parallel_loop3A_2286, %parallel_loop3A_2293 : vector<16xf32>
      %parallel_loop3A_2295 = arith.constant 1 : i32
      %parallel_loop3A_2296 = arith.index_cast %parallel_loop3A_2295 : i32 to index
      %parallel_loop3A_2297 = arith.index_cast %min3A_1023 : i32 to index
      %parallel_loop3A_2298 = arith.index_cast %parallel_loop3A_2168 : i32 to index
      %parallel_loop3A_2299 = tpu.vector_load %arg7[%parallel_loop3A_2296, %parallel_loop3A_2297, %parallel_loop3A_2298] {strides = array<i32>} : memref<4x5x1024xf32, #tpu.memory_space<vmem>>, vector<1x1x16xf32>,
      %parallel_loop3A_2300 = vector.shape_cast %parallel_loop3A_2299 : vector<1x1x16xf32> to vector<16xf32>
      %parallel_loop3A_2301 = arith.mulf %parallel_loop3A_2300, %broadcast_in_dim3A_1027 : vector<16xf32>
      %parallel_loop3A_2302 = arith.addf %parallel_loop3A_2294, %parallel_loop3A_2301 : vector<16xf32>
      %parallel_loop3A_2303 = arith.constant 2 : i32
      %parallel_loop3A_2304 = arith.index_cast %parallel_loop3A_2303 : i32 to index
      %parallel_loop3A_2305 = arith.index_cast %min3A_1041 : i32 to index
      %parallel_loop3A_2306 = arith.index_cast %parallel_loop3A_2168 : i32 to index
      %parallel_loop3A_2307 = tpu.vector_load %arg7[%parallel_loop3A_2304, %parallel_loop3A_2305, %parallel_loop3A_2306] {strides = array<i32>} : memref<4x5x1024xf32, #tpu.memory_space<vmem>>, vector<1x1x16xf32>,
      %parallel_loop3A_2308 = vector.shape_cast %parallel_loop3A_2307 : vector<1x1x16xf32> to vector<16xf32>
      %parallel_loop3A_2309 = arith.mulf %parallel_loop3A_2308, %broadcast_in_dim3A_1045 : vector<16xf32>
      %parallel_loop3A_2310 = arith.addf %parallel_loop3A_2302, %parallel_loop3A_2309 : vector<16xf32>
      %parallel_loop3A_2311 = arith.constant 3 : i32
      %parallel_loop3A_2312 = arith.index_cast %parallel_loop3A_2311 : i32 to index
      %parallel_loop3A_2313 = arith.index_cast %min3A_1059 : i32 to index
      %parallel_loop3A_2314 = arith.index_cast %parallel_loop3A_2168 : i32 to index
      %parallel_loop3A_2315 = tpu.vector_load %arg7[%parallel_loop3A_2312, %parallel_loop3A_2313, %parallel_loop3A_2314] {strides = array<i32>} : memref<4x5x1024xf32, #tpu.memory_space<vmem>>, vector<1x1x16xf32>,
      %parallel_loop3A_2316 = vector.shape_cast %parallel_loop3A_2315 : vector<1x1x16xf32> to vector<16xf32>
      %parallel_loop3A_2317 = arith.mulf %parallel_loop3A_2316, %broadcast_in_dim3A_1063 : vector<16xf32>
      %parallel_loop3A_2318 = arith.addf %parallel_loop3A_2310, %parallel_loop3A_2317 : vector<16xf32>
      %parallel_loop3A_2319 = arith.constant 2048 : i32
      %parallel_loop3A_2320 = arith.addi %parallel_loop3A_2319, %parallel_loop3A_2168 : i32
      %parallel_loop3A_2321 = arith.index_cast %parallel_loop3A_2320 : i32 to index
      %parallel_loop3A_2322 = tpu.vector_load %arg9[%parallel_loop3A_2321] {strides = array<i32>} : memref<5120xf32, #tpu.memory_space<vmem>>, vector<16xf32>,
      %parallel_loop3A_2323 = vector.shape_cast %parallel_loop3A_2322 : vector<16xf32> to vector<16xf32>
      %parallel_loop3A_2324 = vector.shape_cast %parallel_loop3A_2318 : vector<16xf32> to vector<16xf32>
      tpu.vector_store %arg9[%parallel_loop3A_2321], %parallel_loop3A_2324 {strides = array<i32>} : memref<5120xf32, #tpu.memory_space<vmem>>, vector<16xf32>,
      %parallel_loop3A_2325 = arith.constant 3072 : i32
      %parallel_loop3A_2326 = arith.addi %parallel_loop3A_2325, %parallel_loop3A_2168 : i32
      %parallel_loop3A_2327 = arith.index_cast %parallel_loop3A_2326 : i32 to index
      %parallel_loop3A_2328 = tpu.vector_load %arg9[%parallel_loop3A_2327] {strides = array<i32>} : memref<5120xf32, #tpu.memory_space<vmem>>, vector<16xf32>,
      %parallel_loop3A_2329 = vector.shape_cast %parallel_loop3A_2328 : vector<16xf32> to vector<16xf32>
      %parallel_loop3A_2330 = arith.constant 3 : i32
      %parallel_loop3A_2331 = arith.addi %parallel_loop3A_2330, %sub3A_188 : i32
      %parallel_loop3A_2332 = arith.constant 1024 : i32
      %parallel_loop3A_2333 = arith.muli %parallel_loop3A_2331, %parallel_loop3A_2332 : i32
      %parallel_loop3A_2334 = arith.addi %parallel_loop3A_2333, %parallel_loop3A_2168 : i32
      %parallel_loop3A_2335 = arith.index_cast %parallel_loop3A_2334 : i32 to index
      %parallel_loop3A_2336 = tpu.vector_load %arg8[%parallel_loop3A_2335] {strides = array<i32>} : memref<5120xf32, #tpu.memory_space<vmem>>, vector<16xf32>,
      %parallel_loop3A_2337 = vector.shape_cast %parallel_loop3A_2336 : vector<16xf32> to vector<16xf32>
      %parallel_loop3A_2338 = arith.addf %parallel_loop3A_2329, %parallel_loop3A_2337 : vector<16xf32>
      %parallel_loop3A_2339 = arith.constant 0 : i32
      %parallel_loop3A_2340 = arith.index_cast %parallel_loop3A_2339 : i32 to index
      %parallel_loop3A_2341 = arith.index_cast %min3A_1077 : i32 to index
      %parallel_loop3A_2342 = arith.index_cast %parallel_loop3A_2168 : i32 to index
      %parallel_loop3A_2343 = tpu.vector_load %arg7[%parallel_loop3A_2340, %parallel_loop3A_2341, %parallel_loop3A_2342] {strides = array<i32>} : memref<4x5x1024xf32, #tpu.memory_space<vmem>>, vector<1x1x16xf32>,
      %parallel_loop3A_2344 = vector.shape_cast %parallel_loop3A_2343 : vector<1x1x16xf32> to vector<16xf32>
      %parallel_loop3A_2345 = arith.mulf %parallel_loop3A_2344, %broadcast_in_dim3A_1081 : vector<16xf32>
      %parallel_loop3A_2346 = arith.addf %parallel_loop3A_2338, %parallel_loop3A_2345 : vector<16xf32>
      %parallel_loop3A_2347 = arith.constant 1 : i32
      %parallel_loop3A_2348 = arith.index_cast %parallel_loop3A_2347 : i32 to index
      %parallel_loop3A_2349 = arith.index_cast %min3A_1095 : i32 to index
      %parallel_loop3A_2350 = arith.index_cast %parallel_loop3A_2168 : i32 to index
      %parallel_loop3A_2351 = tpu.vector_load %arg7[%parallel_loop3A_2348, %parallel_loop3A_2349, %parallel_loop3A_2350] {strides = array<i32>} : memref<4x5x1024xf32, #tpu.memory_space<vmem>>, vector<1x1x16xf32>,
      %parallel_loop3A_2352 = vector.shape_cast %parallel_loop3A_2351 : vector<1x1x16xf32> to vector<16xf32>
      %parallel_loop3A_2353 = arith.mulf %parallel_loop3A_2352, %broadcast_in_dim3A_1099 : vector<16xf32>
      %parallel_loop3A_2354 = arith.addf %parallel_loop3A_2346, %parallel_loop3A_2353 : vector<16xf32>
      %parallel_loop3A_2355 = arith.constant 2 : i32
      %parallel_loop3A_2356 = arith.index_cast %parallel_loop3A_2355 : i32 to index
      %parallel_loop3A_2357 = arith.index_cast %min3A_1113 : i32 to index
      %parallel_loop3A_2358 = arith.index_cast %parallel_loop3A_2168 : i32 to index
      %parallel_loop3A_2359 = tpu.vector_load %arg7[%parallel_loop3A_2356, %parallel_loop3A_2357, %parallel_loop3A_2358] {strides = array<i32>} : memref<4x5x1024xf32, #tpu.memory_space<vmem>>, vector<1x1x16xf32>,
      %parallel_loop3A_2360 = vector.shape_cast %parallel_loop3A_2359 : vector<1x1x16xf32> to vector<16xf32>
      %parallel_loop3A_2361 = arith.mulf %parallel_loop3A_2360, %broadcast_in_dim3A_1117 : vector<16xf32>
      %parallel_loop3A_2362 = arith.addf %parallel_loop3A_2354, %parallel_loop3A_2361 : vector<16xf32>
      %parallel_loop3A_2363 = arith.constant 3 : i32
      %parallel_loop3A_2364 = arith.index_cast %parallel_loop3A_2363 : i32 to index
      %parallel_loop3A_2365 = arith.index_cast %min3A_1131 : i32 to index
      %parallel_loop3A_2366 = arith.index_cast %parallel_loop3A_2168 : i32 to index
      %parallel_loop3A_2367 = tpu.vector_load %arg7[%parallel_loop3A_2364, %parallel_loop3A_2365, %parallel_loop3A_2366] {strides = array<i32>} : memref<4x5x1024xf32, #tpu.memory_space<vmem>>, vector<1x1x16xf32>,
      %parallel_loop3A_2368 = vector.shape_cast %parallel_loop3A_2367 : vector<1x1x16xf32> to vector<16xf32>
      %parallel_loop3A_2369 = arith.mulf %parallel_loop3A_2368, %broadcast_in_dim3A_1135 : vector<16xf32>
      %parallel_loop3A_2370 = arith.addf %parallel_loop3A_2362, %parallel_loop3A_2369 : vector<16xf32>
      %parallel_loop3A_2371 = arith.constant 3072 : i32
      %parallel_loop3A_2372 = arith.addi %parallel_loop3A_2371, %parallel_loop3A_2168 : i32
      %parallel_loop3A_2373 = arith.index_cast %parallel_loop3A_2372 : i32 to index
      %parallel_loop3A_2374 = tpu.vector_load %arg9[%parallel_loop3A_2373] {strides = array<i32>} : memref<5120xf32, #tpu.memory_space<vmem>>, vector<16xf32>,
      %parallel_loop3A_2375 = vector.shape_cast %parallel_loop3A_2374 : vector<16xf32> to vector<16xf32>
      %parallel_loop3A_2376 = vector.shape_cast %parallel_loop3A_2370 : vector<16xf32> to vector<16xf32>
      tpu.vector_store %arg9[%parallel_loop3A_2373], %parallel_loop3A_2376 {strides = array<i32>} : memref<5120xf32, #tpu.memory_space<vmem>>, vector<16xf32>,
      %parallel_loop3A_2377 = arith.constant 4096 : i32
      %parallel_loop3A_2378 = arith.addi %parallel_loop3A_2377, %parallel_loop3A_2168 : i32
      %parallel_loop3A_2379 = arith.index_cast %parallel_loop3A_2378 : i32 to index
      %parallel_loop3A_2380 = tpu.vector_load %arg9[%parallel_loop3A_2379] {strides = array<i32>} : memref<5120xf32, #tpu.memory_space<vmem>>, vector<16xf32>,
      %parallel_loop3A_2381 = vector.shape_cast %parallel_loop3A_2380 : vector<16xf32> to vector<16xf32>
      %parallel_loop3A_2382 = arith.constant 4 : i32
      %parallel_loop3A_2383 = arith.addi %parallel_loop3A_2382, %sub3A_188 : i32
      %parallel_loop3A_2384 = arith.constant 1024 : i32
      %parallel_loop3A_2385 = arith.muli %parallel_loop3A_2383, %parallel_loop3A_2384 : i32
      %parallel_loop3A_2386 = arith.addi %parallel_loop3A_2385, %parallel_loop3A_2168 : i32
      %parallel_loop3A_2387 = arith.index_cast %parallel_loop3A_2386 : i32 to index
      %parallel_loop3A_2388 = tpu.vector_load %arg8[%parallel_loop3A_2387] {strides = array<i32>} : memref<5120xf32, #tpu.memory_space<vmem>>, vector<16xf32>,
      %parallel_loop3A_2389 = vector.shape_cast %parallel_loop3A_2388 : vector<16xf32> to vector<16xf32>
      %parallel_loop3A_2390 = arith.addf %parallel_loop3A_2381, %parallel_loop3A_2389 : vector<16xf32>
      %parallel_loop3A_2391 = arith.constant 0 : i32
      %parallel_loop3A_2392 = arith.index_cast %parallel_loop3A_2391 : i32 to index
      %parallel_loop3A_2393 = arith.index_cast %min3A_1149 : i32 to index
      %parallel_loop3A_2394 = arith.index_cast %parallel_loop3A_2168 : i32 to index
      %parallel_loop3A_2395 = tpu.vector_load %arg7[%parallel_loop3A_2392, %parallel_loop3A_2393, %parallel_loop3A_2394] {strides = array<i32>} : memref<4x5x1024xf32, #tpu.memory_space<vmem>>, vector<1x1x16xf32>,
      %parallel_loop3A_2396 = vector.shape_cast %parallel_loop3A_2395 : vector<1x1x16xf32> to vector<16xf32>
      %parallel_loop3A_2397 = arith.mulf %parallel_loop3A_2396, %broadcast_in_dim3A_1153 : vector<16xf32>
      %parallel_loop3A_2398 = arith.addf %parallel_loop3A_2390, %parallel_loop3A_2397 : vector<16xf32>
      %parallel_loop3A_2399 = arith.constant 1 : i32
      %parallel_loop3A_2400 = arith.index_cast %parallel_loop3A_2399 : i32 to index
      %parallel_loop3A_2401 = arith.index_cast %min3A_1167 : i32 to index
      %parallel_loop3A_2402 = arith.index_cast %parallel_loop3A_2168 : i32 to index
      %parallel_loop3A_2403 = tpu.vector_load %arg7[%parallel_loop3A_2400, %parallel_loop3A_2401, %parallel_loop3A_2402] {strides = array<i32>} : memref<4x5x1024xf32, #tpu.memory_space<vmem>>, vector<1x1x16xf32>,
      %parallel_loop3A_2404 = vector.shape_cast %parallel_loop3A_2403 : vector<1x1x16xf32> to vector<16xf32>
      %parallel_loop3A_2405 = arith.mulf %parallel_loop3A_2404, %broadcast_in_dim3A_1171 : vector<16xf32>
      %parallel_loop3A_2406 = arith.addf %parallel_loop3A_2398, %parallel_loop3A_2405 : vector<16xf32>
      %parallel_loop3A_2407 = arith.constant 2 : i32
      %parallel_loop3A_2408 = arith.index_cast %parallel_loop3A_2407 : i32 to index
      %parallel_loop3A_2409 = arith.index_cast %min3A_1185 : i32 to index
      %parallel_loop3A_2410 = arith.index_cast %parallel_loop3A_2168 : i32 to index
      %parallel_loop3A_2411 = tpu.vector_load %arg7[%parallel_loop3A_2408, %parallel_loop3A_2409, %parallel_loop3A_2410] {strides = array<i32>} : memref<4x5x1024xf32, #tpu.memory_space<vmem>>, vector<1x1x16xf32>,
      %parallel_loop3A_2412 = vector.shape_cast %parallel_loop3A_2411 : vector<1x1x16xf32> to vector<16xf32>
      %parallel_loop3A_2413 = arith.mulf %parallel_loop3A_2412, %broadcast_in_dim3A_1189 : vector<16xf32>
      %parallel_loop3A_2414 = arith.addf %parallel_loop3A_2406, %parallel_loop3A_2413 : vector<16xf32>
      %parallel_loop3A_2415 = arith.constant 3 : i32
      %parallel_loop3A_2416 = arith.index_cast %parallel_loop3A_2415 : i32 to index
      %parallel_loop3A_2417 = arith.index_cast %min3A_1203 : i32 to index
      %parallel_loop3A_2418 = arith.index_cast %parallel_loop3A_2168 : i32 to index
      %parallel_loop3A_2419 = tpu.vector_load %arg7[%parallel_loop3A_2416, %parallel_loop3A_2417, %parallel_loop3A_2418] {strides = array<i32>} : memref<4x5x1024xf32, #tpu.memory_space<vmem>>, vector<1x1x16xf32>,
      %parallel_loop3A_2420 = vector.shape_cast %parallel_loop3A_2419 : vector<1x1x16xf32> to vector<16xf32>
      %parallel_loop3A_2421 = arith.mulf %parallel_loop3A_2420, %broadcast_in_dim3A_1207 : vector<16xf32>
      %parallel_loop3A_2422 = arith.addf %parallel_loop3A_2414, %parallel_loop3A_2421 : vector<16xf32>
      %parallel_loop3A_2423 = arith.constant 4096 : i32
      %parallel_loop3A_2424 = arith.addi %parallel_loop3A_2423, %parallel_loop3A_2168 : i32
      %parallel_loop3A_2425 = arith.index_cast %parallel_loop3A_2424 : i32 to index
      %parallel_loop3A_2426 = tpu.vector_load %arg9[%parallel_loop3A_2425] {strides = array<i32>} : memref<5120xf32, #tpu.memory_space<vmem>>, vector<16xf32>,
      %parallel_loop3A_2427 = vector.shape_cast %parallel_loop3A_2426 : vector<16xf32> to vector<16xf32>
      %parallel_loop3A_2428 = vector.shape_cast %parallel_loop3A_2422 : vector<16xf32> to vector<16xf32>
      tpu.vector_store %arg9[%parallel_loop3A_2425], %parallel_loop3A_2428 {strides = array<i32>} : memref<5120xf32, #tpu.memory_space<vmem>>, vector<16xf32>,
    } {sc.loop_unroll_factor = 1 : i64, sc.parallel_access}
    %dma_start3A_1211 = arith.constant 0 : i32
    %dma_start3A_1212 = arith.constant 0 : i32
    %dma_start3A_1213 = arith.constant 0 : i32
    %dma_start3A_1214 = tpu.memref_slice %arg7[%dma_start3A_1211, %dma_start3A_1212, %dma_start3A_1213] : memref<4x5x1024xf32, #tpu.memory_space<vmem>> -> memref<1x5x1024xf32, #tpu.memory_space<vmem>>
    %dma_start3A_1215 = tpu.memref_squeeze %dma_start3A_1214 : memref<1x5x1024xf32, #tpu.memory_space<vmem>> -> memref<5x1024xf32, #tpu.memory_space<vmem>>
    %dma_start3A_1216 = arith.constant 12288 : i32
    %dma_start3A_1217 = tpu.memref_slice %arg2[%min3A_108, %select_n3A, %dma_start3A_1216] : memref<64x2x16384xf32, #tpu.memory_space<hbm>> -> memref<5x1x1024xf32, #tpu.memory_space<hbm>>
    %dma_start3A_1218 = tpu.memref_squeeze %dma_start3A_1217 : memref<5x1x1024xf32, #tpu.memory_space<hbm>> -> memref<5x1024xf32, #tpu.memory_space<hbm>>
    %dma_start3A_1219 = arith.constant 0 : i32
    %dma_start3A_1220 = arith.constant 0 : i32
    %dma_start3A_1221 = tpu.memref_slice %arg7[%dma_start3A_1211, %dma_start3A_1219, %dma_start3A_1220] : memref<4x5x1024xf32, #tpu.memory_space<vmem>> -> memref<1x5x1024xf32, #tpu.memory_space<vmem>>
    %dma_start3A_1222 = tpu.memref_squeeze %dma_start3A_1221 : memref<1x5x1024xf32, #tpu.memory_space<vmem>> -> memref<5x1024xf32, #tpu.memory_space<vmem>>
    %dma_start3A_1223 = arith.constant 12288 : i32
    %dma_start3A_1224 = tpu.memref_slice %arg2[%min3A_108, %select_n3A, %dma_start3A_1223] : memref<64x2x16384xf32, #tpu.memory_space<hbm>> -> memref<5x1x1024xf32, #tpu.memory_space<hbm>>
    %dma_start3A_1225 = tpu.memref_squeeze %dma_start3A_1224 : memref<5x1x1024xf32, #tpu.memory_space<hbm>> -> memref<5x1024xf32, #tpu.memory_space<hbm>>
    tpu.enqueue_dma source(%dma_start3A_1225 : memref<5x1024xf32, #tpu.memory_space<hbm>>) target(%dma_start3A_1222 : memref<5x1024xf32, #tpu.memory_space<vmem>>) target_semaphore(%arg12 : memref<!tpu.dma_semaphore, #tpu.memory_space<semaphore_mem>>)
    %dma_start3A_1226 = arith.constant 1 : i32
    %dma_start3A_1227 = arith.constant 0 : i32
    %dma_start3A_1228 = arith.constant 0 : i32
    %dma_start3A_1229 = tpu.memref_slice %arg7[%dma_start3A_1226, %dma_start3A_1227, %dma_start3A_1228] : memref<4x5x1024xf32, #tpu.memory_space<vmem>> -> memref<1x5x1024xf32, #tpu.memory_space<vmem>>
    %dma_start3A_1230 = tpu.memref_squeeze %dma_start3A_1229 : memref<1x5x1024xf32, #tpu.memory_space<vmem>> -> memref<5x1024xf32, #tpu.memory_space<vmem>>
    %dma_start3A_1231 = arith.constant 13312 : i32
    %dma_start3A_1232 = tpu.memref_slice %arg2[%min3A_114, %select_n3A, %dma_start3A_1231] : memref<64x2x16384xf32, #tpu.memory_space<hbm>> -> memref<5x1x1024xf32, #tpu.memory_space<hbm>>
    %dma_start3A_1233 = tpu.memref_squeeze %dma_start3A_1232 : memref<5x1x1024xf32, #tpu.memory_space<hbm>> -> memref<5x1024xf32, #tpu.memory_space<hbm>>
    %dma_start3A_1234 = arith.constant 0 : i32
    %dma_start3A_1235 = arith.constant 0 : i32
    %dma_start3A_1236 = tpu.memref_slice %arg7[%dma_start3A_1226, %dma_start3A_1234, %dma_start3A_1235] : memref<4x5x1024xf32, #tpu.memory_space<vmem>> -> memref<1x5x1024xf32, #tpu.memory_space<vmem>>
    %dma_start3A_1237 = tpu.memref_squeeze %dma_start3A_1236 : memref<1x5x1024xf32, #tpu.memory_space<vmem>> -> memref<5x1024xf32, #tpu.memory_space<vmem>>
    %dma_start3A_1238 = arith.constant 13312 : i32
    %dma_start3A_1239 = tpu.memref_slice %arg2[%min3A_114, %select_n3A, %dma_start3A_1238] : memref<64x2x16384xf32, #tpu.memory_space<hbm>> -> memref<5x1x1024xf32, #tpu.memory_space<hbm>>
    %dma_start3A_1240 = tpu.memref_squeeze %dma_start3A_1239 : memref<5x1x1024xf32, #tpu.memory_space<hbm>> -> memref<5x1024xf32, #tpu.memory_space<hbm>>
    tpu.enqueue_dma source(%dma_start3A_1240 : memref<5x1024xf32, #tpu.memory_space<hbm>>) target(%dma_start3A_1237 : memref<5x1024xf32, #tpu.memory_space<vmem>>) target_semaphore(%arg12 : memref<!tpu.dma_semaphore, #tpu.memory_space<semaphore_mem>>)
    %dma_start3A_1241 = arith.constant 2 : i32
    %dma_start3A_1242 = arith.constant 0 : i32
    %dma_start3A_1243 = arith.constant 0 : i32
    %dma_start3A_1244 = tpu.memref_slice %arg7[%dma_start3A_1241, %dma_start3A_1242, %dma_start3A_1243] : memref<4x5x1024xf32, #tpu.memory_space<vmem>> -> memref<1x5x1024xf32, #tpu.memory_space<vmem>>
    %dma_start3A_1245 = tpu.memref_squeeze %dma_start3A_1244 : memref<1x5x1024xf32, #tpu.memory_space<vmem>> -> memref<5x1024xf32, #tpu.memory_space<vmem>>
    %dma_start3A_1246 = arith.constant 14336 : i32
    %dma_start3A_1247 = tpu.memref_slice %arg2[%min3A_120, %select_n3A, %dma_start3A_1246] : memref<64x2x16384xf32, #tpu.memory_space<hbm>> -> memref<5x1x1024xf32, #tpu.memory_space<hbm>>
    %dma_start3A_1248 = tpu.memref_squeeze %dma_start3A_1247 : memref<5x1x1024xf32, #tpu.memory_space<hbm>> -> memref<5x1024xf32, #tpu.memory_space<hbm>>
    %dma_start3A_1249 = arith.constant 0 : i32
    %dma_start3A_1250 = arith.constant 0 : i32
    %dma_start3A_1251 = tpu.memref_slice %arg7[%dma_start3A_1241, %dma_start3A_1249, %dma_start3A_1250] : memref<4x5x1024xf32, #tpu.memory_space<vmem>> -> memref<1x5x1024xf32, #tpu.memory_space<vmem>>
    %dma_start3A_1252 = tpu.memref_squeeze %dma_start3A_1251 : memref<1x5x1024xf32, #tpu.memory_space<vmem>> -> memref<5x1024xf32, #tpu.memory_space<vmem>>
    %dma_start3A_1253 = arith.constant 14336 : i32
    %dma_start3A_1254 = tpu.memref_slice %arg2[%min3A_120, %select_n3A, %dma_start3A_1253] : memref<64x2x16384xf32, #tpu.memory_space<hbm>> -> memref<5x1x1024xf32, #tpu.memory_space<hbm>>
    %dma_start3A_1255 = tpu.memref_squeeze %dma_start3A_1254 : memref<5x1x1024xf32, #tpu.memory_space<hbm>> -> memref<5x1024xf32, #tpu.memory_space<hbm>>
    tpu.enqueue_dma source(%dma_start3A_1255 : memref<5x1024xf32, #tpu.memory_space<hbm>>) target(%dma_start3A_1252 : memref<5x1024xf32, #tpu.memory_space<vmem>>) target_semaphore(%arg12 : memref<!tpu.dma_semaphore, #tpu.memory_space<semaphore_mem>>)
    %dma_start3A_1256 = arith.constant 3 : i32
    %dma_start3A_1257 = arith.constant 0 : i32
    %dma_start3A_1258 = arith.constant 0 : i32
    %dma_start3A_1259 = tpu.memref_slice %arg7[%dma_start3A_1256, %dma_start3A_1257, %dma_start3A_1258] : memref<4x5x1024xf32, #tpu.memory_space<vmem>> -> memref<1x5x1024xf32, #tpu.memory_space<vmem>>
    %dma_start3A_1260 = tpu.memref_squeeze %dma_start3A_1259 : memref<1x5x1024xf32, #tpu.memory_space<vmem>> -> memref<5x1024xf32, #tpu.memory_space<vmem>>
    %dma_start3A_1261 = arith.constant 15360 : i32
    %dma_start3A_1262 = tpu.memref_slice %arg2[%min3A_126, %select_n3A, %dma_start3A_1261] : memref<64x2x16384xf32, #tpu.memory_space<hbm>> -> memref<5x1x1024xf32, #tpu.memory_space<hbm>>
    %dma_start3A_1263 = tpu.memref_squeeze %dma_start3A_1262 : memref<5x1x1024xf32, #tpu.memory_space<hbm>> -> memref<5x1024xf32, #tpu.memory_space<hbm>>
    %dma_start3A_1264 = arith.constant 0 : i32
    %dma_start3A_1265 = arith.constant 0 : i32
    %dma_start3A_1266 = tpu.memref_slice %arg7[%dma_start3A_1256, %dma_start3A_1264, %dma_start3A_1265] : memref<4x5x1024xf32, #tpu.memory_space<vmem>> -> memref<1x5x1024xf32, #tpu.memory_space<vmem>>
    %dma_start3A_1267 = tpu.memref_squeeze %dma_start3A_1266 : memref<1x5x1024xf32, #tpu.memory_space<vmem>> -> memref<5x1024xf32, #tpu.memory_space<vmem>>
    %dma_start3A_1268 = arith.constant 15360 : i32
    %dma_start3A_1269 = tpu.memref_slice %arg2[%min3A_126, %select_n3A, %dma_start3A_1268] : memref<64x2x16384xf32, #tpu.memory_space<hbm>> -> memref<5x1x1024xf32, #tpu.memory_space<hbm>>
    %dma_start3A_1270 = tpu.memref_squeeze %dma_start3A_1269 : memref<5x1x1024xf32, #tpu.memory_space<hbm>> -> memref<5x1024xf32, #tpu.memory_space<hbm>>
    tpu.enqueue_dma source(%dma_start3A_1270 : memref<5x1024xf32, #tpu.memory_space<hbm>>) target(%dma_start3A_1267 : memref<5x1024xf32, #tpu.memory_space<vmem>>) target_semaphore(%arg12 : memref<!tpu.dma_semaphore, #tpu.memory_space<semaphore_mem>>)
    %dma_wait3A_1271 = arith.constant 0 : i32
    %dma_wait3A_1272 = arith.constant 0 : i32
    %dma_wait3A_1273 = arith.constant 0 : i32
    %dma_wait3A_1274 = tpu.memref_slice %arg6[%dma_wait3A_1271, %dma_wait3A_1272, %dma_wait3A_1273] : memref<4x5x1024xf32, #tpu.memory_space<vmem>> -> memref<1x5x1024xf32, #tpu.memory_space<vmem>>
    %dma_wait3A_1275 = tpu.memref_squeeze %dma_wait3A_1274 : memref<1x5x1024xf32, #tpu.memory_space<vmem>> -> memref<5x1024xf32, #tpu.memory_space<vmem>>
    %dma_wait3A_1276 = arith.constant 8192 : i32
    %dma_wait3A_1277 = tpu.memref_slice %arg2[%min3A_84, %select_n3A, %dma_wait3A_1276] : memref<64x2x16384xf32, #tpu.memory_space<hbm>> -> memref<5x1x1024xf32, #tpu.memory_space<hbm>>
    %dma_wait3A_1278 = tpu.memref_squeeze %dma_wait3A_1277 : memref<5x1x1024xf32, #tpu.memory_space<hbm>> -> memref<5x1024xf32, #tpu.memory_space<hbm>>
    %dma_wait3A_1279 = arith.constant 0 : i32
    %dma_wait3A_1280 = arith.constant 0 : i32
    %dma_wait3A_1281 = tpu.memref_slice %arg6[%dma_wait3A_1271, %dma_wait3A_1279, %dma_wait3A_1280] : memref<4x5x1024xf32, #tpu.memory_space<vmem>> -> memref<1x5x1024xf32, #tpu.memory_space<vmem>>
    %dma_wait3A_1282 = tpu.memref_squeeze %dma_wait3A_1281 : memref<1x5x1024xf32, #tpu.memory_space<vmem>> -> memref<5x1024xf32, #tpu.memory_space<vmem>>
    %dma_wait3A_1283 = arith.constant 8192 : i32
    %dma_wait3A_1284 = tpu.memref_slice %arg2[%min3A_84, %select_n3A, %dma_wait3A_1283] : memref<64x2x16384xf32, #tpu.memory_space<hbm>> -> memref<5x1x1024xf32, #tpu.memory_space<hbm>>
    %dma_wait3A_1285 = tpu.memref_squeeze %dma_wait3A_1284 : memref<5x1x1024xf32, #tpu.memory_space<hbm>> -> memref<5x1024xf32, #tpu.memory_space<hbm>>
    tpu.wait_dma2 semaphore(%arg11 : memref<!tpu.dma_semaphore, #tpu.memory_space<semaphore_mem>>) src(%dma_wait3A_1285 : memref<5x1024xf32, #tpu.memory_space<hbm>>) dst(%dma_wait3A_1282 : memref<5x1024xf32, #tpu.memory_space<vmem>>)
    %dma_wait3A_1286 = arith.constant 1 : i32
    %dma_wait3A_1287 = arith.constant 0 : i32
    %dma_wait3A_1288 = arith.constant 0 : i32
    %dma_wait3A_1289 = tpu.memref_slice %arg6[%dma_wait3A_1286, %dma_wait3A_1287, %dma_wait3A_1288] : memref<4x5x1024xf32, #tpu.memory_space<vmem>> -> memref<1x5x1024xf32, #tpu.memory_space<vmem>>
    %dma_wait3A_1290 = tpu.memref_squeeze %dma_wait3A_1289 : memref<1x5x1024xf32, #tpu.memory_space<vmem>> -> memref<5x1024xf32, #tpu.memory_space<vmem>>
    %dma_wait3A_1291 = arith.constant 9216 : i32
    %dma_wait3A_1292 = tpu.memref_slice %arg2[%min3A_90, %select_n3A, %dma_wait3A_1291] : memref<64x2x16384xf32, #tpu.memory_space<hbm>> -> memref<5x1x1024xf32, #tpu.memory_space<hbm>>
    %dma_wait3A_1293 = tpu.memref_squeeze %dma_wait3A_1292 : memref<5x1x1024xf32, #tpu.memory_space<hbm>> -> memref<5x1024xf32, #tpu.memory_space<hbm>>
    %dma_wait3A_1294 = arith.constant 0 : i32
    %dma_wait3A_1295 = arith.constant 0 : i32
    %dma_wait3A_1296 = tpu.memref_slice %arg6[%dma_wait3A_1286, %dma_wait3A_1294, %dma_wait3A_1295] : memref<4x5x1024xf32, #tpu.memory_space<vmem>> -> memref<1x5x1024xf32, #tpu.memory_space<vmem>>
    %dma_wait3A_1297 = tpu.memref_squeeze %dma_wait3A_1296 : memref<1x5x1024xf32, #tpu.memory_space<vmem>> -> memref<5x1024xf32, #tpu.memory_space<vmem>>
    %dma_wait3A_1298 = arith.constant 9216 : i32
    %dma_wait3A_1299 = tpu.memref_slice %arg2[%min3A_90, %select_n3A, %dma_wait3A_1298] : memref<64x2x16384xf32, #tpu.memory_space<hbm>> -> memref<5x1x1024xf32, #tpu.memory_space<hbm>>
    %dma_wait3A_1300 = tpu.memref_squeeze %dma_wait3A_1299 : memref<5x1x1024xf32, #tpu.memory_space<hbm>> -> memref<5x1024xf32, #tpu.memory_space<hbm>>
    tpu.wait_dma2 semaphore(%arg11 : memref<!tpu.dma_semaphore, #tpu.memory_space<semaphore_mem>>) src(%dma_wait3A_1300 : memref<5x1024xf32, #tpu.memory_space<hbm>>) dst(%dma_wait3A_1297 : memref<5x1024xf32, #tpu.memory_space<vmem>>)
    %dma_wait3A_1301 = arith.constant 2 : i32
    %dma_wait3A_1302 = arith.constant 0 : i32
    %dma_wait3A_1303 = arith.constant 0 : i32
    %dma_wait3A_1304 = tpu.memref_slice %arg6[%dma_wait3A_1301, %dma_wait3A_1302, %dma_wait3A_1303] : memref<4x5x1024xf32, #tpu.memory_space<vmem>> -> memref<1x5x1024xf32, #tpu.memory_space<vmem>>
    %dma_wait3A_1305 = tpu.memref_squeeze %dma_wait3A_1304 : memref<1x5x1024xf32, #tpu.memory_space<vmem>> -> memref<5x1024xf32, #tpu.memory_space<vmem>>
    %dma_wait3A_1306 = arith.constant 10240 : i32
    %dma_wait3A_1307 = tpu.memref_slice %arg2[%min3A_96, %select_n3A, %dma_wait3A_1306] : memref<64x2x16384xf32, #tpu.memory_space<hbm>> -> memref<5x1x1024xf32, #tpu.memory_space<hbm>>
    %dma_wait3A_1308 = tpu.memref_squeeze %dma_wait3A_1307 : memref<5x1x1024xf32, #tpu.memory_space<hbm>> -> memref<5x1024xf32, #tpu.memory_space<hbm>>
    %dma_wait3A_1309 = arith.constant 0 : i32
    %dma_wait3A_1310 = arith.constant 0 : i32
    %dma_wait3A_1311 = tpu.memref_slice %arg6[%dma_wait3A_1301, %dma_wait3A_1309, %dma_wait3A_1310] : memref<4x5x1024xf32, #tpu.memory_space<vmem>> -> memref<1x5x1024xf32, #tpu.memory_space<vmem>>
    %dma_wait3A_1312 = tpu.memref_squeeze %dma_wait3A_1311 : memref<1x5x1024xf32, #tpu.memory_space<vmem>> -> memref<5x1024xf32, #tpu.memory_space<vmem>>
    %dma_wait3A_1313 = arith.constant 10240 : i32
    %dma_wait3A_1314 = tpu.memref_slice %arg2[%min3A_96, %select_n3A, %dma_wait3A_1313] : memref<64x2x16384xf32, #tpu.memory_space<hbm>> -> memref<5x1x1024xf32, #tpu.memory_space<hbm>>
    %dma_wait3A_1315 = tpu.memref_squeeze %dma_wait3A_1314 : memref<5x1x1024xf32, #tpu.memory_space<hbm>> -> memref<5x1024xf32, #tpu.memory_space<hbm>>
    tpu.wait_dma2 semaphore(%arg11 : memref<!tpu.dma_semaphore, #tpu.memory_space<semaphore_mem>>) src(%dma_wait3A_1315 : memref<5x1024xf32, #tpu.memory_space<hbm>>) dst(%dma_wait3A_1312 : memref<5x1024xf32, #tpu.memory_space<vmem>>)
    %dma_wait3A_1316 = arith.constant 3 : i32
    %dma_wait3A_1317 = arith.constant 0 : i32
    %dma_wait3A_1318 = arith.constant 0 : i32
    %dma_wait3A_1319 = tpu.memref_slice %arg6[%dma_wait3A_1316, %dma_wait3A_1317, %dma_wait3A_1318] : memref<4x5x1024xf32, #tpu.memory_space<vmem>> -> memref<1x5x1024xf32, #tpu.memory_space<vmem>>
    %dma_wait3A_1320 = tpu.memref_squeeze %dma_wait3A_1319 : memref<1x5x1024xf32, #tpu.memory_space<vmem>> -> memref<5x1024xf32, #tpu.memory_space<vmem>>
    %dma_wait3A_1321 = arith.constant 11264 : i32
    %dma_wait3A_1322 = tpu.memref_slice %arg2[%min3A_102, %select_n3A, %dma_wait3A_1321] : memref<64x2x16384xf32, #tpu.memory_space<hbm>> -> memref<5x1x1024xf32, #tpu.memory_space<hbm>>
    %dma_wait3A_1323 = tpu.memref_squeeze %dma_wait3A_1322 : memref<5x1x1024xf32, #tpu.memory_space<hbm>> -> memref<5x1024xf32, #tpu.memory_space<hbm>>
    %dma_wait3A_1324 = arith.constant 0 : i32
    %dma_wait3A_1325 = arith.constant 0 : i32
    %dma_wait3A_1326 = tpu.memref_slice %arg6[%dma_wait3A_1316, %dma_wait3A_1324, %dma_wait3A_1325] : memref<4x5x1024xf32, #tpu.memory_space<vmem>> -> memref<1x5x1024xf32, #tpu.memory_space<vmem>>
    %dma_wait3A_1327 = tpu.memref_squeeze %dma_wait3A_1326 : memref<1x5x1024xf32, #tpu.memory_space<vmem>> -> memref<5x1024xf32, #tpu.memory_space<vmem>>
    %dma_wait3A_1328 = arith.constant 11264 : i32
    %dma_wait3A_1329 = tpu.memref_slice %arg2[%min3A_102, %select_n3A, %dma_wait3A_1328] : memref<64x2x16384xf32, #tpu.memory_space<hbm>> -> memref<5x1x1024xf32, #tpu.memory_space<hbm>>
    %dma_wait3A_1330 = tpu.memref_squeeze %dma_wait3A_1329 : memref<5x1x1024xf32, #tpu.memory_space<hbm>> -> memref<5x1024xf32, #tpu.memory_space<hbm>>
    tpu.wait_dma2 semaphore(%arg11 : memref<!tpu.dma_semaphore, #tpu.memory_space<semaphore_mem>>) src(%dma_wait3A_1330 : memref<5x1024xf32, #tpu.memory_space<hbm>>) dst(%dma_wait3A_1327 : memref<5x1024xf32, #tpu.memory_space<vmem>>)
    %add3A_1331 = arith.constant 0 : i32
    %add3A_1332 = arith.addi %mul3A_32, %add3A_1331 : i32
    %sub3A_1333 = arith.constant 8 : i32
    %sub3A_1334 = arith.subi %add3A_1332, %sub3A_1333 : i32
    %ge3A_1335 = arith.constant 0 : i32
    %ge3A_1336 = arith.cmpi sge, %sub3A_1334, %ge3A_1335 : i32
    %le3A_1337 = arith.constant 63 : i32
    %le3A_1338 = arith.cmpi sle, %sub3A_1334, %le3A_1337 : i32
    %and3A_1339 = arith.andi %ge3A_1336, %le3A_1338 : i1
    %sub3A_1340 = arith.subi %sub3A_1334, %min3A_84 : i32
    %jit3A_1341 = arith.constant 0 : i32
    %jit3A_1342 = arith.constant 4 : i32
    %max3A_1343 = arith.maxsi %jit3A_1341, %sub3A_1340 : i32
    %min3A_1344 = arith.minsi %jit3A_1342, %max3A_1343 : i32
    %jit3A_1345 = arith.constant 6.250000e-02 : f32
    %jit3A_1346 = arith.constant 0.000000e+00 : f32
    %select_n3A_1347 = arith.select %and3A_1339, %jit3A_1345, %jit3A_1346 : f32
    %broadcast_in_dim3A_1348 = vector.broadcast %select_n3A_1347 : f32 to vector<16xf32>
    %add3A_1349 = arith.constant 0 : i32
    %add3A_1350 = arith.addi %mul3A_32, %add3A_1349 : i32
    %sub3A_1351 = arith.constant 9 : i32
    %sub3A_1352 = arith.subi %add3A_1350, %sub3A_1351 : i32
    %ge3A_1353 = arith.constant 0 : i32
    %ge3A_1354 = arith.cmpi sge, %sub3A_1352, %ge3A_1353 : i32
    %le3A_1355 = arith.constant 63 : i32
    %le3A_1356 = arith.cmpi sle, %sub3A_1352, %le3A_1355 : i32
    %and3A_1357 = arith.andi %ge3A_1354, %le3A_1356 : i1
    %sub3A_1358 = arith.subi %sub3A_1352, %min3A_90 : i32
    %jit3A_1359 = arith.constant 0 : i32
    %jit3A_1360 = arith.constant 4 : i32
    %max3A_1361 = arith.maxsi %jit3A_1359, %sub3A_1358 : i32
    %min3A_1362 = arith.minsi %jit3A_1360, %max3A_1361 : i32
    %jit3A_1363 = arith.constant 6.250000e-02 : f32
    %jit3A_1364 = arith.constant 0.000000e+00 : f32
    %select_n3A_1365 = arith.select %and3A_1357, %jit3A_1363, %jit3A_1364 : f32
    %broadcast_in_dim3A_1366 = vector.broadcast %select_n3A_1365 : f32 to vector<16xf32>
    %add3A_1367 = arith.constant 0 : i32
    %add3A_1368 = arith.addi %mul3A_32, %add3A_1367 : i32
    %sub3A_1369 = arith.constant 10 : i32
    %sub3A_1370 = arith.subi %add3A_1368, %sub3A_1369 : i32
    %ge3A_1371 = arith.constant 0 : i32
    %ge3A_1372 = arith.cmpi sge, %sub3A_1370, %ge3A_1371 : i32
    %le3A_1373 = arith.constant 63 : i32
    %le3A_1374 = arith.cmpi sle, %sub3A_1370, %le3A_1373 : i32
    %and3A_1375 = arith.andi %ge3A_1372, %le3A_1374 : i1
    %sub3A_1376 = arith.subi %sub3A_1370, %min3A_96 : i32
    %jit3A_1377 = arith.constant 0 : i32
    %jit3A_1378 = arith.constant 4 : i32
    %max3A_1379 = arith.maxsi %jit3A_1377, %sub3A_1376 : i32
    %min3A_1380 = arith.minsi %jit3A_1378, %max3A_1379 : i32
    %jit3A_1381 = arith.constant 6.250000e-02 : f32
    %jit3A_1382 = arith.constant 0.000000e+00 : f32
    %select_n3A_1383 = arith.select %and3A_1375, %jit3A_1381, %jit3A_1382 : f32
    %broadcast_in_dim3A_1384 = vector.broadcast %select_n3A_1383 : f32 to vector<16xf32>
    %add3A_1385 = arith.constant 0 : i32
    %add3A_1386 = arith.addi %mul3A_32, %add3A_1385 : i32
    %sub3A_1387 = arith.constant 11 : i32
    %sub3A_1388 = arith.subi %add3A_1386, %sub3A_1387 : i32
    %ge3A_1389 = arith.constant 0 : i32
    %ge3A_1390 = arith.cmpi sge, %sub3A_1388, %ge3A_1389 : i32
    %le3A_1391 = arith.constant 63 : i32
    %le3A_1392 = arith.cmpi sle, %sub3A_1388, %le3A_1391 : i32
    %and3A_1393 = arith.andi %ge3A_1390, %le3A_1392 : i1
    %sub3A_1394 = arith.subi %sub3A_1388, %min3A_102 : i32
    %jit3A_1395 = arith.constant 0 : i32
    %jit3A_1396 = arith.constant 4 : i32
    %max3A_1397 = arith.maxsi %jit3A_1395, %sub3A_1394 : i32
    %min3A_1398 = arith.minsi %jit3A_1396, %max3A_1397 : i32
    %jit3A_1399 = arith.constant 6.250000e-02 : f32
    %jit3A_1400 = arith.constant 0.000000e+00 : f32
    %select_n3A_1401 = arith.select %and3A_1393, %jit3A_1399, %jit3A_1400 : f32
    %broadcast_in_dim3A_1402 = vector.broadcast %select_n3A_1401 : f32 to vector<16xf32>
    %add3A_1403 = arith.constant 1 : i32
    %add3A_1404 = arith.addi %mul3A_32, %add3A_1403 : i32
    %sub3A_1405 = arith.constant 8 : i32
    %sub3A_1406 = arith.subi %add3A_1404, %sub3A_1405 : i32
    %ge3A_1407 = arith.constant 0 : i32
    %ge3A_1408 = arith.cmpi sge, %sub3A_1406, %ge3A_1407 : i32
    %le3A_1409 = arith.constant 63 : i32
    %le3A_1410 = arith.cmpi sle, %sub3A_1406, %le3A_1409 : i32
    %and3A_1411 = arith.andi %ge3A_1408, %le3A_1410 : i1
    %sub3A_1412 = arith.subi %sub3A_1406, %min3A_84 : i32
    %jit3A_1413 = arith.constant 0 : i32
    %jit3A_1414 = arith.constant 4 : i32
    %max3A_1415 = arith.maxsi %jit3A_1413, %sub3A_1412 : i32
    %min3A_1416 = arith.minsi %jit3A_1414, %max3A_1415 : i32
    %jit3A_1417 = arith.constant 6.250000e-02 : f32
    %jit3A_1418 = arith.constant 0.000000e+00 : f32
    %select_n3A_1419 = arith.select %and3A_1411, %jit3A_1417, %jit3A_1418 : f32
    %broadcast_in_dim3A_1420 = vector.broadcast %select_n3A_1419 : f32 to vector<16xf32>
    %add3A_1421 = arith.constant 1 : i32
    %add3A_1422 = arith.addi %mul3A_32, %add3A_1421 : i32
    %sub3A_1423 = arith.constant 9 : i32
    %sub3A_1424 = arith.subi %add3A_1422, %sub3A_1423 : i32
    %ge3A_1425 = arith.constant 0 : i32
    %ge3A_1426 = arith.cmpi sge, %sub3A_1424, %ge3A_1425 : i32
    %le3A_1427 = arith.constant 63 : i32
    %le3A_1428 = arith.cmpi sle, %sub3A_1424, %le3A_1427 : i32
    %and3A_1429 = arith.andi %ge3A_1426, %le3A_1428 : i1
    %sub3A_1430 = arith.subi %sub3A_1424, %min3A_90 : i32
    %jit3A_1431 = arith.constant 0 : i32
    %jit3A_1432 = arith.constant 4 : i32
    %max3A_1433 = arith.maxsi %jit3A_1431, %sub3A_1430 : i32
    %min3A_1434 = arith.minsi %jit3A_1432, %max3A_1433 : i32
    %jit3A_1435 = arith.constant 6.250000e-02 : f32
    %jit3A_1436 = arith.constant 0.000000e+00 : f32
    %select_n3A_1437 = arith.select %and3A_1429, %jit3A_1435, %jit3A_1436 : f32
    %broadcast_in_dim3A_1438 = vector.broadcast %select_n3A_1437 : f32 to vector<16xf32>
    %add3A_1439 = arith.constant 1 : i32
    %add3A_1440 = arith.addi %mul3A_32, %add3A_1439 : i32
    %sub3A_1441 = arith.constant 10 : i32
    %sub3A_1442 = arith.subi %add3A_1440, %sub3A_1441 : i32
    %ge3A_1443 = arith.constant 0 : i32
    %ge3A_1444 = arith.cmpi sge, %sub3A_1442, %ge3A_1443 : i32
    %le3A_1445 = arith.constant 63 : i32
    %le3A_1446 = arith.cmpi sle, %sub3A_1442, %le3A_1445 : i32
    %and3A_1447 = arith.andi %ge3A_1444, %le3A_1446 : i1
    %sub3A_1448 = arith.subi %sub3A_1442, %min3A_96 : i32
    %jit3A_1449 = arith.constant 0 : i32
    %jit3A_1450 = arith.constant 4 : i32
    %max3A_1451 = arith.maxsi %jit3A_1449, %sub3A_1448 : i32
    %min3A_1452 = arith.minsi %jit3A_1450, %max3A_1451 : i32
    %jit3A_1453 = arith.constant 6.250000e-02 : f32
    %jit3A_1454 = arith.constant 0.000000e+00 : f32
    %select_n3A_1455 = arith.select %and3A_1447, %jit3A_1453, %jit3A_1454 : f32
    %broadcast_in_dim3A_1456 = vector.broadcast %select_n3A_1455 : f32 to vector<16xf32>
    %add3A_1457 = arith.constant 1 : i32
    %add3A_1458 = arith.addi %mul3A_32, %add3A_1457 : i32
    %sub3A_1459 = arith.constant 11 : i32
    %sub3A_1460 = arith.subi %add3A_1458, %sub3A_1459 : i32
    %ge3A_1461 = arith.constant 0 : i32
    %ge3A_1462 = arith.cmpi sge, %sub3A_1460, %ge3A_1461 : i32
    %le3A_1463 = arith.constant 63 : i32
    %le3A_1464 = arith.cmpi sle, %sub3A_1460, %le3A_1463 : i32
    %and3A_1465 = arith.andi %ge3A_1462, %le3A_1464 : i1
    %sub3A_1466 = arith.subi %sub3A_1460, %min3A_102 : i32
    %jit3A_1467 = arith.constant 0 : i32
    %jit3A_1468 = arith.constant 4 : i32
    %max3A_1469 = arith.maxsi %jit3A_1467, %sub3A_1466 : i32
    %min3A_1470 = arith.minsi %jit3A_1468, %max3A_1469 : i32
    %jit3A_1471 = arith.constant 6.250000e-02 : f32
    %jit3A_1472 = arith.constant 0.000000e+00 : f32
    %select_n3A_1473 = arith.select %and3A_1465, %jit3A_1471, %jit3A_1472 : f32
    %broadcast_in_dim3A_1474 = vector.broadcast %select_n3A_1473 : f32 to vector<16xf32>
    %add3A_1475 = arith.constant 2 : i32
    %add3A_1476 = arith.addi %mul3A_32, %add3A_1475 : i32
    %sub3A_1477 = arith.constant 8 : i32
    %sub3A_1478 = arith.subi %add3A_1476, %sub3A_1477 : i32
    %ge3A_1479 = arith.constant 0 : i32
    %ge3A_1480 = arith.cmpi sge, %sub3A_1478, %ge3A_1479 : i32
    %le3A_1481 = arith.constant 63 : i32
    %le3A_1482 = arith.cmpi sle, %sub3A_1478, %le3A_1481 : i32
    %and3A_1483 = arith.andi %ge3A_1480, %le3A_1482 : i1
    %sub3A_1484 = arith.subi %sub3A_1478, %min3A_84 : i32
    %jit3A_1485 = arith.constant 0 : i32
    %jit3A_1486 = arith.constant 4 : i32
    %max3A_1487 = arith.maxsi %jit3A_1485, %sub3A_1484 : i32
    %min3A_1488 = arith.minsi %jit3A_1486, %max3A_1487 : i32
    %jit3A_1489 = arith.constant 6.250000e-02 : f32
    %jit3A_1490 = arith.constant 0.000000e+00 : f32
    %select_n3A_1491 = arith.select %and3A_1483, %jit3A_1489, %jit3A_1490 : f32
    %broadcast_in_dim3A_1492 = vector.broadcast %select_n3A_1491 : f32 to vector<16xf32>
    %add3A_1493 = arith.constant 2 : i32
    %add3A_1494 = arith.addi %mul3A_32, %add3A_1493 : i32
    %sub3A_1495 = arith.constant 9 : i32
    %sub3A_1496 = arith.subi %add3A_1494, %sub3A_1495 : i32
    %ge3A_1497 = arith.constant 0 : i32
    %ge3A_1498 = arith.cmpi sge, %sub3A_1496, %ge3A_1497 : i32
    %le3A_1499 = arith.constant 63 : i32
    %le3A_1500 = arith.cmpi sle, %sub3A_1496, %le3A_1499 : i32
    %and3A_1501 = arith.andi %ge3A_1498, %le3A_1500 : i1
    %sub3A_1502 = arith.subi %sub3A_1496, %min3A_90 : i32
    %jit3A_1503 = arith.constant 0 : i32
    %jit3A_1504 = arith.constant 4 : i32
    %max3A_1505 = arith.maxsi %jit3A_1503, %sub3A_1502 : i32
    %min3A_1506 = arith.minsi %jit3A_1504, %max3A_1505 : i32
    %jit3A_1507 = arith.constant 6.250000e-02 : f32
    %jit3A_1508 = arith.constant 0.000000e+00 : f32
    %select_n3A_1509 = arith.select %and3A_1501, %jit3A_1507, %jit3A_1508 : f32
    %broadcast_in_dim3A_1510 = vector.broadcast %select_n3A_1509 : f32 to vector<16xf32>
    %add3A_1511 = arith.constant 2 : i32
    %add3A_1512 = arith.addi %mul3A_32, %add3A_1511 : i32
    %sub3A_1513 = arith.constant 10 : i32
    %sub3A_1514 = arith.subi %add3A_1512, %sub3A_1513 : i32
    %ge3A_1515 = arith.constant 0 : i32
    %ge3A_1516 = arith.cmpi sge, %sub3A_1514, %ge3A_1515 : i32
    %le3A_1517 = arith.constant 63 : i32
    %le3A_1518 = arith.cmpi sle, %sub3A_1514, %le3A_1517 : i32
    %and3A_1519 = arith.andi %ge3A_1516, %le3A_1518 : i1
    %sub3A_1520 = arith.subi %sub3A_1514, %min3A_96 : i32
    %jit3A_1521 = arith.constant 0 : i32
    %jit3A_1522 = arith.constant 4 : i32
    %max3A_1523 = arith.maxsi %jit3A_1521, %sub3A_1520 : i32
    %min3A_1524 = arith.minsi %jit3A_1522, %max3A_1523 : i32
    %jit3A_1525 = arith.constant 6.250000e-02 : f32
    %jit3A_1526 = arith.constant 0.000000e+00 : f32
    %select_n3A_1527 = arith.select %and3A_1519, %jit3A_1525, %jit3A_1526 : f32
    %broadcast_in_dim3A_1528 = vector.broadcast %select_n3A_1527 : f32 to vector<16xf32>
    %add3A_1529 = arith.constant 2 : i32
    %add3A_1530 = arith.addi %mul3A_32, %add3A_1529 : i32
    %sub3A_1531 = arith.constant 11 : i32
    %sub3A_1532 = arith.subi %add3A_1530, %sub3A_1531 : i32
    %ge3A_1533 = arith.constant 0 : i32
    %ge3A_1534 = arith.cmpi sge, %sub3A_1532, %ge3A_1533 : i32
    %le3A_1535 = arith.constant 63 : i32
    %le3A_1536 = arith.cmpi sle, %sub3A_1532, %le3A_1535 : i32
    %and3A_1537 = arith.andi %ge3A_1534, %le3A_1536 : i1
    %sub3A_1538 = arith.subi %sub3A_1532, %min3A_102 : i32
    %jit3A_1539 = arith.constant 0 : i32
    %jit3A_1540 = arith.constant 4 : i32
    %max3A_1541 = arith.maxsi %jit3A_1539, %sub3A_1538 : i32
    %min3A_1542 = arith.minsi %jit3A_1540, %max3A_1541 : i32
    %jit3A_1543 = arith.constant 6.250000e-02 : f32
    %jit3A_1544 = arith.constant 0.000000e+00 : f32
    %select_n3A_1545 = arith.select %and3A_1537, %jit3A_1543, %jit3A_1544 : f32
    %broadcast_in_dim3A_1546 = vector.broadcast %select_n3A_1545 : f32 to vector<16xf32>
    %add3A_1547 = arith.constant 3 : i32
    %add3A_1548 = arith.addi %mul3A_32, %add3A_1547 : i32
    %sub3A_1549 = arith.constant 8 : i32
    %sub3A_1550 = arith.subi %add3A_1548, %sub3A_1549 : i32
    %ge3A_1551 = arith.constant 0 : i32
    %ge3A_1552 = arith.cmpi sge, %sub3A_1550, %ge3A_1551 : i32
    %le3A_1553 = arith.constant 63 : i32
    %le3A_1554 = arith.cmpi sle, %sub3A_1550, %le3A_1553 : i32
    %and3A_1555 = arith.andi %ge3A_1552, %le3A_1554 : i1
    %sub3A_1556 = arith.subi %sub3A_1550, %min3A_84 : i32
    %jit3A_1557 = arith.constant 0 : i32
    %jit3A_1558 = arith.constant 4 : i32
    %max3A_1559 = arith.maxsi %jit3A_1557, %sub3A_1556 : i32
    %min3A_1560 = arith.minsi %jit3A_1558, %max3A_1559 : i32
    %jit3A_1561 = arith.constant 6.250000e-02 : f32
    %jit3A_1562 = arith.constant 0.000000e+00 : f32
    %select_n3A_1563 = arith.select %and3A_1555, %jit3A_1561, %jit3A_1562 : f32
    %broadcast_in_dim3A_1564 = vector.broadcast %select_n3A_1563 : f32 to vector<16xf32>
    %add3A_1565 = arith.constant 3 : i32
    %add3A_1566 = arith.addi %mul3A_32, %add3A_1565 : i32
    %sub3A_1567 = arith.constant 9 : i32
    %sub3A_1568 = arith.subi %add3A_1566, %sub3A_1567 : i32
    %ge3A_1569 = arith.constant 0 : i32
    %ge3A_1570 = arith.cmpi sge, %sub3A_1568, %ge3A_1569 : i32
    %le3A_1571 = arith.constant 63 : i32
    %le3A_1572 = arith.cmpi sle, %sub3A_1568, %le3A_1571 : i32
    %and3A_1573 = arith.andi %ge3A_1570, %le3A_1572 : i1
    %sub3A_1574 = arith.subi %sub3A_1568, %min3A_90 : i32
    %jit3A_1575 = arith.constant 0 : i32
    %jit3A_1576 = arith.constant 4 : i32
    %max3A_1577 = arith.maxsi %jit3A_1575, %sub3A_1574 : i32
    %min3A_1578 = arith.minsi %jit3A_1576, %max3A_1577 : i32
    %jit3A_1579 = arith.constant 6.250000e-02 : f32
    %jit3A_1580 = arith.constant 0.000000e+00 : f32
    %select_n3A_1581 = arith.select %and3A_1573, %jit3A_1579, %jit3A_1580 : f32
    %broadcast_in_dim3A_1582 = vector.broadcast %select_n3A_1581 : f32 to vector<16xf32>
    %add3A_1583 = arith.constant 3 : i32
    %add3A_1584 = arith.addi %mul3A_32, %add3A_1583 : i32
    %sub3A_1585 = arith.constant 10 : i32
    %sub3A_1586 = arith.subi %add3A_1584, %sub3A_1585 : i32
    %ge3A_1587 = arith.constant 0 : i32
    %ge3A_1588 = arith.cmpi sge, %sub3A_1586, %ge3A_1587 : i32
    %le3A_1589 = arith.constant 63 : i32
    %le3A_1590 = arith.cmpi sle, %sub3A_1586, %le3A_1589 : i32
    %and3A_1591 = arith.andi %ge3A_1588, %le3A_1590 : i1
    %sub3A_1592 = arith.subi %sub3A_1586, %min3A_96 : i32
    %jit3A_1593 = arith.constant 0 : i32
    %jit3A_1594 = arith.constant 4 : i32
    %max3A_1595 = arith.maxsi %jit3A_1593, %sub3A_1592 : i32
    %min3A_1596 = arith.minsi %jit3A_1594, %max3A_1595 : i32
    %jit3A_1597 = arith.constant 6.250000e-02 : f32
    %jit3A_1598 = arith.constant 0.000000e+00 : f32
    %select_n3A_1599 = arith.select %and3A_1591, %jit3A_1597, %jit3A_1598 : f32
    %broadcast_in_dim3A_1600 = vector.broadcast %select_n3A_1599 : f32 to vector<16xf32>
    %add3A_1601 = arith.constant 3 : i32
    %add3A_1602 = arith.addi %mul3A_32, %add3A_1601 : i32
    %sub3A_1603 = arith.constant 11 : i32
    %sub3A_1604 = arith.subi %add3A_1602, %sub3A_1603 : i32
    %ge3A_1605 = arith.constant 0 : i32
    %ge3A_1606 = arith.cmpi sge, %sub3A_1604, %ge3A_1605 : i32
    %le3A_1607 = arith.constant 63 : i32
    %le3A_1608 = arith.cmpi sle, %sub3A_1604, %le3A_1607 : i32
    %and3A_1609 = arith.andi %ge3A_1606, %le3A_1608 : i1
    %sub3A_1610 = arith.subi %sub3A_1604, %min3A_102 : i32
    %jit3A_1611 = arith.constant 0 : i32
    %jit3A_1612 = arith.constant 4 : i32
    %max3A_1613 = arith.maxsi %jit3A_1611, %sub3A_1610 : i32
    %min3A_1614 = arith.minsi %jit3A_1612, %max3A_1613 : i32
    %jit3A_1615 = arith.constant 6.250000e-02 : f32
    %jit3A_1616 = arith.constant 0.000000e+00 : f32
    %select_n3A_1617 = arith.select %and3A_1609, %jit3A_1615, %jit3A_1616 : f32
    %broadcast_in_dim3A_1618 = vector.broadcast %select_n3A_1617 : f32 to vector<16xf32>
    %add3A_1619 = arith.constant 4 : i32
    %add3A_1620 = arith.addi %mul3A_32, %add3A_1619 : i32
    %sub3A_1621 = arith.constant 8 : i32
    %sub3A_1622 = arith.subi %add3A_1620, %sub3A_1621 : i32
    %ge3A_1623 = arith.constant 0 : i32
    %ge3A_1624 = arith.cmpi sge, %sub3A_1622, %ge3A_1623 : i32
    %le3A_1625 = arith.constant 63 : i32
    %le3A_1626 = arith.cmpi sle, %sub3A_1622, %le3A_1625 : i32
    %and3A_1627 = arith.andi %ge3A_1624, %le3A_1626 : i1
    %sub3A_1628 = arith.subi %sub3A_1622, %min3A_84 : i32
    %jit3A_1629 = arith.constant 0 : i32
    %jit3A_1630 = arith.constant 4 : i32
    %max3A_1631 = arith.maxsi %jit3A_1629, %sub3A_1628 : i32
    %min3A_1632 = arith.minsi %jit3A_1630, %max3A_1631 : i32
    %jit3A_1633 = arith.constant 6.250000e-02 : f32
    %jit3A_1634 = arith.constant 0.000000e+00 : f32
    %select_n3A_1635 = arith.select %and3A_1627, %jit3A_1633, %jit3A_1634 : f32
    %broadcast_in_dim3A_1636 = vector.broadcast %select_n3A_1635 : f32 to vector<16xf32>
    %add3A_1637 = arith.constant 4 : i32
    %add3A_1638 = arith.addi %mul3A_32, %add3A_1637 : i32
    %sub3A_1639 = arith.constant 9 : i32
    %sub3A_1640 = arith.subi %add3A_1638, %sub3A_1639 : i32
    %ge3A_1641 = arith.constant 0 : i32
    %ge3A_1642 = arith.cmpi sge, %sub3A_1640, %ge3A_1641 : i32
    %le3A_1643 = arith.constant 63 : i32
    %le3A_1644 = arith.cmpi sle, %sub3A_1640, %le3A_1643 : i32
    %and3A_1645 = arith.andi %ge3A_1642, %le3A_1644 : i1
    %sub3A_1646 = arith.subi %sub3A_1640, %min3A_90 : i32
    %jit3A_1647 = arith.constant 0 : i32
    %jit3A_1648 = arith.constant 4 : i32
    %max3A_1649 = arith.maxsi %jit3A_1647, %sub3A_1646 : i32
    %min3A_1650 = arith.minsi %jit3A_1648, %max3A_1649 : i32
    %jit3A_1651 = arith.constant 6.250000e-02 : f32
    %jit3A_1652 = arith.constant 0.000000e+00 : f32
    %select_n3A_1653 = arith.select %and3A_1645, %jit3A_1651, %jit3A_1652 : f32
    %broadcast_in_dim3A_1654 = vector.broadcast %select_n3A_1653 : f32 to vector<16xf32>
    %add3A_1655 = arith.constant 4 : i32
    %add3A_1656 = arith.addi %mul3A_32, %add3A_1655 : i32
    %sub3A_1657 = arith.constant 10 : i32
    %sub3A_1658 = arith.subi %add3A_1656, %sub3A_1657 : i32
    %ge3A_1659 = arith.constant 0 : i32
    %ge3A_1660 = arith.cmpi sge, %sub3A_1658, %ge3A_1659 : i32
    %le3A_1661 = arith.constant 63 : i32
    %le3A_1662 = arith.cmpi sle, %sub3A_1658, %le3A_1661 : i32
    %and3A_1663 = arith.andi %ge3A_1660, %le3A_1662 : i1
    %sub3A_1664 = arith.subi %sub3A_1658, %min3A_96 : i32
    %jit3A_1665 = arith.constant 0 : i32
    %jit3A_1666 = arith.constant 4 : i32
    %max3A_1667 = arith.maxsi %jit3A_1665, %sub3A_1664 : i32
    %min3A_1668 = arith.minsi %jit3A_1666, %max3A_1667 : i32
    %jit3A_1669 = arith.constant 6.250000e-02 : f32
    %jit3A_1670 = arith.constant 0.000000e+00 : f32
    %select_n3A_1671 = arith.select %and3A_1663, %jit3A_1669, %jit3A_1670 : f32
    %broadcast_in_dim3A_1672 = vector.broadcast %select_n3A_1671 : f32 to vector<16xf32>
    %add3A_1673 = arith.constant 4 : i32
    %add3A_1674 = arith.addi %mul3A_32, %add3A_1673 : i32
    %sub3A_1675 = arith.constant 11 : i32
    %sub3A_1676 = arith.subi %add3A_1674, %sub3A_1675 : i32
    %ge3A_1677 = arith.constant 0 : i32
    %ge3A_1678 = arith.cmpi sge, %sub3A_1676, %ge3A_1677 : i32
    %le3A_1679 = arith.constant 63 : i32
    %le3A_1680 = arith.cmpi sle, %sub3A_1676, %le3A_1679 : i32
    %and3A_1681 = arith.andi %ge3A_1678, %le3A_1680 : i1
    %sub3A_1682 = arith.subi %sub3A_1676, %min3A_102 : i32
    %jit3A_1683 = arith.constant 0 : i32
    %jit3A_1684 = arith.constant 4 : i32
    %max3A_1685 = arith.maxsi %jit3A_1683, %sub3A_1682 : i32
    %min3A_1686 = arith.minsi %jit3A_1684, %max3A_1685 : i32
    %jit3A_1687 = arith.constant 6.250000e-02 : f32
    %jit3A_1688 = arith.constant 0.000000e+00 : f32
    %select_n3A_1689 = arith.select %and3A_1681, %jit3A_1687, %jit3A_1688 : f32
    %broadcast_in_dim3A_1690 = vector.broadcast %select_n3A_1689 : f32 to vector<16xf32>
    %parallel_loop3A_1691 = arith.constant 0 : i32
    %parallel_loop3A_1692 = arith.constant 64 : i32
    %parallel_loop3A_1693 = arith.constant 1 : i32
    scf.for %parallel_loop3A_2166 = %parallel_loop3A_1691 to %parallel_loop3A_1692 step %parallel_loop3A_1693  : i32 {
      %parallel_loop3A_2167 = arith.constant 16 : i32
      %parallel_loop3A_2168 = arith.muli %parallel_loop3A_2166, %parallel_loop3A_2167 : i32
      %parallel_loop3A_2169 = arith.constant 0 : i32
      %parallel_loop3A_2170 = arith.addi %parallel_loop3A_2169, %parallel_loop3A_2168 : i32
      %parallel_loop3A_2171 = arith.index_cast %parallel_loop3A_2170 : i32 to index
      %parallel_loop3A_2172 = tpu.vector_load %arg9[%parallel_loop3A_2171] {strides = array<i32>} : memref<5120xf32, #tpu.memory_space<vmem>>, vector<16xf32>,
      %parallel_loop3A_2173 = vector.shape_cast %parallel_loop3A_2172 : vector<16xf32> to vector<16xf32>
      %parallel_loop3A_2174 = arith.constant 0 : i32
      %parallel_loop3A_2175 = arith.index_cast %parallel_loop3A_2174 : i32 to index
      %parallel_loop3A_2176 = arith.index_cast %min3A_1344 : i32 to index
      %parallel_loop3A_2177 = arith.index_cast %parallel_loop3A_2168 : i32 to index
      %parallel_loop3A_2178 = tpu.vector_load %arg6[%parallel_loop3A_2175, %parallel_loop3A_2176, %parallel_loop3A_2177] {strides = array<i32>} : memref<4x5x1024xf32, #tpu.memory_space<vmem>>, vector<1x1x16xf32>,
      %parallel_loop3A_2179 = vector.shape_cast %parallel_loop3A_2178 : vector<1x1x16xf32> to vector<16xf32>
      %parallel_loop3A_2180 = arith.mulf %parallel_loop3A_2179, %broadcast_in_dim3A_1348 : vector<16xf32>
      %parallel_loop3A_2181 = arith.addf %parallel_loop3A_2173, %parallel_loop3A_2180 : vector<16xf32>
      %parallel_loop3A_2182 = arith.constant 1 : i32
      %parallel_loop3A_2183 = arith.index_cast %parallel_loop3A_2182 : i32 to index
      %parallel_loop3A_2184 = arith.index_cast %min3A_1362 : i32 to index
      %parallel_loop3A_2185 = arith.index_cast %parallel_loop3A_2168 : i32 to index
      %parallel_loop3A_2186 = tpu.vector_load %arg6[%parallel_loop3A_2183, %parallel_loop3A_2184, %parallel_loop3A_2185] {strides = array<i32>} : memref<4x5x1024xf32, #tpu.memory_space<vmem>>, vector<1x1x16xf32>,
      %parallel_loop3A_2187 = vector.shape_cast %parallel_loop3A_2186 : vector<1x1x16xf32> to vector<16xf32>
      %parallel_loop3A_2188 = arith.mulf %parallel_loop3A_2187, %broadcast_in_dim3A_1366 : vector<16xf32>
      %parallel_loop3A_2189 = arith.addf %parallel_loop3A_2181, %parallel_loop3A_2188 : vector<16xf32>
      %parallel_loop3A_2190 = arith.constant 2 : i32
      %parallel_loop3A_2191 = arith.index_cast %parallel_loop3A_2190 : i32 to index
      %parallel_loop3A_2192 = arith.index_cast %min3A_1380 : i32 to index
      %parallel_loop3A_2193 = arith.index_cast %parallel_loop3A_2168 : i32 to index
      %parallel_loop3A_2194 = tpu.vector_load %arg6[%parallel_loop3A_2191, %parallel_loop3A_2192, %parallel_loop3A_2193] {strides = array<i32>} : memref<4x5x1024xf32, #tpu.memory_space<vmem>>, vector<1x1x16xf32>,
      %parallel_loop3A_2195 = vector.shape_cast %parallel_loop3A_2194 : vector<1x1x16xf32> to vector<16xf32>
      %parallel_loop3A_2196 = arith.mulf %parallel_loop3A_2195, %broadcast_in_dim3A_1384 : vector<16xf32>
      %parallel_loop3A_2197 = arith.addf %parallel_loop3A_2189, %parallel_loop3A_2196 : vector<16xf32>
      %parallel_loop3A_2198 = arith.constant 3 : i32
      %parallel_loop3A_2199 = arith.index_cast %parallel_loop3A_2198 : i32 to index
      %parallel_loop3A_2200 = arith.index_cast %min3A_1398 : i32 to index
      %parallel_loop3A_2201 = arith.index_cast %parallel_loop3A_2168 : i32 to index
      %parallel_loop3A_2202 = tpu.vector_load %arg6[%parallel_loop3A_2199, %parallel_loop3A_2200, %parallel_loop3A_2201] {strides = array<i32>} : memref<4x5x1024xf32, #tpu.memory_space<vmem>>, vector<1x1x16xf32>,
      %parallel_loop3A_2203 = vector.shape_cast %parallel_loop3A_2202 : vector<1x1x16xf32> to vector<16xf32>
      %parallel_loop3A_2204 = arith.mulf %parallel_loop3A_2203, %broadcast_in_dim3A_1402 : vector<16xf32>
      %parallel_loop3A_2205 = arith.addf %parallel_loop3A_2197, %parallel_loop3A_2204 : vector<16xf32>
      %parallel_loop3A_2206 = arith.constant 0 : i32
      %parallel_loop3A_2207 = arith.addi %parallel_loop3A_2206, %parallel_loop3A_2168 : i32
      %parallel_loop3A_2208 = arith.index_cast %parallel_loop3A_2207 : i32 to index
      %parallel_loop3A_2209 = tpu.vector_load %arg9[%parallel_loop3A_2208] {strides = array<i32>} : memref<5120xf32, #tpu.memory_space<vmem>>, vector<16xf32>,
      %parallel_loop3A_2210 = vector.shape_cast %parallel_loop3A_2209 : vector<16xf32> to vector<16xf32>
      %parallel_loop3A_2211 = vector.shape_cast %parallel_loop3A_2205 : vector<16xf32> to vector<16xf32>
      tpu.vector_store %arg9[%parallel_loop3A_2208], %parallel_loop3A_2211 {strides = array<i32>} : memref<5120xf32, #tpu.memory_space<vmem>>, vector<16xf32>,
      %parallel_loop3A_2212 = arith.constant 1024 : i32
      %parallel_loop3A_2213 = arith.addi %parallel_loop3A_2212, %parallel_loop3A_2168 : i32
      %parallel_loop3A_2214 = arith.index_cast %parallel_loop3A_2213 : i32 to index
      %parallel_loop3A_2215 = tpu.vector_load %arg9[%parallel_loop3A_2214] {strides = array<i32>} : memref<5120xf32, #tpu.memory_space<vmem>>, vector<16xf32>,
      %parallel_loop3A_2216 = vector.shape_cast %parallel_loop3A_2215 : vector<16xf32> to vector<16xf32>
      %parallel_loop3A_2217 = arith.constant 0 : i32
      %parallel_loop3A_2218 = arith.index_cast %parallel_loop3A_2217 : i32 to index
      %parallel_loop3A_2219 = arith.index_cast %min3A_1416 : i32 to index
      %parallel_loop3A_2220 = arith.index_cast %parallel_loop3A_2168 : i32 to index
      %parallel_loop3A_2221 = tpu.vector_load %arg6[%parallel_loop3A_2218, %parallel_loop3A_2219, %parallel_loop3A_2220] {strides = array<i32>} : memref<4x5x1024xf32, #tpu.memory_space<vmem>>, vector<1x1x16xf32>,
      %parallel_loop3A_2222 = vector.shape_cast %parallel_loop3A_2221 : vector<1x1x16xf32> to vector<16xf32>
      %parallel_loop3A_2223 = arith.mulf %parallel_loop3A_2222, %broadcast_in_dim3A_1420 : vector<16xf32>
      %parallel_loop3A_2224 = arith.addf %parallel_loop3A_2216, %parallel_loop3A_2223 : vector<16xf32>
      %parallel_loop3A_2225 = arith.constant 1 : i32
      %parallel_loop3A_2226 = arith.index_cast %parallel_loop3A_2225 : i32 to index
      %parallel_loop3A_2227 = arith.index_cast %min3A_1434 : i32 to index
      %parallel_loop3A_2228 = arith.index_cast %parallel_loop3A_2168 : i32 to index
      %parallel_loop3A_2229 = tpu.vector_load %arg6[%parallel_loop3A_2226, %parallel_loop3A_2227, %parallel_loop3A_2228] {strides = array<i32>} : memref<4x5x1024xf32, #tpu.memory_space<vmem>>, vector<1x1x16xf32>,
      %parallel_loop3A_2230 = vector.shape_cast %parallel_loop3A_2229 : vector<1x1x16xf32> to vector<16xf32>
      %parallel_loop3A_2231 = arith.mulf %parallel_loop3A_2230, %broadcast_in_dim3A_1438 : vector<16xf32>
      %parallel_loop3A_2232 = arith.addf %parallel_loop3A_2224, %parallel_loop3A_2231 : vector<16xf32>
      %parallel_loop3A_2233 = arith.constant 2 : i32
      %parallel_loop3A_2234 = arith.index_cast %parallel_loop3A_2233 : i32 to index
      %parallel_loop3A_2235 = arith.index_cast %min3A_1452 : i32 to index
      %parallel_loop3A_2236 = arith.index_cast %parallel_loop3A_2168 : i32 to index
      %parallel_loop3A_2237 = tpu.vector_load %arg6[%parallel_loop3A_2234, %parallel_loop3A_2235, %parallel_loop3A_2236] {strides = array<i32>} : memref<4x5x1024xf32, #tpu.memory_space<vmem>>, vector<1x1x16xf32>,
      %parallel_loop3A_2238 = vector.shape_cast %parallel_loop3A_2237 : vector<1x1x16xf32> to vector<16xf32>
      %parallel_loop3A_2239 = arith.mulf %parallel_loop3A_2238, %broadcast_in_dim3A_1456 : vector<16xf32>
      %parallel_loop3A_2240 = arith.addf %parallel_loop3A_2232, %parallel_loop3A_2239 : vector<16xf32>
      %parallel_loop3A_2241 = arith.constant 3 : i32
      %parallel_loop3A_2242 = arith.index_cast %parallel_loop3A_2241 : i32 to index
      %parallel_loop3A_2243 = arith.index_cast %min3A_1470 : i32 to index
      %parallel_loop3A_2244 = arith.index_cast %parallel_loop3A_2168 : i32 to index
      %parallel_loop3A_2245 = tpu.vector_load %arg6[%parallel_loop3A_2242, %parallel_loop3A_2243, %parallel_loop3A_2244] {strides = array<i32>} : memref<4x5x1024xf32, #tpu.memory_space<vmem>>, vector<1x1x16xf32>,
      %parallel_loop3A_2246 = vector.shape_cast %parallel_loop3A_2245 : vector<1x1x16xf32> to vector<16xf32>
      %parallel_loop3A_2247 = arith.mulf %parallel_loop3A_2246, %broadcast_in_dim3A_1474 : vector<16xf32>
      %parallel_loop3A_2248 = arith.addf %parallel_loop3A_2240, %parallel_loop3A_2247 : vector<16xf32>
      %parallel_loop3A_2249 = arith.constant 1024 : i32
      %parallel_loop3A_2250 = arith.addi %parallel_loop3A_2249, %parallel_loop3A_2168 : i32
      %parallel_loop3A_2251 = arith.index_cast %parallel_loop3A_2250 : i32 to index
      %parallel_loop3A_2252 = tpu.vector_load %arg9[%parallel_loop3A_2251] {strides = array<i32>} : memref<5120xf32, #tpu.memory_space<vmem>>, vector<16xf32>,
      %parallel_loop3A_2253 = vector.shape_cast %parallel_loop3A_2252 : vector<16xf32> to vector<16xf32>
      %parallel_loop3A_2254 = vector.shape_cast %parallel_loop3A_2248 : vector<16xf32> to vector<16xf32>
      tpu.vector_store %arg9[%parallel_loop3A_2251], %parallel_loop3A_2254 {strides = array<i32>} : memref<5120xf32, #tpu.memory_space<vmem>>, vector<16xf32>,
      %parallel_loop3A_2255 = arith.constant 2048 : i32
      %parallel_loop3A_2256 = arith.addi %parallel_loop3A_2255, %parallel_loop3A_2168 : i32
      %parallel_loop3A_2257 = arith.index_cast %parallel_loop3A_2256 : i32 to index
      %parallel_loop3A_2258 = tpu.vector_load %arg9[%parallel_loop3A_2257] {strides = array<i32>} : memref<5120xf32, #tpu.memory_space<vmem>>, vector<16xf32>,
      %parallel_loop3A_2259 = vector.shape_cast %parallel_loop3A_2258 : vector<16xf32> to vector<16xf32>
      %parallel_loop3A_2260 = arith.constant 0 : i32
      %parallel_loop3A_2261 = arith.index_cast %parallel_loop3A_2260 : i32 to index
      %parallel_loop3A_2262 = arith.index_cast %min3A_1488 : i32 to index
      %parallel_loop3A_2263 = arith.index_cast %parallel_loop3A_2168 : i32 to index
      %parallel_loop3A_2264 = tpu.vector_load %arg6[%parallel_loop3A_2261, %parallel_loop3A_2262, %parallel_loop3A_2263] {strides = array<i32>} : memref<4x5x1024xf32, #tpu.memory_space<vmem>>, vector<1x1x16xf32>,
      %parallel_loop3A_2265 = vector.shape_cast %parallel_loop3A_2264 : vector<1x1x16xf32> to vector<16xf32>
      %parallel_loop3A_2266 = arith.mulf %parallel_loop3A_2265, %broadcast_in_dim3A_1492 : vector<16xf32>
      %parallel_loop3A_2267 = arith.addf %parallel_loop3A_2259, %parallel_loop3A_2266 : vector<16xf32>
      %parallel_loop3A_2268 = arith.constant 1 : i32
      %parallel_loop3A_2269 = arith.index_cast %parallel_loop3A_2268 : i32 to index
      %parallel_loop3A_2270 = arith.index_cast %min3A_1506 : i32 to index
      %parallel_loop3A_2271 = arith.index_cast %parallel_loop3A_2168 : i32 to index
      %parallel_loop3A_2272 = tpu.vector_load %arg6[%parallel_loop3A_2269, %parallel_loop3A_2270, %parallel_loop3A_2271] {strides = array<i32>} : memref<4x5x1024xf32, #tpu.memory_space<vmem>>, vector<1x1x16xf32>,
      %parallel_loop3A_2273 = vector.shape_cast %parallel_loop3A_2272 : vector<1x1x16xf32> to vector<16xf32>
      %parallel_loop3A_2274 = arith.mulf %parallel_loop3A_2273, %broadcast_in_dim3A_1510 : vector<16xf32>
      %parallel_loop3A_2275 = arith.addf %parallel_loop3A_2267, %parallel_loop3A_2274 : vector<16xf32>
      %parallel_loop3A_2276 = arith.constant 2 : i32
      %parallel_loop3A_2277 = arith.index_cast %parallel_loop3A_2276 : i32 to index
      %parallel_loop3A_2278 = arith.index_cast %min3A_1524 : i32 to index
      %parallel_loop3A_2279 = arith.index_cast %parallel_loop3A_2168 : i32 to index
      %parallel_loop3A_2280 = tpu.vector_load %arg6[%parallel_loop3A_2277, %parallel_loop3A_2278, %parallel_loop3A_2279] {strides = array<i32>} : memref<4x5x1024xf32, #tpu.memory_space<vmem>>, vector<1x1x16xf32>,
      %parallel_loop3A_2281 = vector.shape_cast %parallel_loop3A_2280 : vector<1x1x16xf32> to vector<16xf32>
      %parallel_loop3A_2282 = arith.mulf %parallel_loop3A_2281, %broadcast_in_dim3A_1528 : vector<16xf32>
      %parallel_loop3A_2283 = arith.addf %parallel_loop3A_2275, %parallel_loop3A_2282 : vector<16xf32>
      %parallel_loop3A_2284 = arith.constant 3 : i32
      %parallel_loop3A_2285 = arith.index_cast %parallel_loop3A_2284 : i32 to index
      %parallel_loop3A_2286 = arith.index_cast %min3A_1542 : i32 to index
      %parallel_loop3A_2287 = arith.index_cast %parallel_loop3A_2168 : i32 to index
      %parallel_loop3A_2288 = tpu.vector_load %arg6[%parallel_loop3A_2285, %parallel_loop3A_2286, %parallel_loop3A_2287] {strides = array<i32>} : memref<4x5x1024xf32, #tpu.memory_space<vmem>>, vector<1x1x16xf32>,
      %parallel_loop3A_2289 = vector.shape_cast %parallel_loop3A_2288 : vector<1x1x16xf32> to vector<16xf32>
      %parallel_loop3A_2290 = arith.mulf %parallel_loop3A_2289, %broadcast_in_dim3A_1546 : vector<16xf32>
      %parallel_loop3A_2291 = arith.addf %parallel_loop3A_2283, %parallel_loop3A_2290 : vector<16xf32>
      %parallel_loop3A_2292 = arith.constant 2048 : i32
      %parallel_loop3A_2293 = arith.addi %parallel_loop3A_2292, %parallel_loop3A_2168 : i32
      %parallel_loop3A_2294 = arith.index_cast %parallel_loop3A_2293 : i32 to index
      %parallel_loop3A_2295 = tpu.vector_load %arg9[%parallel_loop3A_2294] {strides = array<i32>} : memref<5120xf32, #tpu.memory_space<vmem>>, vector<16xf32>,
      %parallel_loop3A_2296 = vector.shape_cast %parallel_loop3A_2295 : vector<16xf32> to vector<16xf32>
      %parallel_loop3A_2297 = vector.shape_cast %parallel_loop3A_2291 : vector<16xf32> to vector<16xf32>
      tpu.vector_store %arg9[%parallel_loop3A_2294], %parallel_loop3A_2297 {strides = array<i32>} : memref<5120xf32, #tpu.memory_space<vmem>>, vector<16xf32>,
      %parallel_loop3A_2298 = arith.constant 3072 : i32
      %parallel_loop3A_2299 = arith.addi %parallel_loop3A_2298, %parallel_loop3A_2168 : i32
      %parallel_loop3A_2300 = arith.index_cast %parallel_loop3A_2299 : i32 to index
      %parallel_loop3A_2301 = tpu.vector_load %arg9[%parallel_loop3A_2300] {strides = array<i32>} : memref<5120xf32, #tpu.memory_space<vmem>>, vector<16xf32>,
      %parallel_loop3A_2302 = vector.shape_cast %parallel_loop3A_2301 : vector<16xf32> to vector<16xf32>
      %parallel_loop3A_2303 = arith.constant 0 : i32
      %parallel_loop3A_2304 = arith.index_cast %parallel_loop3A_2303 : i32 to index
      %parallel_loop3A_2305 = arith.index_cast %min3A_1560 : i32 to index
      %parallel_loop3A_2306 = arith.index_cast %parallel_loop3A_2168 : i32 to index
      %parallel_loop3A_2307 = tpu.vector_load %arg6[%parallel_loop3A_2304, %parallel_loop3A_2305, %parallel_loop3A_2306] {strides = array<i32>} : memref<4x5x1024xf32, #tpu.memory_space<vmem>>, vector<1x1x16xf32>,
      %parallel_loop3A_2308 = vector.shape_cast %parallel_loop3A_2307 : vector<1x1x16xf32> to vector<16xf32>
      %parallel_loop3A_2309 = arith.mulf %parallel_loop3A_2308, %broadcast_in_dim3A_1564 : vector<16xf32>
      %parallel_loop3A_2310 = arith.addf %parallel_loop3A_2302, %parallel_loop3A_2309 : vector<16xf32>
      %parallel_loop3A_2311 = arith.constant 1 : i32
      %parallel_loop3A_2312 = arith.index_cast %parallel_loop3A_2311 : i32 to index
      %parallel_loop3A_2313 = arith.index_cast %min3A_1578 : i32 to index
      %parallel_loop3A_2314 = arith.index_cast %parallel_loop3A_2168 : i32 to index
      %parallel_loop3A_2315 = tpu.vector_load %arg6[%parallel_loop3A_2312, %parallel_loop3A_2313, %parallel_loop3A_2314] {strides = array<i32>} : memref<4x5x1024xf32, #tpu.memory_space<vmem>>, vector<1x1x16xf32>,
      %parallel_loop3A_2316 = vector.shape_cast %parallel_loop3A_2315 : vector<1x1x16xf32> to vector<16xf32>
      %parallel_loop3A_2317 = arith.mulf %parallel_loop3A_2316, %broadcast_in_dim3A_1582 : vector<16xf32>
      %parallel_loop3A_2318 = arith.addf %parallel_loop3A_2310, %parallel_loop3A_2317 : vector<16xf32>
      %parallel_loop3A_2319 = arith.constant 2 : i32
      %parallel_loop3A_2320 = arith.index_cast %parallel_loop3A_2319 : i32 to index
      %parallel_loop3A_2321 = arith.index_cast %min3A_1596 : i32 to index
      %parallel_loop3A_2322 = arith.index_cast %parallel_loop3A_2168 : i32 to index
      %parallel_loop3A_2323 = tpu.vector_load %arg6[%parallel_loop3A_2320, %parallel_loop3A_2321, %parallel_loop3A_2322] {strides = array<i32>} : memref<4x5x1024xf32, #tpu.memory_space<vmem>>, vector<1x1x16xf32>,
      %parallel_loop3A_2324 = vector.shape_cast %parallel_loop3A_2323 : vector<1x1x16xf32> to vector<16xf32>
      %parallel_loop3A_2325 = arith.mulf %parallel_loop3A_2324, %broadcast_in_dim3A_1600 : vector<16xf32>
      %parallel_loop3A_2326 = arith.addf %parallel_loop3A_2318, %parallel_loop3A_2325 : vector<16xf32>
      %parallel_loop3A_2327 = arith.constant 3 : i32
      %parallel_loop3A_2328 = arith.index_cast %parallel_loop3A_2327 : i32 to index
      %parallel_loop3A_2329 = arith.index_cast %min3A_1614 : i32 to index
      %parallel_loop3A_2330 = arith.index_cast %parallel_loop3A_2168 : i32 to index
      %parallel_loop3A_2331 = tpu.vector_load %arg6[%parallel_loop3A_2328, %parallel_loop3A_2329, %parallel_loop3A_2330] {strides = array<i32>} : memref<4x5x1024xf32, #tpu.memory_space<vmem>>, vector<1x1x16xf32>,
      %parallel_loop3A_2332 = vector.shape_cast %parallel_loop3A_2331 : vector<1x1x16xf32> to vector<16xf32>
      %parallel_loop3A_2333 = arith.mulf %parallel_loop3A_2332, %broadcast_in_dim3A_1618 : vector<16xf32>
      %parallel_loop3A_2334 = arith.addf %parallel_loop3A_2326, %parallel_loop3A_2333 : vector<16xf32>
      %parallel_loop3A_2335 = arith.constant 3072 : i32
      %parallel_loop3A_2336 = arith.addi %parallel_loop3A_2335, %parallel_loop3A_2168 : i32
      %parallel_loop3A_2337 = arith.index_cast %parallel_loop3A_2336 : i32 to index
      %parallel_loop3A_2338 = tpu.vector_load %arg9[%parallel_loop3A_2337] {strides = array<i32>} : memref<5120xf32, #tpu.memory_space<vmem>>, vector<16xf32>,
      %parallel_loop3A_2339 = vector.shape_cast %parallel_loop3A_2338 : vector<16xf32> to vector<16xf32>
      %parallel_loop3A_2340 = vector.shape_cast %parallel_loop3A_2334 : vector<16xf32> to vector<16xf32>
      tpu.vector_store %arg9[%parallel_loop3A_2337], %parallel_loop3A_2340 {strides = array<i32>} : memref<5120xf32, #tpu.memory_space<vmem>>, vector<16xf32>,
      %parallel_loop3A_2341 = arith.constant 4096 : i32
      %parallel_loop3A_2342 = arith.addi %parallel_loop3A_2341, %parallel_loop3A_2168 : i32
      %parallel_loop3A_2343 = arith.index_cast %parallel_loop3A_2342 : i32 to index
      %parallel_loop3A_2344 = tpu.vector_load %arg9[%parallel_loop3A_2343] {strides = array<i32>} : memref<5120xf32, #tpu.memory_space<vmem>>, vector<16xf32>,
      %parallel_loop3A_2345 = vector.shape_cast %parallel_loop3A_2344 : vector<16xf32> to vector<16xf32>
      %parallel_loop3A_2346 = arith.constant 0 : i32
      %parallel_loop3A_2347 = arith.index_cast %parallel_loop3A_2346 : i32 to index
      %parallel_loop3A_2348 = arith.index_cast %min3A_1632 : i32 to index
      %parallel_loop3A_2349 = arith.index_cast %parallel_loop3A_2168 : i32 to index
      %parallel_loop3A_2350 = tpu.vector_load %arg6[%parallel_loop3A_2347, %parallel_loop3A_2348, %parallel_loop3A_2349] {strides = array<i32>} : memref<4x5x1024xf32, #tpu.memory_space<vmem>>, vector<1x1x16xf32>,
      %parallel_loop3A_2351 = vector.shape_cast %parallel_loop3A_2350 : vector<1x1x16xf32> to vector<16xf32>
      %parallel_loop3A_2352 = arith.mulf %parallel_loop3A_2351, %broadcast_in_dim3A_1636 : vector<16xf32>
      %parallel_loop3A_2353 = arith.addf %parallel_loop3A_2345, %parallel_loop3A_2352 : vector<16xf32>
      %parallel_loop3A_2354 = arith.constant 1 : i32
      %parallel_loop3A_2355 = arith.index_cast %parallel_loop3A_2354 : i32 to index
      %parallel_loop3A_2356 = arith.index_cast %min3A_1650 : i32 to index
      %parallel_loop3A_2357 = arith.index_cast %parallel_loop3A_2168 : i32 to index
      %parallel_loop3A_2358 = tpu.vector_load %arg6[%parallel_loop3A_2355, %parallel_loop3A_2356, %parallel_loop3A_2357] {strides = array<i32>} : memref<4x5x1024xf32, #tpu.memory_space<vmem>>, vector<1x1x16xf32>,
      %parallel_loop3A_2359 = vector.shape_cast %parallel_loop3A_2358 : vector<1x1x16xf32> to vector<16xf32>
      %parallel_loop3A_2360 = arith.mulf %parallel_loop3A_2359, %broadcast_in_dim3A_1654 : vector<16xf32>
      %parallel_loop3A_2361 = arith.addf %parallel_loop3A_2353, %parallel_loop3A_2360 : vector<16xf32>
      %parallel_loop3A_2362 = arith.constant 2 : i32
      %parallel_loop3A_2363 = arith.index_cast %parallel_loop3A_2362 : i32 to index
      %parallel_loop3A_2364 = arith.index_cast %min3A_1668 : i32 to index
      %parallel_loop3A_2365 = arith.index_cast %parallel_loop3A_2168 : i32 to index
      %parallel_loop3A_2366 = tpu.vector_load %arg6[%parallel_loop3A_2363, %parallel_loop3A_2364, %parallel_loop3A_2365] {strides = array<i32>} : memref<4x5x1024xf32, #tpu.memory_space<vmem>>, vector<1x1x16xf32>,
      %parallel_loop3A_2367 = vector.shape_cast %parallel_loop3A_2366 : vector<1x1x16xf32> to vector<16xf32>
      %parallel_loop3A_2368 = arith.mulf %parallel_loop3A_2367, %broadcast_in_dim3A_1672 : vector<16xf32>
      %parallel_loop3A_2369 = arith.addf %parallel_loop3A_2361, %parallel_loop3A_2368 : vector<16xf32>
      %parallel_loop3A_2370 = arith.constant 3 : i32
      %parallel_loop3A_2371 = arith.index_cast %parallel_loop3A_2370 : i32 to index
      %parallel_loop3A_2372 = arith.index_cast %min3A_1686 : i32 to index
      %parallel_loop3A_2373 = arith.index_cast %parallel_loop3A_2168 : i32 to index
      %parallel_loop3A_2374 = tpu.vector_load %arg6[%parallel_loop3A_2371, %parallel_loop3A_2372, %parallel_loop3A_2373] {strides = array<i32>} : memref<4x5x1024xf32, #tpu.memory_space<vmem>>, vector<1x1x16xf32>,
      %parallel_loop3A_2375 = vector.shape_cast %parallel_loop3A_2374 : vector<1x1x16xf32> to vector<16xf32>
      %parallel_loop3A_2376 = arith.mulf %parallel_loop3A_2375, %broadcast_in_dim3A_1690 : vector<16xf32>
      %parallel_loop3A_2377 = arith.addf %parallel_loop3A_2369, %parallel_loop3A_2376 : vector<16xf32>
      %parallel_loop3A_2378 = arith.constant 4096 : i32
      %parallel_loop3A_2379 = arith.addi %parallel_loop3A_2378, %parallel_loop3A_2168 : i32
      %parallel_loop3A_2380 = arith.index_cast %parallel_loop3A_2379 : i32 to index
      %parallel_loop3A_2381 = tpu.vector_load %arg9[%parallel_loop3A_2380] {strides = array<i32>} : memref<5120xf32, #tpu.memory_space<vmem>>, vector<16xf32>,
      %parallel_loop3A_2382 = vector.shape_cast %parallel_loop3A_2381 : vector<16xf32> to vector<16xf32>
      %parallel_loop3A_2383 = vector.shape_cast %parallel_loop3A_2377 : vector<16xf32> to vector<16xf32>
      tpu.vector_store %arg9[%parallel_loop3A_2380], %parallel_loop3A_2383 {strides = array<i32>} : memref<5120xf32, #tpu.memory_space<vmem>>, vector<16xf32>,
    } {sc.loop_unroll_factor = 1 : i64, sc.parallel_access}
    %dma_wait3A_1694 = arith.constant 0 : i32
    %dma_wait3A_1695 = arith.constant 0 : i32
    %dma_wait3A_1696 = arith.constant 0 : i32
    %dma_wait3A_1697 = tpu.memref_slice %arg7[%dma_wait3A_1694, %dma_wait3A_1695, %dma_wait3A_1696] : memref<4x5x1024xf32, #tpu.memory_space<vmem>> -> memref<1x5x1024xf32, #tpu.memory_space<vmem>>
    %dma_wait3A_1698 = tpu.memref_squeeze %dma_wait3A_1697 : memref<1x5x1024xf32, #tpu.memory_space<vmem>> -> memref<5x1024xf32, #tpu.memory_space<vmem>>
    %dma_wait3A_1699 = arith.constant 12288 : i32
    %dma_wait3A_1700 = tpu.memref_slice %arg2[%min3A_108, %select_n3A, %dma_wait3A_1699] : memref<64x2x16384xf32, #tpu.memory_space<hbm>> -> memref<5x1x1024xf32, #tpu.memory_space<hbm>>
    %dma_wait3A_1701 = tpu.memref_squeeze %dma_wait3A_1700 : memref<5x1x1024xf32, #tpu.memory_space<hbm>> -> memref<5x1024xf32, #tpu.memory_space<hbm>>
    %dma_wait3A_1702 = arith.constant 0 : i32
    %dma_wait3A_1703 = arith.constant 0 : i32
    %dma_wait3A_1704 = tpu.memref_slice %arg7[%dma_wait3A_1694, %dma_wait3A_1702, %dma_wait3A_1703] : memref<4x5x1024xf32, #tpu.memory_space<vmem>> -> memref<1x5x1024xf32, #tpu.memory_space<vmem>>
    %dma_wait3A_1705 = tpu.memref_squeeze %dma_wait3A_1704 : memref<1x5x1024xf32, #tpu.memory_space<vmem>> -> memref<5x1024xf32, #tpu.memory_space<vmem>>
    %dma_wait3A_1706 = arith.constant 12288 : i32
    %dma_wait3A_1707 = tpu.memref_slice %arg2[%min3A_108, %select_n3A, %dma_wait3A_1706] : memref<64x2x16384xf32, #tpu.memory_space<hbm>> -> memref<5x1x1024xf32, #tpu.memory_space<hbm>>
    %dma_wait3A_1708 = tpu.memref_squeeze %dma_wait3A_1707 : memref<5x1x1024xf32, #tpu.memory_space<hbm>> -> memref<5x1024xf32, #tpu.memory_space<hbm>>
    tpu.wait_dma2 semaphore(%arg12 : memref<!tpu.dma_semaphore, #tpu.memory_space<semaphore_mem>>) src(%dma_wait3A_1708 : memref<5x1024xf32, #tpu.memory_space<hbm>>) dst(%dma_wait3A_1705 : memref<5x1024xf32, #tpu.memory_space<vmem>>)
    %dma_wait3A_1709 = arith.constant 1 : i32
    %dma_wait3A_1710 = arith.constant 0 : i32
    %dma_wait3A_1711 = arith.constant 0 : i32
    %dma_wait3A_1712 = tpu.memref_slice %arg7[%dma_wait3A_1709, %dma_wait3A_1710, %dma_wait3A_1711] : memref<4x5x1024xf32, #tpu.memory_space<vmem>> -> memref<1x5x1024xf32, #tpu.memory_space<vmem>>
    %dma_wait3A_1713 = tpu.memref_squeeze %dma_wait3A_1712 : memref<1x5x1024xf32, #tpu.memory_space<vmem>> -> memref<5x1024xf32, #tpu.memory_space<vmem>>
    %dma_wait3A_1714 = arith.constant 13312 : i32
    %dma_wait3A_1715 = tpu.memref_slice %arg2[%min3A_114, %select_n3A, %dma_wait3A_1714] : memref<64x2x16384xf32, #tpu.memory_space<hbm>> -> memref<5x1x1024xf32, #tpu.memory_space<hbm>>
    %dma_wait3A_1716 = tpu.memref_squeeze %dma_wait3A_1715 : memref<5x1x1024xf32, #tpu.memory_space<hbm>> -> memref<5x1024xf32, #tpu.memory_space<hbm>>
    %dma_wait3A_1717 = arith.constant 0 : i32
    %dma_wait3A_1718 = arith.constant 0 : i32
    %dma_wait3A_1719 = tpu.memref_slice %arg7[%dma_wait3A_1709, %dma_wait3A_1717, %dma_wait3A_1718] : memref<4x5x1024xf32, #tpu.memory_space<vmem>> -> memref<1x5x1024xf32, #tpu.memory_space<vmem>>
    %dma_wait3A_1720 = tpu.memref_squeeze %dma_wait3A_1719 : memref<1x5x1024xf32, #tpu.memory_space<vmem>> -> memref<5x1024xf32, #tpu.memory_space<vmem>>
    %dma_wait3A_1721 = arith.constant 13312 : i32
    %dma_wait3A_1722 = tpu.memref_slice %arg2[%min3A_114, %select_n3A, %dma_wait3A_1721] : memref<64x2x16384xf32, #tpu.memory_space<hbm>> -> memref<5x1x1024xf32, #tpu.memory_space<hbm>>
    %dma_wait3A_1723 = tpu.memref_squeeze %dma_wait3A_1722 : memref<5x1x1024xf32, #tpu.memory_space<hbm>> -> memref<5x1024xf32, #tpu.memory_space<hbm>>
    tpu.wait_dma2 semaphore(%arg12 : memref<!tpu.dma_semaphore, #tpu.memory_space<semaphore_mem>>) src(%dma_wait3A_1723 : memref<5x1024xf32, #tpu.memory_space<hbm>>) dst(%dma_wait3A_1720 : memref<5x1024xf32, #tpu.memory_space<vmem>>)
    %dma_wait3A_1724 = arith.constant 2 : i32
    %dma_wait3A_1725 = arith.constant 0 : i32
    %dma_wait3A_1726 = arith.constant 0 : i32
    %dma_wait3A_1727 = tpu.memref_slice %arg7[%dma_wait3A_1724, %dma_wait3A_1725, %dma_wait3A_1726] : memref<4x5x1024xf32, #tpu.memory_space<vmem>> -> memref<1x5x1024xf32, #tpu.memory_space<vmem>>
    %dma_wait3A_1728 = tpu.memref_squeeze %dma_wait3A_1727 : memref<1x5x1024xf32, #tpu.memory_space<vmem>> -> memref<5x1024xf32, #tpu.memory_space<vmem>>
    %dma_wait3A_1729 = arith.constant 14336 : i32
    %dma_wait3A_1730 = tpu.memref_slice %arg2[%min3A_120, %select_n3A, %dma_wait3A_1729] : memref<64x2x16384xf32, #tpu.memory_space<hbm>> -> memref<5x1x1024xf32, #tpu.memory_space<hbm>>
    %dma_wait3A_1731 = tpu.memref_squeeze %dma_wait3A_1730 : memref<5x1x1024xf32, #tpu.memory_space<hbm>> -> memref<5x1024xf32, #tpu.memory_space<hbm>>
    %dma_wait3A_1732 = arith.constant 0 : i32
    %dma_wait3A_1733 = arith.constant 0 : i32
    %dma_wait3A_1734 = tpu.memref_slice %arg7[%dma_wait3A_1724, %dma_wait3A_1732, %dma_wait3A_1733] : memref<4x5x1024xf32, #tpu.memory_space<vmem>> -> memref<1x5x1024xf32, #tpu.memory_space<vmem>>
    %dma_wait3A_1735 = tpu.memref_squeeze %dma_wait3A_1734 : memref<1x5x1024xf32, #tpu.memory_space<vmem>> -> memref<5x1024xf32, #tpu.memory_space<vmem>>
    %dma_wait3A_1736 = arith.constant 14336 : i32
    %dma_wait3A_1737 = tpu.memref_slice %arg2[%min3A_120, %select_n3A, %dma_wait3A_1736] : memref<64x2x16384xf32, #tpu.memory_space<hbm>> -> memref<5x1x1024xf32, #tpu.memory_space<hbm>>
    %dma_wait3A_1738 = tpu.memref_squeeze %dma_wait3A_1737 : memref<5x1x1024xf32, #tpu.memory_space<hbm>> -> memref<5x1024xf32, #tpu.memory_space<hbm>>
    tpu.wait_dma2 semaphore(%arg12 : memref<!tpu.dma_semaphore, #tpu.memory_space<semaphore_mem>>) src(%dma_wait3A_1738 : memref<5x1024xf32, #tpu.memory_space<hbm>>) dst(%dma_wait3A_1735 : memref<5x1024xf32, #tpu.memory_space<vmem>>)
    %dma_wait3A_1739 = arith.constant 3 : i32
    %dma_wait3A_1740 = arith.constant 0 : i32
    %dma_wait3A_1741 = arith.constant 0 : i32
    %dma_wait3A_1742 = tpu.memref_slice %arg7[%dma_wait3A_1739, %dma_wait3A_1740, %dma_wait3A_1741] : memref<4x5x1024xf32, #tpu.memory_space<vmem>> -> memref<1x5x1024xf32, #tpu.memory_space<vmem>>
    %dma_wait3A_1743 = tpu.memref_squeeze %dma_wait3A_1742 : memref<1x5x1024xf32, #tpu.memory_space<vmem>> -> memref<5x1024xf32, #tpu.memory_space<vmem>>
    %dma_wait3A_1744 = arith.constant 15360 : i32
    %dma_wait3A_1745 = tpu.memref_slice %arg2[%min3A_126, %select_n3A, %dma_wait3A_1744] : memref<64x2x16384xf32, #tpu.memory_space<hbm>> -> memref<5x1x1024xf32, #tpu.memory_space<hbm>>
    %dma_wait3A_1746 = tpu.memref_squeeze %dma_wait3A_1745 : memref<5x1x1024xf32, #tpu.memory_space<hbm>> -> memref<5x1024xf32, #tpu.memory_space<hbm>>
    %dma_wait3A_1747 = arith.constant 0 : i32
    %dma_wait3A_1748 = arith.constant 0 : i32
    %dma_wait3A_1749 = tpu.memref_slice %arg7[%dma_wait3A_1739, %dma_wait3A_1747, %dma_wait3A_1748] : memref<4x5x1024xf32, #tpu.memory_space<vmem>> -> memref<1x5x1024xf32, #tpu.memory_space<vmem>>
    %dma_wait3A_1750 = tpu.memref_squeeze %dma_wait3A_1749 : memref<1x5x1024xf32, #tpu.memory_space<vmem>> -> memref<5x1024xf32, #tpu.memory_space<vmem>>
    %dma_wait3A_1751 = arith.constant 15360 : i32
    %dma_wait3A_1752 = tpu.memref_slice %arg2[%min3A_126, %select_n3A, %dma_wait3A_1751] : memref<64x2x16384xf32, #tpu.memory_space<hbm>> -> memref<5x1x1024xf32, #tpu.memory_space<hbm>>
    %dma_wait3A_1753 = tpu.memref_squeeze %dma_wait3A_1752 : memref<5x1x1024xf32, #tpu.memory_space<hbm>> -> memref<5x1024xf32, #tpu.memory_space<hbm>>
    tpu.wait_dma2 semaphore(%arg12 : memref<!tpu.dma_semaphore, #tpu.memory_space<semaphore_mem>>) src(%dma_wait3A_1753 : memref<5x1024xf32, #tpu.memory_space<hbm>>) dst(%dma_wait3A_1750 : memref<5x1024xf32, #tpu.memory_space<vmem>>)
    %add3A_1754 = arith.constant 0 : i32
    %add3A_1755 = arith.addi %mul3A_32, %add3A_1754 : i32
    %sub3A_1756 = arith.constant 12 : i32
    %sub3A_1757 = arith.subi %add3A_1755, %sub3A_1756 : i32
    %ge3A_1758 = arith.constant 0 : i32
    %ge3A_1759 = arith.cmpi sge, %sub3A_1757, %ge3A_1758 : i32
    %le3A_1760 = arith.constant 63 : i32
    %le3A_1761 = arith.cmpi sle, %sub3A_1757, %le3A_1760 : i32
    %and3A_1762 = arith.andi %ge3A_1759, %le3A_1761 : i1
    %sub3A_1763 = arith.subi %sub3A_1757, %min3A_108 : i32
    %jit3A_1764 = arith.constant 0 : i32
    %jit3A_1765 = arith.constant 4 : i32
    %max3A_1766 = arith.maxsi %jit3A_1764, %sub3A_1763 : i32
    %min3A_1767 = arith.minsi %jit3A_1765, %max3A_1766 : i32
    %jit3A_1768 = arith.constant 6.250000e-02 : f32
    %jit3A_1769 = arith.constant 0.000000e+00 : f32
    %select_n3A_1770 = arith.select %and3A_1762, %jit3A_1768, %jit3A_1769 : f32
    %broadcast_in_dim3A_1771 = vector.broadcast %select_n3A_1770 : f32 to vector<16xf32>
    %add3A_1772 = arith.constant 0 : i32
    %add3A_1773 = arith.addi %mul3A_32, %add3A_1772 : i32
    %sub3A_1774 = arith.constant 13 : i32
    %sub3A_1775 = arith.subi %add3A_1773, %sub3A_1774 : i32
    %ge3A_1776 = arith.constant 0 : i32
    %ge3A_1777 = arith.cmpi sge, %sub3A_1775, %ge3A_1776 : i32
    %le3A_1778 = arith.constant 63 : i32
    %le3A_1779 = arith.cmpi sle, %sub3A_1775, %le3A_1778 : i32
    %and3A_1780 = arith.andi %ge3A_1777, %le3A_1779 : i1
    %sub3A_1781 = arith.subi %sub3A_1775, %min3A_114 : i32
    %jit3A_1782 = arith.constant 0 : i32
    %jit3A_1783 = arith.constant 4 : i32
    %max3A_1784 = arith.maxsi %jit3A_1782, %sub3A_1781 : i32
    %min3A_1785 = arith.minsi %jit3A_1783, %max3A_1784 : i32
    %jit3A_1786 = arith.constant 6.250000e-02 : f32
    %jit3A_1787 = arith.constant 0.000000e+00 : f32
    %select_n3A_1788 = arith.select %and3A_1780, %jit3A_1786, %jit3A_1787 : f32
    %broadcast_in_dim3A_1789 = vector.broadcast %select_n3A_1788 : f32 to vector<16xf32>
    %add3A_1790 = arith.constant 0 : i32
    %add3A_1791 = arith.addi %mul3A_32, %add3A_1790 : i32
    %sub3A_1792 = arith.constant 14 : i32
    %sub3A_1793 = arith.subi %add3A_1791, %sub3A_1792 : i32
    %ge3A_1794 = arith.constant 0 : i32
    %ge3A_1795 = arith.cmpi sge, %sub3A_1793, %ge3A_1794 : i32
    %le3A_1796 = arith.constant 63 : i32
    %le3A_1797 = arith.cmpi sle, %sub3A_1793, %le3A_1796 : i32
    %and3A_1798 = arith.andi %ge3A_1795, %le3A_1797 : i1
    %sub3A_1799 = arith.subi %sub3A_1793, %min3A_120 : i32
    %jit3A_1800 = arith.constant 0 : i32
    %jit3A_1801 = arith.constant 4 : i32
    %max3A_1802 = arith.maxsi %jit3A_1800, %sub3A_1799 : i32
    %min3A_1803 = arith.minsi %jit3A_1801, %max3A_1802 : i32
    %jit3A_1804 = arith.constant 6.250000e-02 : f32
    %jit3A_1805 = arith.constant 0.000000e+00 : f32
    %select_n3A_1806 = arith.select %and3A_1798, %jit3A_1804, %jit3A_1805 : f32
    %broadcast_in_dim3A_1807 = vector.broadcast %select_n3A_1806 : f32 to vector<16xf32>
    %add3A_1808 = arith.constant 0 : i32
    %add3A_1809 = arith.addi %mul3A_32, %add3A_1808 : i32
    %sub3A_1810 = arith.constant 15 : i32
    %sub3A_1811 = arith.subi %add3A_1809, %sub3A_1810 : i32
    %ge3A_1812 = arith.constant 0 : i32
    %ge3A_1813 = arith.cmpi sge, %sub3A_1811, %ge3A_1812 : i32
    %le3A_1814 = arith.constant 63 : i32
    %le3A_1815 = arith.cmpi sle, %sub3A_1811, %le3A_1814 : i32
    %and3A_1816 = arith.andi %ge3A_1813, %le3A_1815 : i1
    %sub3A_1817 = arith.subi %sub3A_1811, %min3A_126 : i32
    %jit3A_1818 = arith.constant 0 : i32
    %jit3A_1819 = arith.constant 4 : i32
    %max3A_1820 = arith.maxsi %jit3A_1818, %sub3A_1817 : i32
    %min3A_1821 = arith.minsi %jit3A_1819, %max3A_1820 : i32
    %jit3A_1822 = arith.constant 6.250000e-02 : f32
    %jit3A_1823 = arith.constant 0.000000e+00 : f32
    %select_n3A_1824 = arith.select %and3A_1816, %jit3A_1822, %jit3A_1823 : f32
    %broadcast_in_dim3A_1825 = vector.broadcast %select_n3A_1824 : f32 to vector<16xf32>
    %add3A_1826 = arith.constant 1 : i32
    %add3A_1827 = arith.addi %mul3A_32, %add3A_1826 : i32
    %sub3A_1828 = arith.constant 12 : i32
    %sub3A_1829 = arith.subi %add3A_1827, %sub3A_1828 : i32
    %ge3A_1830 = arith.constant 0 : i32
    %ge3A_1831 = arith.cmpi sge, %sub3A_1829, %ge3A_1830 : i32
    %le3A_1832 = arith.constant 63 : i32
    %le3A_1833 = arith.cmpi sle, %sub3A_1829, %le3A_1832 : i32
    %and3A_1834 = arith.andi %ge3A_1831, %le3A_1833 : i1
    %sub3A_1835 = arith.subi %sub3A_1829, %min3A_108 : i32
    %jit3A_1836 = arith.constant 0 : i32
    %jit3A_1837 = arith.constant 4 : i32
    %max3A_1838 = arith.maxsi %jit3A_1836, %sub3A_1835 : i32
    %min3A_1839 = arith.minsi %jit3A_1837, %max3A_1838 : i32
    %jit3A_1840 = arith.constant 6.250000e-02 : f32
    %jit3A_1841 = arith.constant 0.000000e+00 : f32
    %select_n3A_1842 = arith.select %and3A_1834, %jit3A_1840, %jit3A_1841 : f32
    %broadcast_in_dim3A_1843 = vector.broadcast %select_n3A_1842 : f32 to vector<16xf32>
    %add3A_1844 = arith.constant 1 : i32
    %add3A_1845 = arith.addi %mul3A_32, %add3A_1844 : i32
    %sub3A_1846 = arith.constant 13 : i32
    %sub3A_1847 = arith.subi %add3A_1845, %sub3A_1846 : i32
    %ge3A_1848 = arith.constant 0 : i32
    %ge3A_1849 = arith.cmpi sge, %sub3A_1847, %ge3A_1848 : i32
    %le3A_1850 = arith.constant 63 : i32
    %le3A_1851 = arith.cmpi sle, %sub3A_1847, %le3A_1850 : i32
    %and3A_1852 = arith.andi %ge3A_1849, %le3A_1851 : i1
    %sub3A_1853 = arith.subi %sub3A_1847, %min3A_114 : i32
    %jit3A_1854 = arith.constant 0 : i32
    %jit3A_1855 = arith.constant 4 : i32
    %max3A_1856 = arith.maxsi %jit3A_1854, %sub3A_1853 : i32
    %min3A_1857 = arith.minsi %jit3A_1855, %max3A_1856 : i32
    %jit3A_1858 = arith.constant 6.250000e-02 : f32
    %jit3A_1859 = arith.constant 0.000000e+00 : f32
    %select_n3A_1860 = arith.select %and3A_1852, %jit3A_1858, %jit3A_1859 : f32
    %broadcast_in_dim3A_1861 = vector.broadcast %select_n3A_1860 : f32 to vector<16xf32>
    %add3A_1862 = arith.constant 1 : i32
    %add3A_1863 = arith.addi %mul3A_32, %add3A_1862 : i32
    %sub3A_1864 = arith.constant 14 : i32
    %sub3A_1865 = arith.subi %add3A_1863, %sub3A_1864 : i32
    %ge3A_1866 = arith.constant 0 : i32
    %ge3A_1867 = arith.cmpi sge, %sub3A_1865, %ge3A_1866 : i32
    %le3A_1868 = arith.constant 63 : i32
    %le3A_1869 = arith.cmpi sle, %sub3A_1865, %le3A_1868 : i32
    %and3A_1870 = arith.andi %ge3A_1867, %le3A_1869 : i1
    %sub3A_1871 = arith.subi %sub3A_1865, %min3A_120 : i32
    %jit3A_1872 = arith.constant 0 : i32
    %jit3A_1873 = arith.constant 4 : i32
    %max3A_1874 = arith.maxsi %jit3A_1872, %sub3A_1871 : i32
    %min3A_1875 = arith.minsi %jit3A_1873, %max3A_1874 : i32
    %jit3A_1876 = arith.constant 6.250000e-02 : f32
    %jit3A_1877 = arith.constant 0.000000e+00 : f32
    %select_n3A_1878 = arith.select %and3A_1870, %jit3A_1876, %jit3A_1877 : f32
    %broadcast_in_dim3A_1879 = vector.broadcast %select_n3A_1878 : f32 to vector<16xf32>
    %add3A_1880 = arith.constant 1 : i32
    %add3A_1881 = arith.addi %mul3A_32, %add3A_1880 : i32
    %sub3A_1882 = arith.constant 15 : i32
    %sub3A_1883 = arith.subi %add3A_1881, %sub3A_1882 : i32
    %ge3A_1884 = arith.constant 0 : i32
    %ge3A_1885 = arith.cmpi sge, %sub3A_1883, %ge3A_1884 : i32
    %le3A_1886 = arith.constant 63 : i32
    %le3A_1887 = arith.cmpi sle, %sub3A_1883, %le3A_1886 : i32
    %and3A_1888 = arith.andi %ge3A_1885, %le3A_1887 : i1
    %sub3A_1889 = arith.subi %sub3A_1883, %min3A_126 : i32
    %jit3A_1890 = arith.constant 0 : i32
    %jit3A_1891 = arith.constant 4 : i32
    %max3A_1892 = arith.maxsi %jit3A_1890, %sub3A_1889 : i32
    %min3A_1893 = arith.minsi %jit3A_1891, %max3A_1892 : i32
    %jit3A_1894 = arith.constant 6.250000e-02 : f32
    %jit3A_1895 = arith.constant 0.000000e+00 : f32
    %select_n3A_1896 = arith.select %and3A_1888, %jit3A_1894, %jit3A_1895 : f32
    %broadcast_in_dim3A_1897 = vector.broadcast %select_n3A_1896 : f32 to vector<16xf32>
    %add3A_1898 = arith.constant 2 : i32
    %add3A_1899 = arith.addi %mul3A_32, %add3A_1898 : i32
    %sub3A_1900 = arith.constant 12 : i32
    %sub3A_1901 = arith.subi %add3A_1899, %sub3A_1900 : i32
    %ge3A_1902 = arith.constant 0 : i32
    %ge3A_1903 = arith.cmpi sge, %sub3A_1901, %ge3A_1902 : i32
    %le3A_1904 = arith.constant 63 : i32
    %le3A_1905 = arith.cmpi sle, %sub3A_1901, %le3A_1904 : i32
    %and3A_1906 = arith.andi %ge3A_1903, %le3A_1905 : i1
    %sub3A_1907 = arith.subi %sub3A_1901, %min3A_108 : i32
    %jit3A_1908 = arith.constant 0 : i32
    %jit3A_1909 = arith.constant 4 : i32
    %max3A_1910 = arith.maxsi %jit3A_1908, %sub3A_1907 : i32
    %min3A_1911 = arith.minsi %jit3A_1909, %max3A_1910 : i32
    %jit3A_1912 = arith.constant 6.250000e-02 : f32
    %jit3A_1913 = arith.constant 0.000000e+00 : f32
    %select_n3A_1914 = arith.select %and3A_1906, %jit3A_1912, %jit3A_1913 : f32
    %broadcast_in_dim3A_1915 = vector.broadcast %select_n3A_1914 : f32 to vector<16xf32>
    %add3A_1916 = arith.constant 2 : i32
    %add3A_1917 = arith.addi %mul3A_32, %add3A_1916 : i32
    %sub3A_1918 = arith.constant 13 : i32
    %sub3A_1919 = arith.subi %add3A_1917, %sub3A_1918 : i32
    %ge3A_1920 = arith.constant 0 : i32
    %ge3A_1921 = arith.cmpi sge, %sub3A_1919, %ge3A_1920 : i32
    %le3A_1922 = arith.constant 63 : i32
    %le3A_1923 = arith.cmpi sle, %sub3A_1919, %le3A_1922 : i32
    %and3A_1924 = arith.andi %ge3A_1921, %le3A_1923 : i1
    %sub3A_1925 = arith.subi %sub3A_1919, %min3A_114 : i32
    %jit3A_1926 = arith.constant 0 : i32
    %jit3A_1927 = arith.constant 4 : i32
    %max3A_1928 = arith.maxsi %jit3A_1926, %sub3A_1925 : i32
    %min3A_1929 = arith.minsi %jit3A_1927, %max3A_1928 : i32
    %jit3A_1930 = arith.constant 6.250000e-02 : f32
    %jit3A_1931 = arith.constant 0.000000e+00 : f32
    %select_n3A_1932 = arith.select %and3A_1924, %jit3A_1930, %jit3A_1931 : f32
    %broadcast_in_dim3A_1933 = vector.broadcast %select_n3A_1932 : f32 to vector<16xf32>
    %add3A_1934 = arith.constant 2 : i32
    %add3A_1935 = arith.addi %mul3A_32, %add3A_1934 : i32
    %sub3A_1936 = arith.constant 14 : i32
    %sub3A_1937 = arith.subi %add3A_1935, %sub3A_1936 : i32
    %ge3A_1938 = arith.constant 0 : i32
    %ge3A_1939 = arith.cmpi sge, %sub3A_1937, %ge3A_1938 : i32
    %le3A_1940 = arith.constant 63 : i32
    %le3A_1941 = arith.cmpi sle, %sub3A_1937, %le3A_1940 : i32
    %and3A_1942 = arith.andi %ge3A_1939, %le3A_1941 : i1
    %sub3A_1943 = arith.subi %sub3A_1937, %min3A_120 : i32
    %jit3A_1944 = arith.constant 0 : i32
    %jit3A_1945 = arith.constant 4 : i32
    %max3A_1946 = arith.maxsi %jit3A_1944, %sub3A_1943 : i32
    %min3A_1947 = arith.minsi %jit3A_1945, %max3A_1946 : i32
    %jit3A_1948 = arith.constant 6.250000e-02 : f32
    %jit3A_1949 = arith.constant 0.000000e+00 : f32
    %select_n3A_1950 = arith.select %and3A_1942, %jit3A_1948, %jit3A_1949 : f32
    %broadcast_in_dim3A_1951 = vector.broadcast %select_n3A_1950 : f32 to vector<16xf32>
    %add3A_1952 = arith.constant 2 : i32
    %add3A_1953 = arith.addi %mul3A_32, %add3A_1952 : i32
    %sub3A_1954 = arith.constant 15 : i32
    %sub3A_1955 = arith.subi %add3A_1953, %sub3A_1954 : i32
    %ge3A_1956 = arith.constant 0 : i32
    %ge3A_1957 = arith.cmpi sge, %sub3A_1955, %ge3A_1956 : i32
    %le3A_1958 = arith.constant 63 : i32
    %le3A_1959 = arith.cmpi sle, %sub3A_1955, %le3A_1958 : i32
    %and3A_1960 = arith.andi %ge3A_1957, %le3A_1959 : i1
    %sub3A_1961 = arith.subi %sub3A_1955, %min3A_126 : i32
    %jit3A_1962 = arith.constant 0 : i32
    %jit3A_1963 = arith.constant 4 : i32
    %max3A_1964 = arith.maxsi %jit3A_1962, %sub3A_1961 : i32
    %min3A_1965 = arith.minsi %jit3A_1963, %max3A_1964 : i32
    %jit3A_1966 = arith.constant 6.250000e-02 : f32
    %jit3A_1967 = arith.constant 0.000000e+00 : f32
    %select_n3A_1968 = arith.select %and3A_1960, %jit3A_1966, %jit3A_1967 : f32
    %broadcast_in_dim3A_1969 = vector.broadcast %select_n3A_1968 : f32 to vector<16xf32>
    %add3A_1970 = arith.constant 3 : i32
    %add3A_1971 = arith.addi %mul3A_32, %add3A_1970 : i32
    %sub3A_1972 = arith.constant 12 : i32
    %sub3A_1973 = arith.subi %add3A_1971, %sub3A_1972 : i32
    %ge3A_1974 = arith.constant 0 : i32
    %ge3A_1975 = arith.cmpi sge, %sub3A_1973, %ge3A_1974 : i32
    %le3A_1976 = arith.constant 63 : i32
    %le3A_1977 = arith.cmpi sle, %sub3A_1973, %le3A_1976 : i32
    %and3A_1978 = arith.andi %ge3A_1975, %le3A_1977 : i1
    %sub3A_1979 = arith.subi %sub3A_1973, %min3A_108 : i32
    %jit3A_1980 = arith.constant 0 : i32
    %jit3A_1981 = arith.constant 4 : i32
    %max3A_1982 = arith.maxsi %jit3A_1980, %sub3A_1979 : i32
    %min3A_1983 = arith.minsi %jit3A_1981, %max3A_1982 : i32
    %jit3A_1984 = arith.constant 6.250000e-02 : f32
    %jit3A_1985 = arith.constant 0.000000e+00 : f32
    %select_n3A_1986 = arith.select %and3A_1978, %jit3A_1984, %jit3A_1985 : f32
    %broadcast_in_dim3A_1987 = vector.broadcast %select_n3A_1986 : f32 to vector<16xf32>
    %add3A_1988 = arith.constant 3 : i32
    %add3A_1989 = arith.addi %mul3A_32, %add3A_1988 : i32
    %sub3A_1990 = arith.constant 13 : i32
    %sub3A_1991 = arith.subi %add3A_1989, %sub3A_1990 : i32
    %ge3A_1992 = arith.constant 0 : i32
    %ge3A_1993 = arith.cmpi sge, %sub3A_1991, %ge3A_1992 : i32
    %le3A_1994 = arith.constant 63 : i32
    %le3A_1995 = arith.cmpi sle, %sub3A_1991, %le3A_1994 : i32
    %and3A_1996 = arith.andi %ge3A_1993, %le3A_1995 : i1
    %sub3A_1997 = arith.subi %sub3A_1991, %min3A_114 : i32
    %jit3A_1998 = arith.constant 0 : i32
    %jit3A_1999 = arith.constant 4 : i32
    %max3A_2000 = arith.maxsi %jit3A_1998, %sub3A_1997 : i32
    %min3A_2001 = arith.minsi %jit3A_1999, %max3A_2000 : i32
    %jit3A_2002 = arith.constant 6.250000e-02 : f32
    %jit3A_2003 = arith.constant 0.000000e+00 : f32
    %select_n3A_2004 = arith.select %and3A_1996, %jit3A_2002, %jit3A_2003 : f32
    %broadcast_in_dim3A_2005 = vector.broadcast %select_n3A_2004 : f32 to vector<16xf32>
    %add3A_2006 = arith.constant 3 : i32
    %add3A_2007 = arith.addi %mul3A_32, %add3A_2006 : i32
    %sub3A_2008 = arith.constant 14 : i32
    %sub3A_2009 = arith.subi %add3A_2007, %sub3A_2008 : i32
    %ge3A_2010 = arith.constant 0 : i32
    %ge3A_2011 = arith.cmpi sge, %sub3A_2009, %ge3A_2010 : i32
    %le3A_2012 = arith.constant 63 : i32
    %le3A_2013 = arith.cmpi sle, %sub3A_2009, %le3A_2012 : i32
    %and3A_2014 = arith.andi %ge3A_2011, %le3A_2013 : i1
    %sub3A_2015 = arith.subi %sub3A_2009, %min3A_120 : i32
    %jit3A_2016 = arith.constant 0 : i32
    %jit3A_2017 = arith.constant 4 : i32
    %max3A_2018 = arith.maxsi %jit3A_2016, %sub3A_2015 : i32
    %min3A_2019 = arith.minsi %jit3A_2017, %max3A_2018 : i32
    %jit3A_2020 = arith.constant 6.250000e-02 : f32
    %jit3A_2021 = arith.constant 0.000000e+00 : f32
    %select_n3A_2022 = arith.select %and3A_2014, %jit3A_2020, %jit3A_2021 : f32
    %broadcast_in_dim3A_2023 = vector.broadcast %select_n3A_2022 : f32 to vector<16xf32>
    %add3A_2024 = arith.constant 3 : i32
    %add3A_2025 = arith.addi %mul3A_32, %add3A_2024 : i32
    %sub3A_2026 = arith.constant 15 : i32
    %sub3A_2027 = arith.subi %add3A_2025, %sub3A_2026 : i32
    %ge3A_2028 = arith.constant 0 : i32
    %ge3A_2029 = arith.cmpi sge, %sub3A_2027, %ge3A_2028 : i32
    %le3A_2030 = arith.constant 63 : i32
    %le3A_2031 = arith.cmpi sle, %sub3A_2027, %le3A_2030 : i32
    %and3A_2032 = arith.andi %ge3A_2029, %le3A_2031 : i1
    %sub3A_2033 = arith.subi %sub3A_2027, %min3A_126 : i32
    %jit3A_2034 = arith.constant 0 : i32
    %jit3A_2035 = arith.constant 4 : i32
    %max3A_2036 = arith.maxsi %jit3A_2034, %sub3A_2033 : i32
    %min3A_2037 = arith.minsi %jit3A_2035, %max3A_2036 : i32
    %jit3A_2038 = arith.constant 6.250000e-02 : f32
    %jit3A_2039 = arith.constant 0.000000e+00 : f32
    %select_n3A_2040 = arith.select %and3A_2032, %jit3A_2038, %jit3A_2039 : f32
    %broadcast_in_dim3A_2041 = vector.broadcast %select_n3A_2040 : f32 to vector<16xf32>
    %add3A_2042 = arith.constant 4 : i32
    %add3A_2043 = arith.addi %mul3A_32, %add3A_2042 : i32
    %sub3A_2044 = arith.constant 12 : i32
    %sub3A_2045 = arith.subi %add3A_2043, %sub3A_2044 : i32
    %ge3A_2046 = arith.constant 0 : i32
    %ge3A_2047 = arith.cmpi sge, %sub3A_2045, %ge3A_2046 : i32
    %le3A_2048 = arith.constant 63 : i32
    %le3A_2049 = arith.cmpi sle, %sub3A_2045, %le3A_2048 : i32
    %and3A_2050 = arith.andi %ge3A_2047, %le3A_2049 : i1
    %sub3A_2051 = arith.subi %sub3A_2045, %min3A_108 : i32
    %jit3A_2052 = arith.constant 0 : i32
    %jit3A_2053 = arith.constant 4 : i32
    %max3A_2054 = arith.maxsi %jit3A_2052, %sub3A_2051 : i32
    %min3A_2055 = arith.minsi %jit3A_2053, %max3A_2054 : i32
    %jit3A_2056 = arith.constant 6.250000e-02 : f32
    %jit3A_2057 = arith.constant 0.000000e+00 : f32
    %select_n3A_2058 = arith.select %and3A_2050, %jit3A_2056, %jit3A_2057 : f32
    %broadcast_in_dim3A_2059 = vector.broadcast %select_n3A_2058 : f32 to vector<16xf32>
    %add3A_2060 = arith.constant 4 : i32
    %add3A_2061 = arith.addi %mul3A_32, %add3A_2060 : i32
    %sub3A_2062 = arith.constant 13 : i32
    %sub3A_2063 = arith.subi %add3A_2061, %sub3A_2062 : i32
    %ge3A_2064 = arith.constant 0 : i32
    %ge3A_2065 = arith.cmpi sge, %sub3A_2063, %ge3A_2064 : i32
    %le3A_2066 = arith.constant 63 : i32
    %le3A_2067 = arith.cmpi sle, %sub3A_2063, %le3A_2066 : i32
    %and3A_2068 = arith.andi %ge3A_2065, %le3A_2067 : i1
    %sub3A_2069 = arith.subi %sub3A_2063, %min3A_114 : i32
    %jit3A_2070 = arith.constant 0 : i32
    %jit3A_2071 = arith.constant 4 : i32
    %max3A_2072 = arith.maxsi %jit3A_2070, %sub3A_2069 : i32
    %min3A_2073 = arith.minsi %jit3A_2071, %max3A_2072 : i32
    %jit3A_2074 = arith.constant 6.250000e-02 : f32
    %jit3A_2075 = arith.constant 0.000000e+00 : f32
    %select_n3A_2076 = arith.select %and3A_2068, %jit3A_2074, %jit3A_2075 : f32
    %broadcast_in_dim3A_2077 = vector.broadcast %select_n3A_2076 : f32 to vector<16xf32>
    %add3A_2078 = arith.constant 4 : i32
    %add3A_2079 = arith.addi %mul3A_32, %add3A_2078 : i32
    %sub3A_2080 = arith.constant 14 : i32
    %sub3A_2081 = arith.subi %add3A_2079, %sub3A_2080 : i32
    %ge3A_2082 = arith.constant 0 : i32
    %ge3A_2083 = arith.cmpi sge, %sub3A_2081, %ge3A_2082 : i32
    %le3A_2084 = arith.constant 63 : i32
    %le3A_2085 = arith.cmpi sle, %sub3A_2081, %le3A_2084 : i32
    %and3A_2086 = arith.andi %ge3A_2083, %le3A_2085 : i1
    %sub3A_2087 = arith.subi %sub3A_2081, %min3A_120 : i32
    %jit3A_2088 = arith.constant 0 : i32
    %jit3A_2089 = arith.constant 4 : i32
    %max3A_2090 = arith.maxsi %jit3A_2088, %sub3A_2087 : i32
    %min3A_2091 = arith.minsi %jit3A_2089, %max3A_2090 : i32
    %jit3A_2092 = arith.constant 6.250000e-02 : f32
    %jit3A_2093 = arith.constant 0.000000e+00 : f32
    %select_n3A_2094 = arith.select %and3A_2086, %jit3A_2092, %jit3A_2093 : f32
    %broadcast_in_dim3A_2095 = vector.broadcast %select_n3A_2094 : f32 to vector<16xf32>
    %add3A_2096 = arith.constant 4 : i32
    %add3A_2097 = arith.addi %mul3A_32, %add3A_2096 : i32
    %sub3A_2098 = arith.constant 15 : i32
    %sub3A_2099 = arith.subi %add3A_2097, %sub3A_2098 : i32
    %ge3A_2100 = arith.constant 0 : i32
    %ge3A_2101 = arith.cmpi sge, %sub3A_2099, %ge3A_2100 : i32
    %le3A_2102 = arith.constant 63 : i32
    %le3A_2103 = arith.cmpi sle, %sub3A_2099, %le3A_2102 : i32
    %and3A_2104 = arith.andi %ge3A_2101, %le3A_2103 : i1
    %sub3A_2105 = arith.subi %sub3A_2099, %min3A_126 : i32
    %jit3A_2106 = arith.constant 0 : i32
    %jit3A_2107 = arith.constant 4 : i32
    %max3A_2108 = arith.maxsi %jit3A_2106, %sub3A_2105 : i32
    %min3A_2109 = arith.minsi %jit3A_2107, %max3A_2108 : i32
    %jit3A_2110 = arith.constant 6.250000e-02 : f32
    %jit3A_2111 = arith.constant 0.000000e+00 : f32
    %select_n3A_2112 = arith.select %and3A_2104, %jit3A_2110, %jit3A_2111 : f32
    %broadcast_in_dim3A_2113 = vector.broadcast %select_n3A_2112 : f32 to vector<16xf32>
    %parallel_loop3A_2114 = arith.constant 0 : i32
    %parallel_loop3A_2115 = arith.constant 64 : i32
    %parallel_loop3A_2116 = arith.constant 1 : i32
    scf.for %parallel_loop3A_2166 = %parallel_loop3A_2114 to %parallel_loop3A_2115 step %parallel_loop3A_2116  : i32 {
      %parallel_loop3A_2167 = arith.constant 16 : i32
      %parallel_loop3A_2168 = arith.muli %parallel_loop3A_2166, %parallel_loop3A_2167 : i32
      %parallel_loop3A_2169 = arith.constant 0 : i32
      %parallel_loop3A_2170 = arith.addi %parallel_loop3A_2169, %parallel_loop3A_2168 : i32
      %parallel_loop3A_2171 = arith.index_cast %parallel_loop3A_2170 : i32 to index
      %parallel_loop3A_2172 = tpu.vector_load %arg9[%parallel_loop3A_2171] {strides = array<i32>} : memref<5120xf32, #tpu.memory_space<vmem>>, vector<16xf32>,
      %parallel_loop3A_2173 = vector.shape_cast %parallel_loop3A_2172 : vector<16xf32> to vector<16xf32>
      %parallel_loop3A_2174 = arith.constant 0 : i32
      %parallel_loop3A_2175 = arith.index_cast %parallel_loop3A_2174 : i32 to index
      %parallel_loop3A_2176 = arith.index_cast %min3A_1767 : i32 to index
      %parallel_loop3A_2177 = arith.index_cast %parallel_loop3A_2168 : i32 to index
      %parallel_loop3A_2178 = tpu.vector_load %arg7[%parallel_loop3A_2175, %parallel_loop3A_2176, %parallel_loop3A_2177] {strides = array<i32>} : memref<4x5x1024xf32, #tpu.memory_space<vmem>>, vector<1x1x16xf32>,
      %parallel_loop3A_2179 = vector.shape_cast %parallel_loop3A_2178 : vector<1x1x16xf32> to vector<16xf32>
      %parallel_loop3A_2180 = arith.mulf %parallel_loop3A_2179, %broadcast_in_dim3A_1771 : vector<16xf32>
      %parallel_loop3A_2181 = arith.addf %parallel_loop3A_2173, %parallel_loop3A_2180 : vector<16xf32>
      %parallel_loop3A_2182 = arith.constant 1 : i32
      %parallel_loop3A_2183 = arith.index_cast %parallel_loop3A_2182 : i32 to index
      %parallel_loop3A_2184 = arith.index_cast %min3A_1785 : i32 to index
      %parallel_loop3A_2185 = arith.index_cast %parallel_loop3A_2168 : i32 to index
      %parallel_loop3A_2186 = tpu.vector_load %arg7[%parallel_loop3A_2183, %parallel_loop3A_2184, %parallel_loop3A_2185] {strides = array<i32>} : memref<4x5x1024xf32, #tpu.memory_space<vmem>>, vector<1x1x16xf32>,
      %parallel_loop3A_2187 = vector.shape_cast %parallel_loop3A_2186 : vector<1x1x16xf32> to vector<16xf32>
      %parallel_loop3A_2188 = arith.mulf %parallel_loop3A_2187, %broadcast_in_dim3A_1789 : vector<16xf32>
      %parallel_loop3A_2189 = arith.addf %parallel_loop3A_2181, %parallel_loop3A_2188 : vector<16xf32>
      %parallel_loop3A_2190 = arith.constant 2 : i32
      %parallel_loop3A_2191 = arith.index_cast %parallel_loop3A_2190 : i32 to index
      %parallel_loop3A_2192 = arith.index_cast %min3A_1803 : i32 to index
      %parallel_loop3A_2193 = arith.index_cast %parallel_loop3A_2168 : i32 to index
      %parallel_loop3A_2194 = tpu.vector_load %arg7[%parallel_loop3A_2191, %parallel_loop3A_2192, %parallel_loop3A_2193] {strides = array<i32>} : memref<4x5x1024xf32, #tpu.memory_space<vmem>>, vector<1x1x16xf32>,
      %parallel_loop3A_2195 = vector.shape_cast %parallel_loop3A_2194 : vector<1x1x16xf32> to vector<16xf32>
      %parallel_loop3A_2196 = arith.mulf %parallel_loop3A_2195, %broadcast_in_dim3A_1807 : vector<16xf32>
      %parallel_loop3A_2197 = arith.addf %parallel_loop3A_2189, %parallel_loop3A_2196 : vector<16xf32>
      %parallel_loop3A_2198 = arith.constant 3 : i32
      %parallel_loop3A_2199 = arith.index_cast %parallel_loop3A_2198 : i32 to index
      %parallel_loop3A_2200 = arith.index_cast %min3A_1821 : i32 to index
      %parallel_loop3A_2201 = arith.index_cast %parallel_loop3A_2168 : i32 to index
      %parallel_loop3A_2202 = tpu.vector_load %arg7[%parallel_loop3A_2199, %parallel_loop3A_2200, %parallel_loop3A_2201] {strides = array<i32>} : memref<4x5x1024xf32, #tpu.memory_space<vmem>>, vector<1x1x16xf32>,
      %parallel_loop3A_2203 = vector.shape_cast %parallel_loop3A_2202 : vector<1x1x16xf32> to vector<16xf32>
      %parallel_loop3A_2204 = arith.mulf %parallel_loop3A_2203, %broadcast_in_dim3A_1825 : vector<16xf32>
      %parallel_loop3A_2205 = arith.addf %parallel_loop3A_2197, %parallel_loop3A_2204 : vector<16xf32>
      %parallel_loop3A_2206 = arith.constant 0 : i32
      %parallel_loop3A_2207 = arith.addi %parallel_loop3A_2206, %parallel_loop3A_2168 : i32
      %parallel_loop3A_2208 = arith.index_cast %parallel_loop3A_2207 : i32 to index
      %parallel_loop3A_2209 = tpu.vector_load %arg9[%parallel_loop3A_2208] {strides = array<i32>} : memref<5120xf32, #tpu.memory_space<vmem>>, vector<16xf32>,
      %parallel_loop3A_2210 = vector.shape_cast %parallel_loop3A_2209 : vector<16xf32> to vector<16xf32>
      %parallel_loop3A_2211 = vector.shape_cast %parallel_loop3A_2205 : vector<16xf32> to vector<16xf32>
      tpu.vector_store %arg9[%parallel_loop3A_2208], %parallel_loop3A_2211 {strides = array<i32>} : memref<5120xf32, #tpu.memory_space<vmem>>, vector<16xf32>,
      %parallel_loop3A_2212 = arith.constant 1024 : i32
      %parallel_loop3A_2213 = arith.addi %parallel_loop3A_2212, %parallel_loop3A_2168 : i32
      %parallel_loop3A_2214 = arith.index_cast %parallel_loop3A_2213 : i32 to index
      %parallel_loop3A_2215 = tpu.vector_load %arg9[%parallel_loop3A_2214] {strides = array<i32>} : memref<5120xf32, #tpu.memory_space<vmem>>, vector<16xf32>,
      %parallel_loop3A_2216 = vector.shape_cast %parallel_loop3A_2215 : vector<16xf32> to vector<16xf32>
      %parallel_loop3A_2217 = arith.constant 0 : i32
      %parallel_loop3A_2218 = arith.index_cast %parallel_loop3A_2217 : i32 to index
      %parallel_loop3A_2219 = arith.index_cast %min3A_1839 : i32 to index
      %parallel_loop3A_2220 = arith.index_cast %parallel_loop3A_2168 : i32 to index
      %parallel_loop3A_2221 = tpu.vector_load %arg7[%parallel_loop3A_2218, %parallel_loop3A_2219, %parallel_loop3A_2220] {strides = array<i32>} : memref<4x5x1024xf32, #tpu.memory_space<vmem>>, vector<1x1x16xf32>,
      %parallel_loop3A_2222 = vector.shape_cast %parallel_loop3A_2221 : vector<1x1x16xf32> to vector<16xf32>
      %parallel_loop3A_2223 = arith.mulf %parallel_loop3A_2222, %broadcast_in_dim3A_1843 : vector<16xf32>
      %parallel_loop3A_2224 = arith.addf %parallel_loop3A_2216, %parallel_loop3A_2223 : vector<16xf32>
      %parallel_loop3A_2225 = arith.constant 1 : i32
      %parallel_loop3A_2226 = arith.index_cast %parallel_loop3A_2225 : i32 to index
      %parallel_loop3A_2227 = arith.index_cast %min3A_1857 : i32 to index
      %parallel_loop3A_2228 = arith.index_cast %parallel_loop3A_2168 : i32 to index
      %parallel_loop3A_2229 = tpu.vector_load %arg7[%parallel_loop3A_2226, %parallel_loop3A_2227, %parallel_loop3A_2228] {strides = array<i32>} : memref<4x5x1024xf32, #tpu.memory_space<vmem>>, vector<1x1x16xf32>,
      %parallel_loop3A_2230 = vector.shape_cast %parallel_loop3A_2229 : vector<1x1x16xf32> to vector<16xf32>
      %parallel_loop3A_2231 = arith.mulf %parallel_loop3A_2230, %broadcast_in_dim3A_1861 : vector<16xf32>
      %parallel_loop3A_2232 = arith.addf %parallel_loop3A_2224, %parallel_loop3A_2231 : vector<16xf32>
      %parallel_loop3A_2233 = arith.constant 2 : i32
      %parallel_loop3A_2234 = arith.index_cast %parallel_loop3A_2233 : i32 to index
      %parallel_loop3A_2235 = arith.index_cast %min3A_1875 : i32 to index
      %parallel_loop3A_2236 = arith.index_cast %parallel_loop3A_2168 : i32 to index
      %parallel_loop3A_2237 = tpu.vector_load %arg7[%parallel_loop3A_2234, %parallel_loop3A_2235, %parallel_loop3A_2236] {strides = array<i32>} : memref<4x5x1024xf32, #tpu.memory_space<vmem>>, vector<1x1x16xf32>,
      %parallel_loop3A_2238 = vector.shape_cast %parallel_loop3A_2237 : vector<1x1x16xf32> to vector<16xf32>
      %parallel_loop3A_2239 = arith.mulf %parallel_loop3A_2238, %broadcast_in_dim3A_1879 : vector<16xf32>
      %parallel_loop3A_2240 = arith.addf %parallel_loop3A_2232, %parallel_loop3A_2239 : vector<16xf32>
      %parallel_loop3A_2241 = arith.constant 3 : i32
      %parallel_loop3A_2242 = arith.index_cast %parallel_loop3A_2241 : i32 to index
      %parallel_loop3A_2243 = arith.index_cast %min3A_1893 : i32 to index
      %parallel_loop3A_2244 = arith.index_cast %parallel_loop3A_2168 : i32 to index
      %parallel_loop3A_2245 = tpu.vector_load %arg7[%parallel_loop3A_2242, %parallel_loop3A_2243, %parallel_loop3A_2244] {strides = array<i32>} : memref<4x5x1024xf32, #tpu.memory_space<vmem>>, vector<1x1x16xf32>,
      %parallel_loop3A_2246 = vector.shape_cast %parallel_loop3A_2245 : vector<1x1x16xf32> to vector<16xf32>
      %parallel_loop3A_2247 = arith.mulf %parallel_loop3A_2246, %broadcast_in_dim3A_1897 : vector<16xf32>
      %parallel_loop3A_2248 = arith.addf %parallel_loop3A_2240, %parallel_loop3A_2247 : vector<16xf32>
      %parallel_loop3A_2249 = arith.constant 1024 : i32
      %parallel_loop3A_2250 = arith.addi %parallel_loop3A_2249, %parallel_loop3A_2168 : i32
      %parallel_loop3A_2251 = arith.index_cast %parallel_loop3A_2250 : i32 to index
      %parallel_loop3A_2252 = tpu.vector_load %arg9[%parallel_loop3A_2251] {strides = array<i32>} : memref<5120xf32, #tpu.memory_space<vmem>>, vector<16xf32>,
      %parallel_loop3A_2253 = vector.shape_cast %parallel_loop3A_2252 : vector<16xf32> to vector<16xf32>
      %parallel_loop3A_2254 = vector.shape_cast %parallel_loop3A_2248 : vector<16xf32> to vector<16xf32>
      tpu.vector_store %arg9[%parallel_loop3A_2251], %parallel_loop3A_2254 {strides = array<i32>} : memref<5120xf32, #tpu.memory_space<vmem>>, vector<16xf32>,
      %parallel_loop3A_2255 = arith.constant 2048 : i32
      %parallel_loop3A_2256 = arith.addi %parallel_loop3A_2255, %parallel_loop3A_2168 : i32
      %parallel_loop3A_2257 = arith.index_cast %parallel_loop3A_2256 : i32 to index
      %parallel_loop3A_2258 = tpu.vector_load %arg9[%parallel_loop3A_2257] {strides = array<i32>} : memref<5120xf32, #tpu.memory_space<vmem>>, vector<16xf32>,
      %parallel_loop3A_2259 = vector.shape_cast %parallel_loop3A_2258 : vector<16xf32> to vector<16xf32>
      %parallel_loop3A_2260 = arith.constant 0 : i32
      %parallel_loop3A_2261 = arith.index_cast %parallel_loop3A_2260 : i32 to index
      %parallel_loop3A_2262 = arith.index_cast %min3A_1911 : i32 to index
      %parallel_loop3A_2263 = arith.index_cast %parallel_loop3A_2168 : i32 to index
      %parallel_loop3A_2264 = tpu.vector_load %arg7[%parallel_loop3A_2261, %parallel_loop3A_2262, %parallel_loop3A_2263] {strides = array<i32>} : memref<4x5x1024xf32, #tpu.memory_space<vmem>>, vector<1x1x16xf32>,
      %parallel_loop3A_2265 = vector.shape_cast %parallel_loop3A_2264 : vector<1x1x16xf32> to vector<16xf32>
      %parallel_loop3A_2266 = arith.mulf %parallel_loop3A_2265, %broadcast_in_dim3A_1915 : vector<16xf32>
      %parallel_loop3A_2267 = arith.addf %parallel_loop3A_2259, %parallel_loop3A_2266 : vector<16xf32>
      %parallel_loop3A_2268 = arith.constant 1 : i32
      %parallel_loop3A_2269 = arith.index_cast %parallel_loop3A_2268 : i32 to index
      %parallel_loop3A_2270 = arith.index_cast %min3A_1929 : i32 to index
      %parallel_loop3A_2271 = arith.index_cast %parallel_loop3A_2168 : i32 to index
      %parallel_loop3A_2272 = tpu.vector_load %arg7[%parallel_loop3A_2269, %parallel_loop3A_2270, %parallel_loop3A_2271] {strides = array<i32>} : memref<4x5x1024xf32, #tpu.memory_space<vmem>>, vector<1x1x16xf32>,
      %parallel_loop3A_2273 = vector.shape_cast %parallel_loop3A_2272 : vector<1x1x16xf32> to vector<16xf32>
      %parallel_loop3A_2274 = arith.mulf %parallel_loop3A_2273, %broadcast_in_dim3A_1933 : vector<16xf32>
      %parallel_loop3A_2275 = arith.addf %parallel_loop3A_2267, %parallel_loop3A_2274 : vector<16xf32>
      %parallel_loop3A_2276 = arith.constant 2 : i32
      %parallel_loop3A_2277 = arith.index_cast %parallel_loop3A_2276 : i32 to index
      %parallel_loop3A_2278 = arith.index_cast %min3A_1947 : i32 to index
      %parallel_loop3A_2279 = arith.index_cast %parallel_loop3A_2168 : i32 to index
      %parallel_loop3A_2280 = tpu.vector_load %arg7[%parallel_loop3A_2277, %parallel_loop3A_2278, %parallel_loop3A_2279] {strides = array<i32>} : memref<4x5x1024xf32, #tpu.memory_space<vmem>>, vector<1x1x16xf32>,
      %parallel_loop3A_2281 = vector.shape_cast %parallel_loop3A_2280 : vector<1x1x16xf32> to vector<16xf32>
      %parallel_loop3A_2282 = arith.mulf %parallel_loop3A_2281, %broadcast_in_dim3A_1951 : vector<16xf32>
      %parallel_loop3A_2283 = arith.addf %parallel_loop3A_2275, %parallel_loop3A_2282 : vector<16xf32>
      %parallel_loop3A_2284 = arith.constant 3 : i32
      %parallel_loop3A_2285 = arith.index_cast %parallel_loop3A_2284 : i32 to index
      %parallel_loop3A_2286 = arith.index_cast %min3A_1965 : i32 to index
      %parallel_loop3A_2287 = arith.index_cast %parallel_loop3A_2168 : i32 to index
      %parallel_loop3A_2288 = tpu.vector_load %arg7[%parallel_loop3A_2285, %parallel_loop3A_2286, %parallel_loop3A_2287] {strides = array<i32>} : memref<4x5x1024xf32, #tpu.memory_space<vmem>>, vector<1x1x16xf32>,
      %parallel_loop3A_2289 = vector.shape_cast %parallel_loop3A_2288 : vector<1x1x16xf32> to vector<16xf32>
      %parallel_loop3A_2290 = arith.mulf %parallel_loop3A_2289, %broadcast_in_dim3A_1969 : vector<16xf32>
      %parallel_loop3A_2291 = arith.addf %parallel_loop3A_2283, %parallel_loop3A_2290 : vector<16xf32>
      %parallel_loop3A_2292 = arith.constant 2048 : i32
      %parallel_loop3A_2293 = arith.addi %parallel_loop3A_2292, %parallel_loop3A_2168 : i32
      %parallel_loop3A_2294 = arith.index_cast %parallel_loop3A_2293 : i32 to index
      %parallel_loop3A_2295 = tpu.vector_load %arg9[%parallel_loop3A_2294] {strides = array<i32>} : memref<5120xf32, #tpu.memory_space<vmem>>, vector<16xf32>,
      %parallel_loop3A_2296 = vector.shape_cast %parallel_loop3A_2295 : vector<16xf32> to vector<16xf32>
      %parallel_loop3A_2297 = vector.shape_cast %parallel_loop3A_2291 : vector<16xf32> to vector<16xf32>
      tpu.vector_store %arg9[%parallel_loop3A_2294], %parallel_loop3A_2297 {strides = array<i32>} : memref<5120xf32, #tpu.memory_space<vmem>>, vector<16xf32>,
      %parallel_loop3A_2298 = arith.constant 3072 : i32
      %parallel_loop3A_2299 = arith.addi %parallel_loop3A_2298, %parallel_loop3A_2168 : i32
      %parallel_loop3A_2300 = arith.index_cast %parallel_loop3A_2299 : i32 to index
      %parallel_loop3A_2301 = tpu.vector_load %arg9[%parallel_loop3A_2300] {strides = array<i32>} : memref<5120xf32, #tpu.memory_space<vmem>>, vector<16xf32>,
      %parallel_loop3A_2302 = vector.shape_cast %parallel_loop3A_2301 : vector<16xf32> to vector<16xf32>
      %parallel_loop3A_2303 = arith.constant 0 : i32
      %parallel_loop3A_2304 = arith.index_cast %parallel_loop3A_2303 : i32 to index
      %parallel_loop3A_2305 = arith.index_cast %min3A_1983 : i32 to index
      %parallel_loop3A_2306 = arith.index_cast %parallel_loop3A_2168 : i32 to index
      %parallel_loop3A_2307 = tpu.vector_load %arg7[%parallel_loop3A_2304, %parallel_loop3A_2305, %parallel_loop3A_2306] {strides = array<i32>} : memref<4x5x1024xf32, #tpu.memory_space<vmem>>, vector<1x1x16xf32>,
      %parallel_loop3A_2308 = vector.shape_cast %parallel_loop3A_2307 : vector<1x1x16xf32> to vector<16xf32>
      %parallel_loop3A_2309 = arith.mulf %parallel_loop3A_2308, %broadcast_in_dim3A_1987 : vector<16xf32>
      %parallel_loop3A_2310 = arith.addf %parallel_loop3A_2302, %parallel_loop3A_2309 : vector<16xf32>
      %parallel_loop3A_2311 = arith.constant 1 : i32
      %parallel_loop3A_2312 = arith.index_cast %parallel_loop3A_2311 : i32 to index
      %parallel_loop3A_2313 = arith.index_cast %min3A_2001 : i32 to index
      %parallel_loop3A_2314 = arith.index_cast %parallel_loop3A_2168 : i32 to index
      %parallel_loop3A_2315 = tpu.vector_load %arg7[%parallel_loop3A_2312, %parallel_loop3A_2313, %parallel_loop3A_2314] {strides = array<i32>} : memref<4x5x1024xf32, #tpu.memory_space<vmem>>, vector<1x1x16xf32>,
      %parallel_loop3A_2316 = vector.shape_cast %parallel_loop3A_2315 : vector<1x1x16xf32> to vector<16xf32>
      %parallel_loop3A_2317 = arith.mulf %parallel_loop3A_2316, %broadcast_in_dim3A_2005 : vector<16xf32>
      %parallel_loop3A_2318 = arith.addf %parallel_loop3A_2310, %parallel_loop3A_2317 : vector<16xf32>
      %parallel_loop3A_2319 = arith.constant 2 : i32
      %parallel_loop3A_2320 = arith.index_cast %parallel_loop3A_2319 : i32 to index
      %parallel_loop3A_2321 = arith.index_cast %min3A_2019 : i32 to index
      %parallel_loop3A_2322 = arith.index_cast %parallel_loop3A_2168 : i32 to index
      %parallel_loop3A_2323 = tpu.vector_load %arg7[%parallel_loop3A_2320, %parallel_loop3A_2321, %parallel_loop3A_2322] {strides = array<i32>} : memref<4x5x1024xf32, #tpu.memory_space<vmem>>, vector<1x1x16xf32>,
      %parallel_loop3A_2324 = vector.shape_cast %parallel_loop3A_2323 : vector<1x1x16xf32> to vector<16xf32>
      %parallel_loop3A_2325 = arith.mulf %parallel_loop3A_2324, %broadcast_in_dim3A_2023 : vector<16xf32>
      %parallel_loop3A_2326 = arith.addf %parallel_loop3A_2318, %parallel_loop3A_2325 : vector<16xf32>
      %parallel_loop3A_2327 = arith.constant 3 : i32
      %parallel_loop3A_2328 = arith.index_cast %parallel_loop3A_2327 : i32 to index
      %parallel_loop3A_2329 = arith.index_cast %min3A_2037 : i32 to index
      %parallel_loop3A_2330 = arith.index_cast %parallel_loop3A_2168 : i32 to index
      %parallel_loop3A_2331 = tpu.vector_load %arg7[%parallel_loop3A_2328, %parallel_loop3A_2329, %parallel_loop3A_2330] {strides = array<i32>} : memref<4x5x1024xf32, #tpu.memory_space<vmem>>, vector<1x1x16xf32>,
      %parallel_loop3A_2332 = vector.shape_cast %parallel_loop3A_2331 : vector<1x1x16xf32> to vector<16xf32>
      %parallel_loop3A_2333 = arith.mulf %parallel_loop3A_2332, %broadcast_in_dim3A_2041 : vector<16xf32>
      %parallel_loop3A_2334 = arith.addf %parallel_loop3A_2326, %parallel_loop3A_2333 : vector<16xf32>
      %parallel_loop3A_2335 = arith.constant 3072 : i32
      %parallel_loop3A_2336 = arith.addi %parallel_loop3A_2335, %parallel_loop3A_2168 : i32
      %parallel_loop3A_2337 = arith.index_cast %parallel_loop3A_2336 : i32 to index
      %parallel_loop3A_2338 = tpu.vector_load %arg9[%parallel_loop3A_2337] {strides = array<i32>} : memref<5120xf32, #tpu.memory_space<vmem>>, vector<16xf32>,
      %parallel_loop3A_2339 = vector.shape_cast %parallel_loop3A_2338 : vector<16xf32> to vector<16xf32>
      %parallel_loop3A_2340 = vector.shape_cast %parallel_loop3A_2334 : vector<16xf32> to vector<16xf32>
      tpu.vector_store %arg9[%parallel_loop3A_2337], %parallel_loop3A_2340 {strides = array<i32>} : memref<5120xf32, #tpu.memory_space<vmem>>, vector<16xf32>,
      %parallel_loop3A_2341 = arith.constant 4096 : i32
      %parallel_loop3A_2342 = arith.addi %parallel_loop3A_2341, %parallel_loop3A_2168 : i32
      %parallel_loop3A_2343 = arith.index_cast %parallel_loop3A_2342 : i32 to index
      %parallel_loop3A_2344 = tpu.vector_load %arg9[%parallel_loop3A_2343] {strides = array<i32>} : memref<5120xf32, #tpu.memory_space<vmem>>, vector<16xf32>,
      %parallel_loop3A_2345 = vector.shape_cast %parallel_loop3A_2344 : vector<16xf32> to vector<16xf32>
      %parallel_loop3A_2346 = arith.constant 0 : i32
      %parallel_loop3A_2347 = arith.index_cast %parallel_loop3A_2346 : i32 to index
      %parallel_loop3A_2348 = arith.index_cast %min3A_2055 : i32 to index
      %parallel_loop3A_2349 = arith.index_cast %parallel_loop3A_2168 : i32 to index
      %parallel_loop3A_2350 = tpu.vector_load %arg7[%parallel_loop3A_2347, %parallel_loop3A_2348, %parallel_loop3A_2349] {strides = array<i32>} : memref<4x5x1024xf32, #tpu.memory_space<vmem>>, vector<1x1x16xf32>,
      %parallel_loop3A_2351 = vector.shape_cast %parallel_loop3A_2350 : vector<1x1x16xf32> to vector<16xf32>
      %parallel_loop3A_2352 = arith.mulf %parallel_loop3A_2351, %broadcast_in_dim3A_2059 : vector<16xf32>
      %parallel_loop3A_2353 = arith.addf %parallel_loop3A_2345, %parallel_loop3A_2352 : vector<16xf32>
      %parallel_loop3A_2354 = arith.constant 1 : i32
      %parallel_loop3A_2355 = arith.index_cast %parallel_loop3A_2354 : i32 to index
      %parallel_loop3A_2356 = arith.index_cast %min3A_2073 : i32 to index
      %parallel_loop3A_2357 = arith.index_cast %parallel_loop3A_2168 : i32 to index
      %parallel_loop3A_2358 = tpu.vector_load %arg7[%parallel_loop3A_2355, %parallel_loop3A_2356, %parallel_loop3A_2357] {strides = array<i32>} : memref<4x5x1024xf32, #tpu.memory_space<vmem>>, vector<1x1x16xf32>,
      %parallel_loop3A_2359 = vector.shape_cast %parallel_loop3A_2358 : vector<1x1x16xf32> to vector<16xf32>
      %parallel_loop3A_2360 = arith.mulf %parallel_loop3A_2359, %broadcast_in_dim3A_2077 : vector<16xf32>
      %parallel_loop3A_2361 = arith.addf %parallel_loop3A_2353, %parallel_loop3A_2360 : vector<16xf32>
      %parallel_loop3A_2362 = arith.constant 2 : i32
      %parallel_loop3A_2363 = arith.index_cast %parallel_loop3A_2362 : i32 to index
      %parallel_loop3A_2364 = arith.index_cast %min3A_2091 : i32 to index
      %parallel_loop3A_2365 = arith.index_cast %parallel_loop3A_2168 : i32 to index
      %parallel_loop3A_2366 = tpu.vector_load %arg7[%parallel_loop3A_2363, %parallel_loop3A_2364, %parallel_loop3A_2365] {strides = array<i32>} : memref<4x5x1024xf32, #tpu.memory_space<vmem>>, vector<1x1x16xf32>,
      %parallel_loop3A_2367 = vector.shape_cast %parallel_loop3A_2366 : vector<1x1x16xf32> to vector<16xf32>
      %parallel_loop3A_2368 = arith.mulf %parallel_loop3A_2367, %broadcast_in_dim3A_2095 : vector<16xf32>
      %parallel_loop3A_2369 = arith.addf %parallel_loop3A_2361, %parallel_loop3A_2368 : vector<16xf32>
      %parallel_loop3A_2370 = arith.constant 3 : i32
      %parallel_loop3A_2371 = arith.index_cast %parallel_loop3A_2370 : i32 to index
      %parallel_loop3A_2372 = arith.index_cast %min3A_2109 : i32 to index
      %parallel_loop3A_2373 = arith.index_cast %parallel_loop3A_2168 : i32 to index
      %parallel_loop3A_2374 = tpu.vector_load %arg7[%parallel_loop3A_2371, %parallel_loop3A_2372, %parallel_loop3A_2373] {strides = array<i32>} : memref<4x5x1024xf32, #tpu.memory_space<vmem>>, vector<1x1x16xf32>,
      %parallel_loop3A_2375 = vector.shape_cast %parallel_loop3A_2374 : vector<1x1x16xf32> to vector<16xf32>
      %parallel_loop3A_2376 = arith.mulf %parallel_loop3A_2375, %broadcast_in_dim3A_2113 : vector<16xf32>
      %parallel_loop3A_2377 = arith.addf %parallel_loop3A_2369, %parallel_loop3A_2376 : vector<16xf32>
      %parallel_loop3A_2378 = arith.constant 4096 : i32
      %parallel_loop3A_2379 = arith.addi %parallel_loop3A_2378, %parallel_loop3A_2168 : i32
      %parallel_loop3A_2380 = arith.index_cast %parallel_loop3A_2379 : i32 to index
      %parallel_loop3A_2381 = tpu.vector_load %arg9[%parallel_loop3A_2380] {strides = array<i32>} : memref<5120xf32, #tpu.memory_space<vmem>>, vector<16xf32>,
      %parallel_loop3A_2382 = vector.shape_cast %parallel_loop3A_2381 : vector<16xf32> to vector<16xf32>
      %parallel_loop3A_2383 = vector.shape_cast %parallel_loop3A_2377 : vector<16xf32> to vector<16xf32>
      tpu.vector_store %arg9[%parallel_loop3A_2380], %parallel_loop3A_2383 {strides = array<i32>} : memref<5120xf32, #tpu.memory_space<vmem>>, vector<16xf32>,
    } {sc.loop_unroll_factor = 1 : i64, sc.parallel_access}
    %add3A_2117 = arith.constant 5 : i32
    %add3A_2118 = arith.addi %mul3A_32, %add3A_2117 : i32
    %le3A_2119 = arith.constant 64 : i32
    %le3A_2120 = arith.cmpi sle, %add3A_2118, %le3A_2119 : i32
    %convert_element_type3A = arith.extui %le3A_2120 : i1 to i32
    %cond3A = arith.constant 0 : i32
    %cond3A_2121 = arith.cmpi ne, %convert_element_type3A, %cond3A : i32
    scf.if %cond3A_2121 {
      %mul3A_2166 = arith.constant 1024 : i32
      %mul3A_2167 = arith.muli %mul3A_32, %mul3A_2166 : i32
      %dma_start3A_2168 = arith.constant 0 : i32
      %dma_start3A_2169 = tpu.memref_slice %arg4[%dma_start3A_2168, %select_n3A, %mul3A_2167] : memref<1x2x65536xf32, #tpu.memory_space<hbm>> -> memref<1x1x5120xf32, #tpu.memory_space<hbm>>
      %dma_start3A_2170 = tpu.memref_squeeze %dma_start3A_2169 : memref<1x1x5120xf32, #tpu.memory_space<hbm>> -> memref<5120xf32, #tpu.memory_space<hbm>>
      %dma_start3A_2171 = tpu.memref_slice %arg4[%dma_start3A_2168, %select_n3A, %mul3A_2167] : memref<1x2x65536xf32, #tpu.memory_space<hbm>> -> memref<1x1x5120xf32, #tpu.memory_space<hbm>>
      %dma_start3A_2172 = tpu.memref_squeeze %dma_start3A_2171 : memref<1x1x5120xf32, #tpu.memory_space<hbm>> -> memref<5120xf32, #tpu.memory_space<hbm>>
      tpu.enqueue_dma source(%arg9 : memref<5120xf32, #tpu.memory_space<vmem>>) target(%dma_start3A_2172 : memref<5120xf32, #tpu.memory_space<hbm>>) target_semaphore(%arg13 : memref<!tpu.dma_semaphore, #tpu.memory_space<semaphore_mem>>)
    } else {
    }
    %lt3A_2122 = arith.constant 64 : i32
    %lt3A_2123 = arith.cmpi slt, %mul3A_32, %lt3A_2122 : i32
    %add3A_2124 = arith.constant 5 : i32
    %add3A_2125 = arith.addi %mul3A_32, %add3A_2124 : i32
    %gt3A = arith.constant 64 : i32
    %gt3A_2126 = arith.cmpi sgt, %add3A_2125, %gt3A : i32
    %and3A_2127 = arith.andi %lt3A_2123, %gt3A_2126 : i1
    %convert_element_type3A_2128 = arith.extui %and3A_2127 : i1 to i32
    %cond3A_2129 = arith.constant 0 : i32
    %cond3A_2130 = arith.cmpi ne, %convert_element_type3A_2128, %cond3A_2129 : i32
    scf.if %cond3A_2130 {
      %mul3A_2166 = arith.constant 1024 : i32
      %mul3A_2167 = arith.muli %mul3A_32, %mul3A_2166 : i32
      %dma_start3A_2168 = arith.constant 0 : i32
      %dma_start3A_2169 = arith.constant 0 : i32
      %dma_start3A_2170 = tpu.memref_slice %arg9[%dma_start3A_2169] : memref<5120xf32, #tpu.memory_space<vmem>> -> memref<4096xf32, #tpu.memory_space<vmem>>
      %dma_start3A_2171 = tpu.memref_slice %arg4[%dma_start3A_2168, %select_n3A, %mul3A_2167] : memref<1x2x65536xf32, #tpu.memory_space<hbm>> -> memref<1x1x4096xf32, #tpu.memory_space<hbm>>
      %dma_start3A_2172 = tpu.memref_squeeze %dma_start3A_2171 : memref<1x1x4096xf32, #tpu.memory_space<hbm>> -> memref<4096xf32, #tpu.memory_space<hbm>>
      %dma_start3A_2173 = tpu.memref_slice %arg4[%dma_start3A_2168, %select_n3A, %mul3A_2167] : memref<1x2x65536xf32, #tpu.memory_space<hbm>> -> memref<1x1x4096xf32, #tpu.memory_space<hbm>>
      %dma_start3A_2174 = tpu.memref_squeeze %dma_start3A_2173 : memref<1x1x4096xf32, #tpu.memory_space<hbm>> -> memref<4096xf32, #tpu.memory_space<hbm>>
      %dma_start3A_2175 = arith.constant 0 : i32
      %dma_start3A_2176 = tpu.memref_slice %arg9[%dma_start3A_2175] : memref<5120xf32, #tpu.memory_space<vmem>> -> memref<4096xf32, #tpu.memory_space<vmem>>
      tpu.enqueue_dma source(%dma_start3A_2176 : memref<4096xf32, #tpu.memory_space<vmem>>) target(%dma_start3A_2174 : memref<4096xf32, #tpu.memory_space<hbm>>) target_semaphore(%arg13 : memref<!tpu.dma_semaphore, #tpu.memory_space<semaphore_mem>>)
      %dma_start3A_2177 = arith.constant 4096 : i32
      %dma_start3A_2178 = tpu.memref_slice %arg9[%dma_start3A_2177] : memref<5120xf32, #tpu.memory_space<vmem>> -> memref<1024xf32, #tpu.memory_space<vmem>>
      %dma_start3A_2179 = arith.constant 0 : i32
      %dma_start3A_2180 = tpu.memref_slice %arg5[%select_n3A, %dma_start3A_2179] : memref<2x80896xf32, #tpu.memory_space<hbm>> -> memref<1x1024xf32, #tpu.memory_space<hbm>>
      %dma_start3A_2181 = tpu.memref_squeeze %dma_start3A_2180 : memref<1x1024xf32, #tpu.memory_space<hbm>> -> memref<1024xf32, #tpu.memory_space<hbm>>
      %dma_start3A_2182 = arith.constant 0 : i32
      %dma_start3A_2183 = tpu.memref_slice %arg5[%select_n3A, %dma_start3A_2182] : memref<2x80896xf32, #tpu.memory_space<hbm>> -> memref<1x1024xf32, #tpu.memory_space<hbm>>
      %dma_start3A_2184 = tpu.memref_squeeze %dma_start3A_2183 : memref<1x1024xf32, #tpu.memory_space<hbm>> -> memref<1024xf32, #tpu.memory_space<hbm>>
      %dma_start3A_2185 = arith.constant 4096 : i32
      %dma_start3A_2186 = tpu.memref_slice %arg9[%dma_start3A_2185] : memref<5120xf32, #tpu.memory_space<vmem>> -> memref<1024xf32, #tpu.memory_space<vmem>>
      tpu.enqueue_dma source(%dma_start3A_2186 : memref<1024xf32, #tpu.memory_space<vmem>>) target(%dma_start3A_2184 : memref<1024xf32, #tpu.memory_space<hbm>>) target_semaphore(%arg13 : memref<!tpu.dma_semaphore, #tpu.memory_space<semaphore_mem>>)
    } else {
    }
    %ge3A_2131 = arith.constant 64 : i32
    %ge3A_2132 = arith.cmpi sge, %mul3A_32, %ge3A_2131 : i32
    %add3A_2133 = arith.constant 5 : i32
    %add3A_2134 = arith.addi %mul3A_32, %add3A_2133 : i32
    %le3A_2135 = arith.constant 79 : i32
    %le3A_2136 = arith.cmpi sle, %add3A_2134, %le3A_2135 : i32
    %and3A_2137 = arith.andi %ge3A_2132, %le3A_2136 : i1
    %convert_element_type3A_2138 = arith.extui %and3A_2137 : i1 to i32
    %cond3A_2139 = arith.constant 0 : i32
    %cond3A_2140 = arith.cmpi ne, %convert_element_type3A_2138, %cond3A_2139 : i32
    scf.if %cond3A_2140 {
      %sub3A_2166 = arith.constant 64 : i32
      %sub3A_2167 = arith.subi %mul3A_32, %sub3A_2166 : i32
      %mul3A_2168 = arith.constant 1024 : i32
      %mul3A_2169 = arith.muli %sub3A_2167, %mul3A_2168 : i32
      %dma_start3A_2170 = tpu.memref_slice %arg5[%select_n3A, %mul3A_2169] : memref<2x80896xf32, #tpu.memory_space<hbm>> -> memref<1x5120xf32, #tpu.memory_space<hbm>>
      %dma_start3A_2171 = tpu.memref_squeeze %dma_start3A_2170 : memref<1x5120xf32, #tpu.memory_space<hbm>> -> memref<5120xf32, #tpu.memory_space<hbm>>
      %dma_start3A_2172 = tpu.memref_slice %arg5[%select_n3A, %mul3A_2169] : memref<2x80896xf32, #tpu.memory_space<hbm>> -> memref<1x5120xf32, #tpu.memory_space<hbm>>
      %dma_start3A_2173 = tpu.memref_squeeze %dma_start3A_2172 : memref<1x5120xf32, #tpu.memory_space<hbm>> -> memref<5120xf32, #tpu.memory_space<hbm>>
      tpu.enqueue_dma source(%arg9 : memref<5120xf32, #tpu.memory_space<vmem>>) target(%dma_start3A_2173 : memref<5120xf32, #tpu.memory_space<hbm>>) target_semaphore(%arg13 : memref<!tpu.dma_semaphore, #tpu.memory_space<semaphore_mem>>)
    } else {
    }
    %add3A_2141 = arith.constant 5 : i32
    %add3A_2142 = arith.addi %mul3A_32, %add3A_2141 : i32
    %gt3A_2143 = arith.constant 79 : i32
    %gt3A_2144 = arith.cmpi sgt, %add3A_2142, %gt3A_2143 : i32
    %convert_element_type3A_2145 = arith.extui %gt3A_2144 : i1 to i32
    %cond3A_2146 = arith.constant 0 : i32
    %cond3A_2147 = arith.cmpi ne, %convert_element_type3A_2145, %cond3A_2146 : i32
    scf.if %cond3A_2147 {
      %sub3A_2166 = arith.constant 64 : i32
      %sub3A_2167 = arith.subi %mul3A_32, %sub3A_2166 : i32
      %mul3A_2168 = arith.constant 1024 : i32
      %mul3A_2169 = arith.muli %sub3A_2167, %mul3A_2168 : i32
      %dma_start3A_2170 = arith.constant 0 : i32
      %dma_start3A_2171 = tpu.memref_slice %arg9[%dma_start3A_2170] : memref<5120xf32, #tpu.memory_space<vmem>> -> memref<4096xf32, #tpu.memory_space<vmem>>
      %dma_start3A_2172 = tpu.memref_slice %arg5[%select_n3A, %mul3A_2169] : memref<2x80896xf32, #tpu.memory_space<hbm>> -> memref<1x4096xf32, #tpu.memory_space<hbm>>
      %dma_start3A_2173 = tpu.memref_squeeze %dma_start3A_2172 : memref<1x4096xf32, #tpu.memory_space<hbm>> -> memref<4096xf32, #tpu.memory_space<hbm>>
      %dma_start3A_2174 = tpu.memref_slice %arg5[%select_n3A, %mul3A_2169] : memref<2x80896xf32, #tpu.memory_space<hbm>> -> memref<1x4096xf32, #tpu.memory_space<hbm>>
      %dma_start3A_2175 = tpu.memref_squeeze %dma_start3A_2174 : memref<1x4096xf32, #tpu.memory_space<hbm>> -> memref<4096xf32, #tpu.memory_space<hbm>>
      %dma_start3A_2176 = arith.constant 0 : i32
      %dma_start3A_2177 = tpu.memref_slice %arg9[%dma_start3A_2176] : memref<5120xf32, #tpu.memory_space<vmem>> -> memref<4096xf32, #tpu.memory_space<vmem>>
      tpu.enqueue_dma source(%dma_start3A_2177 : memref<4096xf32, #tpu.memory_space<vmem>>) target(%dma_start3A_2175 : memref<4096xf32, #tpu.memory_space<hbm>>) target_semaphore(%arg13 : memref<!tpu.dma_semaphore, #tpu.memory_space<semaphore_mem>>)
    } else {
    }
    %dma_wait3A_2148 = tpu.memref_slice %arg5[%select_n3A_272, %add3A_300] : memref<2x80896xf32, #tpu.memory_space<hbm>> -> memref<1x4096xf32, #tpu.memory_space<hbm>>
    %dma_wait3A_2149 = tpu.memref_squeeze %dma_wait3A_2148 : memref<1x4096xf32, #tpu.memory_space<hbm>> -> memref<4096xf32, #tpu.memory_space<hbm>>
    %dma_wait3A_2150 = tpu.memref_slice %arg5[%select_n3A_272, %add3A_300] : memref<2x80896xf32, #tpu.memory_space<hbm>> -> memref<1x4096xf32, #tpu.memory_space<hbm>>
    %dma_wait3A_2151 = tpu.memref_squeeze %dma_wait3A_2150 : memref<1x4096xf32, #tpu.memory_space<hbm>> -> memref<4096xf32, #tpu.memory_space<hbm>>
    tpu.wait_dma2 semaphore(%arg13 : memref<!tpu.dma_semaphore, #tpu.memory_space<semaphore_mem>>) src(%arg10 : memref<4096xf32, #tpu.memory_space<vmem>>) dst(%dma_wait3A_2151 : memref<4096xf32, #tpu.memory_space<hbm>>)
    %add3A_2152 = arith.constant 5 : i32
    %add3A_2153 = arith.addi %mul3A_32, %add3A_2152 : i32
    %le3A_2154 = arith.constant 79 : i32
    %le3A_2155 = arith.cmpi sle, %add3A_2153, %le3A_2154 : i32
    %convert_element_type3A_2156 = arith.extui %le3A_2155 : i1 to i32
    %cond3A_2157 = arith.constant 0 : i32
    %cond3A_2158 = arith.cmpi ne, %convert_element_type3A_2156, %cond3A_2157 : i32
    scf.if %cond3A_2158 {
      %dma_wait3A_2166 = arith.constant 0 : i32
      %dma_wait3A_2167 = arith.constant 0 : i32
      %dma_wait3A_2168 = tpu.memref_slice %arg3[%dma_wait3A_2166, %dma_wait3A_2167] : memref<2x80896xf32, #tpu.memory_space<hbm>> -> memref<1x5120xf32, #tpu.memory_space<hbm>>
      %dma_wait3A_2169 = tpu.memref_squeeze %dma_wait3A_2168 : memref<1x5120xf32, #tpu.memory_space<hbm>> -> memref<5120xf32, #tpu.memory_space<hbm>>
      %dma_wait3A_2170 = arith.constant 0 : i32
      %dma_wait3A_2171 = tpu.memref_slice %arg3[%dma_wait3A_2166, %dma_wait3A_2170] : memref<2x80896xf32, #tpu.memory_space<hbm>> -> memref<1x5120xf32, #tpu.memory_space<hbm>>
      %dma_wait3A_2172 = tpu.memref_squeeze %dma_wait3A_2171 : memref<1x5120xf32, #tpu.memory_space<hbm>> -> memref<5120xf32, #tpu.memory_space<hbm>>
      tpu.wait_dma2 semaphore(%arg13 : memref<!tpu.dma_semaphore, #tpu.memory_space<semaphore_mem>>) src(%dma_wait3A_2172 : memref<5120xf32, #tpu.memory_space<hbm>>) dst(%arg9 : memref<5120xf32, #tpu.memory_space<vmem>>)
    } else {
    }
    %add3A_2159 = arith.constant 5 : i32
    %add3A_2160 = arith.addi %mul3A_32, %add3A_2159 : i32
    %gt3A_2161 = arith.constant 79 : i32
    %gt3A_2162 = arith.cmpi sgt, %add3A_2160, %gt3A_2161 : i32
    %convert_element_type3A_2163 = arith.extui %gt3A_2162 : i1 to i32
    %cond3A_2164 = arith.constant 0 : i32
    %cond3A_2165 = arith.cmpi ne, %convert_element_type3A_2163, %cond3A_2164 : i32
    scf.if %cond3A_2165 {
      %dma_wait3A_2166 = arith.constant 0 : i32
      %dma_wait3A_2167 = arith.constant 0 : i32
      %dma_wait3A_2168 = tpu.memref_slice %arg9[%dma_wait3A_2167] : memref<5120xf32, #tpu.memory_space<vmem>> -> memref<4096xf32, #tpu.memory_space<vmem>>
      %dma_wait3A_2169 = arith.constant 0 : i32
      %dma_wait3A_2170 = tpu.memref_slice %arg3[%dma_wait3A_2166, %dma_wait3A_2169] : memref<2x80896xf32, #tpu.memory_space<hbm>> -> memref<1x4096xf32, #tpu.memory_space<hbm>>
      %dma_wait3A_2171 = tpu.memref_squeeze %dma_wait3A_2170 : memref<1x4096xf32, #tpu.memory_space<hbm>> -> memref<4096xf32, #tpu.memory_space<hbm>>
      %dma_wait3A_2172 = arith.constant 0 : i32
      %dma_wait3A_2173 = tpu.memref_slice %arg9[%dma_wait3A_2172] : memref<5120xf32, #tpu.memory_space<vmem>> -> memref<4096xf32, #tpu.memory_space<vmem>>
      %dma_wait3A_2174 = arith.constant 0 : i32
      %dma_wait3A_2175 = tpu.memref_slice %arg3[%dma_wait3A_2166, %dma_wait3A_2174] : memref<2x80896xf32, #tpu.memory_space<hbm>> -> memref<1x4096xf32, #tpu.memory_space<hbm>>
      %dma_wait3A_2176 = tpu.memref_squeeze %dma_wait3A_2175 : memref<1x4096xf32, #tpu.memory_space<hbm>> -> memref<4096xf32, #tpu.memory_space<hbm>>
      tpu.wait_dma2 semaphore(%arg13 : memref<!tpu.dma_semaphore, #tpu.memory_space<semaphore_mem>>) src(%dma_wait3A_2176 : memref<4096xf32, #tpu.memory_space<hbm>>) dst(%dma_wait3A_2173 : memref<4096xf32, #tpu.memory_space<vmem>>)
    } else {
    }
    return
  }
}

</mosaic_0001>

<sc_bundles>
// kernel: kernel.3.cloned.1.call-start
scs
__scs_entry_jumppad:
0x0: {  	(pc) =	sbr.rel $0x88, $3  }
0x1: {  	(tag) =	ssettag $0x0;
	lr =	simm.s32 $0x1  }
0x2: {  	[smem:$0x3F9F] =	sst lr;
	_ =	strace $0xD0000000  }
0x3: {  	_ = 	snop  }
0x4: {  	_ = 	snop  }
0x5: {  	_ = 	snop  }
0x6: {  	_ = 	snop  }
0x7: {  	_ = 	snop  }
__scs_overlays_trampoline_lowered:
0x8: {  	[smem:$0x3FAE] =	sst s0  }
0x9: {  	[smem:$0x3FAF] =	sst s1  }
0xa: {  	[smem:$0x3FB0] =	sst s2  }
0xb: {  	[smem:$0x3FB1] =	sst s3  }
0xc: {  	[smem:$0x3FB2] =	sst s4  }
0xd: {  	[smem:$0x3FB3] =	sst s5  }
0xe: {  	[smem:$0x3FB4] =	sst s6  }
0xf: {  	[smem:$0x3FB5] =	sst s7  }
0x10: {  	[smem:$0x3FB6] =	sst s8  }
0x11: {  	[smem:$0x3FB7] =	sst s9;
	s0 =	simm.s32 @!p0 $0x0  }
0x12: {  	s1 =	sld [smem:$0x3F9D];
	s0 =	simm.s32 @p0 $0x1  }
0x13: {  	[smem:$0x3FB8] =	sst s0;
	s0 =	simm.s32 @!p1 $0x0  }
0x14: {  	s2 =	sld [smem:$0x3F9C];
	s0 =	simm.s32 @p1 $0x1  }
0x15: {  	[smem:$0x3FB9] =	sst s0;
	s0 =	simm.s32 @!p2 $0x0  }
0x16: {  	s3 =	sld [smem:$0x3FDB];
	s0 =	simm.s32 @p2 $0x1  }
0x17: {  	s4 =	simm.s32 $0x1BF5;
	[smem:$0x3FBB] =	sst s0  }
0x18: {  	s0 =	sld [smem:$0x3F9E];
	_ =	swait.ge [sflag:s4], $0x0  }
0x19: {  	s7 =	sld [smem:$0x3F9F]  }
0x1a: {  	s8 =	sadd.s32 $0xFFFFE003, lr  }
0x1b: {  	s9 =	sadd.s32 $0xFFFFFEF7, lr;
	s5 =	simm.s32 $0xFFFFFFFF;
	p2 =	slt.u32 s8, $0xFFFFF086  }
0x1c: {  	p1 =	slt.u32 s9, $0xF7A;
	s5 =	simm.s32 @!p2 $0x0  }
0x1d: {  	s5 =	simm.s32 @p1 $0x1;
	p0 =	seq.s32 s7, s2  }
0x1e: {  	s7 =	smul.u32 @!p0 $0xF7A, s2;
	p2 =	seq.s32 @!p0 s5, $0x0  }
0x1f: {  	s9 =	smul.u32 $0xF7A, s1;
	s8 =	simm.s32 @!p0 $0x1BF5;
	p2 =	por !p2, p0  }
0x20: {  	[sflag:s8] =	ssyncset.s32 @!p0 $0xFFFFF086;
	s6 =	sadd.s32 @!p0 s3, s7;
	s7 =	simm.s32 @!p0 $0x108  }
0x21: {  	s3 =	sadd.s32 s3, s9;
	s6 =	sadd.s32 @!p0 $0x88, s6;
	s7 =	simm.s32 @p2 $0x1082  }
0x22: {  	[simem:s7], [sflag:s8] =	dma.local @!p0 [hbm:s6], $0xF7A  }
0x23: {  	s9 =	sor.u32 $0xD0000000, s2;
	s6 =	simm.s32 $0x108;
	_ =	swait.ge @!p0 [sflag:s8], $0x0  }
0x24: {  	s3 =	sadd.s32 $0x88, s3;
	s6 =	simm.s32 @!p1 $0x1082;
	[sflag:s4] =	ssyncset.s32 $0xFFFFF086  }
0x25: {  	[simem:s6], [sflag:s4] =	dma.local [hbm:s3], $0xF7A  }
0x26: {  	[smem:$0x3F9F] =	sst s1;
	(tag) =	ssettag s2;
	_ =	strace s9  }
0x27: {  	s1 =	sld [smem:$0x3FAF]  }
0x28: {  	s2 =	sld [smem:$0x3FB0]  }
0x29: {  	s4 =	sld [smem:$0x3FB2]  }
0x2a: {  	p0 =	seq.s32 s5, $0x0;
	s5 =	sld [smem:$0x3FB3]  }
0x2b: {  	s6 =	sld [smem:$0x3FB4]  }
0x2c: {  	s7 =	sld [smem:$0x3FB5]  }
0x2d: {  	s3 =	simm.s32 $0x108;
	s8 =	sld [smem:$0x3FB6]  }
0x2e: {  	s3 =	simm.s32 @!p0 $0x1082;
	s9 =	sld [smem:$0x3FB7]  }
0x2f: {  	lr =	sadd.s32 s0, s3;
	s0 =	sld [smem:$0x3FAE]  }
0x30: {  	s3 =	sld [smem:$0x3FB1]  }
0x31: {  	[smem:$0x3FBA] =	sst s10  }
0x32: {  	s10 =	sld [smem:$0x3FB8];
	_ =	sdelay $0x3  }
0x33: {  	p0 =	seq.s32 s10, $0x1;
	s10 =	sld [smem:$0x3FBA];
	_ =	sdelay $0x3  }
0x34: {  	[smem:$0x3FBA] =	sst s10  }
0x35: {  	s10 =	sld [smem:$0x3FB9];
	_ =	sdelay $0x3  }
0x36: {  	p1 =	seq.s32 s10, $0x1;
	s10 =	sld [smem:$0x3FBA];
	_ =	sdelay $0x3  }
0x37: {  	[smem:$0x3FBA] =	sst s10  }
0x38: {  	s10 =	sld [smem:$0x3FBB]  }
0x39: {  	_ = 	snop;
	(pc) =	sbr.ind lr, $3  }
0x3a: {  	_ = 	snop  }
0x3b: {  	_ = 	snop  }
0x3c: {  	p2 =	seq.s32 s10, $0x1;
	s10 =	sld [smem:$0x3FBA]  }
0x3d: {  	_ =	shalt  }
0x3e: {  	_ =	shalt  }
0x3f: {  	_ =	shalt  }
0x40: {  	_ =	shalt  }
0x41: {  	_ =	shalt  }
0x42: {  	_ =	shalt  }
0x43: {  	_ =	shalt  }
0x44: {  	_ =	shalt  }
0x45: {  	_ =	shalt  }
0x46: {  	_ =	shalt  }
0x47: {  	_ =	shalt  }
0x48: {  	_ =	shalt  }
0x49: {  	_ =	shalt  }
0x4a: {  	_ =	shalt  }
0x4b: {  	_ =	shalt  }
0x4c: {  	_ =	shalt  }
0x4d: {  	_ =	shalt  }
0x4e: {  	_ =	shalt  }
0x4f: {  	_ =	shalt  }
0x50: {  	_ =	shalt  }
0x51: {  	_ =	shalt  }
0x52: {  	_ =	shalt  }
0x53: {  	_ =	shalt  }
0x54: {  	_ =	shalt  }
0x55: {  	_ =	shalt  }
0x56: {  	_ =	shalt  }
0x57: {  	_ =	shalt  }
0x58: {  	_ =	shalt  }
0x59: {  	_ =	shalt  }
0x5a: {  	_ =	shalt  }
0x5b: {  	_ =	shalt  }
0x5c: {  	_ =	shalt  }
0x5d: {  	_ =	shalt  }
0x5e: {  	_ =	shalt  }
0x5f: {  	_ =	shalt  }
0x60: {  	_ =	shalt  }
0x61: {  	_ =	shalt  }
0x62: {  	_ =	shalt  }
0x63: {  	_ =	shalt  }
0x64: {  	_ =	shalt  }
0x65: {  	_ =	shalt  }
0x66: {  	_ =	shalt  }
0x67: {  	_ =	shalt  }
0x68: {  	_ =	shalt  }
0x69: {  	_ =	shalt  }
0x6a: {  	_ =	shalt  }
0x6b: {  	_ =	shalt  }
0x6c: {  	_ =	shalt  }
0x6d: {  	_ =	shalt  }
0x6e: {  	_ =	shalt  }
0x6f: {  	_ =	shalt  }
0x70: {  	_ =	shalt  }
0x71: {  	_ =	shalt  }
0x72: {  	_ =	shalt  }
0x73: {  	_ =	shalt  }
0x74: {  	_ =	shalt  }
0x75: {  	_ =	shalt  }
0x76: {  	_ =	shalt  }
0x77: {  	_ =	shalt  }
0x78: {  	_ =	shalt  }
0x79: {  	_ =	shalt  }
0x7a: {  	_ =	shalt  }
0x7b: {  	_ =	shalt  }
0x7c: {  	_ =	shalt  }
0x7d: {  	_ =	shalt  }
0x7e: {  	_ =	shalt  }
0x7f: {  	_ =	shalt  }
0x80: {  	_ =	shalt  }
0x81: {  	_ =	shalt  }
0x82: {  	_ =	shalt  }
0x83: {  	_ =	shalt  }
0x84: {  	_ =	shalt  }
0x85: {  	_ =	shalt  }
0x86: {  	_ =	shalt  }
0x87: {  	_ =	shalt  }
.Lfunc_end0:
.L_simem_size_0:
called_computation_lowered:
.L_overlay_start_0:
0x88: {  	s2 =	sld [smem:$0x3FD9]  }
0x89: {  	s3 =	sld [smem:$0x3FFE];
	_ =	sdelay $0x1  }
0x8a: {  	s1 =	srdreg.scid  }
0x8b: {  	s0 =	sand.u32 $0x1, s1  }
0x8c: {  	s15 =	sshll.u32 s0, $0xA;
	s2 =	sadd.s32 s3, s2  }
0x8d: {  	s2 =	sadd.s32 s2, s15  }
0x8e: {  	[smem:$0x3FC6] =	sst s2  }
0x8f: {  	_ = 	snop  }
0x90: {  	s2 =	sld [smem:$0x3FD0];
	_ =	sdelay $0x1  }
0x91: {  	s16 =	sld [smem:$0x3FC9]  }
0x92: {  	s5 =	simm.s32 $0xA;
	s6 =	simm.s32 $0x10;
	s4 =	sld [smem:$0x3FC8]  }
0x93: {  	[smem:s6], [sflag:s5] =	dma.local [hbm:s2], $0x1  }
0x94: {  	_ =	swait.eq [sflag:s5], $0x1  }
0x95: {  	[sflag:s5] =	ssyncset.done $0x0  }
0x96: {  	s17 =	sld [smem:$0x10];
	[sflag:s5] =	ssyncadd.s32 $0xFFFFFFFF  }
0x97: {  	s18 =	sld [smem:$0x11];
	(tm) =	ssettm $0x1  }
0x98: {  	s19 =	sld [smem:$0x3FFB];
	_ =	sdelay $0x3  }
0x99: {  	_ =	strace s19  }
0x9a: {  	s6 =	sld [smem:$0x3FFC];
	_ =	sdelay $0x3  }
0x9b: {  	_ =	strace s6  }
0x9c: {  	s6 =	sld [smem:$0x3FFD];
	_ =	sdelay $0x3  }
0x9d: {  	_ =	strace s6  }
0x9e: {  	_ =	strace $0x8FFFFFFF  }
0x9f: {  	s20 =	sld [smem:$0x3FDB];
	_ =	sdelay $0x1  }
0xa0: {  	s7 =	simm.s32 $_scs_section_size  }
0xa1: {  	s8 =	simm.s32 $_size__tile_overlayer_lowered;
	s9 =	simm.s32 $_tile_overlayer_lowered  }
0xa2: {  	s23 =	simm.s32 $0x1BFF;
	s22 =	sshll.u32 s9, $0x1;
	s6 =	sadd.s32 s7, s20  }
0xa3: {  	s10 =	simm.s32 $0x0;
	s21 =	sshll.u32 s8, $0x1;
	s8 =	sadd.s32 s22, s6  }
0xa4: {  	[timem:s10], [sflag:s23] =	dma.local [hbm:s8], s21  }
0xa5: {  	_ =	swait.ge [sflag:s23], s21  }
0xa6: {  	s7 =	ssub.s32 $0x0, s21;
	[sflag:s23] =	ssyncset.done $0x0  }
0xa7: {  	[sflag:s23] =	ssyncadd.s32 s7;
	_ =	sdelay $0x1  }
0xa8: {  	s24 =	simm.s32 $0x1B8B  }
0xa9: {  	_ =	swait.ge [sflag:s24], $0x1  }
0xaa: {  	[sflag:s24] =	ssyncset.done $0x0  }
0xab: {  	s25 =	simm.s32 $0x1B8E;
	[sflag:s24] =	ssyncadd.s32 $0xFFFFFFFF  }
0xac: {  	s26 =	simm.s32 $execute0_lowered;
	[smem:$0x3FD2] =	sst s25  }
0xad: {  	s7 =	sshll.u32 s26, $0x1;
	_ =	strace $0x80000046;
	[dreg:$0x1] =	wrdreg $0xFFFFFFFF  }
0xae: {  	s28 =	simm.s32 $_size_execute0_lowered;
	s6 =	sadd.s32 s6, s7;
	[dreg:$0x0] =	wrdreg $0x0  }
0xaf: {  	s7 =	sshll.u32 s28, $0x1;
	[dreg:$0x2] =	wrdreg s6  }
0xb0: {  	[dreg:$0x3] =	wrdreg s7  }
0xb1: {  	[dreg:$0x4] =	wrdreg $0xC0  }
0xb2: {  	_ =	task [dreg:s10], $0x5FFFF  }
0xb3: {  	[dreg:$0x1] =	wrdreg $0xFFFFFFFF  }
0xb4: {  	[dreg:$0x0] =	wrdreg $0x60  }
0xb5: {  	[dreg:$0x2] =	wrdreg s16  }
0xb6: {  	[dreg:$0x3] =	wrdreg s4  }
0xb7: {  	[dreg:$0x4] =	wrdreg s17  }
0xb8: {  	[dreg:$0x5] =	wrdreg s18  }
0xb9: {  	[dreg:$0x6] =	wrdreg $0x9  }
0xba: {  	_ =	task.clear_ibuf [dreg:s10], $0x7FFFF;
	_ =	strace $0x90000046  }
0xbb: {  	s29 =	simm.s32 $0x9;
	_ =	strace $0x80000048  }
0xbc: {  	_ =	swait.ge [sflag:s29], $0x1  }
0xbd: {  	[sflag:s29] =	ssyncadd.s32 $0xFFFFFFFF  }
0xbe: {  	_ =	strace $0x90000048  }
0xbf: {  	_ =	sfence  }
0xc0: {  	s30 =	sld [smem:$0x0];
	_ =	sdelay $0x2  }
0xc1: {  	s31 =	sshll.u32 s1, $0xD;
	s1 =	sshrl.u32 s1, $0x2  }
0xc2: {  	s3 =	sand.u32 $0x4000, s31;
	s1 =	sadd.s32 s1, s30  }
0xc3: {  	s0 =	sor.u32 s3, s0;
	s1 =	sshll.u32 s1, $0x11  }
0xc4: {  	s0 =	sor.u32 s1, s0  }
0xc5: {  	s0 =	sadd.s32 $0x8F2B, s0  }
0xc6: {  	[sflag:s0] =	ssyncadd.remote.s32 $0x1  }
0xc7: {  	_ =	sfence.sel $0xFFFF  }
0xc8: {  	[dreg:$0x0] =	wrdreg $0xFFFFFFFF;
	(pc) =	sbr.abs _section_cstart, $3  }
0xc9: {  	[dreg:$0x1] =	wrdreg $0xFFFFFFFF  }
0xca: {  	_ =	task.clear_ibuf [dreg:s10], $0x2FFFF;
	_ =	strace $0x9FFFFFFF  }
0xcb: {  	(tm) =	ssettm $0x7FFFFFFF  }
tec
execute0_lowered:
.L_overlay_start_1:
0x0: {  	(tag) =	ssettag $0x1  }
0x1: {  	s18 =	rddreg [dreg:$0x0]  }
0x2: {  	s6 =	rddreg [dreg:$0x1];
	s1 =	simm.s32 $0x0;
	s0 =	srdreg.scid  }
0x3: {  	s3 =	stileid.u32;
	s12 =	stileid.u32;
	s14 =	simm.s32 $0x1  }
0x4: {  	s20 =	stileid.u32;
	[smem:$0x7FF] =	sst s1;
	s5 =	sand.u32 $0x1, s0  }
0x5: {  	s7 =	smul.u32 $0x5, s3;
	s12 =	sand.u32 $0x1, s12;
	s21 =	sshll.u32 s20, $0x7  }
0x6: {  	s23 =	sadd.s32 $0xFFFFFFFF, s20;
	s0 =	ssub.s32 $0x2, s5;
	s2 =	sshll.u32 s5, $0x4  }
0x7: {  	s16 =	sshll.u32 s5, $0x7;
	p1 =	seq.s32 s12, $0x1;
	s22 =	sand.u32 $0x80, s21  }
0x8: {  	p2 =	slt.u32 s23, $0xD;
	[smem:$0x7A6] =	sst s2;
	s26 =	sshrl.u32 s0, $0x1  }
0x9: {  	s8 =	sor.u32 s3, s2;
	s28 =	smax.u32 s7, $0x1;
	s2 =	smin.u32 s7, $0x3B  }
0xa: {  	s29 =	smax.u32 s7, $0x2;
	s30 =	smax.u32 s7, $0x3;
	s31 =	smax.u32 s7, $0x4  }
0xb: {  	s13 =	smin.u32 s7, $0x4A;
	s24 =	sadd.s32 $0xFFFFFFFF, s7;
	_ =	strace $0x80000047  }
0xc: {  	s0 =	ssub.s32 s0, s26;
	p0 =	seq.s32 s8, $0x0;
	s9 =	smin.u32 s28, $0x3C  }
0xd: {  	s10 =	smin.u32 s29, $0x3D;
	s11 =	smin.u32 s30, $0x3E;
	s1 =	ssub.s32 s7, s13  }
0xe: {  	s13 =	sshll.u32 s13, $0xB;
	s8 =	sshrl.u32 s8, $0x1;
	[smem:$0x76A] =	sst s24  }
0xf: {  	s28 =	sadd.s32 $0xFFFFFFFE, s7;
	s30 =	sadd.s32 $0xFFFFFFFE, s20;
	[smem:$0x7BA] =	sst s0  }
0x10: {  	s3 =	sadd.s32 $0xFFFFFFFF, s9;
	s4 =	sadd.s32 $0xFFFFFFFE, s10;
	s19 =	sadd.s32 $0xFFFFFFFD, s11  }
0x11: {  	s0 =	smin.u32 s31, $0x3F;
	p0 =	por !p0, !p1;
	s13 =	sor.u32 s16, s13  }
0x12: {  	s9 =	ssub.s32 s7, s9;
	p1 =	slt.u32 s23, $0xC;
	[smem:$0x764] =	sst s28  }
0x13: {  	s29 =	sshll.u32 s1, $0xC;
	s10 =	ssub.s32 s7, s10;
	s11 =	ssub.s32 s7, s11  }
0x14: {  	s23 =	sadd.s32 $0x2, s7;
	s1 =	smax.u32 s7, $0x5;
	p0 =	por !p0, !p0  }
0x15: {  	s13 =	sshrl.u32 s13, $0x3;
	s31 =	sshra.s32 s29, $0x2;
	p3 =	sgt.s32 s10, $0x0  }
0x16: {  	s14 =	simm.s32 @!p0 $0x0;
	s15 =	sadd.s32 s6, s13;
	s5 =	sadd.s32 $0x10400, s31  }
0x17: {  	s10 =	simm.s32 @!p3 $0x0;
	s12 =	sadd.s32 $0x10800, s31;
	[smem:$0x75F] =	sst s15  }
0x18: {  	s20 =	sadd.s32 $0x11000, s31;
	p3 =	sgt.s32 s11, $0x0;
	[dreg:$0x1a] =	wrdreg s5  }
0x19: {  	s13 =	smax.u32 s7, $0x7;
	s17 =	ssub.s32 s8, s14;
	[dreg:$0x1b] =	wrdreg s12  }
0x1a: {  	s8 =	ssub.s32 s7, s2;
	[dreg:$0x1d] =	wrdreg s20;
	s10 =	smin.u32 s10, $0x4  }
0x1b: {  	s11 =	simm.s32 @!p3 $0x0;
	s20 =	smin.u32 s13, $0x42;
	s6 =	sshll.u32 s17, $0xD  }
0x1c: {  	p0 =	slt.s32 s8, $0x4;
	s17 =	sadd.s32 $0x10C00, s31;
	s11 =	smin.u32 s11, $0x4  }
0x1d: {  	s10 =	sshll.u32 s10, $0x9;
	s6 =	sor.u32 s22, s6;
	[dreg:$0x1c] =	wrdreg s17  }
0x1e: {  	s10 =	sshrl.u32 s10, $0x2;
	s11 =	sshll.u32 s11, $0x9;
	[smem:$0x7A3] =	sst s6  }
0x1f: {  	s17 =	sadd.s32 $0x3, s7;
	s6 =	smov.u32 s8;
	[dreg:$0x7] =	wrdreg s10  }
0x20: {  	s22 =	sshrl.u32 s11, $0x2;
	s11 =	ssub.s32 s23, s2;
	s8 =	sadd.s32 $0x4, s8  }
0x21: {  	s10 =	ssub.s32 s23, s4;
	s6 =	simm.s32 @!p0 $0x4;
	p0 =	sgt.s32 s9, $0x0  }
0x22: {  	[dreg:$0x8] =	wrdreg s22;
	s22 =	smax.u32 s7, $0x9;
	s9 =	simm.s32 @!p0 $0x0  }
0x23: {  	s6 =	sshll.u32 s6, $0x9;
	s15 =	smin.u32 s9, $0x4;
	s9 =	sadd.s32 $0x10000, s31  }
0x24: {  	p0 =	slt.u32 s30, $0xC;
	s6 =	sshrl.u32 s6, $0x2;
	[dreg:$0x19] =	wrdreg s9  }
0x25: {  	s9 =	sadd.s32 $0x1, s7;
	s21 =	sshll.u32 s15, $0x9;
	[dreg:$0x5] =	wrdreg s6  }
0x26: {  	s6 =	ssub.s32 s7, s3;
	s12 =	ssub.s32 s9, s2;
	s14 =	sshrl.u32 s21, $0x2  }
0x27: {  	s15 =	ssub.s32 s28, s19;
	p3 =	sgt.s32 s12, $0x0;
	[dreg:$0x6] =	wrdreg s14  }
0x28: {  	s14 =	ssub.s32 s24, s4;
	s12 =	simm.s32 @!p3 $0x0;
	p3 =	sgt.s32 s6, $0x0  }
0x29: {  	s12 =	smin.u32 s12, $0x4;
	s6 =	simm.s32 @!p3 $0x0;
	p3 =	sgt.s32 s14, $0x0  }
0x2a: {  	s6 =	smin.u32 s6, $0x4;
	s14 =	simm.s32 @!p3 $0x0;
	s12 =	sshll.u32 s12, $0x9  }
0x2b: {  	p3 =	sgt.s32 s15, $0x0;
	s14 =	smin.u32 s14, $0x4;
	s25 =	sshrl.u32 s12, $0x2  }
0x2c: {  	s15 =	simm.s32 @!p3 $0x0;
	p3 =	sgt.s32 s11, $0x0;
	s6 =	sshll.u32 s6, $0x9  }
0x2d: {  	[dreg:$0x9] =	wrdreg s25;
	s11 =	simm.s32 @!p3 $0x0;
	s26 =	sshll.u32 s14, $0x9  }
0x2e: {  	s6 =	sshrl.u32 s6, $0x2;
	s28 =	smin.u32 s15, $0x4;
	s15 =	smin.u32 s1, $0x40  }
0x2f: {  	s25 =	smax.u32 s7, $0xB;
	[dreg:$0xa] =	wrdreg s6;
	s6 =	ssub.s32 s9, s3  }
0x30: {  	s12 =	sshrl.u32 s26, $0x2;
	s11 =	smin.u32 s11, $0x4;
	s14 =	sshll.u32 s28, $0x9  }
0x31: {  	s26 =	smax.u32 s7, $0xC;
	s1 =	smin.u32 s25, $0x46;
	s28 =	smax.u32 s7, $0xD  }
0x32: {  	p3 =	sgt.s32 s6, $0x0;
	[dreg:$0xb] =	wrdreg s12;
	s12 =	ssub.s32 s7, s4  }
0x33: {  	s14 =	sshrl.u32 s14, $0x2;
	s11 =	sshll.u32 s11, $0x9;
	[smem:$0x779] =	sst s1  }
0x34: {  	s6 =	simm.s32 @!p3 $0x0;
	p3 =	sgt.s32 s12, $0x0;
	[dreg:$0xc] =	wrdreg s14  }
0x35: {  	s14 =	ssub.s32 s24, s19;
	s11 =	sshrl.u32 s11, $0x2;
	s12 =	simm.s32 @!p3 $0x0  }
0x36: {  	s6 =	smin.u32 s6, $0x4;
	p3 =	sgt.s32 s14, $0x0;
	[dreg:$0xd] =	wrdreg s11  }
0x37: {  	s12 =	smin.u32 s12, $0x4;
	s6 =	sshll.u32 s6, $0x9;
	s14 =	simm.s32 @!p3 $0x0  }
0x38: {  	s6 =	sshrl.u32 s6, $0x2;
	s29 =	smin.u32 s14, $0x4;
	s12 =	sshll.u32 s12, $0x9  }
0x39: {  	s14 =	sadd.s32 $0xFFFFFFFC, s0;
	s0 =	ssub.s32 s7, s0;
	[dreg:$0xe] =	wrdreg s6  }
0x3a: {  	s6 =	ssub.s32 s17, s2;
	s11 =	sshll.u32 s29, $0x9;
	s12 =	sshrl.u32 s12, $0x2  }
0x3b: {  	s29 =	smax.u32 s7, $0xE;
	s2 =	sshll.u32 s2, $0xF;
	p3 =	sgt.s32 s6, $0x0  }
0x3c: {  	[dreg:$0xf] =	wrdreg s12;
	s12 =	ssub.s32 s23, s3;
	s11 =	sshrl.u32 s11, $0x2  }
0x3d: {  	s23 =	smax.u32 s7, $0xA;
	s6 =	simm.s32 @!p3 $0x0;
	p3 =	sgt.s32 s12, $0x0  }
0x3e: {  	[dreg:$0x10] =	wrdreg s11;
	s11 =	ssub.s32 s9, s4;
	s9 =	ssub.s32 s9, s19  }
0x3f: {  	s6 =	smin.u32 s6, $0x4;
	s12 =	simm.s32 @!p3 $0x0;
	p3 =	sgt.s32 s11, $0x0  }
0x40: {  	s12 =	smin.u32 s12, $0x4;
	s11 =	simm.s32 @!p3 $0x0;
	s6 =	sshll.u32 s6, $0x9  }
0x41: {  	s11 =	smin.u32 s11, $0x4;
	s12 =	sshll.u32 s12, $0x9;
	s6 =	sshrl.u32 s6, $0x2  }
0x42: {  	s11 =	sshll.u32 s11, $0x9;
	[dreg:$0x11] =	wrdreg s6;
	s30 =	sshrl.u32 s12, $0x2  }
0x43: {  	s12 =	ssub.s32 s7, s19;
	[dreg:$0x12] =	wrdreg s30;
	s31 =	sshrl.u32 s11, $0x2  }
0x44: {  	p3 =	sgt.s32 s12, $0x0;
	s11 =	smax.u32 s7, $0x6;
	s30 =	smin.u32 s28, $0x48  }
0x45: {  	[dreg:$0x13] =	wrdreg s31;
	s12 =	simm.s32 @!p3 $0x0;
	p3 =	sgt.s32 s8, $0x0  }
0x46: {  	s24 =	smin.u32 s11, $0x41;
	[smem:$0x78C] =	sst s30;
	s31 =	smax.u32 s7, $0xF  }
0x47: {  	s11 =	smin.u32 s29, $0x49;
	s5 =	smin.u32 s12, $0x4;
	s8 =	simm.s32 @!p3 $0x0  }
0x48: {  	s12 =	ssub.s32 s17, s3;
	s17 =	smax.u32 s7, $0x8;
	[smem:$0x78F] =	sst s11  }
0x49: {  	s13 =	smin.u32 s31, $0x4A;
	s6 =	sshll.u32 s5, $0x9;
	s8 =	smin.u32 s8, $0x4  }
0x4a: {  	p3 =	sgt.s32 s12, $0x0;
	[smem:$0x790] =	sst s13;
	s5 =	sshll.u32 s3, $0xF  }
0x4b: {  	s6 =	sshrl.u32 s6, $0x2;
	s12 =	simm.s32 @!p3 $0x0;
	s8 =	sshll.u32 s8, $0x9  }
0x4c: {  	p3 =	sgt.s32 s10, $0x0;
	[dreg:$0x14] =	wrdreg s6;
	s12 =	smin.u32 s12, $0x4  }
0x4d: {  	s8 =	sshrl.u32 s8, $0x2;
	s10 =	simm.s32 @!p3 $0x0;
	p3 =	sgt.s32 s9, $0x0  }
0x4e: {  	s12 =	sshll.u32 s12, $0x9;
	[dreg:$0x15] =	wrdreg s8;
	s21 =	smin.u32 s10, $0x4  }
0x4f: {  	s9 =	simm.s32 @!p3 $0x0;
	p3 =	sgt.s32 s0, $0x0;
	s10 =	smin.u32 s26, $0x47  }
0x50: {  	s26 =	sshll.u32 s14, $0xF;
	s6 =	sshrl.u32 s12, $0x2;
	[smem:$0x78A] =	sst s10  }
0x51: {  	s12 =	smin.u32 s17, $0x43;
	s9 =	smin.u32 s9, $0x4;
	[dreg:$0x16] =	wrdreg s6  }
0x52: {  	s0 =	simm.s32 @!p3 $0x0;
	s17 =	smin.u32 s22, $0x44;
	[smem:$0x773] =	sst s12  }
0x53: {  	s6 =	sshll.u32 s21, $0x9;
	s9 =	sshll.u32 s9, $0x9;
	s0 =	smin.u32 s0, $0x4  }
0x54: {  	[smem:$0x774] =	sst s17;
	s21 =	smin.u32 s23, $0x45;
	s23 =	sshll.u32 s19, $0xF  }
0x55: {  	s19 =	sadd.s32 $0xFFFFFFF8, s12;
	s6 =	sshrl.u32 s6, $0x2;
	[smem:$0x776] =	sst s21  }
0x56: {  	s9 =	sshrl.u32 s9, $0x2;
	s0 =	sshll.u32 s0, $0x9;
	[dreg:$0x17] =	wrdreg s6  }
0x57: {  	s12 =	sshll.u32 s19, $0xF;
	[dreg:$0x18] =	wrdreg s9;
	s0 =	sshrl.u32 s0, $0x2  }
0x58: {  	s6 =	sshll.u32 s4, $0xF;
	[dreg:$0x1e] =	wrdreg s0;
	s0 =	sor.u32 s16, s2  }
0x59: {  	s2 =	sor.u32 s16, s5;
	s3 =	sor.u32 s16, s6;
	s5 =	sadd.s32 $0xFFFFFFFB, s15  }
0x5a: {  	s0 =	sshrl.u32 s0, $0x3;
	s8 =	sshrl.u32 s2, $0x3;
	s9 =	sshrl.u32 s3, $0x3  }
0x5b: {  	s2 =	sor.u32 s16, s26;
	s28 =	sshll.u32 s5, $0xF;
	s0 =	sadd.s32 s18, s0  }
0x5c: {  	s22 =	sadd.s32 s8, s18;
	s25 =	sadd.s32 s9, s18;
	s29 =	sshrl.u32 s2, $0x3  }
0x5d: {  	s31 =	sor.u32 s16, s28;
	s8 =	sadd.s32 $0xFFFFFFFA, s24;
	s9 =	sadd.s32 $0xFFFFFFF9, s20  }
0x5e: {  	s2 =	sor.u32 s16, s12;
	s12 =	sadd.s32 $0xFFFFFFF7, s17;
	s17 =	sadd.s32 $0xFFFFFFF6, s21  }
0x5f: {  	s21 =	sadd.s32 $0xFFFFFFF5, s1;
	[smem:$0x7F6] =	sst s0;
	s0 =	sor.u32 s16, s23  }
0x60: {  	s26 =	sadd.s32 s29, s18;
	s3 =	sshrl.u32 s31, $0x3;
	s4 =	sshll.u32 s8, $0xF  }
0x61: {  	s6 =	sshll.u32 s9, $0xF;
	s1 =	sshll.u32 s21, $0xF;
	s0 =	sshrl.u32 s0, $0x3  }
0x62: {  	s29 =	sadd.s32 s3, s18;
	s3 =	sshrl.u32 s2, $0x3;
	s23 =	sadd.s32 s0, s18  }
0x63: {  	s0 =	sor.u32 s16, s4;
	s4 =	sor.u32 s16, s6;
	s6 =	sshll.u32 s17, $0xF  }
0x64: {  	s0 =	sshrl.u32 s0, $0x3;
	s31 =	sshrl.u32 s4, $0x3;
	s4 =	sshll.u32 s12, $0xF  }
0x65: {  	s28 =	sadd.s32 s0, s18;
	s31 =	sadd.s32 s31, s18;
	s0 =	sadd.s32 s3, s18  }
0x66: {  	s3 =	sor.u32 s16, s1;
	[smem:$0x7A9] =	sst s0;
	s0 =	sor.u32 s16, s4  }
0x67: {  	s4 =	sor.u32 s16, s6;
	s6 =	sshrl.u32 s3, $0x3;
	s0 =	sshrl.u32 s0, $0x3  }
0x68: {  	s2 =	sshrl.u32 s4, $0x3;
	s4 =	ssub.s32 s7, s15;
	s15 =	sadd.s32 $0xFFFFFFF4, s10  }
0x69: {  	s10 =	sadd.s32 $0xFFFFFFF1, s13;
	s0 =	sadd.s32 s0, s18;
	p3 =	sgt.s32 s4, $0x0  }
0x6a: {  	[smem:$0x7AB] =	sst s0;
	s0 =	sadd.s32 s2, s18;
	s4 =	simm.s32 @!p3 $0x0  }
0x6b: {  	s2 =	ssub.s32 s7, s24;
	s24 =	sshll.u32 s15, $0xF;
	[smem:$0x7AD] =	sst s0  }
0x6c: {  	s0 =	sadd.s32 s6, s18;
	s4 =	smin.u32 s4, $0x4;
	p3 =	sgt.s32 s2, $0x0  }
0x6d: {  	s6 =	sor.u32 s16, s24;
	s24 =	sadd.s32 $0xFFFFFFF3, s30;
	s30 =	sadd.s32 $0xFFFFFFF2, s11  }
0x6e: {  	s11 =	sshll.u32 s10, $0xF;
	[smem:$0x7AF] =	sst s0;
	s4 =	sshll.u32 s4, $0x9  }
0x6f: {  	s6 =	sshrl.u32 s6, $0x3;
	s1 =	sshll.u32 s24, $0xF;
	s3 =	sshll.u32 s30, $0xF  }
0x70: {  	s13 =	sor.u32 s16, s11;
	s2 =	simm.s32 @!p3 $0x0;
	s0 =	sadd.s32 s6, s18  }
0x71: {  	s6 =	sor.u32 s16, s1;
	s1 =	sor.u32 s16, s3;
	s3 =	sshrl.u32 s13, $0x3  }
0x72: {  	s11 =	smin.u32 s2, $0x4;
	s2 =	ssub.s32 s7, s20;
	s6 =	sshrl.u32 s6, $0x3  }
0x73: {  	[smem:$0x7B1] =	sst s0;
	s1 =	sshrl.u32 s1, $0x3;
	s6 =	sadd.s32 s6, s18  }
0x74: {  	p3 =	sgt.s32 s2, $0x0;
	s1 =	sadd.s32 s1, s18;
	[smem:$0x7B3] =	sst s6  }
0x75: {  	s0 =	sadd.s32 $0xFFFFFFFD, s7;
	s2 =	simm.s32 @!p3 $0x0;
	[smem:$0x7B5] =	sst s1  }
0x76: {  	s6 =	sshrl.u32 s4, $0x2;
	s1 =	sadd.s32 s3, s18;
	s4 =	ssub.s32 s0, s14  }
0x77: {  	s13 =	smin.u32 s2, $0x4;
	s2 =	sadd.s32 $0xFFFFFFFC, s7;
	[smem:$0x7B7] =	sst s1  }
0x78: {  	[dreg:$0x1f] =	wrdreg s6;
	s1 =	sshll.u32 s11, $0x9;
	p3 =	sgt.s32 s4, $0x0  }
0x79: {  	s6 =	ssub.s32 s2, s5;
	s1 =	sshrl.u32 s1, $0x2;
	s4 =	simm.s32 @!p3 $0x0  }
0x7a: {  	p3 =	sgt.s32 s6, $0x0;
	[smem:$0x760] =	sst s1;
	s4 =	smin.u32 s4, $0x4  }
0x7b: {  	s1 =	sshll.u32 s13, $0x9;
	s6 =	simm.s32 @!p3 $0x0;
	s4 =	sshll.u32 s4, $0x9  }
0x7c: {  	s1 =	sshrl.u32 s1, $0x2;
	s18 =	sshrl.u32 s4, $0x2;
	s4 =	sadd.s32 $0xFFFFFFFB, s7  }
0x7d: {  	s20 =	smin.u32 s6, $0x4;
	s6 =	sadd.s32 $0xFFFFFFFA, s7;
	s13 =	ssub.s32 s4, s8  }
0x7e: {  	[smem:$0x761] =	sst s1;
	s1 =	sshll.u32 s20, $0x9;
	p3 =	sgt.s32 s13, $0x0  }
0x7f: {  	[smem:$0x762] =	sst s18;
	s1 =	sshrl.u32 s1, $0x2;
	s13 =	simm.s32 @!p3 $0x0  }
0x80: {  	s18 =	ssub.s32 s6, s9;
	[smem:$0x763] =	sst s1;
	s3 =	smin.u32 s13, $0x4  }
0x81: {  	p3 =	sgt.s32 s18, $0x0;
	s1 =	sshll.u32 s3, $0x9;
	s3 =	sld [smem:$0x764]  }
0x82: {  	s18 =	simm.s32 @!p3 $0x0  }
0x83: {  	s11 =	smin.u32 s18, $0x4  }
0x84: {  	s13 =	sshll.u32 s11, $0x9;
	s18 =	ssub.s32 s3, s14  }
0x85: {  	s1 =	sshrl.u32 s1, $0x2;
	s13 =	sshrl.u32 s13, $0x2;
	p3 =	sgt.s32 s18, $0x0  }
0x86: {  	[smem:$0x766] =	sst s13;
	s13 =	ssub.s32 s0, s5;
	s18 =	simm.s32 @!p3 $0x0  }
0x87: {  	[smem:$0x765] =	sst s1;
	p3 =	sgt.s32 s13, $0x0;
	s18 =	smin.u32 s18, $0x4  }
0x88: {  	s13 =	simm.s32 @!p3 $0x0;
	s1 =	sshll.u32 s18, $0x9;
	s18 =	ssub.s32 s2, s8  }
0x89: {  	s20 =	smin.u32 s13, $0x4;
	p3 =	sgt.s32 s18, $0x0;
	s1 =	sshrl.u32 s1, $0x2  }
0x8a: {  	[smem:$0x767] =	sst s1;
	s18 =	simm.s32 @!p3 $0x0;
	s1 =	sshll.u32 s20, $0x9  }
0x8b: {  	s20 =	sld [smem:$0x76A];
	s11 =	smin.u32 s18, $0x4;
	s18 =	ssub.s32 s4, s9  }
0x8c: {  	s1 =	sshrl.u32 s1, $0x2;
	p3 =	sgt.s32 s18, $0x0;
	s13 =	sshll.u32 s11, $0x9  }
0x8d: {  	[smem:$0x768] =	sst s1;
	s18 =	simm.s32 @!p3 $0x0;
	s13 =	sshrl.u32 s13, $0x2  }
0x8e: {  	[smem:$0x769] =	sst s13;
	s1 =	smin.u32 s18, $0x4;
	s13 =	ssub.s32 s20, s14  }
0x8f: {  	s18 =	ssub.s32 s20, s5;
	s5 =	ssub.s32 s3, s5;
	p3 =	sgt.s32 s13, $0x0  }
0x90: {  	s1 =	sshll.u32 s1, $0x9;
	s13 =	simm.s32 @!p3 $0x0;
	p3 =	sgt.s32 s5, $0x0  }
0x91: {  	s1 =	sshrl.u32 s1, $0x2;
	s13 =	smin.u32 s13, $0x4;
	s5 =	simm.s32 @!p3 $0x0  }
0x92: {  	[smem:$0x76B] =	sst s1;
	s11 =	smin.u32 s5, $0x4;
	s20 =	sshll.u32 s13, $0x9  }
0x93: {  	s13 =	ssub.s32 s3, s8;
	s3 =	ssub.s32 s0, s8;
	s0 =	ssub.s32 s0, s9  }
0x94: {  	s5 =	sshrl.u32 s20, $0x2;
	p3 =	sgt.s32 s3, $0x0;
	s1 =	sshll.u32 s11, $0x9  }
0x95: {  	[smem:$0x76C] =	sst s5;
	s5 =	ssub.s32 s2, s9;
	s1 =	sshrl.u32 s1, $0x2  }
0x96: {  	s3 =	simm.s32 @!p3 $0x0;
	s2 =	ssub.s32 s2, s19;
	[smem:$0x76D] =	sst s1  }
0x97: {  	p3 =	sgt.s32 s5, $0x0;
	s11 =	smin.u32 s3, $0x4;
	s3 =	ssub.s32 s7, s14  }
0x98: {  	s5 =	simm.s32 @!p3 $0x0;
	p3 =	sgt.s32 s3, $0x0;
	s1 =	sshll.u32 s11, $0x9  }
0x99: {  	s11 =	sld [smem:$0x773];
	s5 =	smin.u32 s5, $0x4;
	s3 =	simm.s32 @!p3 $0x0  }
0x9a: {  	s1 =	sshrl.u32 s1, $0x2;
	p3 =	sgt.s32 s18, $0x0;
	s5 =	sshll.u32 s5, $0x9  }
0x9b: {  	[smem:$0x76E] =	sst s1;
	s14 =	smin.u32 s3, $0x4;
	s18 =	simm.s32 @!p3 $0x0  }
0x9c: {  	p3 =	sgt.s32 s13, $0x0;
	s20 =	sshrl.u32 s5, $0x2;
	s1 =	sshll.u32 s14, $0x9  }
0x9d: {  	s5 =	smin.u32 s18, $0x4;
	s13 =	simm.s32 @!p3 $0x0;
	s18 =	sld [smem:$0x776]  }
0x9e: {  	p3 =	sgt.s32 s0, $0x0;
	[smem:$0x76F] =	sst s20;
	s1 =	sshrl.u32 s1, $0x2  }
0x9f: {  	s8 =	smin.u32 s13, $0x4;
	s0 =	simm.s32 @!p3 $0x0;
	s13 =	sld [smem:$0x774]  }
0xa0: {  	[smem:$0x770] =	sst s1;
	s1 =	sshll.u32 s5, $0x9;
	s3 =	sshll.u32 s8, $0x9  }
0xa1: {  	s0 =	smin.u32 s0, $0x4;
	s8 =	sld [smem:$0x779];
	s1 =	sshrl.u32 s1, $0x2  }
0xa2: {  	s9 =	sshrl.u32 s3, $0x2;
	s0 =	sshll.u32 s0, $0x9;
	[smem:$0x771] =	sst s1  }
0xa3: {  	[smem:$0x772] =	sst s9;
	s1 =	ssub.s32 s7, s11;
	s3 =	ssub.s32 s7, s13  }
0xa4: {  	s0 =	sshrl.u32 s0, $0x2;
	s13 =	sadd.s32 $0xFFFFFFF8, s7;
	p3 =	sgt.s32 s1, $0x0  }
0xa5: {  	[smem:$0x775] =	sst s0;
	s1 =	simm.s32 @!p3 $0x0;
	p3 =	sgt.s32 s3, $0x0  }
0xa6: {  	s14 =	smin.u32 s1, $0x4;
	s3 =	simm.s32 @!p3 $0x0;
	s1 =	ssub.s32 s7, s18  }
0xa7: {  	s3 =	smin.u32 s3, $0x4;
	p3 =	sgt.s32 s1, $0x0;
	s0 =	sshll.u32 s14, $0x9  }
0xa8: {  	s1 =	simm.s32 @!p3 $0x0;
	s3 =	sshll.u32 s3, $0x9;
	s0 =	sshrl.u32 s0, $0x2  }
0xa9: {  	[smem:$0x777] =	sst s0;
	s20 =	smin.u32 s1, $0x4;
	s5 =	sshrl.u32 s3, $0x2  }
0xaa: {  	s1 =	ssub.s32 s7, s8;
	s8 =	ssub.s32 s6, s19;
	s0 =	sshll.u32 s20, $0x9  }
0xab: {  	p3 =	sgt.s32 s1, $0x0;
	s9 =	sshrl.u32 s0, $0x2;
	s0 =	sadd.s32 $0xFFFFFFF9, s7  }
0xac: {  	[smem:$0x778] =	sst s5;
	s1 =	simm.s32 @!p3 $0x0;
	s3 =	ssub.s32 s0, s19  }
0xad: {  	s5 =	ssub.s32 s13, s12;
	s1 =	smin.u32 s1, $0x4;
	p3 =	sgt.s32 s3, $0x0  }
0xae: {  	[smem:$0x77A] =	sst s9;
	s1 =	sshll.u32 s1, $0x9;
	s3 =	simm.s32 @!p3 $0x0  }
0xaf: {  	p3 =	sgt.s32 s5, $0x0;
	s1 =	sshrl.u32 s1, $0x2;
	s3 =	smin.u32 s3, $0x4  }
0xb0: {  	[smem:$0x77B] =	sst s1;
	s5 =	simm.s32 @!p3 $0x0;
	s1 =	sadd.s32 $0xFFFFFFF7, s7  }
0xb1: {  	s11 =	sshll.u32 s3, $0x9;
	s14 =	smin.u32 s5, $0x4;
	s5 =	ssub.s32 s1, s17  }
0xb2: {  	s18 =	sshrl.u32 s11, $0x2;
	s3 =	sshll.u32 s14, $0x9;
	p3 =	sgt.s32 s5, $0x0  }
0xb3: {  	s11 =	sadd.s32 $0xFFFFFFF6, s7;
	s3 =	sshrl.u32 s3, $0x2;
	s5 =	simm.s32 @!p3 $0x0  }
0xb4: {  	[smem:$0x77D] =	sst s3;
	s3 =	ssub.s32 s11, s21;
	s5 =	smin.u32 s5, $0x4  }
0xb5: {  	[smem:$0x77C] =	sst s18;
	p3 =	sgt.s32 s3, $0x0;
	s5 =	sshll.u32 s5, $0x9  }
0xb6: {  	s3 =	simm.s32 @!p3 $0x0;
	p3 =	sgt.s32 s8, $0x0;
	s5 =	sshrl.u32 s5, $0x2  }
0xb7: {  	s3 =	smin.u32 s3, $0x4;
	s8 =	simm.s32 @!p3 $0x0;
	[smem:$0x77E] =	sst s5  }
0xb8: {  	s20 =	smin.u32 s8, $0x4;
	s3 =	sshll.u32 s3, $0x9;
	s8 =	ssub.s32 s0, s12  }
0xb9: {  	s5 =	sshll.u32 s20, $0x9;
	s3 =	sshrl.u32 s3, $0x2;
	p3 =	sgt.s32 s8, $0x0  }
0xba: {  	[smem:$0x77F] =	sst s3;
	s5 =	sshrl.u32 s5, $0x2;
	s8 =	simm.s32 @!p3 $0x0  }
0xbb: {  	s3 =	ssub.s32 s13, s17;
	[smem:$0x780] =	sst s5;
	s9 =	smin.u32 s8, $0x4  }
0xbc: {  	p3 =	sgt.s32 s3, $0x0;
	s8 =	ssub.s32 s1, s21;
	s5 =	sshll.u32 s9, $0x9  }
0xbd: {  	s3 =	simm.s32 @!p3 $0x0;
	p3 =	sgt.s32 s8, $0x0;
	s5 =	sshrl.u32 s5, $0x2  }
0xbe: {  	s3 =	smin.u32 s3, $0x4;
	s8 =	simm.s32 @!p3 $0x0;
	[smem:$0x781] =	sst s5  }
0xbf: {  	s14 =	smin.u32 s8, $0x4;
	s3 =	sshll.u32 s3, $0x9;
	s8 =	ssub.s32 s4, s19  }
0xc0: {  	s4 =	ssub.s32 s4, s12;
	s19 =	sld [smem:$0x78A];
	s3 =	sshrl.u32 s3, $0x2  }
0xc1: {  	s5 =	sshll.u32 s14, $0x9;
	p3 =	sgt.s32 s8, $0x0;
	[smem:$0x782] =	sst s3  }
0xc2: {  	s18 =	sshrl.u32 s5, $0x2;
	s8 =	simm.s32 @!p3 $0x0;
	s5 =	ssub.s32 s6, s12  }
0xc3: {  	s6 =	ssub.s32 s6, s17;
	[smem:$0x783] =	sst s18;
	s20 =	smin.u32 s8, $0x4  }
0xc4: {  	p3 =	sgt.s32 s5, $0x0;
	s8 =	ssub.s32 s0, s17;
	s0 =	ssub.s32 s0, s21  }
0xc5: {  	s5 =	simm.s32 @!p3 $0x0;
	p3 =	sgt.s32 s8, $0x0;
	s3 =	sshll.u32 s20, $0x9  }
0xc6: {  	s5 =	smin.u32 s5, $0x4;
	s8 =	simm.s32 @!p3 $0x0;
	s3 =	sshrl.u32 s3, $0x2  }
0xc7: {  	[smem:$0x784] =	sst s3;
	s9 =	smin.u32 s8, $0x4;
	s5 =	sshll.u32 s5, $0x9  }
0xc8: {  	s8 =	ssub.s32 s13, s21;
	s21 =	sld [smem:$0x78C];
	s5 =	sshrl.u32 s5, $0x2  }
0xc9: {  	s3 =	sshll.u32 s9, $0x9;
	p3 =	sgt.s32 s8, $0x0;
	[smem:$0x785] =	sst s5  }
0xca: {  	s3 =	sshrl.u32 s3, $0x2;
	s8 =	simm.s32 @!p3 $0x0;
	p3 =	sgt.s32 s2, $0x0  }
0xcb: {  	[smem:$0x786] =	sst s3;
	s2 =	simm.s32 @!p3 $0x0;
	p3 =	sgt.s32 s4, $0x0  }
0xcc: {  	s12 =	smin.u32 s8, $0x4;
	s2 =	smin.u32 s2, $0x4;
	s4 =	simm.s32 @!p3 $0x0  }
0xcd: {  	s3 =	sshll.u32 s12, $0x9;
	p3 =	sgt.s32 s6, $0x0;
	s12 =	sadd.s32 $0xFFFFFFF5, s7  }
0xce: {  	s4 =	smin.u32 s4, $0x4;
	s2 =	sshll.u32 s2, $0x9;
	s3 =	sshrl.u32 s3, $0x2  }
0xcf: {  	s6 =	simm.s32 @!p3 $0x0;
	p3 =	sgt.s32 s0, $0x0;
	[smem:$0x787] =	sst s3  }
0xd0: {  	s14 =	sshll.u32 s4, $0x9;
	s2 =	sshrl.u32 s2, $0x2;
	s4 =	sld [smem:$0x78F]  }
0xd1: {  	s18 =	smin.u32 s6, $0x4;
	s3 =	ssub.s32 s7, s19;
	s6 =	sld [smem:$0x790]  }
0xd2: {  	s0 =	simm.s32 @!p3 $0x0;
	[smem:$0x788] =	sst s2;
	s17 =	sshrl.u32 s14, $0x2  }
0xd3: {  	s2 =	sshll.u32 s18, $0x9;
	p3 =	sgt.s32 s3, $0x0;
	s0 =	smin.u32 s0, $0x4  }
0xd4: {  	s14 =	sadd.s32 $0xFFFFFFF4, s7;
	[smem:$0x789] =	sst s17;
	s3 =	simm.s32 @!p3 $0x0  }
0xd5: {  	s2 =	sshrl.u32 s2, $0x2;
	s0 =	sshll.u32 s0, $0x9;
	s17 =	sadd.s32 $0xFFFFFFF3, s7  }
0xd6: {  	[smem:$0x78B] =	sst s2;
	s20 =	smin.u32 s3, $0x4;
	s0 =	sshrl.u32 s0, $0x2  }
0xd7: {  	s3 =	ssub.s32 s7, s21;
	s2 =	sshll.u32 s20, $0x9;
	[smem:$0x78D] =	sst s0  }
0xd8: {  	p3 =	sgt.s32 s3, $0x0;
	s0 =	ssub.s32 s7, s4;
	s2 =	sshrl.u32 s2, $0x2  }
0xd9: {  	s3 =	simm.s32 @!p3 $0x0;
	p3 =	sgt.s32 s0, $0x0;
	[smem:$0x78E] =	sst s2  }
0xda: {  	s5 =	smin.u32 s3, $0x4;
	s3 =	ssub.s32 s7, s6;
	s0 =	simm.s32 @!p3 $0x0  }
0xdb: {  	s6 =	ssub.s32 s14, s24;
	s7 =	ssub.s32 s17, s30;
	p3 =	sgt.s32 s3, $0x0  }
0xdc: {  	s2 =	sshll.u32 s5, $0x9;
	s4 =	smov.u32 s3;
	s0 =	smin.u32 s0, $0x4  }
0xdd: {  	s19 =	sshra.s32 s3, $0x1F;
	s5 =	ssub.s32 s1, s15;
	s1 =	ssub.s32 s1, s24  }
0xde: {  	s2 =	sshrl.u32 s2, $0x2;
	s3 =	sor.u32 s19, s3;
	s19 =	sld [smem:$0x7AB]  }
0xdf: {  	s4 =	simm.s32 @!p3 $0x0;
	s0 =	sshll.u32 s0, $0x9;
	[smem:$0x791] =	sst s2  }
0xe0: {  	s8 =	smin.u32 s4, $0x4;
	s9 =	sshrl.u32 s0, $0x2;
	s4 =	ssub.s32 s12, s15  }
0xe1: {  	s3 =	sadd.s32 $0x1, s3;
	s0 =	ssub.s32 s12, s10;
	s2 =	sshll.u32 s8, $0x9  }
0xe2: {  	[smem:$0x792] =	sst s9;
	p3 =	sgt.s32 s4, $0x0;
	s3 =	smin.u32 s3, $0x4  }
0xe3: {  	s9 =	sld [smem:$0x7A3];
	s4 =	simm.s32 @!p3 $0x0;
	p3 =	sgt.s32 s6, $0x0  }
0xe4: {  	s4 =	smin.u32 s4, $0x4;
	s6 =	simm.s32 @!p3 $0x0;
	p3 =	sgt.s32 s7, $0x0  }
0xe5: {  	s2 =	sshrl.u32 s2, $0x2;
	s4 =	sshll.u32 s4, $0x9;
	s7 =	simm.s32 @!p3 $0x0  }
0xe6: {  	s3 =	sshll.u32 s3, $0x9;
	s4 =	sshrl.u32 s4, $0x2;
	s18 =	smin.u32 s7, $0x4  }
0xe7: {  	s6 =	smin.u32 s6, $0x4;
	[smem:$0x794] =	sst s4;
	s4 =	sshll.u32 s18, $0x9  }
0xe8: {  	[smem:$0x793] =	sst s2;
	s6 =	sshll.u32 s6, $0x9;
	s4 =	sshrl.u32 s4, $0x2  }
0xe9: {  	s6 =	sshrl.u32 s6, $0x2;
	[smem:$0x796] =	sst s4;
	s4 =	ssub.s32 s11, s15  }
0xea: {  	[smem:$0x795] =	sst s6;
	s6 =	ssub.s32 s12, s24;
	p3 =	sgt.s32 s4, $0x0  }
0xeb: {  	s3 =	sshrl.u32 s3, $0x2;
	s4 =	simm.s32 @!p3 $0x0;
	p3 =	sgt.s32 s6, $0x0  }
0xec: {  	s2 =	ssub.s32 s14, s10;
	[smem:$0x797] =	sst s3;
	s6 =	simm.s32 @!p3 $0x0  }
0xed: {  	s18 =	sld [smem:$0x7A9];
	s4 =	smin.u32 s4, $0x4;
	s20 =	smin.u32 s6, $0x4  }
0xee: {  	s4 =	sshll.u32 s4, $0x9;
	s6 =	ssub.s32 s14, s30;
	s14 =	rddreg [dreg:$0x2]  }
0xef: {  	s3 =	sshll.u32 s20, $0x9;
	s4 =	sshrl.u32 s4, $0x2;
	s20 =	sld [smem:$0x7AD]  }
0xf0: {  	p3 =	sgt.s32 s6, $0x0;
	[smem:$0x798] =	sst s4;
	s3 =	sshrl.u32 s3, $0x2  }
0xf1: {  	s6 =	simm.s32 @!p3 $0x0;
	[smem:$0x799] =	sst s3;
	s3 =	ssub.s32 s17, s10  }
0xf2: {  	s6 =	smin.u32 s6, $0x4;
	s10 =	rddreg [dreg:$0x3];
	p3 =	sgt.s32 s3, $0x0  }
0xf3: {  	s6 =	sshll.u32 s6, $0x9;
	s3 =	simm.s32 @!p3 $0x0;
	p3 =	sgt.s32 s5, $0x0  }
0xf4: {  	s6 =	sshrl.u32 s6, $0x2;
	s3 =	smin.u32 s3, $0x4;
	s5 =	simm.s32 @!p3 $0x0  }
0xf5: {  	[smem:$0x79A] =	sst s6;
	s6 =	ssub.s32 s12, s30;
	s3 =	sshll.u32 s3, $0x9  }
0xf6: {  	s12 =	sld [smem:$0x7A6];
	s5 =	smin.u32 s5, $0x4;
	s3 =	sshrl.u32 s3, $0x2  }
0xf7: {  	s4 =	ssub.s32 s13, s15;
	s5 =	sshll.u32 s5, $0x9;
	[smem:$0x79B] =	sst s3  }
0xf8: {  	s21 =	sshrl.u32 s5, $0x2;
	s5 =	ssub.s32 s11, s24;
	s3 =	ssub.s32 s11, s30  }
0xf9: {  	s15 =	sadd.s32 s12, s14;
	s24 =	sld [smem:$0x7B1];
	p3 =	sgt.s32 s5, $0x0  }
0xfa: {  	[smem:$0x79C] =	sst s21;
	s5 =	simm.s32 @!p3 $0x0;
	p3 =	sgt.s32 s6, $0x0  }
0xfb: {  	s21 =	sld [smem:$0x7AF];
	s5 =	smin.u32 s5, $0x4;
	s6 =	simm.s32 @!p3 $0x0  }
0xfc: {  	p3 =	sgt.s32 s2, $0x0;
	s5 =	sshll.u32 s5, $0x9;
	s6 =	smin.u32 s6, $0x4  }
0xfd: {  	s2 =	simm.s32 @!p3 $0x0;
	p3 =	sgt.s32 s4, $0x0;
	s5 =	sshrl.u32 s5, $0x2  }
0xfe: {  	s2 =	smin.u32 s2, $0x4;
	s30 =	sshll.u32 s6, $0x9;
	s4 =	simm.s32 @!p3 $0x0  }
0xff: {  	p3 =	sgt.s32 s1, $0x0;
	s6 =	stileid.u32;
	[smem:$0x79D] =	sst s5  }
0x100: {  	s2 =	sshll.u32 s2, $0x9;
	s5 =	sshrl.u32 s30, $0x2;
	s4 =	smin.u32 s4, $0x4  }
0x101: {  	s1 =	simm.s32 @!p3 $0x0;
	p3 =	sgt.s32 s3, $0x0;
	s30 =	sld [smem:$0x7B3]  }
0x102: {  	[smem:$0x79E] =	sst s5;
	s2 =	sshrl.u32 s2, $0x2;
	s1 =	smin.u32 s1, $0x4  }
0x103: {  	s3 =	simm.s32 @!p3 $0x0;
	p3 =	sgt.s32 s0, $0x0;
	[smem:$0x79F] =	sst s2  }
0x104: {  	s2 =	sshll.u32 s4, $0x9;
	s5 =	smin.u32 s3, $0x4;
	s1 =	sshll.u32 s1, $0x9  }
0x105: {  	s3 =	smul.u32 $0x2800, s6;
	s0 =	simm.s32 @!p3 $0x0;
	s2 =	sshrl.u32 s2, $0x2  }
0x106: {  	s1 =	sshrl.u32 s1, $0x2;
	s0 =	smin.u32 s0, $0x4;
	[smem:$0x7A0] =	sst s2  }
0x107: {  	s2 =	sshll.u32 s5, $0x9;
	[smem:$0x7A1] =	sst s1;
	s5 =	sadd.s32 $0x240, s25  }
0x108: {  	s0 =	sshll.u32 s0, $0x9;
	s7 =	sshrl.u32 s2, $0x2;
	[smem:$0x7C6] =	sst s5  }
0x109: {  	s1 =	sadd.s32 $0x7800, s9;
	s0 =	sshrl.u32 s0, $0x2;
	[smem:$0x7A2] =	sst s7  }
0x10a: {  	s1 =	sshrl.u32 s1, $0x3;
	s5 =	sadd.s32 $0x440, s26;
	[smem:$0x7A8] =	sst s0  }
0x10b: {  	s8 =	sor.u32 s16, s3;
	s1 =	sadd.s32 s10, s1;
	[smem:$0x7D6] =	sst s5  }
0x10c: {  	s3 =	sadd.s32 $0xFFFE0000, s8;
	s0 =	sadd.s32 $0x800, s18;
	[smem:$0x7A4] =	sst s1  }
0x10d: {  	s13 =	sshrl.u32 s8, $0x3;
	s3 =	sshrl.u32 s3, $0x3;
	[smem:$0x7AA] =	sst s0  }
0x10e: {  	s11 =	sadd.s32 s10, s3;
	s10 =	sadd.s32 s10, s12;
	s12 =	sld [smem:$0x7B7]  }
0x10f: {  	s18 =	sadd.s32 $0x160, s22;
	s1 =	sadd.s32 s14, s13;
	s14 =	sld [smem:$0x7BA]  }
0x110: {  	s5 =	sadd.s32 $0x6A0, s28;
	[smem:$0x7BF] =	sst s18  }
0x111: {  	[smem:$0x7E9] =	sst s5  }
0x112: {  	[smem:$0x7A5] =	sst s11  }
0x113: {  	s0 =	sadd.s32 $0x900, s19;
	[smem:$0x7A7] =	sst s1  }
0x114: {  	[smem:$0x7AC] =	sst s0  }
0x115: {  	s13 =	sadd.s32 $0x3C00, s15;
	s11 =	sld [smem:$0x7B5]  }
0x116: {  	s15 =	sadd.s32 $0x100, s22;
	[smem:$0x7B9] =	sst s13  }
0x117: {  	s19 =	sadd.s32 $0x180, s22;
	[smem:$0x7BC] =	sst s15  }
0x118: {  	s18 =	sadd.s32 $0x340, s23;
	[smem:$0x7C0] =	sst s19  }
0x119: {  	[smem:$0x7CE] =	sst s18  }
0x11a: {  	s4 =	simm.f32 $6.250000000e-02;
	s0 =	sadd.s32 $0xA00, s20;
	[smem:$0x7F4] =	sst s10  }
0x11b: {  	s16 =	stileid.u32;
	s20 =	sadd.s32 $0x1A0, s22;
	[smem:$0x7AE] =	sst s0  }
0x11c: {  	p3 =	slt.u32 s16, $0xD;
	s13 =	sadd.s32 $0x2A0, s25;
	[smem:$0x7C1] =	sst s20  }
0x11d: {  	s3 =	simm.f32 $6.250000000e-02;
	s15 =	sadd.s32 $0x2E0, s25;
	[smem:$0x7C9] =	sst s13  }
0x11e: {  	s3 =	simm.s32 @!p1 $0x0;
	s19 =	sadd.s32 $0x360, s23;
	[smem:$0x7CB] =	sst s15  }
0x11f: {  	p1 =	slt.u32 s16, $0xC;
	s18 =	sadd.s32 $0x540, s29;
	[smem:$0x7CF] =	sst s19  }
0x120: {  	s4 =	simm.s32 @!p1 $0x0;
	s0 =	sadd.s32 $0xB00, s21;
	[smem:$0x7DE] =	sst s18  }
0x121: {  	p1 =	sne.s32 s16, $0xF;
	s16 =	sadd.s32 $0x120, s22;
	[smem:$0x7B0] =	sst s0  }
0x122: {  	s21 =	sadd.s32 $0x1C0, s22;
	[smem:$0x7BD] =	sst s16  }
0x123: {  	s17 =	stileid.u32;
	s20 =	sadd.s32 $0x380, s23;
	[smem:$0x7C2] =	sst s21  }
0x124: {  	s7 =	simm.f32 $6.250000000e-02;
	s13 =	sadd.s32 $0x4A0, s26;
	[smem:$0x7D0] =	sst s20  }
0x125: {  	s7 =	simm.s32 @!p0 $0x0;
	s15 =	sadd.s32 $0x4E0, s26;
	[smem:$0x7D9] =	sst s13  }
0x126: {  	p0 =	sgt.u32 s17, $0x2;
	s19 =	sadd.s32 $0x560, s29;
	[smem:$0x7DB] =	sst s15  }
0x127: {  	s1 =	simm.f32 $6.250000000e-02;
	s18 =	sadd.s32 $0x7A0, s31;
	[smem:$0x7DF] =	sst s19  }
0x128: {  	s1 =	simm.s32 @!p1 $0x0;
	s0 =	sadd.s32 $0xC00, s24;
	[smem:$0x7F1] =	sst s18  }
0x129: {  	p1 =	sgt.u32 s17, $0x1;
	s17 =	sadd.s32 $0x140, s22;
	[smem:$0x7B2] =	sst s0  }
0x12a: {  	s22 =	sadd.s32 $0x1E0, s22;
	[smem:$0x7BE] =	sst s17  }
0x12b: {  	s24 =	sadd.s32 $0x200, s25;
	[smem:$0x7C3] =	sst s22  }
0x12c: {  	s16 =	sadd.s32 $0x300, s23;
	[smem:$0x7C4] =	sst s24  }
0x12d: {  	s21 =	sadd.s32 $0x3A0, s23;
	[smem:$0x7CC] =	sst s16  }
0x12e: {  	s20 =	sadd.s32 $0x580, s29;
	[smem:$0x7D1] =	sst s21  }
0x12f: {  	s13 =	sadd.s32 $0x700, s31;
	[smem:$0x7E0] =	sst s20  }
0x130: {  	s15 =	sadd.s32 $0x740, s31;
	[smem:$0x7EC] =	sst s13  }
0x131: {  	s19 =	sadd.s32 $0x7C0, s31;
	[smem:$0x7EE] =	sst s15  }
0x132: {  	s0 =	sadd.s32 $0xD00, s30;
	[smem:$0x7F2] =	sst s19  }
0x133: {  	s30 =	sadd.s32 $0x220, s25;
	[smem:$0x7B4] =	sst s0  }
0x134: {  	s17 =	sadd.s32 $0x320, s23;
	[smem:$0x7C5] =	sst s30  }
0x135: {  	s22 =	sadd.s32 $0x3C0, s23;
	[smem:$0x7CD] =	sst s17  }
0x136: {  	s24 =	sadd.s32 $0x3E0, s23;
	[smem:$0x7D2] =	sst s22  }
0x137: {  	s16 =	sadd.s32 $0x500, s29;
	[smem:$0x7D3] =	sst s24  }
0x138: {  	s21 =	sadd.s32 $0x5A0, s29;
	[smem:$0x7DC] =	sst s16  }
0x139: {  	s23 =	sadd.s32 $0x5E0, s29;
	[smem:$0x7E1] =	sst s21  }
0x13a: {  	s20 =	sadd.s32 $0x7E0, s31;
	[smem:$0x7E3] =	sst s23  }
0x13b: {  	[smem:$0x7F3] =	sst s20  }
0x13c: {  	s0 =	sadd.s32 $0xE00, s11;
	s23 =	sld [smem:$0x7F6]  }
0x13d: {  	s11 =	sadd.s32 $0x260, s25;
	[smem:$0x7B6] =	sst s0  }
0x13e: {  	s30 =	sadd.s32 $0x420, s26;
	[smem:$0x7C7] =	sst s11  }
0x13f: {  	s17 =	sadd.s32 $0x520, s29;
	[smem:$0x7D5] =	sst s30  }
0x140: {  	s22 =	sadd.s32 $0x5C0, s29;
	[smem:$0x7DD] =	sst s17  }
0x141: {  	s24 =	sadd.s32 $0x600, s28;
	[smem:$0x7E2] =	sst s22  }
0x142: {  	s29 =	sadd.s32 $0x660, s28;
	[smem:$0x7E4] =	sst s24  }
0x143: {  	s16 =	sadd.s32 $0x760, s31;
	[smem:$0x7E7] =	sst s29  }
0x144: {  	s0 =	sadd.s32 $0xF00, s12;
	[smem:$0x7EF] =	sst s16  }
0x145: {  	s12 =	sadd.s32 $0x280, s25;
	[smem:$0x7B8] =	sst s0  }
0x146: {  	s11 =	sadd.s32 $0x460, s26;
	[smem:$0x7C8] =	sst s12  }
0x147: {  	s30 =	sadd.s32 $0x680, s28;
	[smem:$0x7D7] =	sst s11  }
0x148: {  	s17 =	sadd.s32 $0x780, s31;
	[smem:$0x7E8] =	sst s30  }
0x149: {  	s22 =	sadd.s32 $0xB00, s10;
	[smem:$0x7F0] =	sst s17  }
0x14a: {  	s0 =	smax.u32 s14, $0x1;
	[smem:$0x7F5] =	sst s22  }
0x14b: {  	s14 =	sadd.s32 $0x2C0, s25;
	[smem:$0x7BB] =	sst s0  }
0x14c: {  	s6 =	simm.f32 $6.250000000e-02;
	s25 =	sadd.s32 $0x400, s26;
	[smem:$0x7CA] =	sst s14  }
0x14d: {  	s6 =	simm.s32 @!p2 $0x0;
	s12 =	sadd.s32 $0x480, s26;
	[smem:$0x7D4] =	sst s25  }
0x14e: {  	s9 =	simm.f32 $6.250000000e-02;
	s11 =	sadd.s32 $0x6C0, s28;
	[smem:$0x7D8] =	sst s12  }
0x14f: {  	s2 =	simm.f32 $6.250000000e-02;
	s14 =	sadd.s32 $0x4C0, s26;
	[smem:$0x7EA] =	sst s11  }
0x150: {  	s2 =	simm.s32 @!p3 $0x0;
	s25 =	sadd.s32 $0x620, s28;
	[smem:$0x7DA] =	sst s14  }
0x151: {  	s9 =	simm.s32 @!p0 $0x0;
	s26 =	sadd.s32 $0x640, s28;
	[smem:$0x7E5] =	sst s25  }
0x152: {  	v1 =	vmov s3;
	s3 =	simm.s32 $0x100;
	s12 =	sadd.s32 $0x6E0, s28;
	[smem:$0x7E6] =	sst s26  }
0x153: {  	s18 =	simm.s32 $0x80;
	s24 =	sadd.s32 $0x20, s23;
	[smem:$0x7EB] =	sst s12  }
0x154: {  	s8 =	smov.u32 s1;
	s28 =	sadd.s32 $0x80, s23;
	[smem:$0x7F7] =	sst s24  }
0x155: {  	s1 =	simm.s32 @!p0 $0x0;
	s29 =	sadd.s32 $0xA0, s23;
	[smem:$0x7FA] =	sst s28  }
0x156: {  	s8 =	simm.s32 @!p1 $0x0;
	s30 =	sadd.s32 $0xC0, s23;
	[smem:$0x7FB] =	sst s29  }
.Ltmp0:
0x157: {  	s14 =	sadd.s32 $0x720, s31;
	[smem:$0x7FC] =	sst s30;
	(pc) =	sbr.rel .LBB2_1-.Ltmp0, $4  }
0x158: {  	s21 =	stileid.u32;
	s25 =	sadd.s32 $0x40, s23;
	[smem:$0x7ED] =	sst s14  }
0x159: {  	v8 =	vimm.f32 $0.0e+00;
	v6 =	vmov s1;
	s1 =	simm.s32 $0x0;
	s26 =	sadd.s32 $0x60, s23;
	[smem:$0x7F8] =	sst s25  }
0x15a: {  	v2 =	vmov s6;
	v0 =	vmov s2;
	v4 =	vmov s7;
	p0 =	sgt.u32 s21, $0xB;
	s31 =	sadd.s32 $0xE0, s23;
	[smem:$0x7F9] =	sst s26  }
0x15b: {  	v7 =	vmov s9;
	v3 =	vmov s4;
	p1 =	seq.s32 s21, $0xF;
	p2 =	sne.s32 s21, $0xC;
	v5 =	vmov s8;
	[smem:$0x7FD] =	sst s31  }
.LBB2_12:
0x15c: {  	s0 =	sld [smem:$0x7A7];
	_ =	sdelay $0x1  }
0x15d: {  	s3 =	simm.s32 $0x100;
	s1 =	simm.s32 $0x11400  }
0x15e: {  	[hbm4b:s0+s18] =	stream.strided.scatter [tilespmem:s1], [sflag:$0x3], $0x1400, s3, s18, $0x38;
	[tilespmem:$0x13800] =	vst v63  }
.LBB2_16:
0x15f: {  	s0 =	simm.s32 $0x3  }
0x160: {  	_ =	swait.ge [sflag:s0], $0x1000  }
0x161: {  	[sflag:s0] =	ssyncset.done $0x0  }
0x162: {  	[sflag:s0] =	ssyncadd.s32 $0xFFFFF000  }
0x163: {  	_ =	swait.ge [sflag:s0], $0x1400  }
0x164: {  	[sflag:s0] =	ssyncset.done $0x0  }
0x165: {  	s1 =	sld [smem:$0x75E];
	[sflag:s0] =	ssyncadd.s32 $0xFFFFEC00  }
.LBB2_18:
0x166: {  	s0 =	sld [smem:$0x7BB];
	_ =	sdelay $0x1  }
0x167: {  	s1 =	sadd.s32 $0x1, s1  }
0x168: {  	p3 =	sne.s32 s1, s0  }
.Ltmp1:
0x169: {  	_ = 	snop;
	(pc) =	sbr.rel @!p3 .LBB2_19-.Ltmp1, $1  }
0x16a: {  	_ =	sdelay $0x3  }
.LBB2_1:
0x16b: {  	s7 =	sld [smem:$0x7F6]  }
0x16c: {  	[smem:$0x75E] =	sst s1  }
0x16d: {  	s0 =	simm.s32 $0x0;
	s2 =	simm.s32 $0x8000;
	s8 =	sld [smem:$0x7F7]  }
0x16e: {  	[tilespmem:s0], [sflag:$0x1] =	stream.strided.gather [hbm4b:s7+s18], $0x280, s2, s18, $0x38;
	[tilespmem:$0x13800] =	vst v63  }
0x16f: {  	s9 =	simm.s32 $0x400;
	s10 =	sld [smem:$0x7F8]  }
0x170: {  	[tilespmem:s9], [sflag:$0x1] =	stream.strided.gather [hbm4b:s8+s18], $0x280, s2, s18, $0x38;
	[tilespmem:$0x13800] =	vst v63  }
0x171: {  	s11 =	simm.s32 $0x800;
	s12 =	sld [smem:$0x7F9]  }
0x172: {  	[tilespmem:s11], [sflag:$0x1] =	stream.strided.gather [hbm4b:s10+s18], $0x280, s2, s18, $0x38;
	[tilespmem:$0x13800] =	vst v63  }
0x173: {  	s13 =	simm.s32 $0xC00;
	s14 =	sld [smem:$0x7FA]  }
0x174: {  	[tilespmem:s13], [sflag:$0x1] =	stream.strided.gather [hbm4b:s12+s18], $0x280, s2, s18, $0x38;
	[tilespmem:$0x13800] =	vst v63  }
0x175: {  	s15 =	simm.s32 $0x1000;
	s16 =	sld [smem:$0x7FB]  }
0x176: {  	[tilespmem:s15], [sflag:$0x1] =	stream.strided.gather [hbm4b:s14+s18], $0x280, s2, s18, $0x38;
	[tilespmem:$0x13800] =	vst v63  }
0x177: {  	s17 =	simm.s32 $0x1400;
	s19 =	sld [smem:$0x7FC]  }
0x178: {  	[tilespmem:s17], [sflag:$0x1] =	stream.strided.gather [hbm4b:s16+s18], $0x280, s2, s18, $0x38;
	[tilespmem:$0x13800] =	vst v63  }
0x179: {  	s20 =	simm.s32 $0x1800;
	s21 =	sld [smem:$0x7FD]  }
0x17a: {  	[tilespmem:s20], [sflag:$0x1] =	stream.strided.gather [hbm4b:s19+s18], $0x280, s2, s18, $0x38;
	[tilespmem:$0x13800] =	vst v63  }
0x17b: {  	s22 =	simm.s32 $0x1C00;
	s23 =	sld [smem:$0x7BC]  }
0x17c: {  	[tilespmem:s22], [sflag:$0x1] =	stream.strided.gather [hbm4b:s21+s18], $0x280, s2, s18, $0x38;
	[tilespmem:$0x13800] =	vst v63  }
0x17d: {  	s24 =	simm.s32 $0x2000;
	s25 =	sld [smem:$0x7BD]  }
0x17e: {  	[tilespmem:s24], [sflag:$0x1] =	stream.strided.gather [hbm4b:s23+s18], $0x280, s2, s18, $0x38;
	[tilespmem:$0x13800] =	vst v63  }
0x17f: {  	s26 =	simm.s32 $0x2400;
	s28 =	sld [smem:$0x7BE]  }
0x180: {  	[tilespmem:s26], [sflag:$0x1] =	stream.strided.gather [hbm4b:s25+s18], $0x280, s2, s18, $0x38;
	[tilespmem:$0x13800] =	vst v63  }
0x181: {  	s29 =	simm.s32 $0x2800;
	s30 =	sld [smem:$0x7BF]  }
0x182: {  	[tilespmem:s29], [sflag:$0x1] =	stream.strided.gather [hbm4b:s28+s18], $0x280, s2, s18, $0x38;
	[tilespmem:$0x13800] =	vst v63  }
0x183: {  	s31 =	simm.s32 $0x2C00;
	s4 =	sld [smem:$0x7C0]  }
0x184: {  	[tilespmem:s31], [sflag:$0x1] =	stream.strided.gather [hbm4b:s30+s18], $0x280, s2, s18, $0x38;
	[tilespmem:$0x13800] =	vst v63  }
0x185: {  	s5 =	simm.s32 $0x3000;
	s6 =	sld [smem:$0x7C1]  }
0x186: {  	[tilespmem:s5], [sflag:$0x1] =	stream.strided.gather [hbm4b:s4+s18], $0x280, s2, s18, $0x38;
	[tilespmem:$0x13800] =	vst v63  }
0x187: {  	s7 =	simm.s32 $0x3400;
	s8 =	sld [smem:$0x7C2]  }
0x188: {  	[tilespmem:s7], [sflag:$0x1] =	stream.strided.gather [hbm4b:s6+s18], $0x280, s2, s18, $0x38;
	[tilespmem:$0x13800] =	vst v63  }
0x189: {  	s9 =	simm.s32 $0x3800;
	s10 =	sld [smem:$0x7C3]  }
0x18a: {  	[tilespmem:s9], [sflag:$0x1] =	stream.strided.gather [hbm4b:s8+s18], $0x280, s2, s18, $0x38;
	[tilespmem:$0x13800] =	vst v63  }
0x18b: {  	s11 =	simm.s32 $0x3C00;
	s12 =	sld [smem:$0x7C4]  }
0x18c: {  	[tilespmem:s11], [sflag:$0x1] =	stream.strided.gather [hbm4b:s10+s18], $0x280, s2, s18, $0x38;
	[tilespmem:$0x13800] =	vst v63  }
0x18d: {  	s13 =	simm.s32 $0x4000;
	s14 =	sld [smem:$0x7C5]  }
0x18e: {  	[tilespmem:s13], [sflag:$0x1] =	stream.strided.gather [hbm4b:s12+s18], $0x280, s2, s18, $0x38;
	[tilespmem:$0x13800] =	vst v63  }
0x18f: {  	s15 =	simm.s32 $0x4400;
	s16 =	sld [smem:$0x7C6]  }
0x190: {  	[tilespmem:s15], [sflag:$0x1] =	stream.strided.gather [hbm4b:s14+s18], $0x280, s2, s18, $0x38;
	[tilespmem:$0x13800] =	vst v63  }
0x191: {  	s17 =	simm.s32 $0x4800;
	s19 =	sld [smem:$0x7C7]  }
0x192: {  	[tilespmem:s17], [sflag:$0x1] =	stream.strided.gather [hbm4b:s16+s18], $0x280, s2, s18, $0x38;
	[tilespmem:$0x13800] =	vst v63  }
0x193: {  	s20 =	simm.s32 $0x4C00;
	s21 =	sld [smem:$0x7C8]  }
0x194: {  	[tilespmem:s20], [sflag:$0x1] =	stream.strided.gather [hbm4b:s19+s18], $0x280, s2, s18, $0x38;
	[tilespmem:$0x13800] =	vst v63  }
0x195: {  	s22 =	simm.s32 $0x5000;
	s23 =	sld [smem:$0x7C9]  }
0x196: {  	[tilespmem:s22], [sflag:$0x1] =	stream.strided.gather [hbm4b:s21+s18], $0x280, s2, s18, $0x38;
	[tilespmem:$0x13800] =	vst v63  }
0x197: {  	s24 =	simm.s32 $0x5400;
	s25 =	sld [smem:$0x7CA]  }
0x198: {  	[tilespmem:s24], [sflag:$0x1] =	stream.strided.gather [hbm4b:s23+s18], $0x280, s2, s18, $0x38;
	[tilespmem:$0x13800] =	vst v63  }
0x199: {  	s26 =	simm.s32 $0x5800;
	s28 =	sld [smem:$0x7CB]  }
0x19a: {  	[tilespmem:s26], [sflag:$0x1] =	stream.strided.gather [hbm4b:s25+s18], $0x280, s2, s18, $0x38;
	[tilespmem:$0x13800] =	vst v63  }
0x19b: {  	s29 =	simm.s32 $0x5C00;
	s30 =	sld [smem:$0x7CC]  }
0x19c: {  	[tilespmem:s29], [sflag:$0x1] =	stream.strided.gather [hbm4b:s28+s18], $0x280, s2, s18, $0x38;
	[tilespmem:$0x13800] =	vst v63  }
0x19d: {  	s1 =	sld [smem:$0x7CD];
	s31 =	simm.s32 $0x6000  }
0x19e: {  	[tilespmem:s31], [sflag:$0x1] =	stream.strided.gather [hbm4b:s30+s18], $0x280, s2, s18, $0x38;
	[tilespmem:$0x13800] =	vst v63  }
0x19f: {  	s4 =	simm.s32 $0x6400;
	s5 =	sld [smem:$0x7CE]  }
0x1a0: {  	[tilespmem:s4], [sflag:$0x1] =	stream.strided.gather [hbm4b:s1+s18], $0x280, s2, s18, $0x38;
	[tilespmem:$0x13800] =	vst v63  }
0x1a1: {  	s6 =	simm.s32 $0x6800;
	s7 =	sld [smem:$0x7CF]  }
0x1a2: {  	[tilespmem:s6], [sflag:$0x1] =	stream.strided.gather [hbm4b:s5+s18], $0x280, s2, s18, $0x38;
	[tilespmem:$0x13800] =	vst v63  }
0x1a3: {  	s8 =	simm.s32 $0x6C00;
	s9 =	sld [smem:$0x7D0]  }
0x1a4: {  	[tilespmem:s8], [sflag:$0x1] =	stream.strided.gather [hbm4b:s7+s18], $0x280, s2, s18, $0x38;
	[tilespmem:$0x13800] =	vst v63  }
0x1a5: {  	s10 =	simm.s32 $0x7000;
	s11 =	sld [smem:$0x7D1]  }
0x1a6: {  	[tilespmem:s10], [sflag:$0x1] =	stream.strided.gather [hbm4b:s9+s18], $0x280, s2, s18, $0x38;
	[tilespmem:$0x13800] =	vst v63  }
0x1a7: {  	s12 =	simm.s32 $0x7400;
	s13 =	sld [smem:$0x7D2]  }
0x1a8: {  	[tilespmem:s12], [sflag:$0x1] =	stream.strided.gather [hbm4b:s11+s18], $0x280, s2, s18, $0x38;
	[tilespmem:$0x13800] =	vst v63  }
0x1a9: {  	s14 =	simm.s32 $0x7800;
	s15 =	sld [smem:$0x7D3]  }
0x1aa: {  	[tilespmem:s14], [sflag:$0x1] =	stream.strided.gather [hbm4b:s13+s18], $0x280, s2, s18, $0x38;
	[tilespmem:$0x13800] =	vst v63  }
0x1ab: {  	s16 =	simm.s32 $0x7C00;
	s17 =	sld [smem:$0x7D4]  }
0x1ac: {  	[tilespmem:s16], [sflag:$0x1] =	stream.strided.gather [hbm4b:s15+s18], $0x280, s2, s18, $0x38;
	[tilespmem:$0x13800] =	vst v63  }
0x1ad: {  	s19 =	sld [smem:$0x7D5]  }
0x1ae: {  	[tilespmem:s2], [sflag:$0x2] =	stream.strided.gather [hbm4b:s17+s18], $0x280, s2, s18, $0x38;
	[tilespmem:$0x13800] =	vst v63  }
0x1af: {  	s20 =	simm.s32 $0x8400;
	s21 =	sld [smem:$0x7D6]  }
0x1b0: {  	[tilespmem:s20], [sflag:$0x2] =	stream.strided.gather [hbm4b:s19+s18], $0x280, s2, s18, $0x38;
	[tilespmem:$0x13800] =	vst v63  }
0x1b1: {  	s22 =	simm.s32 $0x8800;
	s23 =	sld [smem:$0x7D7]  }
0x1b2: {  	[tilespmem:s22], [sflag:$0x2] =	stream.strided.gather [hbm4b:s21+s18], $0x280, s2, s18, $0x38;
	[tilespmem:$0x13800] =	vst v63  }
0x1b3: {  	s24 =	simm.s32 $0x8C00;
	s25 =	sld [smem:$0x7D8]  }
0x1b4: {  	[tilespmem:s24], [sflag:$0x2] =	stream.strided.gather [hbm4b:s23+s18], $0x280, s2, s18, $0x38;
	[tilespmem:$0x13800] =	vst v63  }
0x1b5: {  	s26 =	simm.s32 $0x9000;
	s28 =	sld [smem:$0x7D9]  }
0x1b6: {  	[tilespmem:s26], [sflag:$0x2] =	stream.strided.gather [hbm4b:s25+s18], $0x280, s2, s18, $0x38;
	[tilespmem:$0x13800] =	vst v63  }
0x1b7: {  	s29 =	simm.s32 $0x9400;
	s30 =	sld [smem:$0x7DA]  }
0x1b8: {  	[tilespmem:s29], [sflag:$0x2] =	stream.strided.gather [hbm4b:s28+s18], $0x280, s2, s18, $0x38;
	[tilespmem:$0x13800] =	vst v63  }
0x1b9: {  	s31 =	simm.s32 $0x9800;
	s4 =	sld [smem:$0x7DB]  }
0x1ba: {  	[tilespmem:s31], [sflag:$0x2] =	stream.strided.gather [hbm4b:s30+s18], $0x280, s2, s18, $0x38;
	[tilespmem:$0x13800] =	vst v63  }
0x1bb: {  	s5 =	simm.s32 $0x9C00;
	s6 =	sld [smem:$0x7DC]  }
0x1bc: {  	[tilespmem:s5], [sflag:$0x2] =	stream.strided.gather [hbm4b:s4+s18], $0x280, s2, s18, $0x38;
	[tilespmem:$0x13800] =	vst v63  }
0x1bd: {  	s7 =	simm.s32 $0xA000;
	s8 =	sld [smem:$0x7DD]  }
0x1be: {  	[tilespmem:s7], [sflag:$0x2] =	stream.strided.gather [hbm4b:s6+s18], $0x280, s2, s18, $0x38;
	[tilespmem:$0x13800] =	vst v63  }
0x1bf: {  	s9 =	simm.s32 $0xA400;
	s10 =	sld [smem:$0x7DE]  }
0x1c0: {  	[tilespmem:s9], [sflag:$0x2] =	stream.strided.gather [hbm4b:s8+s18], $0x280, s2, s18, $0x38;
	[tilespmem:$0x13800] =	vst v63  }
0x1c1: {  	s11 =	simm.s32 $0xA800;
	s12 =	sld [smem:$0x7DF]  }
0x1c2: {  	[tilespmem:s11], [sflag:$0x2] =	stream.strided.gather [hbm4b:s10+s18], $0x280, s2, s18, $0x38;
	[tilespmem:$0x13800] =	vst v63  }
0x1c3: {  	s13 =	simm.s32 $0xAC00;
	s14 =	sld [smem:$0x7E0]  }
0x1c4: {  	[tilespmem:s13], [sflag:$0x2] =	stream.strided.gather [hbm4b:s12+s18], $0x280, s2, s18, $0x38;
	[tilespmem:$0x13800] =	vst v63  }
0x1c5: {  	s15 =	simm.s32 $0xB000;
	s16 =	sld [smem:$0x7E1]  }
0x1c6: {  	[tilespmem:s15], [sflag:$0x2] =	stream.strided.gather [hbm4b:s14+s18], $0x280, s2, s18, $0x38;
	[tilespmem:$0x13800] =	vst v63  }
0x1c7: {  	s17 =	simm.s32 $0xB400;
	s19 =	sld [smem:$0x7E2]  }
0x1c8: {  	[tilespmem:s17], [sflag:$0x2] =	stream.strided.gather [hbm4b:s16+s18], $0x280, s2, s18, $0x38;
	[tilespmem:$0x13800] =	vst v63  }
0x1c9: {  	s20 =	simm.s32 $0xB800;
	s21 =	sld [smem:$0x7E3]  }
0x1ca: {  	[tilespmem:s20], [sflag:$0x2] =	stream.strided.gather [hbm4b:s19+s18], $0x280, s2, s18, $0x38;
	[tilespmem:$0x13800] =	vst v63  }
0x1cb: {  	s22 =	simm.s32 $0xBC00;
	s23 =	sld [smem:$0x7E4]  }
0x1cc: {  	[tilespmem:s22], [sflag:$0x2] =	stream.strided.gather [hbm4b:s21+s18], $0x280, s2, s18, $0x38;
	[tilespmem:$0x13800] =	vst v63  }
0x1cd: {  	s24 =	simm.s32 $0xC000;
	s25 =	sld [smem:$0x7E5]  }
0x1ce: {  	[tilespmem:s24], [sflag:$0x2] =	stream.strided.gather [hbm4b:s23+s18], $0x280, s2, s18, $0x38;
	[tilespmem:$0x13800] =	vst v63  }
0x1cf: {  	s26 =	simm.s32 $0xC400;
	s28 =	sld [smem:$0x7E6]  }
0x1d0: {  	[tilespmem:s26], [sflag:$0x2] =	stream.strided.gather [hbm4b:s25+s18], $0x280, s2, s18, $0x38;
	[tilespmem:$0x13800] =	vst v63  }
0x1d1: {  	s29 =	simm.s32 $0xC800;
	s30 =	sld [smem:$0x7E7]  }
0x1d2: {  	[tilespmem:s29], [sflag:$0x2] =	stream.strided.gather [hbm4b:s28+s18], $0x280, s2, s18, $0x38;
	[tilespmem:$0x13800] =	vst v63  }
0x1d3: {  	s31 =	simm.s32 $0xCC00;
	s4 =	sld [smem:$0x7E8]  }
0x1d4: {  	[tilespmem:s31], [sflag:$0x2] =	stream.strided.gather [hbm4b:s30+s18], $0x280, s2, s18, $0x38;
	[tilespmem:$0x13800] =	vst v63  }
0x1d5: {  	s5 =	simm.s32 $0xD000;
	s6 =	sld [smem:$0x7E9]  }
0x1d6: {  	[tilespmem:s5], [sflag:$0x2] =	stream.strided.gather [hbm4b:s4+s18], $0x280, s2, s18, $0x38;
	[tilespmem:$0x13800] =	vst v63  }
0x1d7: {  	s7 =	simm.s32 $0xD400;
	s8 =	sld [smem:$0x7EA]  }
0x1d8: {  	[tilespmem:s7], [sflag:$0x2] =	stream.strided.gather [hbm4b:s6+s18], $0x280, s2, s18, $0x38;
	[tilespmem:$0x13800] =	vst v63  }
0x1d9: {  	s9 =	simm.s32 $0xD800;
	s10 =	sld [smem:$0x7EB]  }
0x1da: {  	[tilespmem:s9], [sflag:$0x2] =	stream.strided.gather [hbm4b:s8+s18], $0x280, s2, s18, $0x38;
	[tilespmem:$0x13800] =	vst v63  }
0x1db: {  	s11 =	simm.s32 $0xDC00;
	s12 =	sld [smem:$0x7EC]  }
0x1dc: {  	[tilespmem:s11], [sflag:$0x2] =	stream.strided.gather [hbm4b:s10+s18], $0x280, s2, s18, $0x38;
	[tilespmem:$0x13800] =	vst v63  }
0x1dd: {  	s13 =	simm.s32 $0xE000;
	s14 =	sld [smem:$0x7ED]  }
0x1de: {  	[tilespmem:s13], [sflag:$0x2] =	stream.strided.gather [hbm4b:s12+s18], $0x280, s2, s18, $0x38;
	[tilespmem:$0x13800] =	vst v63  }
0x1df: {  	s15 =	simm.s32 $0xE400;
	s16 =	sld [smem:$0x7EE]  }
0x1e0: {  	[tilespmem:s15], [sflag:$0x2] =	stream.strided.gather [hbm4b:s14+s18], $0x280, s2, s18, $0x38;
	[tilespmem:$0x13800] =	vst v63  }
0x1e1: {  	s17 =	simm.s32 $0xE800;
	s19 =	sld [smem:$0x7EF]  }
0x1e2: {  	[tilespmem:s17], [sflag:$0x2] =	stream.strided.gather [hbm4b:s16+s18], $0x280, s2, s18, $0x38;
	[tilespmem:$0x13800] =	vst v63  }
0x1e3: {  	s20 =	simm.s32 $0xEC00;
	s21 =	sld [smem:$0x7F0]  }
0x1e4: {  	[tilespmem:s20], [sflag:$0x2] =	stream.strided.gather [hbm4b:s19+s18], $0x280, s2, s18, $0x38;
	[tilespmem:$0x13800] =	vst v63  }
0x1e5: {  	s22 =	simm.s32 $0xF000;
	s23 =	sld [smem:$0x7F1]  }
0x1e6: {  	[tilespmem:s22], [sflag:$0x2] =	stream.strided.gather [hbm4b:s21+s18], $0x280, s2, s18, $0x38;
	[tilespmem:$0x13800] =	vst v63  }
0x1e7: {  	s24 =	simm.s32 $0xF400;
	s25 =	sld [smem:$0x7F2]  }
0x1e8: {  	[tilespmem:s24], [sflag:$0x2] =	stream.strided.gather [hbm4b:s23+s18], $0x280, s2, s18, $0x38;
	[tilespmem:$0x13800] =	vst v63  }
0x1e9: {  	s26 =	simm.s32 $0xF800;
	s28 =	sld [smem:$0x7F3]  }
0x1ea: {  	[tilespmem:s26], [sflag:$0x2] =	stream.strided.gather [hbm4b:s25+s18], $0x280, s2, s18, $0x38;
	[tilespmem:$0x13800] =	vst v63  }
0x1eb: {  	s29 =	simm.s32 $0xFC00;
	s30 =	sld [smem:$0x75F]  }
0x1ec: {  	[tilespmem:s29], [sflag:$0x2] =	stream.strided.gather [hbm4b:s28+s18], $0x280, s2, s18, $0x38;
	[tilespmem:$0x13800] =	vst v63  }
0x1ed: {  	s0 =	simm.s32 $0x40;
	s1 =	simm.s32 $0x0;
	s31 =	simm.s32 $0x10000  }
0x1ee: {  	[tilespmem:s31], [sflag:$0x2] =	stream.strided.gather [hbm4b:s30+s18], $0x1400, s3, s18, $0x38;
	[tilespmem:$0x13800] =	vst v63  }
.LBB2_2:
0x1ef: {  	p3 =	sne.s32 s0, $0x3FC0;
	[tilespmem:s1+$0x12800] =	vst v8;
	s1 =	smov.u32 s0;
	s0 =	sadd.s32 $0x40, s0  }
.Ltmp2:
0x1f0: {  	(pc) =	sbr.rel @p3 .LBB2_2-.Ltmp2, $2  }
0x1f1: {  	_ =	sdelay $0x2  }
0x1f2: {  	s1 =	sshra.s32 s1, $0x2  }
0x1f3: {  	[tilespmem:s1+$0x12800] =	vst v8  }
0x1f4: {  	s0 =	sld [smem:$0x7A4];
	_ =	sdelay $0x1  }
0x1f5: {  	s24 =	simm.s32 $0x12800;
	s5 =	simm.s32 $0x1  }
0x1f6: {  	[hbm4b:s0+s18] =	stream.strided.scatter [tilespmem:s24], [sflag:$0x3], $0x1000, s3, s18, $0x38;
	[tilespmem:$0x13800] =	vst v63  }
0x1f7: {  	_ =	swait.ge [sflag:s5], $0x1400  }
0x1f8: {  	[sflag:s5] =	ssyncset.done $0x0  }
0x1f9: {  	[sflag:s5] =	ssyncadd.s32 $0xFFFFEC00  }
0x1fa: {  	_ =	swait.ge [sflag:s5], $0x1400  }
0x1fb: {  	[sflag:s5] =	ssyncset.done $0x0  }
0x1fc: {  	[sflag:s5] =	ssyncadd.s32 $0xFFFFEC00  }
0x1fd: {  	_ =	swait.ge [sflag:s5], $0x1400  }
0x1fe: {  	[sflag:s5] =	ssyncset.done $0x0  }
0x1ff: {  	s2 =	simm.s32 $0x0;
	[sflag:s5] =	ssyncadd.s32 $0xFFFFEC00  }
0x200: {  	s6 =	sand.u32 $0x1C00, s2;
	_ =	swait.ge [sflag:s5], $0x1400  }
0x201: {  	s1 =	sand.u32 $0x70, s2;
	s8 =	sor.u32 $0x2000, s6;
	s25 =	rddreg [dreg:$0x5]  }
0x202: {  	s26 =	rddreg [dreg:$0x6];
	[sflag:s5] =	ssyncset.done $0x0;
	s0 =	sadd.s32 s25, s6  }
0x203: {  	[sflag:s5] =	ssyncadd.s32 $0xFFFFEC00;
	s3 =	sor.u32 s26, s8;
	s0 =	sadd.s32 s1, s0  }
0x204: {  	s17 =	sor.u32 $0x4000, s6;
	s4 =	rddreg [dreg:$0x7];
	s3 =	sadd.s32 s1, s3;
	v9 =	vld [tilespmem:s0+$0x0]  }
0x205: {  	s5 =	sor.u32 s4, s17;
	v10 =	vld [tilespmem:s3+$0x0]  }
0x206: {  	s7 =	rddreg [dreg:$0x8];
	s4 =	sor.u32 $0x6000, s6;
	s9 =	sadd.s32 s1, s5  }
0x207: {  	s10 =	sor.u32 s7, s4;
	v11 =	vld [tilespmem:s9+$0x0]  }
0x208: {  	s11 =	sadd.s32 s1, s10  }
0x209: {  	v12 =	vld [tilespmem:s11+$0x0]  }
0x20a: {  	v9 =	vmul.f32 v9, v0;
	v10 =	vmul.f32 v10, v1;
	_ =	sdelay $0x1  }
0x20b: {  	v9 =	vadd.f32 v10, v9;
	v10 =	vmul.f32 v11, v2;
	_ =	sdelay $0x1  }
0x20c: {  	v9 =	vadd.f32 v10, v9;
	v10 =	vmul.f32 v12, v2;
	_ =	sdelay $0x1  }
0x20d: {  	s12 =	rddreg [dreg:$0x9];
	v9 =	vadd.f32 v10, v9  }
0x20e: {  	s14 =	simm.s32 $0x11400;
	s13 =	rddreg [dreg:$0xa];
	s0 =	sor.u32 s12, s6  }
0x20f: {  	s9 =	rddreg [dreg:$0xb];
	s3 =	sor.u32 s13, s8;
	s0 =	sadd.s32 s1, s0;
	[tilespmem:s14+$0x0] =	vst v9  }
0x210: {  	s15 =	sadd.s32 s1, s3;
	v9 =	vld [tilespmem:s0+$0x0]  }
0x211: {  	s19 =	sor.u32 s9, s17;
	v10 =	vld [tilespmem:s15+$0x0]  }
0x212: {  	s20 =	sadd.s32 s1, s19;
	s16 =	rddreg [dreg:$0xc]  }
0x213: {  	v11 =	vld [tilespmem:s20+$0x0];
	s21 =	sor.u32 s16, s4  }
0x214: {  	s0 =	sadd.s32 s1, s21  }
0x215: {  	v12 =	vld [tilespmem:s0+$0x0]  }
0x216: {  	v9 =	vmul.f32 v9, v0;
	v10 =	vmul.f32 v10, v0  }
0x217: {  	s2 =	sand.u32 $0x3F0, s2;
	s25 =	rddreg [dreg:$0x5];
	s26 =	simm.s32 $0x80  }
0x218: {  	s24 =	sand.u32 $0x1C00, s26;
	s12 =	rddreg [dreg:$0x6];
	s9 =	simm.s32 $0x10;
	v9 =	vadd.f32 v10, v9;
	v10 =	vmul.f32 v11, v1  }
0x219: {  	s13 =	rddreg [dreg:$0x7];
	s3 =	sadd.s32 s25, s24;
	s7 =	sand.u32 $0x70, s9  }
0x21a: {  	s23 =	sor.u32 $0x6000, s24;
	s14 =	sadd.s32 s7, s3;
	s21 =	sor.u32 $0x2000, s24;
	v9 =	vadd.f32 v10, v9;
	v10 =	vmul.f32 v12, v2  }
0x21b: {  	s3 =	sor.u32 $0x4000, s24;
	s10 =	rddreg [dreg:$0xf];
	s12 =	sor.u32 s12, s21  }
0x21c: {  	s11 =	rddreg [dreg:$0xd];
	s13 =	sor.u32 s13, s3;
	s12 =	sadd.s32 s7, s12;
	v11 =	vld [tilespmem:s14+$0x0];
	v9 =	vadd.f32 v10, v9  }
0x21d: {  	s22 =	rddreg [dreg:$0xe];
	s5 =	sadd.s32 s7, s13;
	s11 =	sor.u32 s11, s6;
	v10 =	vld [tilespmem:s12+$0x0]  }
0x21e: {  	s15 =	rddreg [dreg:$0x8];
	s11 =	sadd.s32 s1, s11;
	s0 =	sor.u32 s22, s8;
	v12 =	vld [tilespmem:s5+$0x0];
	[tilespmem:s2+$0x11800] =	vst v9  }
0x21f: {  	s13 =	sor.u32 s15, s23;
	s0 =	sadd.s32 s1, s0;
	v9 =	vld [tilespmem:s11+$0x0]  }
0x220: {  	s10 =	sor.u32 s10, s17;
	s12 =	sadd.s32 s7, s13;
	v13 =	vld [tilespmem:s0+$0x0]  }
0x221: {  	s15 =	sadd.s32 s1, s10;
	v14 =	vld [tilespmem:s12+$0x0];
	s14 =	rddreg [dreg:$0x10]  }
0x222: {  	v11 =	vmul.f32 v11, v0;
	v15 =	vld [tilespmem:s15+$0x0];
	s16 =	sor.u32 s14, s4;
	v10 =	vmul.f32 v10, v1  }
0x223: {  	s0 =	sadd.s32 s1, s16  }
0x224: {  	v10 =	vadd.f32 v10, v11;
	v11 =	vmul.f32 v12, v2;
	v12 =	vld [tilespmem:s0+$0x0]  }
0x225: {  	s19 =	rddreg [dreg:$0x9];
	v9 =	vmul.f32 v9, v0;
	v13 =	vmul.f32 v13, v0  }
0x226: {  	s20 =	rddreg [dreg:$0xa];
	v10 =	vadd.f32 v11, v10;
	v11 =	vmul.f32 v14, v2  }
0x227: {  	s22 =	rddreg [dreg:$0xb];
	v9 =	vadd.f32 v13, v9;
	v13 =	vmul.f32 v15, v0  }
0x228: {  	s25 =	rddreg [dreg:$0x15];
	v10 =	vadd.f32 v11, v10  }
0x229: {  	s29 =	simm.s32 $0x11410;
	s26 =	rddreg [dreg:$0x11];
	s0 =	sor.u32 s19, s24;
	v9 =	vadd.f32 v13, v9;
	v11 =	vmul.f32 v12, v1  }
0x22a: {  	s10 =	sor.u32 s20, s21;
	s5 =	rddreg [dreg:$0x12];
	s0 =	sadd.s32 s7, s0;
	[tilespmem:s29+$0x0] =	vst v10  }
0x22b: {  	s15 =	sadd.s32 s7, s10;
	s11 =	rddreg [dreg:$0x13];
	s16 =	sor.u32 s22, s3;
	v9 =	vadd.f32 v11, v9;
	v10 =	vld [tilespmem:s0+$0x0]  }
0x22c: {  	s20 =	sor.u32 s26, s6;
	s19 =	sadd.s32 s7, s16;
	s14 =	rddreg [dreg:$0xc];
	v11 =	vld [tilespmem:s15+$0x0]  }
0x22d: {  	s26 =	sor.u32 s5, s8;
	s22 =	sadd.s32 s1, s20;
	s13 =	rddreg [dreg:$0xf];
	[tilespmem:s2+$0x11C00] =	vst v9;
	v9 =	vld [tilespmem:s19+$0x0]  }
0x22e: {  	s16 =	sadd.s32 s1, s26;
	s15 =	rddreg [dreg:$0xd];
	s14 =	sor.u32 s14, s23;
	v12 =	vld [tilespmem:s22+$0x0]  }
0x22f: {  	s28 =	simm.s32 $0x20;
	s31 =	rddreg [dreg:$0xe];
	s19 =	sadd.s32 s7, s14;
	v13 =	vld [tilespmem:s16+$0x0]  }
0x230: {  	s20 =	sor.u32 s11, s17;
	s11 =	simm.s32 $0x100;
	s5 =	rddreg [dreg:$0x14];
	v14 =	vld [tilespmem:s19+$0x0]  }
0x231: {  	s0 =	sadd.s32 s1, s20;
	s20 =	sand.u32 $0x3F0, s9;
	s22 =	rddreg [dreg:$0x8];
	v10 =	vmul.f32 v10, v0;
	v11 =	vmul.f32 v11, v0  }
0x232: {  	s9 =	sand.u32 $0x70, s28;
	v15 =	vld [tilespmem:s0+$0x0];
	s19 =	sand.u32 $0x1C00, s11;
	s16 =	rddreg [dreg:$0x6]  }
0x233: {  	s26 =	sor.u32 s5, s4;
	s5 =	rddreg [dreg:$0x5];
	s10 =	sor.u32 $0x6000, s19;
	v10 =	vadd.f32 v11, v10;
	v11 =	vmul.f32 v9, v1  }
0x234: {  	s30 =	sor.u32 $0x2000, s19;
	s12 =	sadd.s32 s1, s26;
	s14 =	sor.u32 s22, s10;
	v16 =	vmul.f32 v12, v0  }
0x235: {  	s22 =	rddreg [dreg:$0x7];
	s0 =	sadd.s32 s5, s19;
	s14 =	sadd.s32 s9, s14;
	v9 =	vld [tilespmem:s12+$0x0];
	v17 =	vmul.f32 v13, v0;
	v14 =	vmul.f32 v14, v2;
	v18 =	vadd.f32 v11, v10  }
0x236: {  	s16 =	sor.u32 s16, s30;
	s26 =	sor.u32 $0x4000, s19;
	s0 =	sadd.s32 s9, s0;
	v12 =	vld [tilespmem:s14+$0x0]  }
0x237: {  	s12 =	simm.s32 $0x30;
	v13 =	vld [tilespmem:s0+$0x0];
	s0 =	sadd.s32 s9, s16;
	s14 =	sor.u32 s22, s26;
	v11 =	vmul.f32 v15, v0;
	v10 =	vadd.f32 v17, v16;
	v14 =	vadd.f32 v14, v18  }
.LBB2_4:
0x238: {  	_ = 	snop  }
0x239: {  	p3 =	sne.s32 s12, $0x3F0;
	s16 =	sadd.s32 s9, s14;
	s15 =	sor.u32 s15, s24  }
0x23a: {  	v15 =	vld [tilespmem:s0+$0x0];
	s14 =	smov.u32 s28;
	s28 =	smov.u32 s12;
	s5 =	sor.u32 s31, s21;
	v10 =	vadd.f32 v11, v10;
	v9 =	vmul.f32 v9, v0  }
0x23b: {  	s13 =	sor.u32 s13, s3;
	s31 =	rddreg [dreg:$0xe];
	v11 =	vld [tilespmem:s16+$0x0];
	[tilespmem:s20+$0x11800] =	vst v14;
	s22 =	sadd.s32 s7, s15  }
0x23c: {  	s6 =	sor.u32 s25, s6;
	s16 =	rddreg [dreg:$0x16];
	v14 =	vld [tilespmem:s22+$0x0];
	s22 =	sadd.s32 s7, s5;
	v9 =	vadd.f32 v9, v10  }
0x23d: {  	s29 =	sadd.s32 $0x10, s29;
	s15 =	rddreg [dreg:$0x10];
	s5 =	sadd.s32 s7, s13;
	v10 =	vld [tilespmem:s22+$0x0]  }
0x23e: {  	s13 =	rddreg [dreg:$0x17];
	s8 =	sor.u32 s16, s8;
	v16 =	vld [tilespmem:s5+$0x0];
	s22 =	sadd.s32 s1, s6;
	[tilespmem:s2+$0x12000] =	vst v9  }
0x23f: {  	s15 =	sor.u32 s15, s23;
	s16 =	rddreg [dreg:$0xb];
	s25 =	sadd.s32 s1, s8;
	v9 =	vmul.f32 v13, v0;
	v13 =	vmul.f32 v15, v1;
	v15 =	vld [tilespmem:s22+$0x0]  }
0x240: {  	s5 =	rddreg [dreg:$0x18];
	s15 =	sadd.s32 s7, s15;
	s17 =	sor.u32 s13, s17;
	v17 =	vld [tilespmem:s25+$0x0]  }
0x241: {  	s8 =	smov.u32 s21;
	s13 =	rddreg [dreg:$0xf];
	s0 =	sadd.s32 s1, s17;
	v11 =	vmul.f32 v11, v2;
	v9 =	vadd.f32 v13, v9;
	v13 =	vld [tilespmem:s15+$0x0]  }
0x242: {  	s17 =	smov.u32 s3;
	s3 =	smov.u32 s26;
	s26 =	rddreg [dreg:$0x12];
	v14 =	vmul.f32 v14, v0;
	v10 =	vmul.f32 v10, v0  }
0x243: {  	s21 =	smov.u32 s30;
	s25 =	rddreg [dreg:$0x15];
	v18 =	vld [tilespmem:s0+$0x0];
	s22 =	sor.u32 s5, s4;
	v9 =	vadd.f32 v11, v9;
	v11 =	vmul.f32 v12, v2  }
0x244: {  	s6 =	smov.u32 s24;
	s5 =	rddreg [dreg:$0x9];
	s0 =	sadd.s32 s1, s22;
	v12 =	vmul.f32 v16, v0;
	v10 =	vadd.f32 v10, v14  }
0x245: {  	s24 =	smov.u32 s19;
	s4 =	smov.u32 s23;
	s15 =	rddreg [dreg:$0xa];
	v14 =	vld [tilespmem:s0+$0x0];
	v9 =	vadd.f32 v11, v9;
	v11 =	vmul.f32 v15, v3  }
0x246: {  	s1 =	smov.u32 s7;
	s7 =	smov.u32 s9;
	s19 =	sor.u32 s5, s24;
	v15 =	vmul.f32 v17, v0;
	v10 =	vadd.f32 v12, v10;
	v12 =	vmul.f32 v13, v1  }
0x247: {  	s23 =	smov.u32 s10;
	s9 =	sadd.s32 s7, s19;
	s10 =	sor.u32 s15, s21;
	[tilespmem:s29+$0x0] =	vst v9  }
0x248: {  	s22 =	rddreg [dreg:$0x11];
	s5 =	sadd.s32 s7, s10;
	s0 =	sor.u32 s16, s3;
	v9 =	vadd.f32 v15, v11;
	v11 =	vmul.f32 v18, v0;
	v13 =	vld [tilespmem:s9+$0x0];
	v10 =	vadd.f32 v12, v10  }
0x249: {  	s19 =	rddreg [dreg:$0x13];
	s16 =	sor.u32 s22, s6;
	s0 =	sadd.s32 s7, s0;
	v12 =	vld [tilespmem:s5+$0x0]  }
0x24a: {  	s26 =	sor.u32 s26, s8;
	s10 =	rddreg [dreg:$0xc];
	s22 =	sadd.s32 s1, s16;
	v9 =	vadd.f32 v11, v9;
	v11 =	vmul.f32 v14, v0;
	v14 =	vld [tilespmem:s0+$0x0];
	[tilespmem:s20+$0x11C00] =	vst v10  }
0x24b: {  	s15 =	rddreg [dreg:$0xd];
	s10 =	sor.u32 s10, s23;
	s9 =	sadd.s32 s1, s26;
	v10 =	vld [tilespmem:s22+$0x0]  }
0x24c: {  	s11 =	sadd.s32 $0x80, s11;
	s10 =	sadd.s32 s7, s10;
	s5 =	rddreg [dreg:$0x14];
	v9 =	vadd.f32 v11, v9;
	v11 =	vld [tilespmem:s9+$0x0]  }
0x24d: {  	s16 =	rddreg [dreg:$0x8];
	s26 =	sor.u32 s5, s4;
	s22 =	sor.u32 s19, s17;
	v15 =	vld [tilespmem:s10+$0x0]  }
0x24e: {  	s5 =	rddreg [dreg:$0x6];
	s19 =	sand.u32 $0x1C00, s11;
	s0 =	sadd.s32 s1, s22;
	[tilespmem:s2+$0x12400] =	vst v9;
	v9 =	vmul.f32 v13, v0;
	v12 =	vmul.f32 v12, v0  }
0x24f: {  	s9 =	sand.u32 $0x70, s12;
	s22 =	rddreg [dreg:$0x5];
	s10 =	sor.u32 $0x6000, s19;
	v13 =	vld [tilespmem:s0+$0x0]  }
.Ltmp3:
0x250: {  	s30 =	sor.u32 $0x2000, s19;
	s2 =	smov.u32 s20;
	v14 =	vmul.f32 v14, v1;
	v12 =	vadd.f32 v12, v9;
	(pc) =	sbr.rel @p3 .LBB2_4-.Ltmp3, $4  }
0x251: {  	s20 =	sand.u32 $0x3F0, s14;
	s16 =	sor.u32 s16, s10;
	s0 =	sadd.s32 s1, s26;
	v10 =	vmul.f32 v10, v0  }
0x252: {  	s14 =	rddreg [dreg:$0x7];
	s22 =	sadd.s32 s22, s19;
	v9 =	vld [tilespmem:s0+$0x0];
	s0 =	sadd.s32 s9, s16;
	v11 =	vmul.f32 v11, v0;
	v15 =	vmul.f32 v15, v2;
	v14 =	vadd.f32 v14, v12  }
0x253: {  	s5 =	sor.u32 s5, s30;
	s26 =	sor.u32 $0x4000, s19;
	s16 =	sadd.s32 s9, s22;
	v12 =	vld [tilespmem:s0+$0x0]  }
0x254: {  	s12 =	sadd.s32 $0x10, s12;
	s14 =	sor.u32 s14, s26;
	s0 =	sadd.s32 s9, s5;
	v10 =	vadd.f32 v11, v10;
	v11 =	vmul.f32 v13, v0;
	v13 =	vld [tilespmem:s16+$0x0];
	v14 =	vadd.f32 v15, v14  }
0x255: {  	v15 =	vld [tilespmem:s0+$0x0]  }
0x256: {  	s16 =	sadd.s32 s9, s14  }
0x257: {  	v16 =	vld [tilespmem:s16+$0x0];
	_ =	sdelay $0x2  }
0x258: {  	v13 =	vmul.f32 v13, v0;
	v15 =	vmul.f32 v15, v1;
	_ =	sdelay $0x1  }
0x259: {  	v13 =	vadd.f32 v15, v13;
	v15 =	vmul.f32 v16, v2;
	_ =	sdelay $0x1  }
0x25a: {  	v12 =	vmul.f32 v12, v2;
	v13 =	vadd.f32 v15, v13;
	_ =	sdelay $0x1  }
0x25b: {  	s22 =	rddreg [dreg:$0x9];
	v12 =	vadd.f32 v12, v13  }
0x25c: {  	s11 =	rddreg [dreg:$0xa];
	s5 =	sadd.s32 $0x10, s29;
	s0 =	sor.u32 s22, s19  }
0x25d: {  	s12 =	rddreg [dreg:$0xb];
	s11 =	sor.u32 s11, s30;
	s0 =	sadd.s32 s9, s0;
	[tilespmem:s5+$0x0] =	vst v12  }
0x25e: {  	s14 =	sadd.s32 s9, s11;
	v12 =	vld [tilespmem:s0+$0x0]  }
0x25f: {  	s12 =	sor.u32 s12, s26;
	v13 =	vld [tilespmem:s14+$0x0]  }
0x260: {  	s22 =	sadd.s32 s9, s12;
	s16 =	rddreg [dreg:$0xc]  }
0x261: {  	v15 =	vld [tilespmem:s22+$0x0];
	s5 =	sor.u32 s16, s10  }
0x262: {  	s0 =	sadd.s32 s9, s5  }
0x263: {  	v16 =	vld [tilespmem:s0+$0x0]  }
0x264: {  	v12 =	vmul.f32 v12, v0;
	v13 =	vmul.f32 v13, v0  }
0x265: {  	s11 =	sor.u32 s15, s24  }
0x266: {  	[tilespmem:s20+$0x11800] =	vst v14;
	s12 =	sor.u32 s31, s21;
	s0 =	sadd.s32 s7, s11;
	v12 =	vadd.f32 v13, v12;
	v13 =	vmul.f32 v15, v1  }
0x267: {  	s15 =	sadd.s32 s7, s12;
	v14 =	vld [tilespmem:s0+$0x0]  }
0x268: {  	s14 =	rddreg [dreg:$0x10];
	s16 =	sor.u32 s13, s3;
	v15 =	vld [tilespmem:s15+$0x0];
	v12 =	vadd.f32 v13, v12;
	v13 =	vmul.f32 v16, v2  }
0x269: {  	s22 =	rddreg [dreg:$0xd];
	s11 =	sadd.s32 s7, s16  }
0x26a: {  	s12 =	sor.u32 s14, s23;
	s5 =	rddreg [dreg:$0xe];
	v16 =	vld [tilespmem:s11+$0x0];
	v12 =	vadd.f32 v13, v12  }
0x26b: {  	s12 =	sadd.s32 s7, s12;
	s0 =	sor.u32 s22, s19;
	s11 =	sand.u32 $0x3F0, s28  }
0x26c: {  	s14 =	rddreg [dreg:$0xf];
	s0 =	sadd.s32 s9, s0;
	s15 =	sor.u32 s5, s30;
	v13 =	vld [tilespmem:s12+$0x0];
	[tilespmem:s11+$0x11800] =	vst v12  }
0x26d: {  	s16 =	sadd.s32 s9, s15;
	v12 =	vmul.f32 v14, v0;
	v14 =	vmul.f32 v15, v0;
	v15 =	vld [tilespmem:s0+$0x0]  }
0x26e: {  	s5 =	sor.u32 s14, s26;
	v17 =	vld [tilespmem:s16+$0x0]  }
0x26f: {  	s14 =	sadd.s32 s9, s5;
	s22 =	rddreg [dreg:$0x10];
	v12 =	vadd.f32 v14, v12;
	v14 =	vmul.f32 v16, v0  }
0x270: {  	v16 =	vld [tilespmem:s14+$0x0];
	s15 =	sor.u32 s22, s10  }
0x271: {  	v13 =	vmul.f32 v13, v1;
	s0 =	sadd.s32 s9, s15;
	v12 =	vadd.f32 v14, v12  }
0x272: {  	s5 =	rddreg [dreg:$0x13];
	v14 =	vld [tilespmem:s0+$0x0]  }
0x273: {  	s12 =	rddreg [dreg:$0x15];
	v12 =	vadd.f32 v13, v12;
	v13 =	vmul.f32 v15, v0;
	v15 =	vmul.f32 v17, v0  }
0x274: {  	s16 =	rddreg [dreg:$0x11]  }
0x275: {  	s22 =	rddreg [dreg:$0x12];
	[tilespmem:s20+$0x11C00] =	vst v12;
	v12 =	vadd.f32 v15, v13;
	v13 =	vmul.f32 v16, v0  }
0x276: {  	s13 =	sor.u32 s16, s24  }
0x277: {  	s16 =	rddreg [dreg:$0x11];
	s14 =	sor.u32 s5, s3;
	s13 =	sadd.s32 s7, s13;
	v12 =	vadd.f32 v13, v12;
	v13 =	vmul.f32 v14, v1  }
0x278: {  	s5 =	sor.u32 s16, s19;
	s16 =	rddreg [dreg:$0x13];
	s0 =	sor.u32 s22, s21  }
0x279: {  	s22 =	rddreg [dreg:$0x12];
	s0 =	sadd.s32 s7, s0;
	v14 =	vld [tilespmem:s13+$0x0];
	v12 =	vadd.f32 v13, v12  }
0x27a: {  	s14 =	sadd.s32 s7, s14;
	s15 =	rddreg [dreg:$0x14];
	v13 =	vld [tilespmem:s0+$0x0]  }
0x27b: {  	v15 =	vld [tilespmem:s14+$0x0];
	s14 =	sadd.s32 s9, s5;
	s5 =	sor.u32 s22, s30;
	s13 =	rddreg [dreg:$0x15];
	[tilespmem:s11+$0x11C00] =	vst v12  }
0x27c: {  	s15 =	sor.u32 s15, s23;
	v12 =	vld [tilespmem:s14+$0x0];
	s14 =	sadd.s32 s9, s5  }
0x27d: {  	s15 =	sadd.s32 s7, s15;
	s5 =	sor.u32 s16, s26;
	v16 =	vld [tilespmem:s14+$0x0]  }
0x27e: {  	v10 =	vadd.f32 v11, v10;
	v9 =	vmul.f32 v9, v0;
	v11 =	vld [tilespmem:s15+$0x0];
	s22 =	rddreg [dreg:$0x14];
	s0 =	sadd.s32 s9, s5  }
0x27f: {  	v14 =	vmul.f32 v14, v0;
	s15 =	sor.u32 s22, s10;
	v13 =	vmul.f32 v13, v0;
	v17 =	vld [tilespmem:s0+$0x0]  }
0x280: {  	v9 =	vadd.f32 v9, v10;
	s0 =	sadd.s32 s9, s15  }
0x281: {  	s16 =	rddreg [dreg:$0x16];
	v10 =	vadd.f32 v13, v14;
	v13 =	vmul.f32 v15, v0;
	v14 =	vld [tilespmem:s0+$0x0]  }
0x282: {  	s22 =	rddreg [dreg:$0x17];
	[tilespmem:s2+$0x12000] =	vst v9;
	v9 =	vmul.f32 v12, v0;
	v12 =	vmul.f32 v16, v0  }
0x283: {  	s8 =	sor.u32 s16, s8;
	v11 =	vmul.f32 v11, v0  }
0x284: {  	s25 =	sor.u32 s25, s6;
	s5 =	rddreg [dreg:$0x18];
	s14 =	sadd.s32 s1, s8;
	v10 =	vadd.f32 v13, v10;
	v9 =	vadd.f32 v12, v9;
	v12 =	vmul.f32 v17, v0  }
0x285: {  	s4 =	sor.u32 s5, s4;
	s0 =	sadd.s32 s1, s25;
	v15 =	vld [tilespmem:s14+$0x0]  }
0x286: {  	s16 =	sor.u32 s22, s17;
	s4 =	sadd.s32 s1, s4;
	v13 =	vld [tilespmem:s0+$0x0];
	v10 =	vadd.f32 v11, v10;
	v11 =	vmul.f32 v14, v0;
	v9 =	vadd.f32 v12, v9  }
0x287: {  	s17 =	rddreg [dreg:$0x16];
	s22 =	sadd.s32 s1, s16;
	s5 =	sor.u32 s12, s24;
	v14 =	vld [tilespmem:s4+$0x0]  }
0x288: {  	s15 =	sor.u32 s17, s21;
	s25 =	rddreg [dreg:$0x17];
	s12 =	sadd.s32 s7, s5;
	v12 =	vld [tilespmem:s22+$0x0];
	[tilespmem:s20+$0x12000] =	vst v10;
	v9 =	vadd.f32 v11, v9  }
0x289: {  	s8 =	rddreg [dreg:$0x16];
	s17 =	sor.u32 s13, s19;
	s16 =	sadd.s32 s7, s15;
	v10 =	vld [tilespmem:s12+$0x0]  }
0x28a: {  	s19 =	rddreg [dreg:$0x17];
	s24 =	sor.u32 s8, s30;
	s22 =	sadd.s32 s9, s17;
	v11 =	vld [tilespmem:s16+$0x0];
	[tilespmem:s11+$0x12000] =	vst v9  }
0x28b: {  	s25 =	sor.u32 s25, s3;
	s4 =	sadd.s32 s9, s24;
	v9 =	vld [tilespmem:s22+$0x0]  }
0x28c: {  	s6 =	sor.u32 s19, s26;
	s3 =	sadd.s32 s7, s25;
	s21 =	rddreg [dreg:$0x18];
	v16 =	vld [tilespmem:s4+$0x0]  }
0x28d: {  	s0 =	sadd.s32 s9, s6;
	v17 =	vld [tilespmem:s3+$0x0];
	s8 =	sor.u32 s21, s23;
	s5 =	rddreg [dreg:$0x18]  }
0x28e: {  	v15 =	vmul.f32 v15, v0;
	v13 =	vmul.f32 v13, v3;
	s3 =	sadd.s32 s7, s8;
	v18 =	vld [tilespmem:s0+$0x0];
	s10 =	sor.u32 s5, s10  }
0x28f: {  	v19 =	vld [tilespmem:s3+$0x0];
	v12 =	vmul.f32 v12, v0;
	s0 =	sadd.s32 s9, s10  }
0x290: {  	v13 =	vadd.f32 v15, v13;
	v10 =	vmul.f32 v10, v3;
	v11 =	vmul.f32 v11, v0;
	v15 =	vld [tilespmem:s0+$0x0]  }
0x291: {  	v9 =	vmul.f32 v9, v3;
	v16 =	vmul.f32 v16, v0  }
0x292: {  	v12 =	vadd.f32 v12, v13;
	v10 =	vadd.f32 v11, v10;
	v11 =	vmul.f32 v17, v0  }
0x293: {  	v13 =	vmul.f32 v14, v0;
	v14 =	vmul.f32 v18, v0;
	v9 =	vadd.f32 v16, v9  }
0x294: {  	v10 =	vadd.f32 v11, v10;
	v11 =	vmul.f32 v19, v0  }
0x295: {  	v12 =	vadd.f32 v13, v12;
	v13 =	vmul.f32 v15, v0;
	v9 =	vadd.f32 v14, v9  }
0x296: {  	v10 =	vadd.f32 v11, v10  }
0x297: {  	[tilespmem:s2+$0x12400] =	vst v12;
	v9 =	vadd.f32 v13, v9  }
0x298: {  	[tilespmem:s20+$0x12400] =	vst v10  }
0x299: {  	[tilespmem:s11+$0x12400] =	vst v9  }
0x29a: {  	s2 =	sld [smem:$0x7AA];
	_ =	sdelay $0x1  }
0x29b: {  	s1 =	simm.s32 $0x0;
	s3 =	simm.s32 $0x8000  }
0x29c: {  	[tilespmem:s1], [sflag:$0x1] =	stream.strided.gather [hbm4b:s2+s18], $0x280, s3, s18, $0x38;
	[tilespmem:$0x13800] =	vst v63  }
0x29d: {  	s12 =	simm.s32 $0x400;
	s11 =	sadd.s32 $0x20, s2  }
0x29e: {  	[tilespmem:s12], [sflag:$0x1] =	stream.strided.gather [hbm4b:s11+s18], $0x280, s3, s18, $0x38;
	[tilespmem:$0x13800] =	vst v63  }
0x29f: {  	s14 =	simm.s32 $0x800;
	s13 =	sadd.s32 $0x40, s2  }
0x2a0: {  	[tilespmem:s14], [sflag:$0x1] =	stream.strided.gather [hbm4b:s13+s18], $0x280, s3, s18, $0x38;
	[tilespmem:$0x13800] =	vst v63  }
0x2a1: {  	s16 =	simm.s32 $0xC00;
	s15 =	sadd.s32 $0x60, s2  }
0x2a2: {  	[tilespmem:s16], [sflag:$0x1] =	stream.strided.gather [hbm4b:s15+s18], $0x280, s3, s18, $0x38;
	[tilespmem:$0x13800] =	vst v63  }
0x2a3: {  	s19 =	simm.s32 $0x1000;
	s17 =	sadd.s32 $0x80, s2  }
0x2a4: {  	[tilespmem:s19], [sflag:$0x1] =	stream.strided.gather [hbm4b:s17+s18], $0x280, s3, s18, $0x38;
	[tilespmem:$0x13800] =	vst v63  }
0x2a5: {  	s21 =	simm.s32 $0x1400;
	s20 =	sadd.s32 $0xA0, s2  }
0x2a6: {  	[tilespmem:s21], [sflag:$0x1] =	stream.strided.gather [hbm4b:s20+s18], $0x280, s3, s18, $0x38;
	[tilespmem:$0x13800] =	vst v63  }
0x2a7: {  	s23 =	simm.s32 $0x1800;
	s22 =	sadd.s32 $0xC0, s2  }
0x2a8: {  	[tilespmem:s23], [sflag:$0x1] =	stream.strided.gather [hbm4b:s22+s18], $0x280, s3, s18, $0x38;
	[tilespmem:$0x13800] =	vst v63  }
0x2a9: {  	s25 =	simm.s32 $0x1C00;
	s26 =	sld [smem:$0x7AC];
	s24 =	sadd.s32 $0xE0, s2  }
0x2aa: {  	[tilespmem:s25], [sflag:$0x1] =	stream.strided.gather [hbm4b:s24+s18], $0x280, s3, s18, $0x38;
	[tilespmem:$0x13800] =	vst v63  }
0x2ab: {  	s5 =	simm.s32 $0x2000  }
0x2ac: {  	[tilespmem:s5], [sflag:$0x1] =	stream.strided.gather [hbm4b:s26+s18], $0x280, s3, s18, $0x38;
	[tilespmem:$0x13800] =	vst v63  }
0x2ad: {  	s7 =	simm.s32 $0x2400;
	s6 =	sadd.s32 $0x20, s26  }
0x2ae: {  	[tilespmem:s7], [sflag:$0x1] =	stream.strided.gather [hbm4b:s6+s18], $0x280, s3, s18, $0x38;
	[tilespmem:$0x13800] =	vst v63  }
0x2af: {  	s9 =	simm.s32 $0x2800;
	s8 =	sadd.s32 $0x40, s26  }
0x2b0: {  	[tilespmem:s9], [sflag:$0x1] =	stream.strided.gather [hbm4b:s8+s18], $0x280, s3, s18, $0x38;
	[tilespmem:$0x13800] =	vst v63  }
0x2b1: {  	s10 =	sadd.s32 $0x60, s26;
	s11 =	simm.s32 $0x2C00  }
0x2b2: {  	[tilespmem:s11], [sflag:$0x1] =	stream.strided.gather [hbm4b:s10+s18], $0x280, s3, s18, $0x38;
	[tilespmem:$0x13800] =	vst v63  }
0x2b3: {  	s12 =	sadd.s32 $0x80, s26;
	s13 =	simm.s32 $0x3000  }
0x2b4: {  	[tilespmem:s13], [sflag:$0x1] =	stream.strided.gather [hbm4b:s12+s18], $0x280, s3, s18, $0x38;
	[tilespmem:$0x13800] =	vst v63  }
0x2b5: {  	s14 =	sadd.s32 $0xA0, s26;
	s15 =	simm.s32 $0x3400  }
0x2b6: {  	[tilespmem:s15], [sflag:$0x1] =	stream.strided.gather [hbm4b:s14+s18], $0x280, s3, s18, $0x38;
	[tilespmem:$0x13800] =	vst v63  }
0x2b7: {  	s16 =	sadd.s32 $0xC0, s26;
	s17 =	simm.s32 $0x3800  }
0x2b8: {  	[tilespmem:s17], [sflag:$0x1] =	stream.strided.gather [hbm4b:s16+s18], $0x280, s3, s18, $0x38;
	[tilespmem:$0x13800] =	vst v63  }
0x2b9: {  	s19 =	sadd.s32 $0xE0, s26;
	s20 =	simm.s32 $0x3C00;
	s21 =	sld [smem:$0x7AE]  }
0x2ba: {  	[tilespmem:s20], [sflag:$0x1] =	stream.strided.gather [hbm4b:s19+s18], $0x280, s3, s18, $0x38;
	[tilespmem:$0x13800] =	vst v63  }
0x2bb: {  	s22 =	simm.s32 $0x4000  }
0x2bc: {  	[tilespmem:s22], [sflag:$0x1] =	stream.strided.gather [hbm4b:s21+s18], $0x280, s3, s18, $0x38;
	[tilespmem:$0x13800] =	vst v63  }
0x2bd: {  	s23 =	sadd.s32 $0x20, s21;
	s24 =	simm.s32 $0x4400  }
0x2be: {  	[tilespmem:s24], [sflag:$0x1] =	stream.strided.gather [hbm4b:s23+s18], $0x280, s3, s18, $0x38;
	[tilespmem:$0x13800] =	vst v63  }
0x2bf: {  	s25 =	sadd.s32 $0x40, s21;
	s26 =	simm.s32 $0x4800  }
0x2c0: {  	[tilespmem:s26], [sflag:$0x1] =	stream.strided.gather [hbm4b:s25+s18], $0x280, s3, s18, $0x38;
	[tilespmem:$0x13800] =	vst v63  }
0x2c1: {  	s4 =	sadd.s32 $0x60, s21;
	s5 =	simm.s32 $0x4C00  }
0x2c2: {  	[tilespmem:s5], [sflag:$0x1] =	stream.strided.gather [hbm4b:s4+s18], $0x280, s3, s18, $0x38;
	[tilespmem:$0x13800] =	vst v63  }
0x2c3: {  	s6 =	sadd.s32 $0x80, s21;
	s7 =	simm.s32 $0x5000  }
0x2c4: {  	[tilespmem:s7], [sflag:$0x1] =	stream.strided.gather [hbm4b:s6+s18], $0x280, s3, s18, $0x38;
	[tilespmem:$0x13800] =	vst v63  }
0x2c5: {  	s8 =	sadd.s32 $0xA0, s21;
	s9 =	simm.s32 $0x5400  }
0x2c6: {  	[tilespmem:s9], [sflag:$0x1] =	stream.strided.gather [hbm4b:s8+s18], $0x280, s3, s18, $0x38;
	[tilespmem:$0x13800] =	vst v63  }
0x2c7: {  	s10 =	sadd.s32 $0xC0, s21;
	s11 =	simm.s32 $0x5800  }
0x2c8: {  	[tilespmem:s11], [sflag:$0x1] =	stream.strided.gather [hbm4b:s10+s18], $0x280, s3, s18, $0x38;
	[tilespmem:$0x13800] =	vst v63  }
0x2c9: {  	s12 =	sadd.s32 $0xE0, s21;
	s13 =	simm.s32 $0x5C00;
	s14 =	sld [smem:$0x7B0]  }
0x2ca: {  	[tilespmem:s13], [sflag:$0x1] =	stream.strided.gather [hbm4b:s12+s18], $0x280, s3, s18, $0x38;
	[tilespmem:$0x13800] =	vst v63  }
0x2cb: {  	s15 =	simm.s32 $0x6000  }
0x2cc: {  	[tilespmem:s15], [sflag:$0x1] =	stream.strided.gather [hbm4b:s14+s18], $0x280, s3, s18, $0x38;
	[tilespmem:$0x13800] =	vst v63  }
0x2cd: {  	s17 =	simm.s32 $0x6400;
	s16 =	sadd.s32 $0x20, s14  }
0x2ce: {  	[tilespmem:s17], [sflag:$0x1] =	stream.strided.gather [hbm4b:s16+s18], $0x280, s3, s18, $0x38;
	[tilespmem:$0x13800] =	vst v63  }
0x2cf: {  	s19 =	sadd.s32 $0x40, s14;
	s20 =	simm.s32 $0x6800  }
0x2d0: {  	[tilespmem:s20], [sflag:$0x1] =	stream.strided.gather [hbm4b:s19+s18], $0x280, s3, s18, $0x38;
	[tilespmem:$0x13800] =	vst v63  }
0x2d1: {  	s21 =	sadd.s32 $0x60, s14;
	s22 =	simm.s32 $0x6C00  }
0x2d2: {  	[tilespmem:s22], [sflag:$0x1] =	stream.strided.gather [hbm4b:s21+s18], $0x280, s3, s18, $0x38;
	[tilespmem:$0x13800] =	vst v63  }
0x2d3: {  	s23 =	sadd.s32 $0x80, s14;
	s24 =	simm.s32 $0x7000  }
0x2d4: {  	[tilespmem:s24], [sflag:$0x1] =	stream.strided.gather [hbm4b:s23+s18], $0x280, s3, s18, $0x38;
	[tilespmem:$0x13800] =	vst v63  }
0x2d5: {  	s25 =	sadd.s32 $0xA0, s14;
	s26 =	simm.s32 $0x7400  }
0x2d6: {  	[tilespmem:s26], [sflag:$0x1] =	stream.strided.gather [hbm4b:s25+s18], $0x280, s3, s18, $0x38;
	[tilespmem:$0x13800] =	vst v63  }
0x2d7: {  	s4 =	sadd.s32 $0xC0, s14;
	s5 =	simm.s32 $0x7800  }
0x2d8: {  	[tilespmem:s5], [sflag:$0x1] =	stream.strided.gather [hbm4b:s4+s18], $0x280, s3, s18, $0x38;
	[tilespmem:$0x13800] =	vst v63  }
0x2d9: {  	s6 =	sadd.s32 $0xE0, s14;
	s7 =	simm.s32 $0x7C00;
	s8 =	simm.s32 $0x2  }
0x2da: {  	[tilespmem:s7], [sflag:$0x1] =	stream.strided.gather [hbm4b:s6+s18], $0x280, s3, s18, $0x38;
	[tilespmem:$0x13800] =	vst v63  }
0x2db: {  	_ =	swait.ge [sflag:s8], $0x1400  }
0x2dc: {  	[sflag:s8] =	ssyncset.done $0x0  }
0x2dd: {  	[sflag:s8] =	ssyncadd.s32 $0xFFFFEC00  }
0x2de: {  	_ =	swait.ge [sflag:s8], $0x1400  }
0x2df: {  	[sflag:s8] =	ssyncset.done $0x0  }
0x2e0: {  	[sflag:s8] =	ssyncadd.s32 $0xFFFFEC00  }
0x2e1: {  	_ =	swait.ge [sflag:s8], $0x1400  }
0x2e2: {  	[sflag:s8] =	ssyncset.done $0x0  }
0x2e3: {  	[sflag:s8] =	ssyncadd.s32 $0xFFFFEC00  }
0x2e4: {  	_ =	swait.ge [sflag:s8], $0x1400  }
0x2e5: {  	[sflag:s8] =	ssyncset.done $0x0  }
0x2e6: {  	s10 =	simm.s32 $0x11400;
	s14 =	sand.u32 $0x1C00, s1;
	[sflag:s8] =	ssyncadd.s32 $0xFFFFEC00  }
0x2e7: {  	s12 =	sand.u32 $0x380, s1;
	s11 =	sor.u32 $0x8000, s14;
	_ =	swait.ge [sflag:s8], $0x1400  }
0x2e8: {  	s6 =	sand.u32 $0x70, s1;
	[sflag:s8] =	ssyncset.done $0x0;
	s9 =	rddreg [dreg:$0x19]  }
0x2e9: {  	s13 =	rddreg [dreg:$0x1e];
	[sflag:s8] =	ssyncadd.s32 $0xFFFFEC00;
	s0 =	sadd.s32 s12, s9  }
0x2ea: {  	s15 =	rddreg [dreg:$0x1f];
	s3 =	sor.u32 s13, s11;
	v9 =	vld [tilespmem:s10+$0x0];
	s0 =	sadd.s32 s6, s0  }
0x2eb: {  	s28 =	sor.u32 $0xA000, s14;
	s16 =	sld [smem:$0x760];
	s17 =	sadd.s32 s6, s3;
	v10 =	vld [tilespmem:s0+$0x0]  }
0x2ec: {  	s1 =	sor.u32 s15, s28;
	v11 =	vld [tilespmem:s17+$0x0]  }
0x2ed: {  	s18 =	sld [smem:$0x761];
	s1 =	sadd.s32 s6, s1;
	s17 =	sor.u32 $0xC000, s14  }
0x2ee: {  	v12 =	vld [tilespmem:s1+$0x0];
	s19 =	sor.u32 s16, s17  }
0x2ef: {  	s23 =	sor.u32 $0xE000, s14;
	s20 =	sadd.s32 s6, s19  }
0x2f0: {  	s0 =	sor.u32 s18, s23;
	v13 =	vld [tilespmem:s20+$0x0]  }
0x2f1: {  	s0 =	sadd.s32 s6, s0;
	v9 =	vadd.f32 v10, v9;
	v10 =	vmul.f32 v11, v2  }
0x2f2: {  	v11 =	vld [tilespmem:s0+$0x0]  }
0x2f3: {  	v9 =	vadd.f32 v10, v9;
	v10 =	vmul.f32 v12, v2;
	_ =	sdelay $0x1  }
0x2f4: {  	v12 =	vmul.f32 v13, v4;
	v9 =	vadd.f32 v10, v9;
	_ =	sdelay $0x1  }
0x2f5: {  	v10 =	vmul.f32 v11, v5;
	v9 =	vadd.f32 v12, v9;
	_ =	sdelay $0x1  }
0x2f6: {  	s22 =	sld [smem:$0x762];
	v9 =	vadd.f32 v10, v9  }
0x2f7: {  	s21 =	rddreg [dreg:$0x1a]  }
0x2f8: {  	s24 =	sld [smem:$0x763];
	s1 =	sor.u32 s6, s12;
	s0 =	sadd.s32 s12, s21;
	[tilespmem:s10+$0x0] =	vst v9  }
0x2f9: {  	s25 =	sor.u32 s22, s11;
	s0 =	sadd.s32 s6, s0;
	v9 =	vld [tilespmem:s1+$0x11800]  }
0x2fa: {  	s2 =	sadd.s32 s6, s25;
	s26 =	sld [smem:$0x765];
	v10 =	vld [tilespmem:s0+$0x0]  }
0x2fb: {  	s5 =	sor.u32 s24, s28;
	v11 =	vld [tilespmem:s2+$0x0]  }
0x2fc: {  	s7 =	sadd.s32 s6, s5;
	s8 =	sld [smem:$0x766]  }
0x2fd: {  	v12 =	vld [tilespmem:s7+$0x0];
	s9 =	sor.u32 s26, s17  }
0x2fe: {  	s0 =	sadd.s32 s6, s9  }
0x2ff: {  	s10 =	sor.u32 s8, s23;
	v13 =	vld [tilespmem:s0+$0x0]  }
0x300: {  	s0 =	sadd.s32 s6, s10;
	v9 =	vadd.f32 v10, v9;
	v10 =	vmul.f32 v11, v2  }
0x301: {  	v11 =	vld [tilespmem:s0+$0x0]  }
0x302: {  	v12 =	vmul.f32 v12, v2;
	v9 =	vadd.f32 v10, v9  }
0x303: {  	s13 =	sld [smem:$0x760]  }
0x304: {  	s15 =	rddreg [dreg:$0x19];
	v9 =	vadd.f32 v12, v9;
	v10 =	vmul.f32 v13, v2  }
0x305: {  	s14 =	simm.s32 $0x10;
	s18 =	rddreg [dreg:$0x1e];
	s16 =	simm.s32 $0x80  }
0x306: {  	s22 =	rddreg [dreg:$0x1f];
	s4 =	sand.u32 $0x70, s14;
	s19 =	sand.u32 $0x1C00, s16;
	v11 =	vmul.f32 v11, v4;
	v9 =	vadd.f32 v10, v9  }
0x307: {  	s29 =	sor.u32 $0x8000, s19;
	s21 =	sld [smem:$0x767];
	s8 =	sand.u32 $0x380, s14  }
0x308: {  	s20 =	rddreg [dreg:$0x1b];
	s9 =	simm.s32 $0x11410;
	s2 =	sadd.s32 s8, s15;
	v12 =	vld [tilespmem:s1+$0x11C00];
	v9 =	vadd.f32 v11, v9  }
0x309: {  	s7 =	sor.u32 $0xA000, s19;
	s2 =	sadd.s32 s4, s2;
	s10 =	sor.u32 s18, s29;
	v10 =	vld [tilespmem:s9+$0x0]  }
0x30a: {  	s25 =	sadd.s32 s12, s20;
	s14 =	sor.u32 s21, s11;
	s24 =	sadd.s32 s4, s10;
	v11 =	vld [tilespmem:s2+$0x0];
	[tilespmem:s1+$0x11800] =	vst v9  }
0x30b: {  	s15 =	sor.u32 s22, s7;
	s2 =	sadd.s32 s6, s25;
	v9 =	vld [tilespmem:s24+$0x0];
	s26 =	sld [smem:$0x768]  }
0x30c: {  	s14 =	sadd.s32 s6, s14;
	v13 =	vld [tilespmem:s2+$0x0];
	s5 =	sld [smem:$0x769];
	s2 =	sor.u32 $0xC000, s19  }
0x30d: {  	s15 =	sadd.s32 s4, s15;
	s0 =	sld [smem:$0x761];
	v14 =	vld [tilespmem:s14+$0x0];
	s3 =	sor.u32 s13, s2  }
0x30e: {  	s21 =	sor.u32 $0xE000, s19;
	v15 =	vld [tilespmem:s15+$0x0];
	s3 =	sadd.s32 s4, s3;
	s10 =	sor.u32 s26, s28  }
0x30f: {  	s15 =	sld [smem:$0x76B];
	s18 =	sor.u32 s5, s17;
	v17 =	vld [tilespmem:s3+$0x0];
	s10 =	sadd.s32 s6, s10  }
0x310: {  	s0 =	sor.u32 s0, s21;
	s19 =	sadd.s32 s6, s18;
	v16 =	vld [tilespmem:s10+$0x0]  }
0x311: {  	s0 =	sadd.s32 s4, s0;
	v10 =	vadd.f32 v11, v10;
	v9 =	vmul.f32 v9, v2;
	v11 =	vld [tilespmem:s19+$0x0]  }
0x312: {  	v18 =	vld [tilespmem:s0+$0x0];
	s20 =	sor.u32 s15, s23;
	v12 =	vadd.f32 v13, v12;
	v13 =	vmul.f32 v14, v2  }
0x313: {  	s25 =	sld [smem:$0x763];
	s22 =	sadd.s32 s6, s20;
	v9 =	vadd.f32 v9, v10;
	v10 =	vmul.f32 v15, v2  }
0x314: {  	s24 =	sld [smem:$0x772];
	v14 =	vld [tilespmem:s22+$0x0];
	v12 =	vadd.f32 v13, v12  }
0x315: {  	s0 =	sld [smem:$0x76F];
	v15 =	vmul.f32 v17, v4;
	v9 =	vadd.f32 v10, v9;
	v13 =	vmul.f32 v16, v2  }
0x316: {  	s14 =	sld [smem:$0x76C];
	v11 =	vmul.f32 v11, v2  }
0x317: {  	s13 =	sld [smem:$0x76E];
	v9 =	vadd.f32 v15, v9;
	v10 =	vadd.f32 v13, v12;
	v12 =	vmul.f32 v18, v5  }
0x318: {  	s16 =	simm.s32 $0x20;
	s5 =	sld [smem:$0x762]  }
0x319: {  	s31 =	sand.u32 $0x70, s16;
	s3 =	sld [smem:$0x771];
	v10 =	vadd.f32 v11, v10;
	v11 =	vmul.f32 v14, v2;
	v9 =	vadd.f32 v12, v9  }
0x31a: {  	s30 =	sor.u32 s4, s8;
	s26 =	rddreg [dreg:$0x1a];
	s14 =	sor.u32 s14, s11  }
0x31b: {  	s18 =	rddreg [dreg:$0x1c];
	s20 =	sadd.s32 s8, s26;
	s15 =	sor.u32 s5, s29;
	v10 =	vadd.f32 v11, v10;
	[tilespmem:s9+$0x0] =	vst v9;
	v9 =	vld [tilespmem:s1+$0x12000]  }
0x31c: {  	s10 =	sor.u32 s25, s7;
	s15 =	sadd.s32 s4, s15;
	v11 =	vld [tilespmem:s30+$0x11800];
	s25 =	sld [smem:$0x765]  }
0x31d: {  	s0 =	sor.u32 s0, s23;
	s22 =	sadd.s32 s4, s20;
	v12 =	vld [tilespmem:s15+$0x0];
	s5 =	sld [smem:$0x766];
	[tilespmem:s1+$0x11C00] =	vst v10  }
0x31e: {  	s19 =	sadd.s32 s12, s18;
	s10 =	sadd.s32 s4, s10;
	v10 =	vld [tilespmem:s22+$0x0];
	s26 =	sld [smem:$0x76D]  }
0x31f: {  	s18 =	sadd.s32 s6, s19;
	s19 =	sld [smem:$0x761];
	s9 =	simm.s32 $0x100;
	v13 =	vld [tilespmem:s10+$0x0]  }
0x320: {  	v14 =	vld [tilespmem:s18+$0x0];
	s22 =	sor.u32 s25, s2;
	s25 =	sadd.s32 s6, s14;
	s14 =	sld [smem:$0x760]  }
0x321: {  	s15 =	sor.u32 s5, s21;
	s22 =	sadd.s32 s4, s22;
	v15 =	vld [tilespmem:s25+$0x0];
	s26 =	sor.u32 s26, s28  }
0x322: {  	s5 =	sor.u32 s13, s17;
	s13 =	sand.u32 $0x1C00, s9;
	v16 =	vld [tilespmem:s22+$0x0];
	s10 =	sadd.s32 s6, s26  }
0x323: {  	s0 =	sadd.s32 s6, s0;
	s15 =	sadd.s32 s4, s15;
	s20 =	sor.u32 $0xE000, s13;
	v10 =	vadd.f32 v10, v11;
	v11 =	vmul.f32 v12, v2;
	v17 =	vld [tilespmem:s10+$0x0]  }
0x324: {  	s25 =	sor.u32 $0xC000, s13;
	v18 =	vld [tilespmem:s15+$0x0];
	s26 =	sor.u32 s19, s20;
	s10 =	sadd.s32 s6, s5  }
0x325: {  	s18 =	rddreg [dreg:$0x19];
	v12 =	vmul.f32 v13, v2;
	s14 =	sor.u32 s14, s25;
	s19 =	sadd.s32 s31, s26;
	v19 =	vld [tilespmem:s10+$0x0];
	v10 =	vadd.f32 v11, v10  }
0x326: {  	s22 =	rddreg [dreg:$0x1f];
	v9 =	vadd.f32 v14, v9;
	s26 =	sand.u32 $0x380, s16;
	s14 =	sadd.s32 s31, s14;
	v11 =	vld [tilespmem:s19+$0x0];
	v13 =	vmul.f32 v15, v1  }
0x327: {  	s10 =	sor.u32 $0xA000, s13;
	s15 =	sadd.s32 s26, s18;
	s19 =	sor.u32 $0x8000, s13;
	v15 =	vld [tilespmem:s0+$0x0];
	v14 =	vmul.f32 v16, v2;
	v10 =	vadd.f32 v12, v10  }
0x328: {  	s0 =	rddreg [dreg:$0x1e];
	s5 =	sor.u32 s22, s10;
	s18 =	sadd.s32 s31, s15;
	v12 =	vld [tilespmem:s14+$0x0];
	v9 =	vadd.f32 v13, v9;
	v13 =	vmul.f32 v17, v2  }
0x329: {  	s22 =	sld [smem:$0x767];
	s14 =	sadd.s32 s31, s5;
	v16 =	vmul.f32 v18, v4;
	s0 =	sor.u32 s0, s19;
	v18 =	vld [tilespmem:s18+$0x0];
	v10 =	vadd.f32 v14, v10  }
0x32a: {  	s5 =	rddreg [dreg:$0x1d];
	s0 =	sadd.s32 s31, s0;
	v14 =	vld [tilespmem:s14+$0x0];
	v9 =	vadd.f32 v13, v9;
	v13 =	vmul.f32 v19, v2  }
0x32b: {  	s16 =	rddreg [dreg:$0x1b];
	v10 =	vadd.f32 v16, v10;
	v19 =	vld [tilespmem:s0+$0x0];
	s0 =	sadd.s32 s12, s5;
	s12 =	simm.s32 $0x11420  }
0x32c: {  	s14 =	sadd.s32 s8, s16;
	v15 =	vmul.f32 v15, v2;
	v17 =	vld [tilespmem:s12+$0x0];
	v16 =	vadd.f32 v13, v9  }
0x32d: {  	s18 =	sld [smem:$0x770];
	s16 =	sor.u32 s22, s29;
	s13 =	sadd.s32 s4, s14;
	v9 =	vld [tilespmem:s1+$0x12400];
	[tilespmem:s30+$0x11800] =	vst v10  }
0x32e: {  	s14 =	sadd.s32 s4, s16;
	v13 =	vld [tilespmem:s13+$0x0];
	s22 =	sld [smem:$0x768];
	v10 =	vadd.f32 v15, v16  }
0x32f: {  	s15 =	sld [smem:$0x76B];
	v16 =	vld [tilespmem:s14+$0x0]  }
0x330: {  	s11 =	sor.u32 s18, s11;
	s0 =	sadd.s32 s6, s0;
	s16 =	sld [smem:$0x769];
	v15 =	vld [tilespmem:s30+$0x11C00];
	[tilespmem:s1+$0x12000] =	vst v10  }
0x331: {  	s13 =	sadd.s32 s6, s11;
	s11 =	simm.s32 $0x30;
	s14 =	sor.u32 s22, s7;
	v10 =	vld [tilespmem:s0+$0x0]  }
.LBB2_6:
0x332: {  	s0 =	sadd.s32 s4, s14;
	v20 =	vld [tilespmem:s13+$0x0];
	s13 =	smov.u32 s8  }
0x333: {  	s5 =	rddreg [dreg:$0x1a];
	s3 =	sor.u32 s3, s28;
	s28 =	smov.u32 s7  }
0x334: {  	v17 =	vadd.f32 v18, v17;
	v18 =	vmul.f32 v19, v2;
	s7 =	smov.u32 s10;
	s14 =	sor.u32 s16, s2;
	s16 =	sld [smem:$0x775]  }
0x335: {  	v19 =	vld [tilespmem:s0+$0x0];
	s18 =	sor.u32 s24, s17;
	s17 =	smov.u32 s2;
	s3 =	sadd.s32 s6, s3  }
0x336: {  	v14 =	vmul.f32 v14, v2;
	s22 =	sor.u32 s15, s21;
	s24 =	sld [smem:$0x772];
	s0 =	sadd.s32 s4, s14;
	v17 =	vadd.f32 v18, v17;
	v21 =	vld [tilespmem:s3+$0x0]  }
0x337: {  	v12 =	vmul.f32 v12, v4;
	s2 =	smov.u32 s25;
	s10 =	sld [smem:$0x76F];
	v18 =	vld [tilespmem:s0+$0x0];
	s3 =	sadd.s32 s6, s18  }
0x338: {  	s25 =	sld [smem:$0x763];
	v13 =	vadd.f32 v13, v15;
	v15 =	vmul.f32 v16, v2;
	s0 =	sadd.s32 s4, s22;
	v16 =	vld [tilespmem:s3+$0x0];
	s8 =	sor.u32 s16, s23;
	v14 =	vadd.f32 v14, v17  }
0x339: {  	v11 =	vmul.f32 v11, v5;
	v9 =	vadd.f32 v10, v9;
	s18 =	sld [smem:$0x762];
	v17 =	vld [tilespmem:s0+$0x0];
	v10 =	vmul.f32 v20, v0;
	s23 =	sadd.s32 s6, s8  }
0x33a: {  	s22 =	rddreg [dreg:$0x1c];
	v13 =	vadd.f32 v15, v13;
	v15 =	vmul.f32 v19, v2;
	v19 =	vld [tilespmem:s23+$0x0];
	v12 =	vadd.f32 v12, v14  }
0x33b: {  	s3 =	sld [smem:$0x771];
	v9 =	vadd.f32 v10, v9;
	v10 =	vmul.f32 v21, v1  }
0x33c: {  	s14 =	smov.u32 s29;
	s29 =	smov.u32 s19;
	s16 =	sld [smem:$0x76E];
	v13 =	vadd.f32 v15, v13;
	v14 =	vmul.f32 v18, v2;
	v11 =	vadd.f32 v11, v12  }
0x33d: {  	s0 =	sor.u32 s25, s7;
	s25 =	sld [smem:$0x76C];
	s6 =	smov.u32 s4;
	v9 =	vadd.f32 v10, v9;
	v10 =	vmul.f32 v16, v2  }
0x33e: {  	s4 =	smov.u32 s31;
	s8 =	smov.u32 s26;
	s23 =	smov.u32 s21;
	v12 =	vadd.f32 v14, v13;
	v13 =	vmul.f32 v17, v2;
	[tilespmem:s12+$0x0] =	vst v11  }
0x33f: {  	s21 =	smov.u32 s20;
	s0 =	sadd.s32 s4, s0;
	s15 =	sor.u32 s4, s8;
	v11 =	vld [tilespmem:s30+$0x12000];
	v9 =	vadd.f32 v10, v9;
	v10 =	vmul.f32 v19, v2  }
0x340: {  	s19 =	sadd.s32 s8, s5;
	s20 =	sor.u32 s18, s29;
	s18 =	sld [smem:$0x765];
	v14 =	vld [tilespmem:s0+$0x0];
	v12 =	vadd.f32 v13, v12  }
0x341: {  	s26 =	sadd.s32 s13, s22;
	s22 =	sld [smem:$0x76D];
	s19 =	sadd.s32 s4, s19;
	v13 =	vld [tilespmem:s15+$0x11800];
	v9 =	vadd.f32 v10, v9  }
0x342: {  	s9 =	sadd.s32 $0x80, s9;
	s5 =	sld [smem:$0x766];
	s20 =	sadd.s32 s4, s20;
	v10 =	vld [tilespmem:s19+$0x0];
	[tilespmem:s30+$0x11C00] =	vst v12  }
0x343: {  	s0 =	sor.u32 s25, s14;
	s25 =	sor.u32 s18, s2;
	v12 =	vld [tilespmem:s20+$0x0];
	s20 =	sadd.s32 s6, s26;
	[tilespmem:s1+$0x12400] =	vst v9  }
0x344: {  	s31 =	sand.u32 $0x70, s11;
	s0 =	sadd.s32 s6, s0;
	s18 =	sadd.s32 s4, s25;
	v9 =	vld [tilespmem:s20+$0x0]  }
0x345: {  	s25 =	sor.u32 s22, s28;
	s22 =	rddreg [dreg:$0x1f];
	s19 =	sor.u32 s5, s21;
	v15 =	vld [tilespmem:s0+$0x0]  }
0x346: {  	s5 =	sor.u32 s16, s17;
	s16 =	rddreg [dreg:$0x19];
	v16 =	vld [tilespmem:s18+$0x0];
	s0 =	sadd.s32 s6, s25  }
0x347: {  	s10 =	sor.u32 s10, s23;
	s19 =	sadd.s32 s4, s19;
	s1 =	sld [smem:$0x761];
	v18 =	vld [tilespmem:s0+$0x0]  }
0x348: {  	s26 =	sld [smem:$0x760];
	s18 =	sand.u32 $0x1C00, s9;
	s0 =	sadd.s32 s6, s5;
	v10 =	vadd.f32 v10, v13;
	v13 =	vld [tilespmem:s19+$0x0];
	v12 =	vmul.f32 v12, v2  }
0x349: {  	s12 =	sadd.s32 $0x10, s12;
	v14 =	vmul.f32 v14, v2;
	s5 =	rddreg [dreg:$0x1e];
	s20 =	sor.u32 $0xE000, s18;
	v19 =	vld [tilespmem:s0+$0x0]  }
0x34a: {  	v17 =	vld [tilespmem:s12+$0x0];
	s25 =	sor.u32 $0xC000, s18;
	s1 =	sor.u32 s1, s20;
	s0 =	sadd.s32 s6, s10;
	v10 =	vadd.f32 v12, v10;
	v9 =	vadd.f32 v9, v11;
	v12 =	vmul.f32 v15, v1  }
0x34b: {  	s10 =	sor.u32 $0xA000, s18;
	s19 =	sor.u32 s26, s25;
	s1 =	sadd.s32 s31, s1;
	v15 =	vmul.f32 v16, v2;
	v16 =	vld [tilespmem:s0+$0x0]  }
0x34c: {  	s26 =	sand.u32 $0x380, s11;
	s0 =	sor.u32 s22, s10;
	s22 =	sadd.s32 s31, s19;
	v11 =	vld [tilespmem:s1+$0x0];
	v18 =	vmul.f32 v18, v2;
	v10 =	vadd.f32 v14, v10;
	v9 =	vadd.f32 v12, v9  }
0x34d: {  	s16 =	sadd.s32 s26, s16;
	s19 =	sor.u32 $0x8000, s18;
	s0 =	sadd.s32 s31, s0;
	v12 =	vld [tilespmem:s22+$0x0];
	v13 =	vmul.f32 v13, v4  }
0x34e: {  	s1 =	sadd.s32 s31, s16;
	s18 =	rddreg [dreg:$0x1b];
	s5 =	sor.u32 s5, s19;
	v14 =	vld [tilespmem:s0+$0x0];
	v10 =	vadd.f32 v15, v10;
	v9 =	vadd.f32 v18, v9;
	v15 =	vmul.f32 v19, v2  }
0x34f: {  	p3 =	sne.s32 s11, $0x3F0;
	s5 =	sadd.s32 s31, s5;
	s22 =	sld [smem:$0x767];
	v18 =	vld [tilespmem:s1+$0x0]  }
0x350: {  	s0 =	sadd.s32 s8, s18;
	s18 =	sld [smem:$0x770];
	s1 =	smov.u32 s30;
	v19 =	vld [tilespmem:s5+$0x0];
	v16 =	vmul.f32 v16, v2;
	v10 =	vadd.f32 v13, v10;
	v13 =	vadd.f32 v15, v9  }
.Ltmp4:
0x351: {  	s5 =	rddreg [dreg:$0x1d];
	s30 =	smov.u32 s15;
	v9 =	vld [tilespmem:s1+$0x12400];
	(pc) =	sbr.rel @p3 .LBB2_6-.Ltmp4, $4  }
0x352: {  	s0 =	sadd.s32 s4, s0;
	s16 =	sor.u32 s22, s29;
	s22 =	sld [smem:$0x768];
	v15 =	vld [tilespmem:s30+$0x11C00];
	[tilespmem:s30+$0x11800] =	vst v10;
	v10 =	vadd.f32 v16, v13  }
0x353: {  	s11 =	sadd.s32 $0x10, s11;
	s5 =	sadd.s32 s13, s5;
	s16 =	sadd.s32 s4, s16;
	v13 =	vld [tilespmem:s0+$0x0]  }
0x354: {  	s15 =	sld [smem:$0x76B];
	s18 =	sor.u32 s18, s14;
	s13 =	sadd.s32 s6, s5;
	v16 =	vld [tilespmem:s16+$0x0];
	[tilespmem:s1+$0x12000] =	vst v10  }
0x355: {  	s14 =	sor.u32 s22, s7;
	s16 =	sld [smem:$0x769];
	v10 =	vld [tilespmem:s13+$0x0];
	s13 =	sadd.s32 s6, s18  }
0x356: {  	v17 =	vadd.f32 v18, v17;
	v54 =	vmul.f32 v19, v2;
	_ =	sdelay $0x1  }
0x357: {  	v14 =	vmul.f32 v14, v2;
	v17 =	vadd.f32 v54, v17;
	_ =	sdelay $0x1  }
0x358: {  	v12 =	vmul.f32 v12, v4;
	v14 =	vadd.f32 v14, v17;
	_ =	sdelay $0x1  }
0x359: {  	v11 =	vmul.f32 v11, v5;
	v12 =	vadd.f32 v12, v14  }
0x35a: {  	s5 =	sld [smem:$0x762]  }
0x35b: {  	s0 =	rddreg [dreg:$0x1a];
	v11 =	vadd.f32 v11, v12  }
0x35c: {  	s0 =	sadd.s32 s26, s0  }
0x35d: {  	s11 =	sld [smem:$0x763];
	s0 =	sadd.s32 s31, s0;
	s5 =	sor.u32 s5, s19;
	[tilespmem:s12+$0x0] =	vst v11  }
0x35e: {  	s9 =	sadd.s32 s31, s5;
	v11 =	vld [tilespmem:s0+$0x0]  }
0x35f: {  	v12 =	vld [tilespmem:s9+$0x0];
	s9 =	sor.u32 s31, s26;
	s12 =	sld [smem:$0x765]  }
0x360: {  	s18 =	sor.u32 s11, s10;
	v14 =	vld [tilespmem:s9+$0x11800]  }
0x361: {  	s5 =	sadd.s32 s31, s18;
	s22 =	sld [smem:$0x766]  }
0x362: {  	v17 =	vld [tilespmem:s5+$0x0];
	s0 =	sor.u32 s12, s25  }
0x363: {  	s0 =	sadd.s32 s31, s0  }
0x364: {  	s5 =	sor.u32 s22, s20;
	v55 =	vld [tilespmem:s0+$0x0]  }
0x365: {  	s0 =	sadd.s32 s31, s5;
	v12 =	vmul.f32 v12, v2;
	v11 =	vadd.f32 v11, v14  }
0x366: {  	v14 =	vld [tilespmem:s0+$0x0]  }
0x367: {  	v17 =	vmul.f32 v17, v2;
	v11 =	vadd.f32 v12, v11;
	_ =	sdelay $0x1  }
0x368: {  	v12 =	vmul.f32 v55, v2;
	v11 =	vadd.f32 v17, v11;
	_ =	sdelay $0x1  }
0x369: {  	s12 =	sor.u32 s16, s2;
	v14 =	vmul.f32 v14, v4;
	v11 =	vadd.f32 v12, v11  }
0x36a: {  	s11 =	sadd.s32 s4, s14;
	s0 =	sadd.s32 s4, s12;
	s12 =	sld [smem:$0x767]  }
0x36b: {  	s18 =	sor.u32 s15, s21;
	v12 =	vld [tilespmem:s11+$0x0];
	v11 =	vadd.f32 v14, v11  }
0x36c: {  	s14 =	rddreg [dreg:$0x1b];
	s22 =	sadd.s32 s4, s18  }
0x36d: {  	s11 =	sadd.s32 s26, s14;
	s14 =	sor.u32 s12, s19;
	s12 =	sld [smem:$0x771];
	v14 =	vld [tilespmem:s0+$0x0];
	[tilespmem:s9+$0x11800] =	vst v11  }
0x36e: {  	v11 =	vadd.f32 v13, v15;
	v13 =	vmul.f32 v16, v2;
	v15 =	vld [tilespmem:s22+$0x0];
	s5 =	sld [smem:$0x768]  }
0x36f: {  	s15 =	sadd.s32 s31, s14;
	s0 =	sadd.s32 s31, s11;
	s11 =	sld [smem:$0x772];
	v16 =	vld [tilespmem:s9+$0x11C00]  }
0x370: {  	v12 =	vmul.f32 v12, v2;
	s18 =	sld [smem:$0x769];
	v17 =	vld [tilespmem:s15+$0x0];
	v11 =	vadd.f32 v13, v11  }
0x371: {  	s16 =	smov.u32 s9;
	s22 =	sld [smem:$0x76B];
	v13 =	vld [tilespmem:s0+$0x0];
	s9 =	sor.u32 s5, s10  }
0x372: {  	[smem:$0x75C] =	sst s11;
	v11 =	vadd.f32 v12, v11;
	v12 =	vmul.f32 v14, v2;
	s0 =	sadd.s32 s31, s9  }
0x373: {  	s18 =	sor.u32 s18, s25;
	v14 =	vld [tilespmem:s0+$0x0]  }
0x374: {  	[smem:$0x75B] =	sst s12;
	v11 =	vadd.f32 v12, v11;
	v12 =	vmul.f32 v15, v2;
	s0 =	sadd.s32 s31, s18  }
0x375: {  	s14 =	sld [smem:$0x76F];
	s22 =	sor.u32 s22, s20;
	v15 =	vld [tilespmem:s0+$0x0]  }
0x376: {  	s5 =	sadd.s32 s31, s22;
	s9 =	rddreg [dreg:$0x1c];
	v11 =	vadd.f32 v12, v11;
	v12 =	vadd.f32 v13, v16;
	v13 =	vmul.f32 v17, v2  }
0x377: {  	s12 =	sld [smem:$0x76E];
	v56 =	vld [tilespmem:s5+$0x0]  }
0x378: {  	s18 =	sld [smem:$0x76C];
	[tilespmem:s30+$0x11C00] =	vst v11;
	v11 =	vadd.f32 v13, v12;
	v12 =	vmul.f32 v14, v2  }
0x379: {  	s15 =	sld [smem:$0x772]  }
0x37a: {  	s11 =	sld [smem:$0x76F];
	v11 =	vadd.f32 v12, v11;
	v12 =	vmul.f32 v15, v2  }
0x37b: {  	s0 =	sadd.s32 s8, s9;
	s9 =	rddreg [dreg:$0x1c]  }
0x37c: {  	s22 =	sld [smem:$0x76D];
	v11 =	vadd.f32 v12, v11;
	v12 =	vmul.f32 v56, v2  }
0x37d: {  	s5 =	sld [smem:$0x76C]  }
0x37e: {  	v16 =	vld [tilespmem:s30+$0x12000];
	s0 =	sadd.s32 s4, s0;
	s18 =	sor.u32 s18, s29;
	[smem:$0x75D] =	sst s15;
	v11 =	vadd.f32 v12, v11  }
0x37f: {  	s15 =	sld [smem:$0x771];
	v12 =	vld [tilespmem:s0+$0x0];
	s0 =	sadd.s32 s4, s18;
	s18 =	sor.u32 s22, s7  }
0x380: {  	s9 =	sadd.s32 s26, s9;
	v17 =	vld [tilespmem:s16+$0x12000];
	s22 =	sld [smem:$0x76E];
	s18 =	sadd.s32 s4, s18;
	[tilespmem:s16+$0x11C00] =	vst v11  }
0x381: {  	v11 =	vld [tilespmem:s18+$0x0];
	s18 =	sadd.s32 s31, s9;
	s9 =	sld [smem:$0x76D]  }
0x382: {  	s5 =	sor.u32 s5, s19;
	v13 =	vld [tilespmem:s0+$0x0]  }
0x383: {  	v14 =	vld [tilespmem:s18+$0x0];
	s18 =	sadd.s32 s31, s5  }
0x384: {  	s5 =	sor.u32 s12, s2;
	v15 =	vld [tilespmem:s18+$0x0];
	s12 =	sor.u32 s9, s10  }
0x385: {  	s0 =	sadd.s32 s4, s5;
	s5 =	sadd.s32 s31, s12  }
0x386: {  	s22 =	sor.u32 s22, s25;
	v58 =	vld [tilespmem:s5+$0x0]  }
0x387: {  	s18 =	sor.u32 s14, s21;
	v57 =	vld [tilespmem:s0+$0x0];
	v12 =	vadd.f32 v12, v16;
	v13 =	vmul.f32 v13, v1;
	s9 =	sadd.s32 s31, s22  }
0x388: {  	s0 =	sadd.s32 s4, s18;
	v20 =	vld [tilespmem:s9+$0x0];
	s12 =	sor.u32 s11, s20  }
0x389: {  	v16 =	vld [tilespmem:s0+$0x0];
	v12 =	vadd.f32 v13, v12;
	v13 =	vadd.f32 v14, v17;
	s0 =	sadd.s32 s31, s12;
	v14 =	vmul.f32 v15, v1  }
0x38a: {  	v11 =	vmul.f32 v11, v2;
	v15 =	vld [tilespmem:s0+$0x0]  }
0x38b: {  	v13 =	vadd.f32 v14, v13;
	v14 =	vmul.f32 v58, v2  }
0x38c: {  	v11 =	vadd.f32 v11, v12;
	v12 =	vmul.f32 v57, v2  }
0x38d: {  	v13 =	vadd.f32 v14, v13;
	v14 =	vmul.f32 v20, v2  }
0x38e: {  	v11 =	vadd.f32 v12, v11;
	v12 =	vmul.f32 v16, v2  }
0x38f: {  	v60 =	vld [tilespmem:s16+$0x12400];
	s18 =	sld [smem:$0x775];
	s22 =	sor.u32 s24, s17;
	v13 =	vadd.f32 v14, v13;
	v14 =	vmul.f32 v15, v2  }
0x390: {  	s14 =	sor.u32 s3, s28;
	s24 =	rddreg [dreg:$0x1d];
	v17 =	vld [tilespmem:s13+$0x0];
	s5 =	sadd.s32 s6, s22;
	v11 =	vadd.f32 v12, v11  }
0x391: {  	s11 =	sld [smem:$0x770];
	s0 =	sadd.s32 s6, s14;
	v59 =	vld [tilespmem:s5+$0x0];
	v13 =	vadd.f32 v14, v13  }
0x392: {  	s12 =	sor.u32 s18, s23;
	s22 =	sld [smem:$0x770];
	v16 =	vld [tilespmem:s0+$0x0];
	[tilespmem:s30+$0x12000] =	vst v11  }
0x393: {  	s13 =	sadd.s32 s8, s24;
	s14 =	rddreg [dreg:$0x1d];
	s0 =	sadd.s32 s6, s12;
	v12 =	vld [tilespmem:s30+$0x12400];
	[tilespmem:s16+$0x12000] =	vst v13  }
0x394: {  	s17 =	sadd.s32 s4, s13;
	s18 =	sor.u32 s11, s29;
	v15 =	vld [tilespmem:s0+$0x0];
	s6 =	sld [smem:$0x75B]  }
0x395: {  	s24 =	sadd.s32 s26, s14;
	s11 =	sor.u32 s15, s10;
	s23 =	sadd.s32 s4, s18;
	v11 =	vld [tilespmem:s17+$0x0]  }
0x396: {  	s26 =	sor.u32 s22, s19;
	s0 =	sadd.s32 s31, s24;
	v14 =	vld [tilespmem:s23+$0x0];
	s12 =	sld [smem:$0x75C]  }
0x397: {  	v13 =	vld [tilespmem:s0+$0x0];
	s15 =	sld [smem:$0x75D];
	s5 =	sor.u32 s6, s7;
	s7 =	sadd.s32 s31, s26  }
0x398: {  	s9 =	sld [smem:$0x775];
	s8 =	sadd.s32 s4, s5;
	v61 =	vld [tilespmem:s7+$0x0]  }
0x399: {  	v9 =	vadd.f32 v10, v9;
	v10 =	vmul.f32 v17, v0;
	s0 =	sadd.s32 s31, s11;
	s14 =	sld [smem:$0x775];
	s13 =	sor.u32 s12, s2;
	v17 =	vld [tilespmem:s8+$0x0]  }
0x39a: {  	v21 =	vld [tilespmem:s0+$0x0];
	s0 =	sor.u32 s15, s25;
	s2 =	sadd.s32 s4, s13  }
0x39b: {  	v9 =	vadd.f32 v10, v9;
	v10 =	vmul.f32 v16, v1;
	s17 =	sor.u32 s9, s21;
	s0 =	sadd.s32 s31, s0;
	v16 =	vld [tilespmem:s2+$0x0]  }
0x39c: {  	v11 =	vadd.f32 v11, v12;
	v12 =	vmul.f32 v14, v0;
	s18 =	sor.u32 s14, s20;
	s2 =	sadd.s32 s4, s17;
	v14 =	vld [tilespmem:s0+$0x0]  }
0x39d: {  	v9 =	vadd.f32 v10, v9;
	v13 =	vadd.f32 v13, v60;
	s0 =	sadd.s32 s31, s18;
	v10 =	vld [tilespmem:s2+$0x0];
	v62 =	vmul.f32 v61, v0  }
0x39e: {  	v18 =	vmul.f32 v59, v2;
	v11 =	vadd.f32 v12, v11;
	v12 =	vmul.f32 v17, v1;
	v17 =	vld [tilespmem:s0+$0x0]  }
0x39f: {  	v63 =	vmul.f32 v21, v1;
	v13 =	vadd.f32 v62, v13  }
0x3a0: {  	v9 =	vadd.f32 v18, v9;
	v11 =	vadd.f32 v12, v11;
	v12 =	vmul.f32 v16, v2  }
0x3a1: {  	v15 =	vmul.f32 v15, v2;
	v14 =	vmul.f32 v14, v2;
	v13 =	vadd.f32 v63, v13  }
0x3a2: {  	v10 =	vmul.f32 v10, v2;
	v11 =	vadd.f32 v12, v11  }
0x3a3: {  	v9 =	vadd.f32 v15, v9;
	v12 =	vadd.f32 v14, v13;
	v13 =	vmul.f32 v17, v2  }
0x3a4: {  	v10 =	vadd.f32 v10, v11  }
0x3a5: {  	[tilespmem:s1+$0x12400] =	vst v9;
	v9 =	vadd.f32 v13, v12  }
0x3a6: {  	[tilespmem:s30+$0x12400] =	vst v10  }
0x3a7: {  	[tilespmem:s16+$0x12400] =	vst v9  }
0x3a8: {  	s1 =	sld [smem:$0x7B2];
	_ =	sdelay $0x1  }
0x3a9: {  	s3 =	simm.s32 $0x8000;
	s2 =	simm.s32 $0x80  }
0x3aa: {  	[tilespmem:s3], [sflag:$0x2] =	stream.strided.gather [hbm4b:s1+s2], $0x280, s3, s2, $0x38;
	[tilespmem:$0x13800] =	vst v63  }
0x3ab: {  	s20 =	simm.s32 $0x8400;
	s19 =	sadd.s32 $0x20, s1  }
0x3ac: {  	[tilespmem:s20], [sflag:$0x2] =	stream.strided.gather [hbm4b:s19+s2], $0x280, s3, s2, $0x38;
	[tilespmem:$0x13800] =	vst v63  }
0x3ad: {  	s22 =	simm.s32 $0x8800;
	s21 =	sadd.s32 $0x40, s1  }
0x3ae: {  	[tilespmem:s22], [sflag:$0x2] =	stream.strided.gather [hbm4b:s21+s2], $0x280, s3, s2, $0x38;
	[tilespmem:$0x13800] =	vst v63  }
0x3af: {  	s24 =	simm.s32 $0x8C00;
	s23 =	sadd.s32 $0x60, s1  }
0x3b0: {  	[tilespmem:s24], [sflag:$0x2] =	stream.strided.gather [hbm4b:s23+s2], $0x280, s3, s2, $0x38;
	[tilespmem:$0x13800] =	vst v63  }
0x3b1: {  	s26 =	simm.s32 $0x9000;
	s25 =	sadd.s32 $0x80, s1  }
0x3b2: {  	[tilespmem:s26], [sflag:$0x2] =	stream.strided.gather [hbm4b:s25+s2], $0x280, s3, s2, $0x38;
	[tilespmem:$0x13800] =	vst v63  }
0x3b3: {  	s5 =	simm.s32 $0x9400;
	s4 =	sadd.s32 $0xA0, s1  }
0x3b4: {  	[tilespmem:s5], [sflag:$0x2] =	stream.strided.gather [hbm4b:s4+s2], $0x280, s3, s2, $0x38;
	[tilespmem:$0x13800] =	vst v63  }
0x3b5: {  	s7 =	simm.s32 $0x9800;
	s6 =	sadd.s32 $0xC0, s1  }
0x3b6: {  	[tilespmem:s7], [sflag:$0x2] =	stream.strided.gather [hbm4b:s6+s2], $0x280, s3, s2, $0x38;
	[tilespmem:$0x13800] =	vst v63  }
0x3b7: {  	s9 =	simm.s32 $0x9C00;
	s10 =	sld [smem:$0x7B4];
	s8 =	sadd.s32 $0xE0, s1  }
0x3b8: {  	[tilespmem:s9], [sflag:$0x2] =	stream.strided.gather [hbm4b:s8+s2], $0x280, s3, s2, $0x38;
	[tilespmem:$0x13800] =	vst v63  }
0x3b9: {  	s11 =	simm.s32 $0xA000  }
0x3ba: {  	[tilespmem:s11], [sflag:$0x2] =	stream.strided.gather [hbm4b:s10+s2], $0x280, s3, s2, $0x38;
	[tilespmem:$0x13800] =	vst v63  }
0x3bb: {  	s13 =	simm.s32 $0xA400;
	s12 =	sadd.s32 $0x20, s10  }
0x3bc: {  	[tilespmem:s13], [sflag:$0x2] =	stream.strided.gather [hbm4b:s12+s2], $0x280, s3, s2, $0x38;
	[tilespmem:$0x13800] =	vst v63  }
0x3bd: {  	s15 =	simm.s32 $0xA800;
	s14 =	sadd.s32 $0x40, s10  }
0x3be: {  	[tilespmem:s15], [sflag:$0x2] =	stream.strided.gather [hbm4b:s14+s2], $0x280, s3, s2, $0x38;
	[tilespmem:$0x13800] =	vst v63  }
0x3bf: {  	s17 =	simm.s32 $0xAC00;
	s16 =	sadd.s32 $0x60, s10  }
0x3c0: {  	[tilespmem:s17], [sflag:$0x2] =	stream.strided.gather [hbm4b:s16+s2], $0x280, s3, s2, $0x38;
	[tilespmem:$0x13800] =	vst v63  }
0x3c1: {  	s18 =	sadd.s32 $0x80, s10;
	s19 =	simm.s32 $0xB000  }
0x3c2: {  	[tilespmem:s19], [sflag:$0x2] =	stream.strided.gather [hbm4b:s18+s2], $0x280, s3, s2, $0x38;
	[tilespmem:$0x13800] =	vst v63  }
0x3c3: {  	s20 =	sadd.s32 $0xA0, s10;
	s21 =	simm.s32 $0xB400  }
0x3c4: {  	[tilespmem:s21], [sflag:$0x2] =	stream.strided.gather [hbm4b:s20+s2], $0x280, s3, s2, $0x38;
	[tilespmem:$0x13800] =	vst v63  }
0x3c5: {  	s22 =	sadd.s32 $0xC0, s10;
	s23 =	simm.s32 $0xB800  }
0x3c6: {  	[tilespmem:s23], [sflag:$0x2] =	stream.strided.gather [hbm4b:s22+s2], $0x280, s3, s2, $0x38;
	[tilespmem:$0x13800] =	vst v63  }
0x3c7: {  	s24 =	sadd.s32 $0xE0, s10;
	s25 =	simm.s32 $0xBC00;
	s26 =	sld [smem:$0x7B6]  }
0x3c8: {  	[tilespmem:s25], [sflag:$0x2] =	stream.strided.gather [hbm4b:s24+s2], $0x280, s3, s2, $0x38;
	[tilespmem:$0x13800] =	vst v63  }
0x3c9: {  	s4 =	simm.s32 $0xC000  }
0x3ca: {  	[tilespmem:s4], [sflag:$0x2] =	stream.strided.gather [hbm4b:s26+s2], $0x280, s3, s2, $0x38;
	[tilespmem:$0x13800] =	vst v63  }
0x3cb: {  	s5 =	sadd.s32 $0x20, s26;
	s6 =	simm.s32 $0xC400  }
0x3cc: {  	[tilespmem:s6], [sflag:$0x2] =	stream.strided.gather [hbm4b:s5+s2], $0x280, s3, s2, $0x38;
	[tilespmem:$0x13800] =	vst v63  }
0x3cd: {  	s7 =	sadd.s32 $0x40, s26;
	s8 =	simm.s32 $0xC800  }
0x3ce: {  	[tilespmem:s8], [sflag:$0x2] =	stream.strided.gather [hbm4b:s7+s2], $0x280, s3, s2, $0x38;
	[tilespmem:$0x13800] =	vst v63  }
0x3cf: {  	s9 =	sadd.s32 $0x60, s26;
	s10 =	simm.s32 $0xCC00  }
0x3d0: {  	[tilespmem:s10], [sflag:$0x2] =	stream.strided.gather [hbm4b:s9+s2], $0x280, s3, s2, $0x38;
	[tilespmem:$0x13800] =	vst v63  }
0x3d1: {  	s11 =	sadd.s32 $0x80, s26;
	s12 =	simm.s32 $0xD000  }
0x3d2: {  	[tilespmem:s12], [sflag:$0x2] =	stream.strided.gather [hbm4b:s11+s2], $0x280, s3, s2, $0x38;
	[tilespmem:$0x13800] =	vst v63  }
0x3d3: {  	s13 =	sadd.s32 $0xA0, s26;
	s14 =	simm.s32 $0xD400  }
0x3d4: {  	[tilespmem:s14], [sflag:$0x2] =	stream.strided.gather [hbm4b:s13+s2], $0x280, s3, s2, $0x38;
	[tilespmem:$0x13800] =	vst v63  }
0x3d5: {  	s15 =	sadd.s32 $0xC0, s26;
	s16 =	simm.s32 $0xD800  }
0x3d6: {  	[tilespmem:s16], [sflag:$0x2] =	stream.strided.gather [hbm4b:s15+s2], $0x280, s3, s2, $0x38;
	[tilespmem:$0x13800] =	vst v63  }
0x3d7: {  	s17 =	sadd.s32 $0xE0, s26;
	s18 =	simm.s32 $0xDC00;
	s19 =	sld [smem:$0x7B8]  }
0x3d8: {  	[tilespmem:s18], [sflag:$0x2] =	stream.strided.gather [hbm4b:s17+s2], $0x280, s3, s2, $0x38;
	[tilespmem:$0x13800] =	vst v63  }
0x3d9: {  	s20 =	simm.s32 $0xE000  }
0x3da: {  	[tilespmem:s20], [sflag:$0x2] =	stream.strided.gather [hbm4b:s19+s2], $0x280, s3, s2, $0x38;
	[tilespmem:$0x13800] =	vst v63  }
0x3db: {  	s21 =	sadd.s32 $0x20, s19;
	s22 =	simm.s32 $0xE400  }
0x3dc: {  	[tilespmem:s22], [sflag:$0x2] =	stream.strided.gather [hbm4b:s21+s2], $0x280, s3, s2, $0x38;
	[tilespmem:$0x13800] =	vst v63  }
0x3dd: {  	s23 =	sadd.s32 $0x40, s19;
	s24 =	simm.s32 $0xE800  }
0x3de: {  	[tilespmem:s24], [sflag:$0x2] =	stream.strided.gather [hbm4b:s23+s2], $0x280, s3, s2, $0x38;
	[tilespmem:$0x13800] =	vst v63  }
0x3df: {  	s25 =	sadd.s32 $0x60, s19;
	s26 =	simm.s32 $0xEC00  }
0x3e0: {  	[tilespmem:s26], [sflag:$0x2] =	stream.strided.gather [hbm4b:s25+s2], $0x280, s3, s2, $0x38;
	[tilespmem:$0x13800] =	vst v63  }
0x3e1: {  	s5 =	sadd.s32 $0x80, s19;
	s6 =	simm.s32 $0xF000  }
0x3e2: {  	[tilespmem:s6], [sflag:$0x2] =	stream.strided.gather [hbm4b:s5+s2], $0x280, s3, s2, $0x38;
	[tilespmem:$0x13800] =	vst v63  }
0x3e3: {  	s7 =	sadd.s32 $0xA0, s19;
	s8 =	simm.s32 $0xF400  }
0x3e4: {  	[tilespmem:s8], [sflag:$0x2] =	stream.strided.gather [hbm4b:s7+s2], $0x280, s3, s2, $0x38;
	[tilespmem:$0x13800] =	vst v63  }
0x3e5: {  	s9 =	sadd.s32 $0xC0, s19;
	s10 =	simm.s32 $0xF800  }
0x3e6: {  	[tilespmem:s10], [sflag:$0x2] =	stream.strided.gather [hbm4b:s9+s2], $0x280, s3, s2, $0x38;
	[tilespmem:$0x13800] =	vst v63  }
0x3e7: {  	s11 =	sadd.s32 $0xE0, s19;
	s12 =	simm.s32 $0xFC00;
	s13 =	simm.s32 $0x1  }
0x3e8: {  	[tilespmem:s12], [sflag:$0x2] =	stream.strided.gather [hbm4b:s11+s2], $0x280, s3, s2, $0x38;
	[tilespmem:$0x13800] =	vst v63  }
0x3e9: {  	_ =	swait.ge [sflag:s13], $0x1400  }
0x3ea: {  	[sflag:s13] =	ssyncset.done $0x0  }
0x3eb: {  	[sflag:s13] =	ssyncadd.s32 $0xFFFFEC00  }
0x3ec: {  	_ =	swait.ge [sflag:s13], $0x1400  }
0x3ed: {  	[sflag:s13] =	ssyncset.done $0x0  }
0x3ee: {  	[sflag:s13] =	ssyncadd.s32 $0xFFFFEC00  }
0x3ef: {  	_ =	swait.ge [sflag:s13], $0x1400  }
0x3f0: {  	[sflag:s13] =	ssyncset.done $0x0  }
0x3f1: {  	[sflag:s13] =	ssyncadd.s32 $0xFFFFEC00  }
0x3f2: {  	_ =	swait.ge [sflag:s13], $0x1400  }
0x3f3: {  	s15 =	simm.s32 $0x0;
	s14 =	sld [smem:$0x777]  }
0x3f4: {  	s6 =	sand.u32 $0x1C00, s15  }
0x3f5: {  	s8 =	sor.u32 $0x2000, s6;
	s16 =	sld [smem:$0x778]  }
0x3f6: {  	s2 =	sand.u32 $0x70, s15;
	[sflag:s13] =	ssyncset.done $0x0;
	s0 =	sor.u32 s14, s6  }
0x3f7: {  	s17 =	sld [smem:$0x77A];
	[sflag:s13] =	ssyncadd.s32 $0xFFFFEC00;
	s0 =	sadd.s32 s2, s0  }
0x3f8: {  	s18 =	simm.s32 $0x11400;
	s19 =	sor.u32 s16, s8;
	v9 =	vld [tilespmem:s0+$0x0]  }
0x3f9: {  	s7 =	sor.u32 $0x4000, s6;
	s20 =	sld [smem:$0x77B];
	v10 =	vld [tilespmem:s18+$0x0];
	s0 =	sadd.s32 s2, s19  }
0x3fa: {  	s21 =	sor.u32 s17, s7;
	v11 =	vld [tilespmem:s0+$0x0]  }
0x3fb: {  	s4 =	sor.u32 $0x6000, s6;
	s22 =	sadd.s32 s2, s21  }
0x3fc: {  	s3 =	sor.u32 s20, s4;
	v12 =	vld [tilespmem:s22+$0x0]  }
0x3fd: {  	s23 =	sadd.s32 s2, s3;
	v9 =	vmul.f32 v9, v5  }
0x3fe: {  	v13 =	vld [tilespmem:s23+$0x0]  }
0x3ff: {  	v9 =	vadd.f32 v9, v10;
	v10 =	vmul.f32 v11, v5;
	_ =	sdelay $0x1  }
0x400: {  	v9 =	vadd.f32 v10, v9;
	v10 =	vmul.f32 v12, v5;
	_ =	sdelay $0x1  }
0x401: {  	s24 =	sld [smem:$0x77C];
	v9 =	vadd.f32 v10, v9;
	v10 =	vmul.f32 v13, v6;
	_ =	sdelay $0x1  }
0x402: {  	s25 =	sld [smem:$0x77D];
	v9 =	vadd.f32 v10, v9  }
0x403: {  	s0 =	sor.u32 s24, s6  }
0x404: {  	s26 =	sld [smem:$0x77E];
	s0 =	sadd.s32 s2, s0;
	[tilespmem:s18+$0x0] =	vst v9  }
0x405: {  	s1 =	sand.u32 $0x3F0, s15;
	s5 =	sor.u32 s25, s8;
	v9 =	vld [tilespmem:s0+$0x0]  }
0x406: {  	s10 =	sld [smem:$0x77F];
	v10 =	vld [tilespmem:s1+$0x11800];
	s0 =	sadd.s32 s2, s5  }
0x407: {  	s11 =	sor.u32 s26, s7;
	v11 =	vld [tilespmem:s0+$0x0]  }
0x408: {  	s12 =	sadd.s32 s2, s11  }
0x409: {  	v12 =	vld [tilespmem:s12+$0x0];
	s13 =	sor.u32 s10, s4  }
0x40a: {  	s0 =	sadd.s32 s2, s13;
	v9 =	vmul.f32 v9, v5  }
0x40b: {  	s14 =	sld [smem:$0x777];
	v13 =	vld [tilespmem:s0+$0x0]  }
0x40c: {  	s15 =	simm.s32 $0x80;
	s18 =	sld [smem:$0x778];
	v9 =	vadd.f32 v9, v10;
	v10 =	vmul.f32 v11, v5  }
0x40d: {  	s28 =	sand.u32 $0x1C00, s15;
	s20 =	sld [smem:$0x77A];
	s3 =	simm.s32 $0x10  }
0x40e: {  	s21 =	sand.u32 $0x70, s3;
	s24 =	sor.u32 $0x2000, s28;
	s0 =	sor.u32 s14, s28;
	v9 =	vadd.f32 v10, v9;
	v10 =	vmul.f32 v12, v5  }
0x40f: {  	s22 =	sor.u32 s18, s24;
	s0 =	sadd.s32 s21, s0  }
0x410: {  	s23 =	sor.u32 $0x4000, s28;
	s16 =	sld [smem:$0x780];
	v12 =	vld [tilespmem:s0+$0x0];
	s0 =	sadd.s32 s21, s22;
	v11 =	vmul.f32 v13, v5;
	v9 =	vadd.f32 v10, v9  }
0x411: {  	s19 =	sld [smem:$0x77B];
	s25 =	sor.u32 s20, s23;
	s12 =	simm.s32 $0x11410;
	v13 =	vld [tilespmem:s0+$0x0]  }
0x412: {  	s11 =	sadd.s32 s21, s25;
	s26 =	sld [smem:$0x781];
	v10 =	vld [tilespmem:s12+$0x0];
	v9 =	vadd.f32 v11, v9  }
0x413: {  	s17 =	sor.u32 $0x6000, s28;
	v14 =	vld [tilespmem:s11+$0x0];
	s9 =	sor.u32 s16, s6  }
0x414: {  	s5 =	sor.u32 s19, s17;
	v15 =	vld [tilespmem:s1+$0x11C00];
	s13 =	sld [smem:$0x782];
	s14 =	sadd.s32 s2, s9;
	[tilespmem:s1+$0x11800] =	vst v9  }
0x415: {  	s5 =	sadd.s32 s21, s5;
	s0 =	sor.u32 s26, s8;
	v9 =	vmul.f32 v12, v5;
	v12 =	vld [tilespmem:s14+$0x0]  }
0x416: {  	s0 =	sadd.s32 s2, s0;
	v11 =	vld [tilespmem:s5+$0x0];
	s15 =	sld [smem:$0x783]  }
0x417: {  	s16 =	sor.u32 s13, s7;
	v9 =	vadd.f32 v9, v10;
	v10 =	vmul.f32 v13, v5;
	v13 =	vld [tilespmem:s0+$0x0]  }
0x418: {  	s18 =	sadd.s32 s2, s16  }
0x419: {  	v16 =	vld [tilespmem:s18+$0x0];
	s19 =	sor.u32 s15, s4;
	v9 =	vadd.f32 v10, v9;
	v10 =	vmul.f32 v14, v5  }
0x41a: {  	s30 =	sld [smem:$0x77B];
	s0 =	sadd.s32 s2, s19;
	v12 =	vmul.f32 v12, v4  }
0x41b: {  	s20 =	sld [smem:$0x77C];
	v14 =	vld [tilespmem:s0+$0x0];
	v9 =	vadd.f32 v10, v9;
	v10 =	vmul.f32 v11, v6  }
0x41c: {  	s31 =	sld [smem:$0x77A];
	v11 =	vadd.f32 v12, v15;
	v12 =	vmul.f32 v13, v5  }
0x41d: {  	s22 =	sld [smem:$0x77D];
	v9 =	vadd.f32 v10, v9  }
0x41e: {  	s25 =	sld [smem:$0x77E];
	s0 =	sor.u32 s20, s28;
	v10 =	vadd.f32 v12, v11;
	v11 =	vmul.f32 v16, v5  }
0x41f: {  	s3 =	sand.u32 $0x3F0, s3;
	s26 =	sld [smem:$0x784];
	s0 =	sadd.s32 s21, s0;
	[tilespmem:s12+$0x0] =	vst v9  }
0x420: {  	s10 =	simm.s32 $0x20;
	s14 =	sor.u32 s22, s24;
	s16 =	sld [smem:$0x785];
	v9 =	vmul.f32 v14, v5;
	v13 =	vld [tilespmem:s0+$0x0];
	v10 =	vadd.f32 v11, v10  }
0x421: {  	s9 =	sor.u32 s25, s23;
	s15 =	sld [smem:$0x77F];
	v14 =	vld [tilespmem:s3+$0x11800];
	s0 =	sadd.s32 s21, s14  }
0x422: {  	s13 =	simm.s32 $0x30;
	s18 =	sadd.s32 s21, s9;
	s20 =	sld [smem:$0x786];
	v15 =	vld [tilespmem:s0+$0x0];
	v10 =	vadd.f32 v9, v10  }
0x423: {  	s11 =	sld [smem:$0x787];
	s25 =	sor.u32 s16, s8;
	s19 =	sor.u32 s26, s6;
	v12 =	vld [tilespmem:s18+$0x0]  }
0x424: {  	s16 =	sld [smem:$0x778];
	s9 =	sadd.s32 s2, s19;
	v9 =	vld [tilespmem:s1+$0x12000];
	s5 =	sor.u32 s15, s17;
	[tilespmem:s1+$0x11C00] =	vst v10  }
0x425: {  	s19 =	simm.s32 $0x11420;
	s26 =	sor.u32 s20, s7;
	s22 =	sadd.s32 s21, s5;
	v16 =	vmul.f32 v13, v5;
	v11 =	vld [tilespmem:s9+$0x0]  }
0x426: {  	s12 =	simm.s32 $0x100;
	s29 =	sld [smem:$0x780];
	s5 =	sadd.s32 s2, s25;
	v13 =	vld [tilespmem:s22+$0x0]  }
0x427: {  	s14 =	sadd.s32 s2, s26;
	s25 =	sld [smem:$0x777];
	s9 =	sand.u32 $0x70, s10;
	v10 =	vld [tilespmem:s5+$0x0];
	v15 =	vmul.f32 v15, v5;
	v14 =	vadd.f32 v16, v14  }
.LBB2_8:
0x428: {  	p3 =	sne.s32 s13, $0x3F0;
	s15 =	sand.u32 $0x1C00, s12;
	s0 =	sor.u32 s11, s4  }
0x429: {  	v16 =	vld [tilespmem:s14+$0x0];
	s20 =	smov.u32 s1;
	s1 =	smov.u32 s3;
	s3 =	smov.u32 s21  }
0x42a: {  	v12 =	vmul.f32 v12, v5;
	v17 =	vld [tilespmem:s19+$0x0];
	s5 =	sor.u32 s25, s15;
	s14 =	sor.u32 $0x6000, s15;
	v14 =	vadd.f32 v15, v14;
	v11 =	vmul.f32 v11, v2;
	s0 =	sadd.s32 s2, s0  }
0x42b: {  	s11 =	sor.u32 $0x2000, s15;
	s5 =	sadd.s32 s9, s5;
	s18 =	sor.u32 s30, s14;
	v13 =	vmul.f32 v13, v5;
	v15 =	vld [tilespmem:s0+$0x0]  }
0x42c: {  	s25 =	sor.u32 $0x4000, s15;
	s0 =	sor.u32 s16, s11;
	v18 =	vld [tilespmem:s5+$0x0];
	s5 =	sadd.s32 s9, s18;
	v12 =	vadd.f32 v12, v14;
	v9 =	vadd.f32 v11, v9;
	v10 =	vmul.f32 v10, v4  }
0x42d: {  	s21 =	smov.u32 s9;
	s16 =	sor.u32 s31, s25;
	s0 =	sadd.s32 s9, s0;
	v11 =	vld [tilespmem:s5+$0x0]  }
0x42e: {  	s9 =	smov.u32 s10;
	v14 =	vld [tilespmem:s0+$0x0];
	s0 =	sadd.s32 s21, s16;
	v12 =	vadd.f32 v13, v12;
	s5 =	sld [smem:$0x781];
	v9 =	vadd.f32 v10, v9;
	v10 =	vmul.f32 v16, v5  }
0x42f: {  	s10 =	smov.u32 s13;
	v13 =	vld [tilespmem:s0+$0x0];
	s0 =	sor.u32 s29, s28;
	s16 =	sld [smem:$0x782]  }
0x430: {  	[tilespmem:s1+$0x11800] =	vst v12;
	s0 =	sadd.s32 s3, s0;
	v9 =	vadd.f32 v10, v9;
	v10 =	vmul.f32 v15, v5;
	v12 =	vld [tilespmem:s20+$0x12400];
	s18 =	sld [smem:$0x788]  }
0x431: {  	v15 =	vmul.f32 v18, v5;
	v16 =	vld [tilespmem:s0+$0x0];
	s0 =	sor.u32 s5, s24;
	s5 =	sld [smem:$0x783]  }
0x432: {  	v18 =	vld [tilespmem:s1+$0x11C00];
	s0 =	sadd.s32 s3, s0;
	s16 =	sor.u32 s16, s23;
	v9 =	vadd.f32 v10, v9;
	s22 =	sld [smem:$0x789]  }
0x433: {  	v10 =	vadd.f32 v15, v17;
	v14 =	vmul.f32 v14, v5;
	v15 =	vld [tilespmem:s0+$0x0];
	s0 =	sadd.s32 s3, s16;
	s16 =	sor.u32 s18, s6;
	s6 =	smov.u32 s28  }
0x434: {  	v17 =	vld [tilespmem:s0+$0x0];
	s0 =	sor.u32 s5, s17;
	[tilespmem:s20+$0x12000] =	vst v9;
	s5 =	sadd.s32 s2, s16;
	s16 =	sld [smem:$0x78B]  }
0x435: {  	s28 =	smov.u32 s15;
	v9 =	vadd.f32 v14, v10;
	v10 =	vmul.f32 v13, v5;
	s0 =	sadd.s32 s3, s0;
	v13 =	vld [tilespmem:s5+$0x0];
	s5 =	sor.u32 s22, s8  }
0x436: {  	s8 =	smov.u32 s24;
	v14 =	vmul.f32 v16, v4;
	v16 =	vld [tilespmem:s0+$0x0];
	s0 =	sadd.s32 s2, s5;
	s5 =	sld [smem:$0x78D]  }
0x437: {  	s24 =	smov.u32 s11;
	v9 =	vadd.f32 v10, v9;
	v10 =	vmul.f32 v11, v6;
	v11 =	vld [tilespmem:s0+$0x0];
	s0 =	sor.u32 s16, s7;
	s7 =	smov.u32 s23  }
0x438: {  	s23 =	smov.u32 s25;
	s15 =	sld [smem:$0x77C];
	v14 =	vadd.f32 v14, v18;
	v15 =	vmul.f32 v15, v5;
	s0 =	sadd.s32 s2, s0  }
0x439: {  	v9 =	vadd.f32 v10, v9;
	s11 =	sld [smem:$0x787];
	v10 =	vld [tilespmem:s0+$0x0];
	s0 =	sor.u32 s5, s4;
	s4 =	smov.u32 s17  }
0x43a: {  	s17 =	smov.u32 s14;
	s5 =	sld [smem:$0x77D];
	v14 =	vadd.f32 v15, v14;
	v15 =	vmul.f32 v17, v5;
	v13 =	vmul.f32 v13, v2;
	s0 =	sadd.s32 s2, s0  }
0x43b: {  	s2 =	smov.u32 s3;
	s14 =	sor.u32 s15, s28;
	s15 =	sld [smem:$0x77E];
	v16 =	vmul.f32 v16, v5;
	v17 =	vld [tilespmem:s0+$0x0]  }
0x43c: {  	s12 =	sadd.s32 $0x80, s12;
	[tilespmem:s19+$0x0] =	vst v9;
	s0 =	sadd.s32 s21, s14;
	v14 =	vadd.f32 v15, v14;
	v9 =	vld [tilespmem:s1+$0x12000];
	s14 =	sld [smem:$0x784];
	v12 =	vadd.f32 v13, v12;
	v11 =	vmul.f32 v11, v2  }
0x43d: {  	s3 =	sand.u32 $0x3F0, s9;
	v13 =	vld [tilespmem:s0+$0x0];
	s0 =	sor.u32 s5, s24;
	s5 =	sld [smem:$0x77F]  }
0x43e: {  	v15 =	vld [tilespmem:s3+$0x11800];
	s0 =	sadd.s32 s21, s0;
	s9 =	sor.u32 s15, s23;
	v14 =	vadd.f32 v16, v14;
	s15 =	sld [smem:$0x785];
	v11 =	vadd.f32 v11, v12;
	v10 =	vmul.f32 v10, v4  }
0x43f: {  	v16 =	vld [tilespmem:s0+$0x0];
	s0 =	sadd.s32 s21, s9;
	s9 =	sor.u32 s14, s6;
	s14 =	sld [smem:$0x786]  }
0x440: {  	v12 =	vld [tilespmem:s0+$0x0];
	s0 =	sor.u32 s5, s17  }
.Ltmp5:
0x441: {  	s29 =	sld [smem:$0x780];
	[tilespmem:s1+$0x11C00] =	vst v14;
	s5 =	sadd.s32 s2, s9;
	v10 =	vadd.f32 v10, v11;
	v14 =	vmul.f32 v17, v5;
	(pc) =	sbr.rel @p3 .LBB2_8-.Ltmp5, $4  }
0x442: {  	s30 =	sld [smem:$0x77B];
	s0 =	sadd.s32 s21, s0;
	v11 =	vld [tilespmem:s5+$0x0];
	s5 =	sor.u32 s15, s8  }
0x443: {  	s19 =	sadd.s32 $0x10, s19;
	s31 =	sld [smem:$0x77A];
	v17 =	vmul.f32 v13, v5;
	v13 =	vld [tilespmem:s0+$0x0];
	s0 =	sadd.s32 s2, s5;
	v18 =	vadd.f32 v14, v10  }
0x444: {  	s9 =	sand.u32 $0x70, s13;
	s25 =	sld [smem:$0x777];
	v10 =	vld [tilespmem:s0+$0x0];
	s0 =	sor.u32 s14, s7  }
0x445: {  	s13 =	sadd.s32 $0x10, s13;
	s16 =	sld [smem:$0x778];
	v14 =	vadd.f32 v17, v15;
	v15 =	vmul.f32 v16, v5;
	s14 =	sadd.s32 s2, s0;
	[tilespmem:s20+$0x12400] =	vst v18  }
0x446: {  	s26 =	sand.u32 $0x1C00, s12  }
0x447: {  	s0 =	sor.u32 s25, s26  }
0x448: {  	s25 =	sor.u32 $0x2000, s26;
	s0 =	sadd.s32 s9, s0  }
0x449: {  	s16 =	sor.u32 s16, s25;
	v16 =	vld [tilespmem:s0+$0x0]  }
0x44a: {  	v17 =	vld [tilespmem:s19+$0x0];
	s20 =	sor.u32 $0x4000, s26;
	s0 =	sadd.s32 s9, s16  }
0x44b: {  	s5 =	sor.u32 s31, s20;
	v18 =	vld [tilespmem:s0+$0x0]  }
0x44c: {  	s12 =	sor.u32 $0x6000, s26;
	s18 =	sadd.s32 s9, s5  }
0x44d: {  	s22 =	sor.u32 s30, s12;
	v19 =	vld [tilespmem:s18+$0x0]  }
0x44e: {  	s13 =	sadd.s32 s9, s22;
	v16 =	vmul.f32 v16, v5  }
0x44f: {  	v20 =	vld [tilespmem:s13+$0x0]  }
0x450: {  	v16 =	vadd.f32 v16, v17;
	v17 =	vmul.f32 v18, v5;
	_ =	sdelay $0x1  }
0x451: {  	v16 =	vadd.f32 v17, v16;
	v17 =	vmul.f32 v19, v5;
	_ =	sdelay $0x1  }
0x452: {  	s15 =	sld [smem:$0x77C];
	v16 =	vadd.f32 v17, v16;
	v17 =	vmul.f32 v20, v6;
	_ =	sdelay $0x1  }
0x453: {  	s16 =	sld [smem:$0x77D];
	v16 =	vadd.f32 v17, v16  }
0x454: {  	s0 =	sor.u32 s15, s26  }
0x455: {  	s13 =	sld [smem:$0x77E];
	s0 =	sadd.s32 s9, s0;
	[tilespmem:s19+$0x0] =	vst v16  }
0x456: {  	s10 =	sand.u32 $0x3F0, s10;
	s18 =	sor.u32 s16, s25;
	v16 =	vld [tilespmem:s0+$0x0]  }
0x457: {  	s19 =	sld [smem:$0x77F];
	v17 =	vld [tilespmem:s10+$0x11800];
	s0 =	sadd.s32 s9, s18  }
0x458: {  	s13 =	sor.u32 s13, s20;
	v54 =	vld [tilespmem:s0+$0x0]  }
0x459: {  	s22 =	sadd.s32 s9, s13  }
0x45a: {  	v55 =	vld [tilespmem:s22+$0x0];
	s5 =	sor.u32 s19, s12  }
0x45b: {  	v12 =	vmul.f32 v12, v5;
	v14 =	vadd.f32 v15, v14;
	s0 =	sadd.s32 s9, s5;
	v15 =	vmul.f32 v16, v5  }
0x45c: {  	v13 =	vmul.f32 v13, v5;
	v16 =	vld [tilespmem:s0+$0x0]  }
0x45d: {  	v12 =	vadd.f32 v12, v14;
	v14 =	vadd.f32 v15, v17;
	v15 =	vmul.f32 v54, v5  }
0x45e: {  	s13 =	sld [smem:$0x781]  }
0x45f: {  	v12 =	vadd.f32 v13, v12;
	s18 =	sld [smem:$0x782];
	v13 =	vadd.f32 v15, v14;
	v14 =	vmul.f32 v55, v5;
	_ =	sdelay $0x1  }
0x460: {  	s16 =	sor.u32 s29, s28;
	[tilespmem:s3+$0x11800] =	vst v12;
	s15 =	sld [smem:$0x780];
	v12 =	vmul.f32 v16, v5;
	v13 =	vadd.f32 v14, v13  }
0x461: {  	s5 =	sadd.s32 s21, s16;
	s0 =	sor.u32 s13, s24;
	s13 =	sor.u32 s18, s23;
	v15 =	vld [tilespmem:s3+$0x11C00]  }
0x462: {  	s16 =	sld [smem:$0x781];
	s19 =	sadd.s32 s21, s13;
	v14 =	vld [tilespmem:s5+$0x0];
	v12 =	vadd.f32 v12, v13  }
0x463: {  	s22 =	sor.u32 s15, s26;
	s0 =	sadd.s32 s21, s0;
	v16 =	vld [tilespmem:s19+$0x0];
	s5 =	sld [smem:$0x783]  }
0x464: {  	s15 =	sld [smem:$0x782];
	s18 =	sadd.s32 s9, s22;
	v13 =	vld [tilespmem:s0+$0x0];
	[tilespmem:s10+$0x11800] =	vst v12  }
0x465: {  	s19 =	sor.u32 s16, s25;
	v12 =	vld [tilespmem:s18+$0x0]  }
0x466: {  	v17 =	vld [tilespmem:s10+$0x11C00];
	s0 =	sadd.s32 s9, s19;
	s5 =	sor.u32 s5, s17;
	s22 =	sld [smem:$0x783]  }
0x467: {  	s15 =	sor.u32 s15, s20;
	s5 =	sadd.s32 s21, s5;
	v14 =	vmul.f32 v14, v4;
	v56 =	vld [tilespmem:s0+$0x0]  }
0x468: {  	v57 =	vld [tilespmem:s5+$0x0];
	s5 =	sadd.s32 s9, s15  }
0x469: {  	v14 =	vadd.f32 v14, v15;
	v13 =	vmul.f32 v13, v5;
	v15 =	vld [tilespmem:s5+$0x0];
	s13 =	sor.u32 s22, s12  }
0x46a: {  	s0 =	sadd.s32 s9, s13;
	v12 =	vmul.f32 v12, v4  }
0x46b: {  	v13 =	vadd.f32 v13, v14;
	v14 =	vld [tilespmem:s0+$0x0]  }
0x46c: {  	v16 =	vmul.f32 v16, v5;
	v12 =	vadd.f32 v12, v17;
	v17 =	vmul.f32 v56, v5  }
0x46d: {  	s16 =	sld [smem:$0x785];
	v58 =	vmul.f32 v57, v5  }
0x46e: {  	s15 =	sld [smem:$0x784];
	v13 =	vadd.f32 v16, v13;
	v15 =	vmul.f32 v15, v5;
	v12 =	vadd.f32 v17, v12  }
0x46f: {  	s11 =	sor.u32 s11, s4;
	s18 =	sld [smem:$0x784]  }
0x470: {  	s11 =	sadd.s32 s2, s11;
	s19 =	sld [smem:$0x785];
	v16 =	vld [tilespmem:s14+$0x0];
	v13 =	vadd.f32 v58, v13;
	v14 =	vmul.f32 v14, v5;
	v12 =	vadd.f32 v15, v12  }
0x471: {  	v11 =	vmul.f32 v11, v2;
	s5 =	sor.u32 s15, s28;
	s0 =	sld [smem:$0x787];
	v17 =	vld [tilespmem:s11+$0x0]  }
0x472: {  	s5 =	sadd.s32 s21, s5;
	s13 =	sor.u32 s16, s24;
	s14 =	sld [smem:$0x786];
	[tilespmem:s3+$0x11C00] =	vst v13;
	v15 =	vld [tilespmem:s3+$0x12000];
	v12 =	vadd.f32 v14, v12  }
0x473: {  	v9 =	vadd.f32 v11, v9;
	v10 =	vmul.f32 v10, v4;
	s15 =	sld [smem:$0x787];
	s22 =	sadd.s32 s21, s13;
	s11 =	sor.u32 s18, s26;
	v11 =	vld [tilespmem:s5+$0x0]  }
0x474: {  	s13 =	sld [smem:$0x786];
	s18 =	sadd.s32 s9, s11;
	v13 =	vld [tilespmem:s22+$0x0];
	[tilespmem:s10+$0x11C00] =	vst v12  }
0x475: {  	v9 =	vadd.f32 v10, v9;
	s19 =	sor.u32 s19, s25;
	v10 =	vmul.f32 v16, v5;
	v12 =	vld [tilespmem:s18+$0x0]  }
0x476: {  	s22 =	sor.u32 s14, s23;
	s5 =	sadd.s32 s9, s19;
	v14 =	vld [tilespmem:s10+$0x12000]  }
0x477: {  	s13 =	sor.u32 s13, s20;
	s11 =	sadd.s32 s21, s22;
	v9 =	vadd.f32 v10, v9;
	v10 =	vmul.f32 v17, v5;
	v16 =	vld [tilespmem:s5+$0x0]  }
0x478: {  	s0 =	sor.u32 s0, s17;
	v17 =	vld [tilespmem:s11+$0x0];
	s5 =	sadd.s32 s9, s13  }
0x479: {  	s16 =	sor.u32 s15, s12;
	s0 =	sadd.s32 s21, s0;
	v9 =	vadd.f32 v10, v9;
	v10 =	vmul.f32 v11, v2;
	v11 =	vld [tilespmem:s5+$0x0]  }
0x47a: {  	s14 =	sld [smem:$0x788];
	v60 =	vld [tilespmem:s0+$0x0];
	s19 =	sadd.s32 s9, s16;
	v12 =	vmul.f32 v12, v2  }
0x47b: {  	s18 =	sld [smem:$0x789];
	[tilespmem:s1+$0x12000] =	vst v9;
	v9 =	vadd.f32 v10, v15;
	v10 =	vmul.f32 v13, v4;
	v13 =	vld [tilespmem:s19+$0x0]  }
0x47c: {  	v12 =	vadd.f32 v12, v14;
	v14 =	vmul.f32 v16, v4  }
0x47d: {  	v9 =	vadd.f32 v10, v9;
	v10 =	vmul.f32 v17, v5  }
0x47e: {  	v59 =	vld [tilespmem:s1+$0x12400];
	s22 =	sld [smem:$0x78B];
	s13 =	sor.u32 s18, s8;
	v11 =	vmul.f32 v11, v5;
	v12 =	vadd.f32 v14, v12  }
0x47f: {  	s16 =	sld [smem:$0x788];
	s15 =	sadd.s32 s2, s13;
	v17 =	vld [tilespmem:s10+$0x12400];
	v9 =	vadd.f32 v10, v9;
	v10 =	vmul.f32 v60, v5  }
0x480: {  	s11 =	sor.u32 s14, s6;
	s14 =	sld [smem:$0x78D];
	v15 =	vld [tilespmem:s15+$0x0];
	v11 =	vadd.f32 v11, v12;
	v12 =	vmul.f32 v13, v5  }
0x481: {  	s5 =	sadd.s32 s2, s11;
	s0 =	sor.u32 s22, s7;
	s22 =	sld [smem:$0x788];
	v9 =	vadd.f32 v10, v9;
	v10 =	vld [tilespmem:s3+$0x12400]  }
0x482: {  	s18 =	sld [smem:$0x789];
	s7 =	sor.u32 s16, s28;
	s0 =	sadd.s32 s2, s0;
	v14 =	vld [tilespmem:s5+$0x0];
	v11 =	vadd.f32 v12, v11  }
0x483: {  	s13 =	sld [smem:$0x789];
	s19 =	sor.u32 s14, s4;
	s8 =	sadd.s32 s21, s7;
	[tilespmem:s3+$0x12000] =	vst v9;
	v13 =	vld [tilespmem:s0+$0x0]  }
0x484: {  	s16 =	sor.u32 s22, s26;
	s0 =	sadd.s32 s2, s19;
	s14 =	sld [smem:$0x78B];
	v9 =	vld [tilespmem:s8+$0x0];
	[tilespmem:s10+$0x12000] =	vst v11  }
0x485: {  	s11 =	sor.u32 s18, s24;
	s18 =	sadd.s32 s9, s16;
	v12 =	vld [tilespmem:s0+$0x0];
	s19 =	sld [smem:$0x78B]  }
0x486: {  	s15 =	sadd.s32 s21, s11;
	s24 =	sor.u32 s13, s25;
	s22 =	sld [smem:$0x78D];
	v16 =	vld [tilespmem:s18+$0x0]  }
0x487: {  	s0 =	sadd.s32 s9, s24;
	v14 =	vmul.f32 v14, v2;
	s25 =	sor.u32 s14, s23;
	v11 =	vld [tilespmem:s15+$0x0];
	s26 =	sld [smem:$0x78D]  }
0x488: {  	s5 =	sadd.s32 s21, s25;
	v61 =	vld [tilespmem:s0+$0x0];
	s7 =	sor.u32 s19, s20  }
0x489: {  	v15 =	vmul.f32 v15, v2;
	s8 =	sor.u32 s22, s17;
	v14 =	vadd.f32 v14, v59;
	v62 =	vld [tilespmem:s5+$0x0];
	s0 =	sadd.s32 s9, s7  }
0x48a: {  	s2 =	sadd.s32 s21, s8;
	v9 =	vmul.f32 v9, v2;
	s11 =	sor.u32 s26, s12;
	v63 =	vld [tilespmem:s0+$0x0]  }
0x48b: {  	v14 =	vadd.f32 v15, v14;
	v15 =	vld [tilespmem:s2+$0x0];
	v16 =	vmul.f32 v16, v2;
	s0 =	sadd.s32 s9, s11  }
0x48c: {  	v9 =	vadd.f32 v9, v10;
	v10 =	vmul.f32 v11, v2;
	v11 =	vld [tilespmem:s0+$0x0]  }
0x48d: {  	v13 =	vmul.f32 v13, v4;
	v16 =	vadd.f32 v16, v17;
	v17 =	vmul.f32 v61, v2  }
0x48e: {  	v12 =	vmul.f32 v12, v5;
	v9 =	vadd.f32 v10, v9;
	v10 =	vmul.f32 v62, v4  }
0x48f: {  	v13 =	vadd.f32 v13, v14;
	v14 =	vadd.f32 v17, v16;
	v16 =	vmul.f32 v63, v4  }
0x490: {  	v9 =	vadd.f32 v10, v9;
	v10 =	vmul.f32 v15, v5  }
0x491: {  	v12 =	vadd.f32 v12, v13;
	v11 =	vmul.f32 v11, v5;
	v13 =	vadd.f32 v16, v14  }
0x492: {  	v9 =	vadd.f32 v10, v9  }
0x493: {  	[tilespmem:s1+$0x12400] =	vst v12;
	v10 =	vadd.f32 v11, v13  }
0x494: {  	[tilespmem:s3+$0x12400] =	vst v9  }
0x495: {  	s12 =	simm.s32 $0x2;
	[tilespmem:s10+$0x12400] =	vst v10  }
0x496: {  	_ =	swait.ge [sflag:s12], $0x1400  }
0x497: {  	[sflag:s12] =	ssyncset.done $0x0  }
0x498: {  	[sflag:s12] =	ssyncadd.s32 $0xFFFFEC00  }
0x499: {  	_ =	swait.ge [sflag:s12], $0x1400  }
0x49a: {  	[sflag:s12] =	ssyncset.done $0x0  }
0x49b: {  	[sflag:s12] =	ssyncadd.s32 $0xFFFFEC00  }
0x49c: {  	_ =	swait.ge [sflag:s12], $0x1400  }
0x49d: {  	[sflag:s12] =	ssyncset.done $0x0  }
0x49e: {  	[sflag:s12] =	ssyncadd.s32 $0xFFFFEC00  }
0x49f: {  	_ =	swait.ge [sflag:s12], $0x1400  }
0x4a0: {  	s13 =	simm.s32 $0x0;
	s14 =	sld [smem:$0x78E]  }
0x4a1: {  	s15 =	sand.u32 $0x1C00, s13  }
0x4a2: {  	s6 =	sand.u32 $0x70, s13;
	s4 =	sor.u32 $0x8000, s15;
	s16 =	sld [smem:$0x791]  }
0x4a3: {  	s7 =	sor.u32 $0xA000, s15;
	[sflag:s12] =	ssyncset.done $0x0;
	s1 =	sor.u32 s14, s4  }
0x4a4: {  	s17 =	sld [smem:$0x792];
	[sflag:s12] =	ssyncadd.s32 $0xFFFFEC00;
	s1 =	sadd.s32 s6, s1  }
0x4a5: {  	s18 =	simm.s32 $0x11400;
	s19 =	sor.u32 s16, s7;
	v9 =	vld [tilespmem:s1+$0x0]  }
0x4a6: {  	s8 =	sor.u32 $0xC000, s15;
	s20 =	sld [smem:$0x793];
	v10 =	vld [tilespmem:s18+$0x0];
	s1 =	sadd.s32 s6, s19  }
0x4a7: {  	s5 =	sor.u32 s17, s8;
	v11 =	vld [tilespmem:s1+$0x0]  }
0x4a8: {  	s2 =	sor.u32 $0xE000, s15;
	s21 =	sadd.s32 s6, s5  }
0x4a9: {  	s3 =	sor.u32 s20, s2;
	v12 =	vld [tilespmem:s21+$0x0]  }
0x4aa: {  	s22 =	sadd.s32 s6, s3;
	v9 =	vmul.f32 v9, v7  }
0x4ab: {  	v13 =	vld [tilespmem:s22+$0x0]  }
0x4ac: {  	v9 =	vadd.f32 v9, v10;
	v10 =	vmul.f32 v11, v7;
	_ =	sdelay $0x1  }
0x4ad: {  	v9 =	vadd.f32 v10, v9;
	v10 =	vmul.f32 v12, v7;
	_ =	sdelay $0x1  }
0x4ae: {  	s23 =	sld [smem:$0x794];
	v9 =	vadd.f32 v10, v9;
	v10 =	vmul.f32 v13, v7;
	_ =	sdelay $0x1  }
0x4af: {  	s24 =	sld [smem:$0x795];
	v9 =	vadd.f32 v10, v9  }
0x4b0: {  	s1 =	sor.u32 s23, s4  }
0x4b1: {  	s25 =	sld [smem:$0x796];
	s26 =	sadd.s32 s6, s1;
	[tilespmem:s18+$0x0] =	vst v9  }
0x4b2: {  	s3 =	sor.u32 s24, s7;
	s1 =	sand.u32 $0x3F0, s13;
	v9 =	vld [tilespmem:s26+$0x0]  }
0x4b3: {  	s0 =	sadd.s32 s6, s3;
	s9 =	sld [smem:$0x797];
	v10 =	vld [tilespmem:s1+$0x11800]  }
0x4b4: {  	s5 =	sor.u32 s25, s8;
	v11 =	vld [tilespmem:s0+$0x0]  }
0x4b5: {  	s10 =	sadd.s32 s6, s5  }
0x4b6: {  	v12 =	vld [tilespmem:s10+$0x0];
	s11 =	sor.u32 s9, s2  }
0x4b7: {  	s0 =	sadd.s32 s6, s11;
	v9 =	vmul.f32 v9, v6  }
0x4b8: {  	s12 =	simm.s32 $0x80;
	s13 =	sld [smem:$0x78E];
	v13 =	vld [tilespmem:s0+$0x0]  }
0x4b9: {  	s15 =	sand.u32 $0x1C00, s12;
	s16 =	sld [smem:$0x791];
	v9 =	vadd.f32 v9, v10;
	v10 =	vmul.f32 v11, v7  }
0x4ba: {  	s24 =	sor.u32 $0x8000, s15;
	s3 =	simm.s32 $0x10  }
0x4bb: {  	s17 =	sand.u32 $0x70, s3;
	s23 =	sor.u32 $0xA000, s15;
	s0 =	sor.u32 s13, s24;
	v9 =	vadd.f32 v10, v9;
	v10 =	vmul.f32 v12, v7  }
0x4bc: {  	s19 =	sld [smem:$0x792];
	s20 =	sor.u32 s16, s23;
	s0 =	sadd.s32 s17, s0  }
0x4bd: {  	s14 =	sld [smem:$0x798];
	v12 =	vld [tilespmem:s0+$0x0];
	s0 =	sadd.s32 s17, s20;
	v11 =	vmul.f32 v13, v7;
	v9 =	vadd.f32 v10, v9  }
0x4be: {  	s28 =	sor.u32 $0xC000, s15;
	s18 =	sld [smem:$0x793];
	s13 =	simm.s32 $0x11410;
	v13 =	vld [tilespmem:s0+$0x0]  }
0x4bf: {  	s26 =	sor.u32 s19, s28;
	s11 =	sld [smem:$0x799];
	v10 =	vld [tilespmem:s13+$0x0];
	v9 =	vadd.f32 v11, v9  }
0x4c0: {  	s21 =	sor.u32 $0xE000, s15;
	v15 =	vld [tilespmem:s1+$0x11C00];
	s12 =	sadd.s32 s17, s26;
	s5 =	sor.u32 s14, s4  }
0x4c1: {  	s22 =	sor.u32 s18, s21;
	v14 =	vld [tilespmem:s12+$0x0];
	s14 =	sld [smem:$0x79A];
	s5 =	sadd.s32 s6, s5;
	[tilespmem:s1+$0x11800] =	vst v9  }
0x4c2: {  	s25 =	sadd.s32 s17, s22;
	s0 =	sor.u32 s11, s7;
	v9 =	vmul.f32 v12, v7;
	v12 =	vld [tilespmem:s5+$0x0]  }
0x4c3: {  	s0 =	sadd.s32 s6, s0;
	v11 =	vld [tilespmem:s25+$0x0];
	s15 =	sld [smem:$0x79B]  }
0x4c4: {  	s16 =	sor.u32 s14, s8;
	v9 =	vadd.f32 v9, v10;
	v10 =	vmul.f32 v13, v7;
	v13 =	vld [tilespmem:s0+$0x0]  }
0x4c5: {  	s18 =	sadd.s32 s6, s16  }
0x4c6: {  	s30 =	sld [smem:$0x792];
	v16 =	vld [tilespmem:s18+$0x0];
	s19 =	sor.u32 s15, s2;
	v9 =	vadd.f32 v10, v9;
	v10 =	vmul.f32 v14, v7  }
0x4c7: {  	s31 =	sld [smem:$0x791];
	s0 =	sadd.s32 s6, s19;
	v12 =	vmul.f32 v12, v5  }
0x4c8: {  	s20 =	sld [smem:$0x794];
	v14 =	vld [tilespmem:s0+$0x0];
	v9 =	vadd.f32 v10, v9;
	v10 =	vmul.f32 v11, v7  }
0x4c9: {  	s22 =	sld [smem:$0x795];
	v11 =	vadd.f32 v12, v15;
	v12 =	vmul.f32 v13, v6  }
0x4ca: {  	s25 =	sld [smem:$0x796];
	v9 =	vadd.f32 v10, v9  }
0x4cb: {  	s5 =	sld [smem:$0x79E];
	s0 =	sor.u32 s20, s24;
	v10 =	vadd.f32 v12, v11;
	v11 =	vmul.f32 v16, v7  }
0x4cc: {  	s3 =	sand.u32 $0x3F0, s3;
	s26 =	sld [smem:$0x79C];
	s0 =	sadd.s32 s17, s0;
	[tilespmem:s13+$0x0] =	vst v9  }
0x4cd: {  	s10 =	simm.s32 $0x20;
	s9 =	sor.u32 s22, s23;
	s16 =	sld [smem:$0x79D];
	v9 =	vmul.f32 v14, v7;
	v13 =	vld [tilespmem:s0+$0x0];
	v10 =	vadd.f32 v11, v10  }
0x4ce: {  	s11 =	sor.u32 s25, s28;
	s14 =	sld [smem:$0x797];
	v14 =	vld [tilespmem:s3+$0x11800];
	s0 =	sadd.s32 s17, s9  }
0x4cf: {  	s12 =	simm.s32 $0x100;
	s18 =	sadd.s32 s17, s11;
	s15 =	sld [smem:$0x793];
	v15 =	vld [tilespmem:s0+$0x0];
	v10 =	vadd.f32 v9, v10  }
0x4d0: {  	s25 =	sor.u32 s16, s7;
	s5 =	sor.u32 s5, s8;
	s20 =	sor.u32 s26, s4;
	v12 =	vld [tilespmem:s18+$0x0]  }
0x4d1: {  	s19 =	sld [smem:$0x79F];
	s11 =	sadd.s32 s6, s20;
	v9 =	vld [tilespmem:s1+$0x12000];
	s9 =	sor.u32 s14, s21;
	[tilespmem:s1+$0x11C00] =	vst v10  }
0x4d2: {  	s16 =	sand.u32 $0x1C00, s12;
	s29 =	sld [smem:$0x798];
	s22 =	sadd.s32 s17, s9;
	v16 =	vmul.f32 v13, v6;
	v11 =	vld [tilespmem:s11+$0x0]  }
0x4d3: {  	s26 =	sadd.s32 s6, s25;
	s13 =	simm.s32 $0x30;
	s0 =	sld [smem:$0x78E];
	v13 =	vld [tilespmem:s22+$0x0]  }
0x4d4: {  	s14 =	sadd.s32 s6, s5;
	s9 =	sand.u32 $0x70, s10;
	s11 =	simm.s32 $0x11420;
	v10 =	vld [tilespmem:s26+$0x0];
	v15 =	vmul.f32 v15, v7;
	v14 =	vadd.f32 v16, v14  }
.LBB2_10:
0x4d5: {  	p3 =	sne.s32 s13, $0x3F0;
	s25 =	sor.u32 $0x8000, s16;
	s5 =	sor.u32 s19, s2  }
0x4d6: {  	v16 =	vld [tilespmem:s14+$0x0];
	s20 =	smov.u32 s1;
	s1 =	smov.u32 s3;
	s3 =	smov.u32 s6  }
0x4d7: {  	s14 =	sor.u32 $0xE000, s16;
	v12 =	vmul.f32 v12, v7;
	v17 =	vld [tilespmem:s11+$0x0];
	s0 =	sor.u32 s0, s25;
	v14 =	vadd.f32 v15, v14;
	v11 =	vmul.f32 v11, v5;
	s5 =	sadd.s32 s3, s5  }
0x4d8: {  	s26 =	sor.u32 $0xA000, s16;
	s6 =	sor.u32 s15, s14;
	s0 =	sadd.s32 s9, s0;
	v13 =	vmul.f32 v13, v7;
	v15 =	vld [tilespmem:s5+$0x0]  }
0x4d9: {  	s15 =	sor.u32 $0xC000, s16;
	s5 =	sadd.s32 s9, s6;
	v18 =	vld [tilespmem:s0+$0x0];
	s0 =	sor.u32 s31, s26;
	v12 =	vadd.f32 v12, v14;
	v9 =	vadd.f32 v11, v9;
	v10 =	vmul.f32 v10, v5  }
0x4da: {  	s16 =	sor.u32 s30, s15;
	s6 =	smov.u32 s17;
	s0 =	sadd.s32 s9, s0;
	v11 =	vld [tilespmem:s5+$0x0]  }
0x4db: {  	s17 =	smov.u32 s9;
	v14 =	vld [tilespmem:s0+$0x0];
	s0 =	sadd.s32 s9, s16;
	v12 =	vadd.f32 v13, v12;
	s5 =	sld [smem:$0x799];
	v9 =	vadd.f32 v10, v9;
	v10 =	vmul.f32 v16, v6  }
0x4dc: {  	s9 =	smov.u32 s10;
	v13 =	vld [tilespmem:s0+$0x0];
	s0 =	sor.u32 s29, s24;
	s16 =	sld [smem:$0x79A]  }
0x4dd: {  	s10 =	smov.u32 s13;
	[tilespmem:s1+$0x11800] =	vst v12;
	s0 =	sadd.s32 s6, s0;
	v9 =	vadd.f32 v10, v9;
	v10 =	vmul.f32 v15, v7;
	v12 =	vld [tilespmem:s20+$0x12400];
	s18 =	sld [smem:$0x7A0]  }
0x4de: {  	v15 =	vmul.f32 v18, v7;
	v16 =	vld [tilespmem:s0+$0x0];
	s0 =	sor.u32 s5, s23;
	s5 =	sld [smem:$0x79B]  }
0x4df: {  	v18 =	vld [tilespmem:s1+$0x11C00];
	s0 =	sadd.s32 s6, s0;
	s16 =	sor.u32 s16, s28;
	v9 =	vadd.f32 v10, v9;
	s19 =	sld [smem:$0x7A1]  }
0x4e0: {  	v10 =	vadd.f32 v15, v17;
	v14 =	vmul.f32 v14, v7;
	v15 =	vld [tilespmem:s0+$0x0];
	s0 =	sadd.s32 s6, s16;
	s16 =	sor.u32 s18, s4;
	s4 =	smov.u32 s24  }
0x4e1: {  	v17 =	vld [tilespmem:s0+$0x0];
	s0 =	sor.u32 s5, s21;
	[tilespmem:s20+$0x12000] =	vst v9;
	s5 =	sadd.s32 s3, s16;
	s16 =	sld [smem:$0x7A2]  }
0x4e2: {  	s24 =	smov.u32 s25;
	v9 =	vadd.f32 v14, v10;
	v10 =	vmul.f32 v13, v7;
	s0 =	sadd.s32 s6, s0;
	v13 =	vld [tilespmem:s5+$0x0];
	s5 =	sor.u32 s19, s7  }
0x4e3: {  	s7 =	smov.u32 s23;
	v14 =	vmul.f32 v16, v5;
	v16 =	vld [tilespmem:s0+$0x0];
	s0 =	sadd.s32 s3, s5;
	s5 =	sld [smem:$0x7A8]  }
0x4e4: {  	s23 =	smov.u32 s26;
	v9 =	vadd.f32 v10, v9;
	v10 =	vmul.f32 v11, v7;
	s19 =	sld [smem:$0x79F];
	v11 =	vld [tilespmem:s0+$0x0];
	s0 =	sor.u32 s16, s8  }
0x4e5: {  	s8 =	smov.u32 s28;
	s18 =	sld [smem:$0x794];
	v14 =	vadd.f32 v14, v18;
	v15 =	vmul.f32 v15, v6;
	s0 =	sadd.s32 s3, s0  }
0x4e6: {  	v9 =	vadd.f32 v10, v9;
	s16 =	sld [smem:$0x79E];
	v10 =	vld [tilespmem:s0+$0x0];
	s0 =	sor.u32 s5, s2;
	s2 =	smov.u32 s21  }
0x4e7: {  	s21 =	smov.u32 s14;
	s5 =	sld [smem:$0x795];
	v14 =	vadd.f32 v15, v14;
	v15 =	vmul.f32 v17, v7;
	v13 =	vmul.f32 v13, v5;
	s0 =	sadd.s32 s3, s0  }
0x4e8: {  	s28 =	smov.u32 s15;
	s3 =	sor.u32 s18, s24;
	s14 =	sld [smem:$0x796];
	v16 =	vmul.f32 v16, v7;
	v17 =	vld [tilespmem:s0+$0x0]  }
0x4e9: {  	s12 =	sadd.s32 $0x80, s12;
	[tilespmem:s11+$0x0] =	vst v9;
	s0 =	sadd.s32 s17, s3;
	v14 =	vadd.f32 v15, v14;
	v9 =	vld [tilespmem:s1+$0x12000];
	s15 =	sld [smem:$0x79C];
	v12 =	vadd.f32 v13, v12;
	v11 =	vmul.f32 v11, v5  }
0x4ea: {  	s3 =	sand.u32 $0x3F0, s9;
	v13 =	vld [tilespmem:s0+$0x0];
	s0 =	sor.u32 s5, s23;
	s5 =	sld [smem:$0x797]  }
0x4eb: {  	v15 =	vld [tilespmem:s3+$0x11800];
	s0 =	sadd.s32 s17, s0;
	s9 =	sor.u32 s14, s28;
	v14 =	vadd.f32 v16, v14;
	s14 =	sld [smem:$0x79D];
	v11 =	vadd.f32 v11, v12;
	v10 =	vmul.f32 v10, v5  }
0x4ec: {  	v16 =	vld [tilespmem:s0+$0x0];
	s0 =	sadd.s32 s17, s9;
	s29 =	sld [smem:$0x798];
	s9 =	sor.u32 s15, s4  }
0x4ed: {  	s15 =	sld [smem:$0x793]  }
.Ltmp6:
0x4ee: {  	v12 =	vld [tilespmem:s0+$0x0];
	s0 =	sor.u32 s5, s21;
	[tilespmem:s1+$0x11C00] =	vst v14;
	s5 =	sadd.s32 s6, s9;
	v10 =	vadd.f32 v10, v11;
	v14 =	vmul.f32 v17, v6;
	(pc) =	sbr.rel @p3 .LBB2_10-.Ltmp6, $4  }
0x4ef: {  	s30 =	sld [smem:$0x792];
	s0 =	sadd.s32 s17, s0;
	v11 =	vld [tilespmem:s5+$0x0];
	s5 =	sor.u32 s14, s7  }
0x4f0: {  	s11 =	sadd.s32 $0x10, s11;
	s31 =	sld [smem:$0x791];
	v17 =	vmul.f32 v13, v6;
	v13 =	vld [tilespmem:s0+$0x0];
	s5 =	sadd.s32 s6, s5;
	v18 =	vadd.f32 v14, v10  }
0x4f1: {  	s9 =	sand.u32 $0x70, s13;
	s0 =	sld [smem:$0x78E];
	v10 =	vld [tilespmem:s5+$0x0];
	s5 =	sor.u32 s16, s8  }
0x4f2: {  	s13 =	sadd.s32 $0x10, s13;
	s16 =	sand.u32 $0x1C00, s12;
	v14 =	vadd.f32 v17, v15;
	v15 =	vmul.f32 v16, v7;
	s14 =	sadd.s32 s6, s5;
	[tilespmem:s20+$0x12400] =	vst v18  }
0x4f3: {  	s26 =	sor.u32 $0x8000, s16  }
0x4f4: {  	s0 =	sor.u32 s0, s26  }
0x4f5: {  	s25 =	sor.u32 $0xA000, s16;
	s0 =	sadd.s32 s9, s0  }
0x4f6: {  	s12 =	sor.u32 s31, s25;
	v16 =	vld [tilespmem:s0+$0x0]  }
0x4f7: {  	v17 =	vld [tilespmem:s11+$0x0];
	s20 =	sor.u32 $0xC000, s16;
	s0 =	sadd.s32 s9, s12  }
0x4f8: {  	s5 =	sor.u32 s30, s20;
	v18 =	vld [tilespmem:s0+$0x0]  }
0x4f9: {  	s13 =	sadd.s32 s9, s5;
	s12 =	sor.u32 $0xE000, s16  }
0x4fa: {  	v19 =	vld [tilespmem:s13+$0x0];
	s15 =	sor.u32 s15, s12  }
0x4fb: {  	s16 =	sadd.s32 s9, s15;
	v16 =	vmul.f32 v16, v7  }
0x4fc: {  	v20 =	vld [tilespmem:s16+$0x0]  }
0x4fd: {  	v58 =	vmul.f32 v18, v7;
	v16 =	vadd.f32 v16, v17;
	_ =	sdelay $0x1  }
0x4fe: {  	v59 =	vmul.f32 v19, v7;
	v16 =	vadd.f32 v58, v16;
	_ =	sdelay $0x1  }
0x4ff: {  	s18 =	sld [smem:$0x794];
	v60 =	vmul.f32 v20, v7;
	v16 =	vadd.f32 v59, v16;
	_ =	sdelay $0x1  }
0x500: {  	s22 =	sld [smem:$0x795];
	v16 =	vadd.f32 v60, v16  }
0x501: {  	s0 =	sor.u32 s18, s26  }
0x502: {  	s13 =	sld [smem:$0x796];
	s0 =	sadd.s32 s9, s0;
	[tilespmem:s11+$0x0] =	vst v16  }
0x503: {  	s10 =	sand.u32 $0x3F0, s10;
	s30 =	sor.u32 s22, s25;
	v16 =	vld [tilespmem:s0+$0x0]  }
0x504: {  	s31 =	sld [smem:$0x797];
	v61 =	vld [tilespmem:s10+$0x11800];
	s0 =	sadd.s32 s9, s30  }
0x505: {  	v12 =	vmul.f32 v12, v7;
	v14 =	vadd.f32 v15, v14;
	s13 =	sor.u32 s13, s20;
	v62 =	vld [tilespmem:s0+$0x0]  }
0x506: {  	s15 =	sadd.s32 s9, s13  }
0x507: {  	v13 =	vmul.f32 v13, v7;
	v12 =	vadd.f32 v12, v14;
	v63 =	vld [tilespmem:s15+$0x0];
	s16 =	sor.u32 s31, s12  }
0x508: {  	s0 =	sadd.s32 s9, s16;
	v21 =	vmul.f32 v16, v6  }
0x509: {  	v12 =	vadd.f32 v13, v12;
	v22 =	vld [tilespmem:s0+$0x0]  }
0x50a: {  	s22 =	sor.u32 s29, s24;
	s29 =	sld [smem:$0x79A];
	v24 =	vmul.f32 v62, v7;
	v23 =	vadd.f32 v21, v61  }
0x50b: {  	s18 =	sld [smem:$0x799];
	s5 =	sadd.s32 s17, s22;
	[tilespmem:s3+$0x11800] =	vst v12  }
0x50c: {  	v28 =	vld [tilespmem:s5+$0x0];
	s5 =	sld [smem:$0x79B];
	v26 =	vmul.f32 v63, v7;
	v25 =	vadd.f32 v24, v23;
	_ =	sdelay $0x1  }
0x50d: {  	s30 =	sld [smem:$0x798];
	v27 =	vmul.f32 v22, v7;
	v13 =	vadd.f32 v26, v25  }
0x50e: {  	s5 =	sor.u32 s5, s21  }
0x50f: {  	v29 =	vld [tilespmem:s3+$0x11C00];
	s5 =	sadd.s32 s17, s5;
	s31 =	sld [smem:$0x799];
	v12 =	vadd.f32 v27, v13  }
0x510: {  	v34 =	vld [tilespmem:s5+$0x0];
	s0 =	sor.u32 s18, s23;
	s18 =	sor.u32 s30, s26  }
0x511: {  	s11 =	sor.u32 s29, s28;
	s22 =	sld [smem:$0x79A];
	v32 =	vld [tilespmem:s10+$0x11C00];
	s29 =	sadd.s32 s9, s18;
	[tilespmem:s10+$0x11800] =	vst v12  }
0x512: {  	s0 =	sadd.s32 s17, s0;
	s30 =	sor.u32 s31, s25;
	v12 =	vld [tilespmem:s29+$0x0]  }
0x513: {  	v30 =	vld [tilespmem:s0+$0x0];
	s0 =	sadd.s32 s9, s30;
	s31 =	sld [smem:$0x79B]  }
0x514: {  	s13 =	sor.u32 s22, s20;
	s16 =	sadd.s32 s17, s11;
	v33 =	vld [tilespmem:s0+$0x0]  }
0x515: {  	s5 =	sadd.s32 s9, s13;
	v31 =	vld [tilespmem:s16+$0x0]  }
0x516: {  	v14 =	vmul.f32 v28, v5;
	v35 =	vld [tilespmem:s5+$0x0];
	s11 =	sor.u32 s31, s12  }
0x517: {  	s0 =	sadd.s32 s9, s11;
	v12 =	vmul.f32 v12, v5  }
0x518: {  	v14 =	vadd.f32 v14, v29;
	v13 =	vmul.f32 v30, v6;
	v36 =	vld [tilespmem:s0+$0x0]  }
0x519: {  	v37 =	vmul.f32 v33, v6;
	v12 =	vadd.f32 v12, v32  }
0x51a: {  	s15 =	sld [smem:$0x79C];
	v16 =	vmul.f32 v31, v7;
	v13 =	vadd.f32 v13, v14  }
0x51b: {  	s16 =	sld [smem:$0x79D];
	v15 =	vmul.f32 v35, v7;
	v12 =	vadd.f32 v37, v12  }
0x51c: {  	v38 =	vmul.f32 v34, v7;
	s5 =	sld [smem:$0x79E];
	v13 =	vadd.f32 v16, v13  }
0x51d: {  	v39 =	vld [tilespmem:s14+$0x0];
	s13 =	sor.u32 s19, s2;
	s18 =	sld [smem:$0x79C];
	v14 =	vmul.f32 v36, v7;
	v12 =	vadd.f32 v15, v12  }
0x51e: {  	v41 =	vld [tilespmem:s3+$0x12000];
	v11 =	vmul.f32 v11, v5;
	s19 =	sld [smem:$0x79F];
	v13 =	vadd.f32 v38, v13;
	s11 =	sadd.s32 s6, s13  }
0x51f: {  	s22 =	sld [smem:$0x79D];
	s13 =	sor.u32 s15, s24;
	v40 =	vld [tilespmem:s11+$0x0];
	v12 =	vadd.f32 v14, v12  }
0x520: {  	v9 =	vadd.f32 v11, v9;
	v10 =	vmul.f32 v10, v5;
	v43 =	vld [tilespmem:s10+$0x12000];
	s0 =	sld [smem:$0x79F];
	[tilespmem:s3+$0x11C00] =	vst v13;
	s13 =	sadd.s32 s17, s13;
	s11 =	sor.u32 s18, s26  }
0x521: {  	s14 =	sor.u32 s16, s23;
	s30 =	sld [smem:$0x79E];
	v11 =	vld [tilespmem:s13+$0x0];
	s11 =	sadd.s32 s9, s11;
	[tilespmem:s10+$0x11C00] =	vst v12  }
0x522: {  	v9 =	vadd.f32 v10, v9;
	v10 =	vmul.f32 v39, v6;
	s29 =	sadd.s32 s17, s14;
	s31 =	sor.u32 s22, s25;
	v12 =	vld [tilespmem:s11+$0x0]  }
0x523: {  	s5 =	sor.u32 s5, s28;
	v13 =	vld [tilespmem:s29+$0x0];
	s11 =	sadd.s32 s9, s31  }
0x524: {  	v9 =	vadd.f32 v10, v9;
	s5 =	sadd.s32 s17, s5;
	s13 =	sor.u32 s30, s20;
	v10 =	vmul.f32 v40, v7;
	v44 =	vld [tilespmem:s11+$0x0]  }
0x525: {  	v45 =	vld [tilespmem:s5+$0x0];
	s14 =	sadd.s32 s9, s13;
	s0 =	sor.u32 s0, s21  }
0x526: {  	s18 =	sor.u32 s19, s12;
	s0 =	sadd.s32 s17, s0;
	v9 =	vadd.f32 v10, v9;
	v10 =	vmul.f32 v11, v5;
	v11 =	vld [tilespmem:s14+$0x0]  }
0x527: {  	s16 =	sld [smem:$0x7A0];
	s22 =	sadd.s32 s9, s18;
	v46 =	vld [tilespmem:s0+$0x0];
	v12 =	vmul.f32 v12, v5  }
0x528: {  	s19 =	sld [smem:$0x7A1];
	[tilespmem:s1+$0x12000] =	vst v9;
	v9 =	vadd.f32 v10, v41;
	v10 =	vmul.f32 v13, v5;
	v47 =	vld [tilespmem:s22+$0x0]  }
0x529: {  	v48 =	vmul.f32 v44, v5;
	v12 =	vadd.f32 v12, v43  }
0x52a: {  	s29 =	sld [smem:$0x7A2];
	v9 =	vadd.f32 v10, v9;
	v10 =	vmul.f32 v45, v6  }
0x52b: {  	v42 =	vld [tilespmem:s1+$0x12400];
	s4 =	sor.u32 s16, s4;
	v11 =	vmul.f32 v11, v6;
	v12 =	vadd.f32 v48, v12  }
0x52c: {  	v55 =	vld [tilespmem:s10+$0x12400];
	s4 =	sadd.s32 s6, s4;
	s30 =	sor.u32 s19, s7;
	s31 =	sld [smem:$0x7A8];
	v9 =	vadd.f32 v10, v9;
	v10 =	vmul.f32 v46, v7  }
0x52d: {  	s5 =	sadd.s32 s6, s30;
	v49 =	vld [tilespmem:s4+$0x0];
	s0 =	sor.u32 s29, s8;
	s8 =	sld [smem:$0x7A0];
	v51 =	vmul.f32 v47, v7;
	v11 =	vadd.f32 v11, v12  }
0x52e: {  	v50 =	vld [tilespmem:s5+$0x0];
	s14 =	sld [smem:$0x7A0];
	s0 =	sadd.s32 s6, s0;
	v9 =	vadd.f32 v10, v9  }
0x52f: {  	s11 =	sld [smem:$0x7A1];
	s13 =	sor.u32 s31, s2;
	v52 =	vld [tilespmem:s0+$0x0];
	v11 =	vadd.f32 v51, v11  }
0x530: {  	s16 =	sld [smem:$0x7A1];
	s0 =	sadd.s32 s6, s13;
	v10 =	vld [tilespmem:s3+$0x12400];
	s5 =	sor.u32 s8, s24;
	[tilespmem:s3+$0x12000] =	vst v9  }
0x531: {  	s2 =	sor.u32 s14, s26;
	v53 =	vld [tilespmem:s0+$0x0];
	s15 =	sadd.s32 s17, s5;
	s18 =	sld [smem:$0x7A2];
	[tilespmem:s10+$0x12000] =	vst v11  }
0x532: {  	s4 =	sor.u32 s11, s23;
	s22 =	sadd.s32 s9, s2;
	v9 =	vld [tilespmem:s15+$0x0];
	s23 =	sld [smem:$0x7A2]  }
0x533: {  	s25 =	sor.u32 s16, s25;
	s19 =	sadd.s32 s17, s4;
	s24 =	sld [smem:$0x7A8];
	v54 =	vld [tilespmem:s22+$0x0]  }
0x534: {  	v14 =	vmul.f32 v49, v5;
	s0 =	sadd.s32 s9, s25;
	s26 =	sor.u32 s18, s28;
	v11 =	vld [tilespmem:s19+$0x0];
	s28 =	sld [smem:$0x7A8]  }
0x535: {  	s5 =	sadd.s32 s17, s26;
	v56 =	vld [tilespmem:s0+$0x0];
	s29 =	sor.u32 s23, s20  }
0x536: {  	v15 =	vmul.f32 v50, v5;
	v14 =	vadd.f32 v14, v42;
	s30 =	sor.u32 s24, s21;
	v57 =	vld [tilespmem:s5+$0x0];
	s0 =	sadd.s32 s9, s29  }
0x537: {  	s2 =	sadd.s32 s17, s30;
	v9 =	vmul.f32 v9, v5;
	s31 =	sor.u32 s28, s12;
	v58 =	vld [tilespmem:s0+$0x0]  }
0x538: {  	v14 =	vadd.f32 v15, v14;
	v59 =	vld [tilespmem:s2+$0x0];
	v16 =	vmul.f32 v54, v5;
	s0 =	sadd.s32 s9, s31  }
0x539: {  	v13 =	vmul.f32 v52, v5;
	v9 =	vadd.f32 v9, v10;
	v10 =	vmul.f32 v11, v5;
	v11 =	vld [tilespmem:s0+$0x0]  }
0x53a: {  	v60 =	vmul.f32 v56, v5;
	v16 =	vadd.f32 v16, v55  }
0x53b: {  	v13 =	vadd.f32 v13, v14;
	v9 =	vadd.f32 v10, v9;
	v10 =	vmul.f32 v57, v5  }
0x53c: {  	v12 =	vmul.f32 v53, v6;
	v61 =	vadd.f32 v60, v16;
	v62 =	vmul.f32 v58, v5  }
0x53d: {  	v9 =	vadd.f32 v10, v9;
	v10 =	vmul.f32 v59, v6  }
.Ltmp7:
0x53e: {  	v12 =	vadd.f32 v12, v13;
	v11 =	vmul.f32 v11, v6;
	v63 =	vadd.f32 v62, v61;
	(pc) =	sbr.rel @!p0 .LBB2_12-.Ltmp7, $4  }
0x53f: {  	v9 =	vadd.f32 v10, v9  }
0x540: {  	[tilespmem:s1+$0x12400] =	vst v12;
	v10 =	vadd.f32 v11, v63  }
0x541: {  	[tilespmem:s3+$0x12400] =	vst v9  }
0x542: {  	s18 =	simm.s32 $0x80;
	[tilespmem:s10+$0x12400] =	vst v10  }
.Ltmp8:
0x543: {  	(pc) =	sbr.rel @p1 .LBB2_17-.Ltmp8, $2  }
0x544: {  	_ =	sdelay $0x2  }
0x545: {  	s3 =	simm.s32 $0x100  }
.Ltmp9:
0x546: {  	(pc) =	sbr.rel @p2 .LBB2_20-.Ltmp9, $1  }
0x547: {  	_ =	sdelay $0x3  }
0x548: {  	s0 =	sld [smem:$0x7B9]  }
.Ltmp10:
0x549: {  	_ = 	snop;
	(pc) =	sbr.rel .LBB2_16-.Ltmp10, $4  }
0x54a: {  	s1 =	simm.s32 $0x11400;
	s30 =	sld [smem:$0x7F4]  }
0x54b: {  	[hbm4b:s0+s18] =	stream.strided.scatter [tilespmem:s1], [sflag:$0x3], $0x1000, s3, s18, $0x38;
	[tilespmem:$0x13800] =	vst v63  }
0x54c: {  	s31 =	simm.s32 $0x12400  }
0x54d: {  	[hbm4b:s30+s18] =	stream.strided.scatter [tilespmem:s31], [sflag:$0x3], $0x400, s3, s18, $0x38;
	[tilespmem:$0x13800] =	vst v63  }
.LBB2_17:
0x54e: {  	s0 =	sld [smem:$0x7F5];
	_ =	sdelay $0x1  }
0x54f: {  	s1 =	simm.s32 $0x11400;
	s31 =	simm.s32 $0x3  }
0x550: {  	[hbm4b:s0+s18] =	stream.strided.scatter [tilespmem:s1], [sflag:$0x3], $0x1000, s3, s18, $0x38;
	[tilespmem:$0x13800] =	vst v63  }
0x551: {  	_ =	swait.ge [sflag:s31], $0x1000  }
.Ltmp11:
0x552: {  	[sflag:s31] =	ssyncset.done $0x0;
	(pc) =	sbr.rel .LBB2_18-.Ltmp11, $4  }
0x553: {  	[sflag:s31] =	ssyncadd.s32 $0xFFFFF000  }
0x554: {  	_ =	swait.ge [sflag:s31], $0x1000  }
0x555: {  	[sflag:s31] =	ssyncset.done $0x0  }
0x556: {  	s1 =	sld [smem:$0x75E];
	[sflag:s31] =	ssyncadd.s32 $0xFFFFF000  }
.LBB2_20:
0x557: {  	s0 =	sld [smem:$0x7A5];
	_ =	sdelay $0x1  }
0x558: {  	s1 =	simm.s32 $0x11400;
	s31 =	simm.s32 $0x3  }
0x559: {  	[hbm4b:s0+s18] =	stream.strided.scatter [tilespmem:s1], [sflag:$0x3], $0x1400, s3, s18, $0x38;
	[tilespmem:$0x13800] =	vst v63  }
0x55a: {  	_ =	swait.ge [sflag:s31], $0x1000  }
.Ltmp12:
0x55b: {  	[sflag:s31] =	ssyncset.done $0x0;
	(pc) =	sbr.rel .LBB2_18-.Ltmp12, $4  }
0x55c: {  	[sflag:s31] =	ssyncadd.s32 $0xFFFFF000  }
0x55d: {  	_ =	swait.ge [sflag:s31], $0x1400  }
0x55e: {  	[sflag:s31] =	ssyncset.done $0x0  }
0x55f: {  	s1 =	sld [smem:$0x75E];
	[sflag:s31] =	ssyncadd.s32 $0xFFFFEC00  }
.LBB2_19:
0x560: {  	_ =	sfence.sel $0x180000  }
0x561: {  	[bflag:$0x0] =	sbarrier.arrive $0xFFFF  }
0x562: {  	_ =	strace $0x90000047  }
0x563: {  	s0 =	stileid.u32;
	[bflag:$0x2] =	sbarrier.arrive $0xFFFF  }
0x564: {  	p0 =	sne.s32 s0, $0x0;
	s0 =	rddreg [dreg:$0x4]  }
0x565: {  	s0 =	sadd.s32 @!p0 $0x100000, s0  }
0x566: {  	[sflag:s0] =	ssyncadd.tile.s32 @!p0 $0x1;
	_ =	shalt  }
.Lfunc_end2:
_tile_overlayer_lowered:
.L_overlay_start_2:
0x567: {  	(tag) =	ssettag $0x2  }
0x568: {  	s0 =	rddreg [dreg:$0x0];
	s2 =	stileid.u32  }
0x569: {  	s1 =	rddreg [dreg:$0x1];
	p0 =	sne.s32 s2, $0x0  }
0x56a: {  	s3 =	rddreg [dreg:$0x2];
	[bflag:$0x3] =	sbarrier.arrive $0xFFFF;
	s2 =	simm.s32 @!p0 $0x1C04  }
0x56b: {  	[timem:s3], [sflag:s2] =	dma.local @!p0 [hbm:s0], s1  }
0x56c: {  	s0 =	simm.s32 @!p0 $0x4  }
0x56d: {  	_ =	swait.ge @!p0 [sflag:s0], s1  }
0x56e: {  	s1 =	ssub.s32 @!p0 $0x0, s1;
	[sflag:s0] =	ssyncset.done @!p0 $0x0  }
0x56f: {  	[sflag:s0] =	ssyncadd.s32 @!p0 s1  }
0x570: {  	[bflag:$0x3] =	sbarrier.arrive $0xFFFF  }
0x571: {  	_ =	shalt  }

</sc_bundles>
